<compile_context>
chip_gen: v7x
topology: tpu7x:2x2x1
jax: 0.10.2.dev20260603
libtpu: 0.0.44.dev20260713+nightly
codegen_flags: <defaults>
</compile_context>

<pallas_src>
import jax
import jax.numpy as jnp
from jax import lax
from jax.experimental import pallas as pl
from jax.experimental.pallas import tpu as pltpu
from jax.experimental.pallas import tpu_sc as plsc

NUM_BUCKETS = 32
MAX_DISTANCE = 128
N_HEADS = 16
QLEN = 2048
KLEN = 2048
DPAD = 4096
TQ = 1024
NQB = QLEN // TQ
W2 = TQ + KLEN

_SC_TILES = 32
_TPQ = _SC_TILES // NQB
_SPL = _TPQ // N_HEADS if _TPQ > N_HEADS else 1
_HPT = max(N_HEADS // _TPQ, 1)
_VECS = W2 // 16
_VPT = _VECS // _SPL

_NSAT = 91
_THR = (12, 16, 23, 32, 46, 64, 91)


def _vec_safe(j):
    for qb in range(NQB):
        p0 = (NQB - 1 - qb) * TQ + 16 * j
        if not (p0 + 15 <= (QLEN - 1) - _NSAT or p0 >= (QLEN - 1) + _NSAT):
            return False
    return True


def sc_gather_body(w_hbm, win_hbm, w_v, out_v):
    c = lax.axis_index("c")
    s = lax.axis_index("s")
    wid = s * 2 + c
    qb = wid // _TPQ
    rem = wid % _TPQ
    h0 = (rem // _SPL) * _HPT
    half = rem % _SPL
    flat0 = (NQB - 1 - qb) * TQ
    pltpu.sync_copy(w_hbm, w_v)
    lane = lax.broadcasted_iota(jnp.int32, (16,), 0)
    for hh in range(_HPT):
        hv = jnp.full((16,), h0 + hh, jnp.int32)
        w15 = plsc.load_gather(w_v, (jnp.full((16,), 15, jnp.int32), hv))
        w31 = plsc.load_gather(w_v, (jnp.full((16,), 31, jnp.int32), hv))
        for j in range(_VPT):
            n = (QLEN - 1) - flat0 - half * (16 * _VPT) - 16 * j - lane
            safe = all(_vec_safe(j + hf * _VPT) for hf in range(_SPL))
            if safe:
                out_v[hh, pl.ds(j * 16, 16)] = jnp.where(n >= 0, w15, w31)
            else:
                ret = jnp.where(n < 0, 16, 0)
                na = jnp.abs(n)
                bl = jnp.full((16,), 8, jnp.int32)
                for t in _THR:
                    bl = bl + (na >= t).astype(jnp.int32)
                b = ret + jnp.where(na < 8, na, bl)
                out_v[hh, pl.ds(j * 16, 16)] = plsc.load_gather(w_v, (b, hv))
    for hh in range(_HPT):
        pltpu.sync_copy(
            out_v.at[hh],
            win_hbm.at[qb, h0 + hh, 0, pl.ds(half * (16 * _VPT), 16 * _VPT)])


def expand_body(win_ref, out_ref):
    row = win_ref[0, 0, :, :]
    base2 = jnp.broadcast_to(row, (8, W2))
    sub = lax.broadcasted_iota(jnp.int32, (8, W2), 0)
    bank = base2
    for s in range(7):
        shifted = pltpu.roll(base2, W2 - (7 - s), axis=1)
        bank = jnp.where(sub == s, shifted, bank)
    for gg in range(16):
        rho = (TQ - 8 - 8 * gg) % 128
        rolled = pltpu.roll(bank, W2 - rho, axis=1) if rho else bank
        for g in range(gg, TQ // 8, 16):
            a = (TQ - 8 - 8 * g) - rho
            out_ref[0, 0, pl.ds(8 * g, 8), :] = rolled[:, a:a + KLEN]


def _sc_gather_call(w):
    mesh = plsc.VectorSubcoreMesh(core_axis_name="c", subcore_axis_name="s")
    return pl.kernel(
        sc_gather_body,
        out_type=jax.ShapeDtypeStruct((NQB, N_HEADS, 1, W2), jnp.float32),
        mesh=mesh,
        scratch_types=[
            pltpu.VMEM((NUM_BUCKETS, N_HEADS), jnp.float32),
            pltpu.VMEM((_HPT, 16 * _VPT), jnp.float32),
        ],
        compiler_params=pltpu.CompilerParams(needs_layout_passes=False),
    )(w)


def _expand_call(win):
    return pl.pallas_call(
        expand_body,
        grid=(N_HEADS, NQB),
        in_specs=[pl.BlockSpec((1, 1, 1, W2), lambda h, qb: (qb, h, 0, 0))],
        out_specs=pl.BlockSpec((1, 1, TQ, KLEN), lambda h, qb: (0, h, qb, 0)),
        out_shape=jax.ShapeDtypeStruct((1, N_HEADS, QLEN, KLEN), jnp.float32),
    )(win)


def kernel(qlen, klen, W):
    del qlen, klen
    win = _sc_gather_call(W)
    return _expand_call(win)

# --- scband reference (transcript-rebuilt; emitter-appended) ---
"""Pipeline reference for scband-relative-position-bias-41059887350442 (READ-ONLY COPY).

The authoritative reference and input builder live on the scoring server;
editing this copy changes nothing except your own understanding.
"""

import math
import jax, jax.numpy as jnp
import numpy as np

NUM_BUCKETS = 32
MAX_DISTANCE = 128
N_HEADS = 16

QLEN = 2048
KLEN = 2048


def setup_inputs(seed: int = 0) -> dict:
    key = jax.random.key(seed)
    W = jax.random.normal(key, (NUM_BUCKETS, N_HEADS), dtype=jnp.float32)
    return {"qlen": 2048, "klen": 2048, "W": W}


def _relative_position_bucket(relative_position, num_buckets=32, max_distance=128):
    n = -relative_position
    num_buckets = num_buckets // 2
    ret = (n < 0).astype(jnp.int32) * num_buckets
    n = jnp.abs(n)
    max_exact = num_buckets // 2
    is_small = n < max_exact
    n_safe = jnp.maximum(n, 1)  # avoid log(0); masked out by is_small anyway
    val_if_large = max_exact + (
        jnp.log(n_safe.astype(jnp.float32) / max_exact)
        / math.log(max_distance / max_exact)
        * (num_buckets - max_exact)
    ).astype(jnp.int32)
    val_if_large = jnp.minimum(val_if_large, jnp.full_like(val_if_large, num_buckets - 1))
    ret = ret + jnp.where(is_small, n, val_if_large)
    return ret


def reference(qlen, klen, W):
    q_pos = jnp.arange(QLEN, dtype=jnp.int32) + (0 * jnp.asarray(qlen)).astype(jnp.int32)
    k_pos = jnp.arange(KLEN, dtype=jnp.int32) + (0 * jnp.asarray(klen)).astype(jnp.int32)
    relative_position = k_pos[None, :] - q_pos[:, None]
    rp_bucket = _relative_position_bucket(
        relative_position, num_buckets=NUM_BUCKETS, max_distance=MAX_DISTANCE
    )
    values = jnp.take(W, rp_bucket, axis=0)  # [qlen, klen, n_heads]
    values = jnp.transpose(values, (2, 0, 1))[None, :, :, :]  # [1, n_heads, qlen, klen]
    return values

if __name__ == "__main__":
    import jax
    _d = setup_inputs()
    print(jax.jit(kernel)(*tuple(_d.values())))

</pallas_src>

<mosaic_0001>
#map = affine_map<(d0, d1) -> (0, 0)>
#map1 = affine_map<(d0, d1) -> (0, 0, 0, 0)>
module attributes {stable_mosaic.version = 14 : i64} {
  func.func @sc_gather_body(%arg0: i32, %arg1: i32, %arg2: memref<32x16xf32, #tpu.memory_space<hbm>>, %arg3: memref<2x16x1x3072xf32, #tpu.memory_space<hbm>>, %arg4: memref<32x16xf32, #tpu.memory_space<vmem>>, %arg5: memref<1x3072xf32, #tpu.memory_space<vmem>>) attributes {dimension_semantics = [#tpu.dimension_semantics<core_parallel>, #tpu.dimension_semantics<subcore_parallel>], iteration_bounds = array<i64: 2, 16>, scalar_prefetch = 0 : i64, scratch_operands = 2 : i64, tpu.core_type = #tpu.core_type<sc_vector_subcore>, window_params = [{transform_indices = #map}, {transform_indices = #map1}]} {
    %mul3A = arith.constant 2 : i32
    %mul3A_0 = arith.muli %arg1, %mul3A : i32
    %add3A = arith.addi %mul3A_0, %arg0 : i32
    %jit3A = arith.constant 16 : i32
    %div3A = arith.divsi %add3A, %jit3A : i32
    %sign3A = arith.constant 0 : i32
    %sign3A_1 = arith.cmpi sgt, %add3A, %sign3A : i32
    %sign3A_2 = arith.extui %sign3A_1 : i1 to i32
    %sign3A_3 = arith.constant 0 : i32
    %sign3A_4 = arith.cmpi slt, %add3A, %sign3A_3 : i32
    %sign3A_5 = arith.extui %sign3A_4 : i1 to i32
    %sign3A_6 = arith.subi %sign3A_2, %sign3A_5 : i32
    %sign3A_7 = arith.constant 0 : i32
    %sign3A_8 = arith.cmpi sgt, %jit3A, %sign3A_7 : i32
    %sign3A_9 = arith.extui %sign3A_8 : i1 to i32
    %sign3A_10 = arith.constant 0 : i32
    %sign3A_11 = arith.cmpi slt, %jit3A, %sign3A_10 : i32
    %sign3A_12 = arith.extui %sign3A_11 : i1 to i32
    %sign3A_13 = arith.subi %sign3A_9, %sign3A_12 : i32
    %ne3A = arith.cmpi ne, %sign3A_6, %sign3A_13 : i32
    %rem3A = arith.remsi %add3A, %jit3A : i32
    %ne3A_14 = arith.constant 0 : i32
    %ne3A_15 = arith.cmpi ne, %rem3A, %ne3A_14 : i32
    %and3A = arith.andi %ne3A, %ne3A_15 : i1
    %sub3A = arith.constant 1 : i32
    %sub3A_16 = arith.subi %div3A, %sub3A : i32
    %select_n3A = arith.select %and3A, %sub3A_16, %div3A : i32
    %jit3A_17 = arith.constant 16 : i32
    %eq3A = arith.constant 0 : i32
    %eq3A_18 = arith.cmpi eq, %jit3A_17, %eq3A : i32
    %jit3A_19 = arith.constant 1 : i32
    %select_n3A_20 = arith.select %eq3A_18, %jit3A_19, %jit3A_17 : i32
    %rem3A_21 = arith.remsi %add3A, %select_n3A_20 : i32
    %ne3A_22 = arith.constant 0 : i32
    %ne3A_23 = arith.cmpi ne, %rem3A_21, %ne3A_22 : i32
    %lt3A = arith.constant 0 : i32
    %lt3A_24 = arith.cmpi slt, %rem3A_21, %lt3A : i32
    %lt3A_25 = arith.constant 0 : i32
    %lt3A_26 = arith.cmpi slt, %select_n3A_20, %lt3A_25 : i32
    %ne3A_27 = arith.xori %lt3A_24, %lt3A_26 : i1
    %and3A_28 = arith.andi %ne3A_27, %ne3A_23 : i1
    %add3A_29 = arith.addi %rem3A_21, %select_n3A_20 : i32
    %select_n3A_30 = arith.select %and3A_28, %add3A_29, %rem3A_21 : i32
    %jit3A_31 = arith.constant 1 : i32
    %div3A_32 = arith.divsi %select_n3A_30, %jit3A_31 : i32
    %sign3A_33 = arith.constant 0 : i32
    %sign3A_34 = arith.cmpi sgt, %select_n3A_30, %sign3A_33 : i32
    %sign3A_35 = arith.extui %sign3A_34 : i1 to i32
    %sign3A_36 = arith.constant 0 : i32
    %sign3A_37 = arith.cmpi slt, %select_n3A_30, %sign3A_36 : i32
    %sign3A_38 = arith.extui %sign3A_37 : i1 to i32
    %sign3A_39 = arith.subi %sign3A_35, %sign3A_38 : i32
    %sign3A_40 = arith.constant 0 : i32
    %sign3A_41 = arith.cmpi sgt, %jit3A_31, %sign3A_40 : i32
    %sign3A_42 = arith.extui %sign3A_41 : i1 to i32
    %sign3A_43 = arith.constant 0 : i32
    %sign3A_44 = arith.cmpi slt, %jit3A_31, %sign3A_43 : i32
    %sign3A_45 = arith.extui %sign3A_44 : i1 to i32
    %sign3A_46 = arith.subi %sign3A_42, %sign3A_45 : i32
    %ne3A_47 = arith.cmpi ne, %sign3A_39, %sign3A_46 : i32
    %rem3A_48 = arith.remsi %select_n3A_30, %jit3A_31 : i32
    %ne3A_49 = arith.constant 0 : i32
    %ne3A_50 = arith.cmpi ne, %rem3A_48, %ne3A_49 : i32
    %and3A_51 = arith.andi %ne3A_47, %ne3A_50 : i1
    %sub3A_52 = arith.constant 1 : i32
    %sub3A_53 = arith.subi %div3A_32, %sub3A_52 : i32
    %select_n3A_54 = arith.select %and3A_51, %sub3A_53, %div3A_32 : i32
    %mul3A_55 = arith.constant 1 : i32
    %mul3A_56 = arith.muli %select_n3A_54, %mul3A_55 : i32
    %jit3A_57 = arith.constant 1 : i32
    %eq3A_58 = arith.constant 0 : i32
    %eq3A_59 = arith.cmpi eq, %jit3A_57, %eq3A_58 : i32
    %jit3A_60 = arith.constant 1 : i32
    %select_n3A_61 = arith.select %eq3A_59, %jit3A_60, %jit3A_57 : i32
    %rem3A_62 = arith.remsi %select_n3A_30, %select_n3A_61 : i32
    %ne3A_63 = arith.constant 0 : i32
    %ne3A_64 = arith.cmpi ne, %rem3A_62, %ne3A_63 : i32
    %lt3A_65 = arith.constant 0 : i32
    %lt3A_66 = arith.cmpi slt, %rem3A_62, %lt3A_65 : i32
    %lt3A_67 = arith.constant 0 : i32
    %lt3A_68 = arith.cmpi slt, %select_n3A_61, %lt3A_67 : i32
    %ne3A_69 = arith.xori %lt3A_66, %lt3A_68 : i1
    %and3A_70 = arith.andi %ne3A_69, %ne3A_64 : i1
    %add3A_71 = arith.addi %rem3A_62, %select_n3A_61 : i32
    %select_n3A_72 = arith.select %and3A_70, %add3A_71, %rem3A_62 : i32
    %sub3A_73 = arith.constant 1 : i32
    %sub3A_74 = arith.subi %sub3A_73, %select_n3A : i32
    %mul3A_75 = arith.constant 1024 : i32
    %mul3A_76 = arith.muli %sub3A_74, %mul3A_75 : i32
    "tpu.region"() ({
      %run_scoped3A_4501 = tpu.sem_alloc : memref<!tpu.dma_semaphore, #tpu.memory_space<semaphore_mem>>
      tpu.enqueue_dma source(%arg2 : memref<32x16xf32, #tpu.memory_space<hbm>>) target(%arg4 : memref<32x16xf32, #tpu.memory_space<vmem>>) target_semaphore(%run_scoped3A_4501 : memref<!tpu.dma_semaphore, #tpu.memory_space<semaphore_mem>>)
      tpu.wait_dma2 semaphore(%run_scoped3A_4501 : memref<!tpu.dma_semaphore, #tpu.memory_space<semaphore_mem>>) src(%arg2 : memref<32x16xf32, #tpu.memory_space<hbm>>) dst(%arg4 : memref<32x16xf32, #tpu.memory_space<vmem>>)
      tpu.yield
    }) : () -> ()
    %iota3A = tpu.iota {dimensions = array<i32: 0>} : vector<16xi32>
    %add3A_77 = arith.constant 0 : i32
    %add3A_78 = arith.addi %mul3A_56, %add3A_77 : i32
    %broadcast_in_dim3A = vector.broadcast %add3A_78 : i32 to vector<16xi32>
    %broadcast_in_dim3A_79 = arith.constant 15 : i32
    %broadcast_in_dim3A_80 = vector.broadcast %broadcast_in_dim3A_79 : i32 to vector<16xi32>
    %gather3A = tpu.vector_load_idx %arg4[%broadcast_in_dim3A_80, %broadcast_in_dim3A] : memref<32x16xf32, #tpu.memory_space<vmem>>[vector<16xi32>, vector<16xi32>], vector<16xf32>,
    %broadcast_in_dim3A_81 = arith.constant 31 : i32
    %broadcast_in_dim3A_82 = vector.broadcast %broadcast_in_dim3A_81 : i32 to vector<16xi32>
    %gather3A_83 = tpu.vector_load_idx %arg4[%broadcast_in_dim3A_82, %broadcast_in_dim3A] : memref<32x16xf32, #tpu.memory_space<vmem>>[vector<16xi32>, vector<16xi32>], vector<16xf32>,
    %sub3A_84 = arith.constant 2047 : i32
    %sub3A_85 = arith.subi %sub3A_84, %mul3A_76 : i32
    %mul3A_86 = arith.constant 3072 : i32
    %mul3A_87 = arith.muli %select_n3A_72, %mul3A_86 : i32
    %sub3A_88 = arith.subi %sub3A_85, %mul3A_87 : i32
    %sub3A_89 = arith.constant 0 : i32
    %sub3A_90 = arith.subi %sub3A_88, %sub3A_89 : i32
    %sub3A_91 = vector.broadcast %sub3A_90 : i32 to vector<16xi32>
    %sub3A_92 = arith.subi %sub3A_91, %iota3A : vector<16xi32>
    %ge3A = arith.constant 0 : i32
    %ge3A_93 = vector.broadcast %ge3A : i32 to vector<16xi32>
    %ge3A_94 = arith.cmpi sge, %sub3A_92, %ge3A_93 : vector<16xi32>
    %select_n3A_95 = arith.select %ge3A_94, %gather3A, %gather3A_83 : vector<16xi1>, vector<16xf32>
    %swap3A = arith.constant 0 : i32
    %swap3A_96 = arith.index_cast %swap3A : i32 to index
    %swap3A_97 = arith.constant 0 : index
    %swap3A_98 = tpu.vector_load %arg5[%swap3A_96, %swap3A_97] {strides = array<i32>} : memref<1x3072xf32, #tpu.memory_space<vmem>>, vector<16xf32>,
    tpu.vector_store %arg5[%swap3A_96, %swap3A_97], %select_n3A_95 {strides = array<i32>} : memref<1x3072xf32, #tpu.memory_space<vmem>>, vector<16xf32>,
    %sub3A_99 = arith.constant 2047 : i32
    %sub3A_100 = arith.subi %sub3A_99, %mul3A_76 : i32
    %mul3A_101 = arith.constant 3072 : i32
    %mul3A_102 = arith.muli %select_n3A_72, %mul3A_101 : i32
    %sub3A_103 = arith.subi %sub3A_100, %mul3A_102 : i32
    %sub3A_104 = arith.constant 16 : i32
    %sub3A_105 = arith.subi %sub3A_103, %sub3A_104 : i32
    %sub3A_106 = vector.broadcast %sub3A_105 : i32 to vector<16xi32>
    %sub3A_107 = arith.subi %sub3A_106, %iota3A : vector<16xi32>
    %ge3A_108 = arith.constant 0 : i32
    %ge3A_109 = vector.broadcast %ge3A_108 : i32 to vector<16xi32>
    %ge3A_110 = arith.cmpi sge, %sub3A_107, %ge3A_109 : vector<16xi32>
    %select_n3A_111 = arith.select %ge3A_110, %gather3A, %gather3A_83 : vector<16xi1>, vector<16xf32>
    %swap3A_112 = arith.constant 0 : i32
    %swap3A_113 = arith.index_cast %swap3A_112 : i32 to index
    %swap3A_114 = arith.constant 16 : index
    %swap3A_115 = tpu.vector_load %arg5[%swap3A_113, %swap3A_114] {strides = array<i32>} : memref<1x3072xf32, #tpu.memory_space<vmem>>, vector<16xf32>,
    tpu.vector_store %arg5[%swap3A_113, %swap3A_114], %select_n3A_111 {strides = array<i32>} : memref<1x3072xf32, #tpu.memory_space<vmem>>, vector<16xf32>,
    %sub3A_116 = arith.constant 2047 : i32
    %sub3A_117 = arith.subi %sub3A_116, %mul3A_76 : i32
    %mul3A_118 = arith.constant 3072 : i32
    %mul3A_119 = arith.muli %select_n3A_72, %mul3A_118 : i32
    %sub3A_120 = arith.subi %sub3A_117, %mul3A_119 : i32
    %sub3A_121 = arith.constant 32 : i32
    %sub3A_122 = arith.subi %sub3A_120, %sub3A_121 : i32
    %sub3A_123 = vector.broadcast %sub3A_122 : i32 to vector<16xi32>
    %sub3A_124 = arith.subi %sub3A_123, %iota3A : vector<16xi32>
    %ge3A_125 = arith.constant 0 : i32
    %ge3A_126 = vector.broadcast %ge3A_125 : i32 to vector<16xi32>
    %ge3A_127 = arith.cmpi sge, %sub3A_124, %ge3A_126 : vector<16xi32>
    %select_n3A_128 = arith.select %ge3A_127, %gather3A, %gather3A_83 : vector<16xi1>, vector<16xf32>
    %swap3A_129 = arith.constant 0 : i32
    %swap3A_130 = arith.index_cast %swap3A_129 : i32 to index
    %swap3A_131 = arith.constant 32 : index
    %swap3A_132 = tpu.vector_load %arg5[%swap3A_130, %swap3A_131] {strides = array<i32>} : memref<1x3072xf32, #tpu.memory_space<vmem>>, vector<16xf32>,
    tpu.vector_store %arg5[%swap3A_130, %swap3A_131], %select_n3A_128 {strides = array<i32>} : memref<1x3072xf32, #tpu.memory_space<vmem>>, vector<16xf32>,
    %sub3A_133 = arith.constant 2047 : i32
    %sub3A_134 = arith.subi %sub3A_133, %mul3A_76 : i32
    %mul3A_135 = arith.constant 3072 : i32
    %mul3A_136 = arith.muli %select_n3A_72, %mul3A_135 : i32
    %sub3A_137 = arith.subi %sub3A_134, %mul3A_136 : i32
    %sub3A_138 = arith.constant 48 : i32
    %sub3A_139 = arith.subi %sub3A_137, %sub3A_138 : i32
    %sub3A_140 = vector.broadcast %sub3A_139 : i32 to vector<16xi32>
    %sub3A_141 = arith.subi %sub3A_140, %iota3A : vector<16xi32>
    %ge3A_142 = arith.constant 0 : i32
    %ge3A_143 = vector.broadcast %ge3A_142 : i32 to vector<16xi32>
    %ge3A_144 = arith.cmpi sge, %sub3A_141, %ge3A_143 : vector<16xi32>
    %select_n3A_145 = arith.select %ge3A_144, %gather3A, %gather3A_83 : vector<16xi1>, vector<16xf32>
    %swap3A_146 = arith.constant 0 : i32
    %swap3A_147 = arith.index_cast %swap3A_146 : i32 to index
    %swap3A_148 = arith.constant 48 : index
    %swap3A_149 = tpu.vector_load %arg5[%swap3A_147, %swap3A_148] {strides = array<i32>} : memref<1x3072xf32, #tpu.memory_space<vmem>>, vector<16xf32>,
    tpu.vector_store %arg5[%swap3A_147, %swap3A_148], %select_n3A_145 {strides = array<i32>} : memref<1x3072xf32, #tpu.memory_space<vmem>>, vector<16xf32>,
    %sub3A_150 = arith.constant 2047 : i32
    %sub3A_151 = arith.subi %sub3A_150, %mul3A_76 : i32
    %mul3A_152 = arith.constant 3072 : i32
    %mul3A_153 = arith.muli %select_n3A_72, %mul3A_152 : i32
    %sub3A_154 = arith.subi %sub3A_151, %mul3A_153 : i32
    %sub3A_155 = arith.constant 64 : i32
    %sub3A_156 = arith.subi %sub3A_154, %sub3A_155 : i32
    %sub3A_157 = vector.broadcast %sub3A_156 : i32 to vector<16xi32>
    %sub3A_158 = arith.subi %sub3A_157, %iota3A : vector<16xi32>
    %ge3A_159 = arith.constant 0 : i32
    %ge3A_160 = vector.broadcast %ge3A_159 : i32 to vector<16xi32>
    %ge3A_161 = arith.cmpi sge, %sub3A_158, %ge3A_160 : vector<16xi32>
    %select_n3A_162 = arith.select %ge3A_161, %gather3A, %gather3A_83 : vector<16xi1>, vector<16xf32>
    %swap3A_163 = arith.constant 0 : i32
    %swap3A_164 = arith.index_cast %swap3A_163 : i32 to index
    %swap3A_165 = arith.constant 64 : index
    %swap3A_166 = tpu.vector_load %arg5[%swap3A_164, %swap3A_165] {strides = array<i32>} : memref<1x3072xf32, #tpu.memory_space<vmem>>, vector<16xf32>,
    tpu.vector_store %arg5[%swap3A_164, %swap3A_165], %select_n3A_162 {strides = array<i32>} : memref<1x3072xf32, #tpu.memory_space<vmem>>, vector<16xf32>,
    %sub3A_167 = arith.constant 2047 : i32
    %sub3A_168 = arith.subi %sub3A_167, %mul3A_76 : i32
    %mul3A_169 = arith.constant 3072 : i32
    %mul3A_170 = arith.muli %select_n3A_72, %mul3A_169 : i32
    %sub3A_171 = arith.subi %sub3A_168, %mul3A_170 : i32
    %sub3A_172 = arith.constant 80 : i32
    %sub3A_173 = arith.subi %sub3A_171, %sub3A_172 : i32
    %sub3A_174 = vector.broadcast %sub3A_173 : i32 to vector<16xi32>
    %sub3A_175 = arith.subi %sub3A_174, %iota3A : vector<16xi32>
    %ge3A_176 = arith.constant 0 : i32
    %ge3A_177 = vector.broadcast %ge3A_176 : i32 to vector<16xi32>
    %ge3A_178 = arith.cmpi sge, %sub3A_175, %ge3A_177 : vector<16xi32>
    %select_n3A_179 = arith.select %ge3A_178, %gather3A, %gather3A_83 : vector<16xi1>, vector<16xf32>
    %swap3A_180 = arith.constant 0 : i32
    %swap3A_181 = arith.index_cast %swap3A_180 : i32 to index
    %swap3A_182 = arith.constant 80 : index
    %swap3A_183 = tpu.vector_load %arg5[%swap3A_181, %swap3A_182] {strides = array<i32>} : memref<1x3072xf32, #tpu.memory_space<vmem>>, vector<16xf32>,
    tpu.vector_store %arg5[%swap3A_181, %swap3A_182], %select_n3A_179 {strides = array<i32>} : memref<1x3072xf32, #tpu.memory_space<vmem>>, vector<16xf32>,
    %sub3A_184 = arith.constant 2047 : i32
    %sub3A_185 = arith.subi %sub3A_184, %mul3A_76 : i32
    %mul3A_186 = arith.constant 3072 : i32
    %mul3A_187 = arith.muli %select_n3A_72, %mul3A_186 : i32
    %sub3A_188 = arith.subi %sub3A_185, %mul3A_187 : i32
    %sub3A_189 = arith.constant 96 : i32
    %sub3A_190 = arith.subi %sub3A_188, %sub3A_189 : i32
    %sub3A_191 = vector.broadcast %sub3A_190 : i32 to vector<16xi32>
    %sub3A_192 = arith.subi %sub3A_191, %iota3A : vector<16xi32>
    %ge3A_193 = arith.constant 0 : i32
    %ge3A_194 = vector.broadcast %ge3A_193 : i32 to vector<16xi32>
    %ge3A_195 = arith.cmpi sge, %sub3A_192, %ge3A_194 : vector<16xi32>
    %select_n3A_196 = arith.select %ge3A_195, %gather3A, %gather3A_83 : vector<16xi1>, vector<16xf32>
    %swap3A_197 = arith.constant 0 : i32
    %swap3A_198 = arith.index_cast %swap3A_197 : i32 to index
    %swap3A_199 = arith.constant 96 : index
    %swap3A_200 = tpu.vector_load %arg5[%swap3A_198, %swap3A_199] {strides = array<i32>} : memref<1x3072xf32, #tpu.memory_space<vmem>>, vector<16xf32>,
    tpu.vector_store %arg5[%swap3A_198, %swap3A_199], %select_n3A_196 {strides = array<i32>} : memref<1x3072xf32, #tpu.memory_space<vmem>>, vector<16xf32>,
    %sub3A_201 = arith.constant 2047 : i32
    %sub3A_202 = arith.subi %sub3A_201, %mul3A_76 : i32
    %mul3A_203 = arith.constant 3072 : i32
    %mul3A_204 = arith.muli %select_n3A_72, %mul3A_203 : i32
    %sub3A_205 = arith.subi %sub3A_202, %mul3A_204 : i32
    %sub3A_206 = arith.constant 112 : i32
    %sub3A_207 = arith.subi %sub3A_205, %sub3A_206 : i32
    %sub3A_208 = vector.broadcast %sub3A_207 : i32 to vector<16xi32>
    %sub3A_209 = arith.subi %sub3A_208, %iota3A : vector<16xi32>
    %ge3A_210 = arith.constant 0 : i32
    %ge3A_211 = vector.broadcast %ge3A_210 : i32 to vector<16xi32>
    %ge3A_212 = arith.cmpi sge, %sub3A_209, %ge3A_211 : vector<16xi32>
    %select_n3A_213 = arith.select %ge3A_212, %gather3A, %gather3A_83 : vector<16xi1>, vector<16xf32>
    %swap3A_214 = arith.constant 0 : i32
    %swap3A_215 = arith.index_cast %swap3A_214 : i32 to index
    %swap3A_216 = arith.constant 112 : index
    %swap3A_217 = tpu.vector_load %arg5[%swap3A_215, %swap3A_216] {strides = array<i32>} : memref<1x3072xf32, #tpu.memory_space<vmem>>, vector<16xf32>,
    tpu.vector_store %arg5[%swap3A_215, %swap3A_216], %select_n3A_213 {strides = array<i32>} : memref<1x3072xf32, #tpu.memory_space<vmem>>, vector<16xf32>,
    %sub3A_218 = arith.constant 2047 : i32
    %sub3A_219 = arith.subi %sub3A_218, %mul3A_76 : i32
    %mul3A_220 = arith.constant 3072 : i32
    %mul3A_221 = arith.muli %select_n3A_72, %mul3A_220 : i32
    %sub3A_222 = arith.subi %sub3A_219, %mul3A_221 : i32
    %sub3A_223 = arith.constant 128 : i32
    %sub3A_224 = arith.subi %sub3A_222, %sub3A_223 : i32
    %sub3A_225 = vector.broadcast %sub3A_224 : i32 to vector<16xi32>
    %sub3A_226 = arith.subi %sub3A_225, %iota3A : vector<16xi32>
    %ge3A_227 = arith.constant 0 : i32
    %ge3A_228 = vector.broadcast %ge3A_227 : i32 to vector<16xi32>
    %ge3A_229 = arith.cmpi sge, %sub3A_226, %ge3A_228 : vector<16xi32>
    %select_n3A_230 = arith.select %ge3A_229, %gather3A, %gather3A_83 : vector<16xi1>, vector<16xf32>
    %swap3A_231 = arith.constant 0 : i32
    %swap3A_232 = arith.index_cast %swap3A_231 : i32 to index
    %swap3A_233 = arith.constant 128 : index
    %swap3A_234 = tpu.vector_load %arg5[%swap3A_232, %swap3A_233] {strides = array<i32>} : memref<1x3072xf32, #tpu.memory_space<vmem>>, vector<16xf32>,
    tpu.vector_store %arg5[%swap3A_232, %swap3A_233], %select_n3A_230 {strides = array<i32>} : memref<1x3072xf32, #tpu.memory_space<vmem>>, vector<16xf32>,
    %sub3A_235 = arith.constant 2047 : i32
    %sub3A_236 = arith.subi %sub3A_235, %mul3A_76 : i32
    %mul3A_237 = arith.constant 3072 : i32
    %mul3A_238 = arith.muli %select_n3A_72, %mul3A_237 : i32
    %sub3A_239 = arith.subi %sub3A_236, %mul3A_238 : i32
    %sub3A_240 = arith.constant 144 : i32
    %sub3A_241 = arith.subi %sub3A_239, %sub3A_240 : i32
    %sub3A_242 = vector.broadcast %sub3A_241 : i32 to vector<16xi32>
    %sub3A_243 = arith.subi %sub3A_242, %iota3A : vector<16xi32>
    %ge3A_244 = arith.constant 0 : i32
    %ge3A_245 = vector.broadcast %ge3A_244 : i32 to vector<16xi32>
    %ge3A_246 = arith.cmpi sge, %sub3A_243, %ge3A_245 : vector<16xi32>
    %select_n3A_247 = arith.select %ge3A_246, %gather3A, %gather3A_83 : vector<16xi1>, vector<16xf32>
    %swap3A_248 = arith.constant 0 : i32
    %swap3A_249 = arith.index_cast %swap3A_248 : i32 to index
    %swap3A_250 = arith.constant 144 : index
    %swap3A_251 = tpu.vector_load %arg5[%swap3A_249, %swap3A_250] {strides = array<i32>} : memref<1x3072xf32, #tpu.memory_space<vmem>>, vector<16xf32>,
    tpu.vector_store %arg5[%swap3A_249, %swap3A_250], %select_n3A_247 {strides = array<i32>} : memref<1x3072xf32, #tpu.memory_space<vmem>>, vector<16xf32>,
    %sub3A_252 = arith.constant 2047 : i32
    %sub3A_253 = arith.subi %sub3A_252, %mul3A_76 : i32
    %mul3A_254 = arith.constant 3072 : i32
    %mul3A_255 = arith.muli %select_n3A_72, %mul3A_254 : i32
    %sub3A_256 = arith.subi %sub3A_253, %mul3A_255 : i32
    %sub3A_257 = arith.constant 160 : i32
    %sub3A_258 = arith.subi %sub3A_256, %sub3A_257 : i32
    %sub3A_259 = vector.broadcast %sub3A_258 : i32 to vector<16xi32>
    %sub3A_260 = arith.subi %sub3A_259, %iota3A : vector<16xi32>
    %ge3A_261 = arith.constant 0 : i32
    %ge3A_262 = vector.broadcast %ge3A_261 : i32 to vector<16xi32>
    %ge3A_263 = arith.cmpi sge, %sub3A_260, %ge3A_262 : vector<16xi32>
    %select_n3A_264 = arith.select %ge3A_263, %gather3A, %gather3A_83 : vector<16xi1>, vector<16xf32>
    %swap3A_265 = arith.constant 0 : i32
    %swap3A_266 = arith.index_cast %swap3A_265 : i32 to index
    %swap3A_267 = arith.constant 160 : index
    %swap3A_268 = tpu.vector_load %arg5[%swap3A_266, %swap3A_267] {strides = array<i32>} : memref<1x3072xf32, #tpu.memory_space<vmem>>, vector<16xf32>,
    tpu.vector_store %arg5[%swap3A_266, %swap3A_267], %select_n3A_264 {strides = array<i32>} : memref<1x3072xf32, #tpu.memory_space<vmem>>, vector<16xf32>,
    %sub3A_269 = arith.constant 2047 : i32
    %sub3A_270 = arith.subi %sub3A_269, %mul3A_76 : i32
    %mul3A_271 = arith.constant 3072 : i32
    %mul3A_272 = arith.muli %select_n3A_72, %mul3A_271 : i32
    %sub3A_273 = arith.subi %sub3A_270, %mul3A_272 : i32
    %sub3A_274 = arith.constant 176 : i32
    %sub3A_275 = arith.subi %sub3A_273, %sub3A_274 : i32
    %sub3A_276 = vector.broadcast %sub3A_275 : i32 to vector<16xi32>
    %sub3A_277 = arith.subi %sub3A_276, %iota3A : vector<16xi32>
    %ge3A_278 = arith.constant 0 : i32
    %ge3A_279 = vector.broadcast %ge3A_278 : i32 to vector<16xi32>
    %ge3A_280 = arith.cmpi sge, %sub3A_277, %ge3A_279 : vector<16xi32>
    %select_n3A_281 = arith.select %ge3A_280, %gather3A, %gather3A_83 : vector<16xi1>, vector<16xf32>
    %swap3A_282 = arith.constant 0 : i32
    %swap3A_283 = arith.index_cast %swap3A_282 : i32 to index
    %swap3A_284 = arith.constant 176 : index
    %swap3A_285 = tpu.vector_load %arg5[%swap3A_283, %swap3A_284] {strides = array<i32>} : memref<1x3072xf32, #tpu.memory_space<vmem>>, vector<16xf32>,
    tpu.vector_store %arg5[%swap3A_283, %swap3A_284], %select_n3A_281 {strides = array<i32>} : memref<1x3072xf32, #tpu.memory_space<vmem>>, vector<16xf32>,
    %sub3A_286 = arith.constant 2047 : i32
    %sub3A_287 = arith.subi %sub3A_286, %mul3A_76 : i32
    %mul3A_288 = arith.constant 3072 : i32
    %mul3A_289 = arith.muli %select_n3A_72, %mul3A_288 : i32
    %sub3A_290 = arith.subi %sub3A_287, %mul3A_289 : i32
    %sub3A_291 = arith.constant 192 : i32
    %sub3A_292 = arith.subi %sub3A_290, %sub3A_291 : i32
    %sub3A_293 = vector.broadcast %sub3A_292 : i32 to vector<16xi32>
    %sub3A_294 = arith.subi %sub3A_293, %iota3A : vector<16xi32>
    %ge3A_295 = arith.constant 0 : i32
    %ge3A_296 = vector.broadcast %ge3A_295 : i32 to vector<16xi32>
    %ge3A_297 = arith.cmpi sge, %sub3A_294, %ge3A_296 : vector<16xi32>
    %select_n3A_298 = arith.select %ge3A_297, %gather3A, %gather3A_83 : vector<16xi1>, vector<16xf32>
    %swap3A_299 = arith.constant 0 : i32
    %swap3A_300 = arith.index_cast %swap3A_299 : i32 to index
    %swap3A_301 = arith.constant 192 : index
    %swap3A_302 = tpu.vector_load %arg5[%swap3A_300, %swap3A_301] {strides = array<i32>} : memref<1x3072xf32, #tpu.memory_space<vmem>>, vector<16xf32>,
    tpu.vector_store %arg5[%swap3A_300, %swap3A_301], %select_n3A_298 {strides = array<i32>} : memref<1x3072xf32, #tpu.memory_space<vmem>>, vector<16xf32>,
    %sub3A_303 = arith.constant 2047 : i32
    %sub3A_304 = arith.subi %sub3A_303, %mul3A_76 : i32
    %mul3A_305 = arith.constant 3072 : i32
    %mul3A_306 = arith.muli %select_n3A_72, %mul3A_305 : i32
    %sub3A_307 = arith.subi %sub3A_304, %mul3A_306 : i32
    %sub3A_308 = arith.constant 208 : i32
    %sub3A_309 = arith.subi %sub3A_307, %sub3A_308 : i32
    %sub3A_310 = vector.broadcast %sub3A_309 : i32 to vector<16xi32>
    %sub3A_311 = arith.subi %sub3A_310, %iota3A : vector<16xi32>
    %ge3A_312 = arith.constant 0 : i32
    %ge3A_313 = vector.broadcast %ge3A_312 : i32 to vector<16xi32>
    %ge3A_314 = arith.cmpi sge, %sub3A_311, %ge3A_313 : vector<16xi32>
    %select_n3A_315 = arith.select %ge3A_314, %gather3A, %gather3A_83 : vector<16xi1>, vector<16xf32>
    %swap3A_316 = arith.constant 0 : i32
    %swap3A_317 = arith.index_cast %swap3A_316 : i32 to index
    %swap3A_318 = arith.constant 208 : index
    %swap3A_319 = tpu.vector_load %arg5[%swap3A_317, %swap3A_318] {strides = array<i32>} : memref<1x3072xf32, #tpu.memory_space<vmem>>, vector<16xf32>,
    tpu.vector_store %arg5[%swap3A_317, %swap3A_318], %select_n3A_315 {strides = array<i32>} : memref<1x3072xf32, #tpu.memory_space<vmem>>, vector<16xf32>,
    %sub3A_320 = arith.constant 2047 : i32
    %sub3A_321 = arith.subi %sub3A_320, %mul3A_76 : i32
    %mul3A_322 = arith.constant 3072 : i32
    %mul3A_323 = arith.muli %select_n3A_72, %mul3A_322 : i32
    %sub3A_324 = arith.subi %sub3A_321, %mul3A_323 : i32
    %sub3A_325 = arith.constant 224 : i32
    %sub3A_326 = arith.subi %sub3A_324, %sub3A_325 : i32
    %sub3A_327 = vector.broadcast %sub3A_326 : i32 to vector<16xi32>
    %sub3A_328 = arith.subi %sub3A_327, %iota3A : vector<16xi32>
    %ge3A_329 = arith.constant 0 : i32
    %ge3A_330 = vector.broadcast %ge3A_329 : i32 to vector<16xi32>
    %ge3A_331 = arith.cmpi sge, %sub3A_328, %ge3A_330 : vector<16xi32>
    %select_n3A_332 = arith.select %ge3A_331, %gather3A, %gather3A_83 : vector<16xi1>, vector<16xf32>
    %swap3A_333 = arith.constant 0 : i32
    %swap3A_334 = arith.index_cast %swap3A_333 : i32 to index
    %swap3A_335 = arith.constant 224 : index
    %swap3A_336 = tpu.vector_load %arg5[%swap3A_334, %swap3A_335] {strides = array<i32>} : memref<1x3072xf32, #tpu.memory_space<vmem>>, vector<16xf32>,
    tpu.vector_store %arg5[%swap3A_334, %swap3A_335], %select_n3A_332 {strides = array<i32>} : memref<1x3072xf32, #tpu.memory_space<vmem>>, vector<16xf32>,
    %sub3A_337 = arith.constant 2047 : i32
    %sub3A_338 = arith.subi %sub3A_337, %mul3A_76 : i32
    %mul3A_339 = arith.constant 3072 : i32
    %mul3A_340 = arith.muli %select_n3A_72, %mul3A_339 : i32
    %sub3A_341 = arith.subi %sub3A_338, %mul3A_340 : i32
    %sub3A_342 = arith.constant 240 : i32
    %sub3A_343 = arith.subi %sub3A_341, %sub3A_342 : i32
    %sub3A_344 = vector.broadcast %sub3A_343 : i32 to vector<16xi32>
    %sub3A_345 = arith.subi %sub3A_344, %iota3A : vector<16xi32>
    %ge3A_346 = arith.constant 0 : i32
    %ge3A_347 = vector.broadcast %ge3A_346 : i32 to vector<16xi32>
    %ge3A_348 = arith.cmpi sge, %sub3A_345, %ge3A_347 : vector<16xi32>
    %select_n3A_349 = arith.select %ge3A_348, %gather3A, %gather3A_83 : vector<16xi1>, vector<16xf32>
    %swap3A_350 = arith.constant 0 : i32
    %swap3A_351 = arith.index_cast %swap3A_350 : i32 to index
    %swap3A_352 = arith.constant 240 : index
    %swap3A_353 = tpu.vector_load %arg5[%swap3A_351, %swap3A_352] {strides = array<i32>} : memref<1x3072xf32, #tpu.memory_space<vmem>>, vector<16xf32>,
    tpu.vector_store %arg5[%swap3A_351, %swap3A_352], %select_n3A_349 {strides = array<i32>} : memref<1x3072xf32, #tpu.memory_space<vmem>>, vector<16xf32>,
    %sub3A_354 = arith.constant 2047 : i32
    %sub3A_355 = arith.subi %sub3A_354, %mul3A_76 : i32
    %mul3A_356 = arith.constant 3072 : i32
    %mul3A_357 = arith.muli %select_n3A_72, %mul3A_356 : i32
    %sub3A_358 = arith.subi %sub3A_355, %mul3A_357 : i32
    %sub3A_359 = arith.constant 256 : i32
    %sub3A_360 = arith.subi %sub3A_358, %sub3A_359 : i32
    %sub3A_361 = vector.broadcast %sub3A_360 : i32 to vector<16xi32>
    %sub3A_362 = arith.subi %sub3A_361, %iota3A : vector<16xi32>
    %ge3A_363 = arith.constant 0 : i32
    %ge3A_364 = vector.broadcast %ge3A_363 : i32 to vector<16xi32>
    %ge3A_365 = arith.cmpi sge, %sub3A_362, %ge3A_364 : vector<16xi32>
    %select_n3A_366 = arith.select %ge3A_365, %gather3A, %gather3A_83 : vector<16xi1>, vector<16xf32>
    %swap3A_367 = arith.constant 0 : i32
    %swap3A_368 = arith.index_cast %swap3A_367 : i32 to index
    %swap3A_369 = arith.constant 256 : index
    %swap3A_370 = tpu.vector_load %arg5[%swap3A_368, %swap3A_369] {strides = array<i32>} : memref<1x3072xf32, #tpu.memory_space<vmem>>, vector<16xf32>,
    tpu.vector_store %arg5[%swap3A_368, %swap3A_369], %select_n3A_366 {strides = array<i32>} : memref<1x3072xf32, #tpu.memory_space<vmem>>, vector<16xf32>,
    %sub3A_371 = arith.constant 2047 : i32
    %sub3A_372 = arith.subi %sub3A_371, %mul3A_76 : i32
    %mul3A_373 = arith.constant 3072 : i32
    %mul3A_374 = arith.muli %select_n3A_72, %mul3A_373 : i32
    %sub3A_375 = arith.subi %sub3A_372, %mul3A_374 : i32
    %sub3A_376 = arith.constant 272 : i32
    %sub3A_377 = arith.subi %sub3A_375, %sub3A_376 : i32
    %sub3A_378 = vector.broadcast %sub3A_377 : i32 to vector<16xi32>
    %sub3A_379 = arith.subi %sub3A_378, %iota3A : vector<16xi32>
    %ge3A_380 = arith.constant 0 : i32
    %ge3A_381 = vector.broadcast %ge3A_380 : i32 to vector<16xi32>
    %ge3A_382 = arith.cmpi sge, %sub3A_379, %ge3A_381 : vector<16xi32>
    %select_n3A_383 = arith.select %ge3A_382, %gather3A, %gather3A_83 : vector<16xi1>, vector<16xf32>
    %swap3A_384 = arith.constant 0 : i32
    %swap3A_385 = arith.index_cast %swap3A_384 : i32 to index
    %swap3A_386 = arith.constant 272 : index
    %swap3A_387 = tpu.vector_load %arg5[%swap3A_385, %swap3A_386] {strides = array<i32>} : memref<1x3072xf32, #tpu.memory_space<vmem>>, vector<16xf32>,
    tpu.vector_store %arg5[%swap3A_385, %swap3A_386], %select_n3A_383 {strides = array<i32>} : memref<1x3072xf32, #tpu.memory_space<vmem>>, vector<16xf32>,
    %sub3A_388 = arith.constant 2047 : i32
    %sub3A_389 = arith.subi %sub3A_388, %mul3A_76 : i32
    %mul3A_390 = arith.constant 3072 : i32
    %mul3A_391 = arith.muli %select_n3A_72, %mul3A_390 : i32
    %sub3A_392 = arith.subi %sub3A_389, %mul3A_391 : i32
    %sub3A_393 = arith.constant 288 : i32
    %sub3A_394 = arith.subi %sub3A_392, %sub3A_393 : i32
    %sub3A_395 = vector.broadcast %sub3A_394 : i32 to vector<16xi32>
    %sub3A_396 = arith.subi %sub3A_395, %iota3A : vector<16xi32>
    %ge3A_397 = arith.constant 0 : i32
    %ge3A_398 = vector.broadcast %ge3A_397 : i32 to vector<16xi32>
    %ge3A_399 = arith.cmpi sge, %sub3A_396, %ge3A_398 : vector<16xi32>
    %select_n3A_400 = arith.select %ge3A_399, %gather3A, %gather3A_83 : vector<16xi1>, vector<16xf32>
    %swap3A_401 = arith.constant 0 : i32
    %swap3A_402 = arith.index_cast %swap3A_401 : i32 to index
    %swap3A_403 = arith.constant 288 : index
    %swap3A_404 = tpu.vector_load %arg5[%swap3A_402, %swap3A_403] {strides = array<i32>} : memref<1x3072xf32, #tpu.memory_space<vmem>>, vector<16xf32>,
    tpu.vector_store %arg5[%swap3A_402, %swap3A_403], %select_n3A_400 {strides = array<i32>} : memref<1x3072xf32, #tpu.memory_space<vmem>>, vector<16xf32>,
    %sub3A_405 = arith.constant 2047 : i32
    %sub3A_406 = arith.subi %sub3A_405, %mul3A_76 : i32
    %mul3A_407 = arith.constant 3072 : i32
    %mul3A_408 = arith.muli %select_n3A_72, %mul3A_407 : i32
    %sub3A_409 = arith.subi %sub3A_406, %mul3A_408 : i32
    %sub3A_410 = arith.constant 304 : i32
    %sub3A_411 = arith.subi %sub3A_409, %sub3A_410 : i32
    %sub3A_412 = vector.broadcast %sub3A_411 : i32 to vector<16xi32>
    %sub3A_413 = arith.subi %sub3A_412, %iota3A : vector<16xi32>
    %ge3A_414 = arith.constant 0 : i32
    %ge3A_415 = vector.broadcast %ge3A_414 : i32 to vector<16xi32>
    %ge3A_416 = arith.cmpi sge, %sub3A_413, %ge3A_415 : vector<16xi32>
    %select_n3A_417 = arith.select %ge3A_416, %gather3A, %gather3A_83 : vector<16xi1>, vector<16xf32>
    %swap3A_418 = arith.constant 0 : i32
    %swap3A_419 = arith.index_cast %swap3A_418 : i32 to index
    %swap3A_420 = arith.constant 304 : index
    %swap3A_421 = tpu.vector_load %arg5[%swap3A_419, %swap3A_420] {strides = array<i32>} : memref<1x3072xf32, #tpu.memory_space<vmem>>, vector<16xf32>,
    tpu.vector_store %arg5[%swap3A_419, %swap3A_420], %select_n3A_417 {strides = array<i32>} : memref<1x3072xf32, #tpu.memory_space<vmem>>, vector<16xf32>,
    %sub3A_422 = arith.constant 2047 : i32
    %sub3A_423 = arith.subi %sub3A_422, %mul3A_76 : i32
    %mul3A_424 = arith.constant 3072 : i32
    %mul3A_425 = arith.muli %select_n3A_72, %mul3A_424 : i32
    %sub3A_426 = arith.subi %sub3A_423, %mul3A_425 : i32
    %sub3A_427 = arith.constant 320 : i32
    %sub3A_428 = arith.subi %sub3A_426, %sub3A_427 : i32
    %sub3A_429 = vector.broadcast %sub3A_428 : i32 to vector<16xi32>
    %sub3A_430 = arith.subi %sub3A_429, %iota3A : vector<16xi32>
    %ge3A_431 = arith.constant 0 : i32
    %ge3A_432 = vector.broadcast %ge3A_431 : i32 to vector<16xi32>
    %ge3A_433 = arith.cmpi sge, %sub3A_430, %ge3A_432 : vector<16xi32>
    %select_n3A_434 = arith.select %ge3A_433, %gather3A, %gather3A_83 : vector<16xi1>, vector<16xf32>
    %swap3A_435 = arith.constant 0 : i32
    %swap3A_436 = arith.index_cast %swap3A_435 : i32 to index
    %swap3A_437 = arith.constant 320 : index
    %swap3A_438 = tpu.vector_load %arg5[%swap3A_436, %swap3A_437] {strides = array<i32>} : memref<1x3072xf32, #tpu.memory_space<vmem>>, vector<16xf32>,
    tpu.vector_store %arg5[%swap3A_436, %swap3A_437], %select_n3A_434 {strides = array<i32>} : memref<1x3072xf32, #tpu.memory_space<vmem>>, vector<16xf32>,
    %sub3A_439 = arith.constant 2047 : i32
    %sub3A_440 = arith.subi %sub3A_439, %mul3A_76 : i32
    %mul3A_441 = arith.constant 3072 : i32
    %mul3A_442 = arith.muli %select_n3A_72, %mul3A_441 : i32
    %sub3A_443 = arith.subi %sub3A_440, %mul3A_442 : i32
    %sub3A_444 = arith.constant 336 : i32
    %sub3A_445 = arith.subi %sub3A_443, %sub3A_444 : i32
    %sub3A_446 = vector.broadcast %sub3A_445 : i32 to vector<16xi32>
    %sub3A_447 = arith.subi %sub3A_446, %iota3A : vector<16xi32>
    %ge3A_448 = arith.constant 0 : i32
    %ge3A_449 = vector.broadcast %ge3A_448 : i32 to vector<16xi32>
    %ge3A_450 = arith.cmpi sge, %sub3A_447, %ge3A_449 : vector<16xi32>
    %select_n3A_451 = arith.select %ge3A_450, %gather3A, %gather3A_83 : vector<16xi1>, vector<16xf32>
    %swap3A_452 = arith.constant 0 : i32
    %swap3A_453 = arith.index_cast %swap3A_452 : i32 to index
    %swap3A_454 = arith.constant 336 : index
    %swap3A_455 = tpu.vector_load %arg5[%swap3A_453, %swap3A_454] {strides = array<i32>} : memref<1x3072xf32, #tpu.memory_space<vmem>>, vector<16xf32>,
    tpu.vector_store %arg5[%swap3A_453, %swap3A_454], %select_n3A_451 {strides = array<i32>} : memref<1x3072xf32, #tpu.memory_space<vmem>>, vector<16xf32>,
    %sub3A_456 = arith.constant 2047 : i32
    %sub3A_457 = arith.subi %sub3A_456, %mul3A_76 : i32
    %mul3A_458 = arith.constant 3072 : i32
    %mul3A_459 = arith.muli %select_n3A_72, %mul3A_458 : i32
    %sub3A_460 = arith.subi %sub3A_457, %mul3A_459 : i32
    %sub3A_461 = arith.constant 352 : i32
    %sub3A_462 = arith.subi %sub3A_460, %sub3A_461 : i32
    %sub3A_463 = vector.broadcast %sub3A_462 : i32 to vector<16xi32>
    %sub3A_464 = arith.subi %sub3A_463, %iota3A : vector<16xi32>
    %ge3A_465 = arith.constant 0 : i32
    %ge3A_466 = vector.broadcast %ge3A_465 : i32 to vector<16xi32>
    %ge3A_467 = arith.cmpi sge, %sub3A_464, %ge3A_466 : vector<16xi32>
    %select_n3A_468 = arith.select %ge3A_467, %gather3A, %gather3A_83 : vector<16xi1>, vector<16xf32>
    %swap3A_469 = arith.constant 0 : i32
    %swap3A_470 = arith.index_cast %swap3A_469 : i32 to index
    %swap3A_471 = arith.constant 352 : index
    %swap3A_472 = tpu.vector_load %arg5[%swap3A_470, %swap3A_471] {strides = array<i32>} : memref<1x3072xf32, #tpu.memory_space<vmem>>, vector<16xf32>,
    tpu.vector_store %arg5[%swap3A_470, %swap3A_471], %select_n3A_468 {strides = array<i32>} : memref<1x3072xf32, #tpu.memory_space<vmem>>, vector<16xf32>,
    %sub3A_473 = arith.constant 2047 : i32
    %sub3A_474 = arith.subi %sub3A_473, %mul3A_76 : i32
    %mul3A_475 = arith.constant 3072 : i32
    %mul3A_476 = arith.muli %select_n3A_72, %mul3A_475 : i32
    %sub3A_477 = arith.subi %sub3A_474, %mul3A_476 : i32
    %sub3A_478 = arith.constant 368 : i32
    %sub3A_479 = arith.subi %sub3A_477, %sub3A_478 : i32
    %sub3A_480 = vector.broadcast %sub3A_479 : i32 to vector<16xi32>
    %sub3A_481 = arith.subi %sub3A_480, %iota3A : vector<16xi32>
    %ge3A_482 = arith.constant 0 : i32
    %ge3A_483 = vector.broadcast %ge3A_482 : i32 to vector<16xi32>
    %ge3A_484 = arith.cmpi sge, %sub3A_481, %ge3A_483 : vector<16xi32>
    %select_n3A_485 = arith.select %ge3A_484, %gather3A, %gather3A_83 : vector<16xi1>, vector<16xf32>
    %swap3A_486 = arith.constant 0 : i32
    %swap3A_487 = arith.index_cast %swap3A_486 : i32 to index
    %swap3A_488 = arith.constant 368 : index
    %swap3A_489 = tpu.vector_load %arg5[%swap3A_487, %swap3A_488] {strides = array<i32>} : memref<1x3072xf32, #tpu.memory_space<vmem>>, vector<16xf32>,
    tpu.vector_store %arg5[%swap3A_487, %swap3A_488], %select_n3A_485 {strides = array<i32>} : memref<1x3072xf32, #tpu.memory_space<vmem>>, vector<16xf32>,
    %sub3A_490 = arith.constant 2047 : i32
    %sub3A_491 = arith.subi %sub3A_490, %mul3A_76 : i32
    %mul3A_492 = arith.constant 3072 : i32
    %mul3A_493 = arith.muli %select_n3A_72, %mul3A_492 : i32
    %sub3A_494 = arith.subi %sub3A_491, %mul3A_493 : i32
    %sub3A_495 = arith.constant 384 : i32
    %sub3A_496 = arith.subi %sub3A_494, %sub3A_495 : i32
    %sub3A_497 = vector.broadcast %sub3A_496 : i32 to vector<16xi32>
    %sub3A_498 = arith.subi %sub3A_497, %iota3A : vector<16xi32>
    %ge3A_499 = arith.constant 0 : i32
    %ge3A_500 = vector.broadcast %ge3A_499 : i32 to vector<16xi32>
    %ge3A_501 = arith.cmpi sge, %sub3A_498, %ge3A_500 : vector<16xi32>
    %select_n3A_502 = arith.select %ge3A_501, %gather3A, %gather3A_83 : vector<16xi1>, vector<16xf32>
    %swap3A_503 = arith.constant 0 : i32
    %swap3A_504 = arith.index_cast %swap3A_503 : i32 to index
    %swap3A_505 = arith.constant 384 : index
    %swap3A_506 = tpu.vector_load %arg5[%swap3A_504, %swap3A_505] {strides = array<i32>} : memref<1x3072xf32, #tpu.memory_space<vmem>>, vector<16xf32>,
    tpu.vector_store %arg5[%swap3A_504, %swap3A_505], %select_n3A_502 {strides = array<i32>} : memref<1x3072xf32, #tpu.memory_space<vmem>>, vector<16xf32>,
    %sub3A_507 = arith.constant 2047 : i32
    %sub3A_508 = arith.subi %sub3A_507, %mul3A_76 : i32
    %mul3A_509 = arith.constant 3072 : i32
    %mul3A_510 = arith.muli %select_n3A_72, %mul3A_509 : i32
    %sub3A_511 = arith.subi %sub3A_508, %mul3A_510 : i32
    %sub3A_512 = arith.constant 400 : i32
    %sub3A_513 = arith.subi %sub3A_511, %sub3A_512 : i32
    %sub3A_514 = vector.broadcast %sub3A_513 : i32 to vector<16xi32>
    %sub3A_515 = arith.subi %sub3A_514, %iota3A : vector<16xi32>
    %ge3A_516 = arith.constant 0 : i32
    %ge3A_517 = vector.broadcast %ge3A_516 : i32 to vector<16xi32>
    %ge3A_518 = arith.cmpi sge, %sub3A_515, %ge3A_517 : vector<16xi32>
    %select_n3A_519 = arith.select %ge3A_518, %gather3A, %gather3A_83 : vector<16xi1>, vector<16xf32>
    %swap3A_520 = arith.constant 0 : i32
    %swap3A_521 = arith.index_cast %swap3A_520 : i32 to index
    %swap3A_522 = arith.constant 400 : index
    %swap3A_523 = tpu.vector_load %arg5[%swap3A_521, %swap3A_522] {strides = array<i32>} : memref<1x3072xf32, #tpu.memory_space<vmem>>, vector<16xf32>,
    tpu.vector_store %arg5[%swap3A_521, %swap3A_522], %select_n3A_519 {strides = array<i32>} : memref<1x3072xf32, #tpu.memory_space<vmem>>, vector<16xf32>,
    %sub3A_524 = arith.constant 2047 : i32
    %sub3A_525 = arith.subi %sub3A_524, %mul3A_76 : i32
    %mul3A_526 = arith.constant 3072 : i32
    %mul3A_527 = arith.muli %select_n3A_72, %mul3A_526 : i32
    %sub3A_528 = arith.subi %sub3A_525, %mul3A_527 : i32
    %sub3A_529 = arith.constant 416 : i32
    %sub3A_530 = arith.subi %sub3A_528, %sub3A_529 : i32
    %sub3A_531 = vector.broadcast %sub3A_530 : i32 to vector<16xi32>
    %sub3A_532 = arith.subi %sub3A_531, %iota3A : vector<16xi32>
    %ge3A_533 = arith.constant 0 : i32
    %ge3A_534 = vector.broadcast %ge3A_533 : i32 to vector<16xi32>
    %ge3A_535 = arith.cmpi sge, %sub3A_532, %ge3A_534 : vector<16xi32>
    %select_n3A_536 = arith.select %ge3A_535, %gather3A, %gather3A_83 : vector<16xi1>, vector<16xf32>
    %swap3A_537 = arith.constant 0 : i32
    %swap3A_538 = arith.index_cast %swap3A_537 : i32 to index
    %swap3A_539 = arith.constant 416 : index
    %swap3A_540 = tpu.vector_load %arg5[%swap3A_538, %swap3A_539] {strides = array<i32>} : memref<1x3072xf32, #tpu.memory_space<vmem>>, vector<16xf32>,
    tpu.vector_store %arg5[%swap3A_538, %swap3A_539], %select_n3A_536 {strides = array<i32>} : memref<1x3072xf32, #tpu.memory_space<vmem>>, vector<16xf32>,
    %sub3A_541 = arith.constant 2047 : i32
    %sub3A_542 = arith.subi %sub3A_541, %mul3A_76 : i32
    %mul3A_543 = arith.constant 3072 : i32
    %mul3A_544 = arith.muli %select_n3A_72, %mul3A_543 : i32
    %sub3A_545 = arith.subi %sub3A_542, %mul3A_544 : i32
    %sub3A_546 = arith.constant 432 : i32
    %sub3A_547 = arith.subi %sub3A_545, %sub3A_546 : i32
    %sub3A_548 = vector.broadcast %sub3A_547 : i32 to vector<16xi32>
    %sub3A_549 = arith.subi %sub3A_548, %iota3A : vector<16xi32>
    %ge3A_550 = arith.constant 0 : i32
    %ge3A_551 = vector.broadcast %ge3A_550 : i32 to vector<16xi32>
    %ge3A_552 = arith.cmpi sge, %sub3A_549, %ge3A_551 : vector<16xi32>
    %select_n3A_553 = arith.select %ge3A_552, %gather3A, %gather3A_83 : vector<16xi1>, vector<16xf32>
    %swap3A_554 = arith.constant 0 : i32
    %swap3A_555 = arith.index_cast %swap3A_554 : i32 to index
    %swap3A_556 = arith.constant 432 : index
    %swap3A_557 = tpu.vector_load %arg5[%swap3A_555, %swap3A_556] {strides = array<i32>} : memref<1x3072xf32, #tpu.memory_space<vmem>>, vector<16xf32>,
    tpu.vector_store %arg5[%swap3A_555, %swap3A_556], %select_n3A_553 {strides = array<i32>} : memref<1x3072xf32, #tpu.memory_space<vmem>>, vector<16xf32>,
    %sub3A_558 = arith.constant 2047 : i32
    %sub3A_559 = arith.subi %sub3A_558, %mul3A_76 : i32
    %mul3A_560 = arith.constant 3072 : i32
    %mul3A_561 = arith.muli %select_n3A_72, %mul3A_560 : i32
    %sub3A_562 = arith.subi %sub3A_559, %mul3A_561 : i32
    %sub3A_563 = arith.constant 448 : i32
    %sub3A_564 = arith.subi %sub3A_562, %sub3A_563 : i32
    %sub3A_565 = vector.broadcast %sub3A_564 : i32 to vector<16xi32>
    %sub3A_566 = arith.subi %sub3A_565, %iota3A : vector<16xi32>
    %ge3A_567 = arith.constant 0 : i32
    %ge3A_568 = vector.broadcast %ge3A_567 : i32 to vector<16xi32>
    %ge3A_569 = arith.cmpi sge, %sub3A_566, %ge3A_568 : vector<16xi32>
    %select_n3A_570 = arith.select %ge3A_569, %gather3A, %gather3A_83 : vector<16xi1>, vector<16xf32>
    %swap3A_571 = arith.constant 0 : i32
    %swap3A_572 = arith.index_cast %swap3A_571 : i32 to index
    %swap3A_573 = arith.constant 448 : index
    %swap3A_574 = tpu.vector_load %arg5[%swap3A_572, %swap3A_573] {strides = array<i32>} : memref<1x3072xf32, #tpu.memory_space<vmem>>, vector<16xf32>,
    tpu.vector_store %arg5[%swap3A_572, %swap3A_573], %select_n3A_570 {strides = array<i32>} : memref<1x3072xf32, #tpu.memory_space<vmem>>, vector<16xf32>,
    %sub3A_575 = arith.constant 2047 : i32
    %sub3A_576 = arith.subi %sub3A_575, %mul3A_76 : i32
    %mul3A_577 = arith.constant 3072 : i32
    %mul3A_578 = arith.muli %select_n3A_72, %mul3A_577 : i32
    %sub3A_579 = arith.subi %sub3A_576, %mul3A_578 : i32
    %sub3A_580 = arith.constant 464 : i32
    %sub3A_581 = arith.subi %sub3A_579, %sub3A_580 : i32
    %sub3A_582 = vector.broadcast %sub3A_581 : i32 to vector<16xi32>
    %sub3A_583 = arith.subi %sub3A_582, %iota3A : vector<16xi32>
    %ge3A_584 = arith.constant 0 : i32
    %ge3A_585 = vector.broadcast %ge3A_584 : i32 to vector<16xi32>
    %ge3A_586 = arith.cmpi sge, %sub3A_583, %ge3A_585 : vector<16xi32>
    %select_n3A_587 = arith.select %ge3A_586, %gather3A, %gather3A_83 : vector<16xi1>, vector<16xf32>
    %swap3A_588 = arith.constant 0 : i32
    %swap3A_589 = arith.index_cast %swap3A_588 : i32 to index
    %swap3A_590 = arith.constant 464 : index
    %swap3A_591 = tpu.vector_load %arg5[%swap3A_589, %swap3A_590] {strides = array<i32>} : memref<1x3072xf32, #tpu.memory_space<vmem>>, vector<16xf32>,
    tpu.vector_store %arg5[%swap3A_589, %swap3A_590], %select_n3A_587 {strides = array<i32>} : memref<1x3072xf32, #tpu.memory_space<vmem>>, vector<16xf32>,
    %sub3A_592 = arith.constant 2047 : i32
    %sub3A_593 = arith.subi %sub3A_592, %mul3A_76 : i32
    %mul3A_594 = arith.constant 3072 : i32
    %mul3A_595 = arith.muli %select_n3A_72, %mul3A_594 : i32
    %sub3A_596 = arith.subi %sub3A_593, %mul3A_595 : i32
    %sub3A_597 = arith.constant 480 : i32
    %sub3A_598 = arith.subi %sub3A_596, %sub3A_597 : i32
    %sub3A_599 = vector.broadcast %sub3A_598 : i32 to vector<16xi32>
    %sub3A_600 = arith.subi %sub3A_599, %iota3A : vector<16xi32>
    %ge3A_601 = arith.constant 0 : i32
    %ge3A_602 = vector.broadcast %ge3A_601 : i32 to vector<16xi32>
    %ge3A_603 = arith.cmpi sge, %sub3A_600, %ge3A_602 : vector<16xi32>
    %select_n3A_604 = arith.select %ge3A_603, %gather3A, %gather3A_83 : vector<16xi1>, vector<16xf32>
    %swap3A_605 = arith.constant 0 : i32
    %swap3A_606 = arith.index_cast %swap3A_605 : i32 to index
    %swap3A_607 = arith.constant 480 : index
    %swap3A_608 = tpu.vector_load %arg5[%swap3A_606, %swap3A_607] {strides = array<i32>} : memref<1x3072xf32, #tpu.memory_space<vmem>>, vector<16xf32>,
    tpu.vector_store %arg5[%swap3A_606, %swap3A_607], %select_n3A_604 {strides = array<i32>} : memref<1x3072xf32, #tpu.memory_space<vmem>>, vector<16xf32>,
    %sub3A_609 = arith.constant 2047 : i32
    %sub3A_610 = arith.subi %sub3A_609, %mul3A_76 : i32
    %mul3A_611 = arith.constant 3072 : i32
    %mul3A_612 = arith.muli %select_n3A_72, %mul3A_611 : i32
    %sub3A_613 = arith.subi %sub3A_610, %mul3A_612 : i32
    %sub3A_614 = arith.constant 496 : i32
    %sub3A_615 = arith.subi %sub3A_613, %sub3A_614 : i32
    %sub3A_616 = vector.broadcast %sub3A_615 : i32 to vector<16xi32>
    %sub3A_617 = arith.subi %sub3A_616, %iota3A : vector<16xi32>
    %ge3A_618 = arith.constant 0 : i32
    %ge3A_619 = vector.broadcast %ge3A_618 : i32 to vector<16xi32>
    %ge3A_620 = arith.cmpi sge, %sub3A_617, %ge3A_619 : vector<16xi32>
    %select_n3A_621 = arith.select %ge3A_620, %gather3A, %gather3A_83 : vector<16xi1>, vector<16xf32>
    %swap3A_622 = arith.constant 0 : i32
    %swap3A_623 = arith.index_cast %swap3A_622 : i32 to index
    %swap3A_624 = arith.constant 496 : index
    %swap3A_625 = tpu.vector_load %arg5[%swap3A_623, %swap3A_624] {strides = array<i32>} : memref<1x3072xf32, #tpu.memory_space<vmem>>, vector<16xf32>,
    tpu.vector_store %arg5[%swap3A_623, %swap3A_624], %select_n3A_621 {strides = array<i32>} : memref<1x3072xf32, #tpu.memory_space<vmem>>, vector<16xf32>,
    %sub3A_626 = arith.constant 2047 : i32
    %sub3A_627 = arith.subi %sub3A_626, %mul3A_76 : i32
    %mul3A_628 = arith.constant 3072 : i32
    %mul3A_629 = arith.muli %select_n3A_72, %mul3A_628 : i32
    %sub3A_630 = arith.subi %sub3A_627, %mul3A_629 : i32
    %sub3A_631 = arith.constant 512 : i32
    %sub3A_632 = arith.subi %sub3A_630, %sub3A_631 : i32
    %sub3A_633 = vector.broadcast %sub3A_632 : i32 to vector<16xi32>
    %sub3A_634 = arith.subi %sub3A_633, %iota3A : vector<16xi32>
    %ge3A_635 = arith.constant 0 : i32
    %ge3A_636 = vector.broadcast %ge3A_635 : i32 to vector<16xi32>
    %ge3A_637 = arith.cmpi sge, %sub3A_634, %ge3A_636 : vector<16xi32>
    %select_n3A_638 = arith.select %ge3A_637, %gather3A, %gather3A_83 : vector<16xi1>, vector<16xf32>
    %swap3A_639 = arith.constant 0 : i32
    %swap3A_640 = arith.index_cast %swap3A_639 : i32 to index
    %swap3A_641 = arith.constant 512 : index
    %swap3A_642 = tpu.vector_load %arg5[%swap3A_640, %swap3A_641] {strides = array<i32>} : memref<1x3072xf32, #tpu.memory_space<vmem>>, vector<16xf32>,
    tpu.vector_store %arg5[%swap3A_640, %swap3A_641], %select_n3A_638 {strides = array<i32>} : memref<1x3072xf32, #tpu.memory_space<vmem>>, vector<16xf32>,
    %sub3A_643 = arith.constant 2047 : i32
    %sub3A_644 = arith.subi %sub3A_643, %mul3A_76 : i32
    %mul3A_645 = arith.constant 3072 : i32
    %mul3A_646 = arith.muli %select_n3A_72, %mul3A_645 : i32
    %sub3A_647 = arith.subi %sub3A_644, %mul3A_646 : i32
    %sub3A_648 = arith.constant 528 : i32
    %sub3A_649 = arith.subi %sub3A_647, %sub3A_648 : i32
    %sub3A_650 = vector.broadcast %sub3A_649 : i32 to vector<16xi32>
    %sub3A_651 = arith.subi %sub3A_650, %iota3A : vector<16xi32>
    %ge3A_652 = arith.constant 0 : i32
    %ge3A_653 = vector.broadcast %ge3A_652 : i32 to vector<16xi32>
    %ge3A_654 = arith.cmpi sge, %sub3A_651, %ge3A_653 : vector<16xi32>
    %select_n3A_655 = arith.select %ge3A_654, %gather3A, %gather3A_83 : vector<16xi1>, vector<16xf32>
    %swap3A_656 = arith.constant 0 : i32
    %swap3A_657 = arith.index_cast %swap3A_656 : i32 to index
    %swap3A_658 = arith.constant 528 : index
    %swap3A_659 = tpu.vector_load %arg5[%swap3A_657, %swap3A_658] {strides = array<i32>} : memref<1x3072xf32, #tpu.memory_space<vmem>>, vector<16xf32>,
    tpu.vector_store %arg5[%swap3A_657, %swap3A_658], %select_n3A_655 {strides = array<i32>} : memref<1x3072xf32, #tpu.memory_space<vmem>>, vector<16xf32>,
    %sub3A_660 = arith.constant 2047 : i32
    %sub3A_661 = arith.subi %sub3A_660, %mul3A_76 : i32
    %mul3A_662 = arith.constant 3072 : i32
    %mul3A_663 = arith.muli %select_n3A_72, %mul3A_662 : i32
    %sub3A_664 = arith.subi %sub3A_661, %mul3A_663 : i32
    %sub3A_665 = arith.constant 544 : i32
    %sub3A_666 = arith.subi %sub3A_664, %sub3A_665 : i32
    %sub3A_667 = vector.broadcast %sub3A_666 : i32 to vector<16xi32>
    %sub3A_668 = arith.subi %sub3A_667, %iota3A : vector<16xi32>
    %ge3A_669 = arith.constant 0 : i32
    %ge3A_670 = vector.broadcast %ge3A_669 : i32 to vector<16xi32>
    %ge3A_671 = arith.cmpi sge, %sub3A_668, %ge3A_670 : vector<16xi32>
    %select_n3A_672 = arith.select %ge3A_671, %gather3A, %gather3A_83 : vector<16xi1>, vector<16xf32>
    %swap3A_673 = arith.constant 0 : i32
    %swap3A_674 = arith.index_cast %swap3A_673 : i32 to index
    %swap3A_675 = arith.constant 544 : index
    %swap3A_676 = tpu.vector_load %arg5[%swap3A_674, %swap3A_675] {strides = array<i32>} : memref<1x3072xf32, #tpu.memory_space<vmem>>, vector<16xf32>,
    tpu.vector_store %arg5[%swap3A_674, %swap3A_675], %select_n3A_672 {strides = array<i32>} : memref<1x3072xf32, #tpu.memory_space<vmem>>, vector<16xf32>,
    %sub3A_677 = arith.constant 2047 : i32
    %sub3A_678 = arith.subi %sub3A_677, %mul3A_76 : i32
    %mul3A_679 = arith.constant 3072 : i32
    %mul3A_680 = arith.muli %select_n3A_72, %mul3A_679 : i32
    %sub3A_681 = arith.subi %sub3A_678, %mul3A_680 : i32
    %sub3A_682 = arith.constant 560 : i32
    %sub3A_683 = arith.subi %sub3A_681, %sub3A_682 : i32
    %sub3A_684 = vector.broadcast %sub3A_683 : i32 to vector<16xi32>
    %sub3A_685 = arith.subi %sub3A_684, %iota3A : vector<16xi32>
    %ge3A_686 = arith.constant 0 : i32
    %ge3A_687 = vector.broadcast %ge3A_686 : i32 to vector<16xi32>
    %ge3A_688 = arith.cmpi sge, %sub3A_685, %ge3A_687 : vector<16xi32>
    %select_n3A_689 = arith.select %ge3A_688, %gather3A, %gather3A_83 : vector<16xi1>, vector<16xf32>
    %swap3A_690 = arith.constant 0 : i32
    %swap3A_691 = arith.index_cast %swap3A_690 : i32 to index
    %swap3A_692 = arith.constant 560 : index
    %swap3A_693 = tpu.vector_load %arg5[%swap3A_691, %swap3A_692] {strides = array<i32>} : memref<1x3072xf32, #tpu.memory_space<vmem>>, vector<16xf32>,
    tpu.vector_store %arg5[%swap3A_691, %swap3A_692], %select_n3A_689 {strides = array<i32>} : memref<1x3072xf32, #tpu.memory_space<vmem>>, vector<16xf32>,
    %sub3A_694 = arith.constant 2047 : i32
    %sub3A_695 = arith.subi %sub3A_694, %mul3A_76 : i32
    %mul3A_696 = arith.constant 3072 : i32
    %mul3A_697 = arith.muli %select_n3A_72, %mul3A_696 : i32
    %sub3A_698 = arith.subi %sub3A_695, %mul3A_697 : i32
    %sub3A_699 = arith.constant 576 : i32
    %sub3A_700 = arith.subi %sub3A_698, %sub3A_699 : i32
    %sub3A_701 = vector.broadcast %sub3A_700 : i32 to vector<16xi32>
    %sub3A_702 = arith.subi %sub3A_701, %iota3A : vector<16xi32>
    %ge3A_703 = arith.constant 0 : i32
    %ge3A_704 = vector.broadcast %ge3A_703 : i32 to vector<16xi32>
    %ge3A_705 = arith.cmpi sge, %sub3A_702, %ge3A_704 : vector<16xi32>
    %select_n3A_706 = arith.select %ge3A_705, %gather3A, %gather3A_83 : vector<16xi1>, vector<16xf32>
    %swap3A_707 = arith.constant 0 : i32
    %swap3A_708 = arith.index_cast %swap3A_707 : i32 to index
    %swap3A_709 = arith.constant 576 : index
    %swap3A_710 = tpu.vector_load %arg5[%swap3A_708, %swap3A_709] {strides = array<i32>} : memref<1x3072xf32, #tpu.memory_space<vmem>>, vector<16xf32>,
    tpu.vector_store %arg5[%swap3A_708, %swap3A_709], %select_n3A_706 {strides = array<i32>} : memref<1x3072xf32, #tpu.memory_space<vmem>>, vector<16xf32>,
    %sub3A_711 = arith.constant 2047 : i32
    %sub3A_712 = arith.subi %sub3A_711, %mul3A_76 : i32
    %mul3A_713 = arith.constant 3072 : i32
    %mul3A_714 = arith.muli %select_n3A_72, %mul3A_713 : i32
    %sub3A_715 = arith.subi %sub3A_712, %mul3A_714 : i32
    %sub3A_716 = arith.constant 592 : i32
    %sub3A_717 = arith.subi %sub3A_715, %sub3A_716 : i32
    %sub3A_718 = vector.broadcast %sub3A_717 : i32 to vector<16xi32>
    %sub3A_719 = arith.subi %sub3A_718, %iota3A : vector<16xi32>
    %ge3A_720 = arith.constant 0 : i32
    %ge3A_721 = vector.broadcast %ge3A_720 : i32 to vector<16xi32>
    %ge3A_722 = arith.cmpi sge, %sub3A_719, %ge3A_721 : vector<16xi32>
    %select_n3A_723 = arith.select %ge3A_722, %gather3A, %gather3A_83 : vector<16xi1>, vector<16xf32>
    %swap3A_724 = arith.constant 0 : i32
    %swap3A_725 = arith.index_cast %swap3A_724 : i32 to index
    %swap3A_726 = arith.constant 592 : index
    %swap3A_727 = tpu.vector_load %arg5[%swap3A_725, %swap3A_726] {strides = array<i32>} : memref<1x3072xf32, #tpu.memory_space<vmem>>, vector<16xf32>,
    tpu.vector_store %arg5[%swap3A_725, %swap3A_726], %select_n3A_723 {strides = array<i32>} : memref<1x3072xf32, #tpu.memory_space<vmem>>, vector<16xf32>,
    %sub3A_728 = arith.constant 2047 : i32
    %sub3A_729 = arith.subi %sub3A_728, %mul3A_76 : i32
    %mul3A_730 = arith.constant 3072 : i32
    %mul3A_731 = arith.muli %select_n3A_72, %mul3A_730 : i32
    %sub3A_732 = arith.subi %sub3A_729, %mul3A_731 : i32
    %sub3A_733 = arith.constant 608 : i32
    %sub3A_734 = arith.subi %sub3A_732, %sub3A_733 : i32
    %sub3A_735 = vector.broadcast %sub3A_734 : i32 to vector<16xi32>
    %sub3A_736 = arith.subi %sub3A_735, %iota3A : vector<16xi32>
    %ge3A_737 = arith.constant 0 : i32
    %ge3A_738 = vector.broadcast %ge3A_737 : i32 to vector<16xi32>
    %ge3A_739 = arith.cmpi sge, %sub3A_736, %ge3A_738 : vector<16xi32>
    %select_n3A_740 = arith.select %ge3A_739, %gather3A, %gather3A_83 : vector<16xi1>, vector<16xf32>
    %swap3A_741 = arith.constant 0 : i32
    %swap3A_742 = arith.index_cast %swap3A_741 : i32 to index
    %swap3A_743 = arith.constant 608 : index
    %swap3A_744 = tpu.vector_load %arg5[%swap3A_742, %swap3A_743] {strides = array<i32>} : memref<1x3072xf32, #tpu.memory_space<vmem>>, vector<16xf32>,
    tpu.vector_store %arg5[%swap3A_742, %swap3A_743], %select_n3A_740 {strides = array<i32>} : memref<1x3072xf32, #tpu.memory_space<vmem>>, vector<16xf32>,
    %sub3A_745 = arith.constant 2047 : i32
    %sub3A_746 = arith.subi %sub3A_745, %mul3A_76 : i32
    %mul3A_747 = arith.constant 3072 : i32
    %mul3A_748 = arith.muli %select_n3A_72, %mul3A_747 : i32
    %sub3A_749 = arith.subi %sub3A_746, %mul3A_748 : i32
    %sub3A_750 = arith.constant 624 : i32
    %sub3A_751 = arith.subi %sub3A_749, %sub3A_750 : i32
    %sub3A_752 = vector.broadcast %sub3A_751 : i32 to vector<16xi32>
    %sub3A_753 = arith.subi %sub3A_752, %iota3A : vector<16xi32>
    %ge3A_754 = arith.constant 0 : i32
    %ge3A_755 = vector.broadcast %ge3A_754 : i32 to vector<16xi32>
    %ge3A_756 = arith.cmpi sge, %sub3A_753, %ge3A_755 : vector<16xi32>
    %select_n3A_757 = arith.select %ge3A_756, %gather3A, %gather3A_83 : vector<16xi1>, vector<16xf32>
    %swap3A_758 = arith.constant 0 : i32
    %swap3A_759 = arith.index_cast %swap3A_758 : i32 to index
    %swap3A_760 = arith.constant 624 : index
    %swap3A_761 = tpu.vector_load %arg5[%swap3A_759, %swap3A_760] {strides = array<i32>} : memref<1x3072xf32, #tpu.memory_space<vmem>>, vector<16xf32>,
    tpu.vector_store %arg5[%swap3A_759, %swap3A_760], %select_n3A_757 {strides = array<i32>} : memref<1x3072xf32, #tpu.memory_space<vmem>>, vector<16xf32>,
    %sub3A_762 = arith.constant 2047 : i32
    %sub3A_763 = arith.subi %sub3A_762, %mul3A_76 : i32
    %mul3A_764 = arith.constant 3072 : i32
    %mul3A_765 = arith.muli %select_n3A_72, %mul3A_764 : i32
    %sub3A_766 = arith.subi %sub3A_763, %mul3A_765 : i32
    %sub3A_767 = arith.constant 640 : i32
    %sub3A_768 = arith.subi %sub3A_766, %sub3A_767 : i32
    %sub3A_769 = vector.broadcast %sub3A_768 : i32 to vector<16xi32>
    %sub3A_770 = arith.subi %sub3A_769, %iota3A : vector<16xi32>
    %ge3A_771 = arith.constant 0 : i32
    %ge3A_772 = vector.broadcast %ge3A_771 : i32 to vector<16xi32>
    %ge3A_773 = arith.cmpi sge, %sub3A_770, %ge3A_772 : vector<16xi32>
    %select_n3A_774 = arith.select %ge3A_773, %gather3A, %gather3A_83 : vector<16xi1>, vector<16xf32>
    %swap3A_775 = arith.constant 0 : i32
    %swap3A_776 = arith.index_cast %swap3A_775 : i32 to index
    %swap3A_777 = arith.constant 640 : index
    %swap3A_778 = tpu.vector_load %arg5[%swap3A_776, %swap3A_777] {strides = array<i32>} : memref<1x3072xf32, #tpu.memory_space<vmem>>, vector<16xf32>,
    tpu.vector_store %arg5[%swap3A_776, %swap3A_777], %select_n3A_774 {strides = array<i32>} : memref<1x3072xf32, #tpu.memory_space<vmem>>, vector<16xf32>,
    %sub3A_779 = arith.constant 2047 : i32
    %sub3A_780 = arith.subi %sub3A_779, %mul3A_76 : i32
    %mul3A_781 = arith.constant 3072 : i32
    %mul3A_782 = arith.muli %select_n3A_72, %mul3A_781 : i32
    %sub3A_783 = arith.subi %sub3A_780, %mul3A_782 : i32
    %sub3A_784 = arith.constant 656 : i32
    %sub3A_785 = arith.subi %sub3A_783, %sub3A_784 : i32
    %sub3A_786 = vector.broadcast %sub3A_785 : i32 to vector<16xi32>
    %sub3A_787 = arith.subi %sub3A_786, %iota3A : vector<16xi32>
    %ge3A_788 = arith.constant 0 : i32
    %ge3A_789 = vector.broadcast %ge3A_788 : i32 to vector<16xi32>
    %ge3A_790 = arith.cmpi sge, %sub3A_787, %ge3A_789 : vector<16xi32>
    %select_n3A_791 = arith.select %ge3A_790, %gather3A, %gather3A_83 : vector<16xi1>, vector<16xf32>
    %swap3A_792 = arith.constant 0 : i32
    %swap3A_793 = arith.index_cast %swap3A_792 : i32 to index
    %swap3A_794 = arith.constant 656 : index
    %swap3A_795 = tpu.vector_load %arg5[%swap3A_793, %swap3A_794] {strides = array<i32>} : memref<1x3072xf32, #tpu.memory_space<vmem>>, vector<16xf32>,
    tpu.vector_store %arg5[%swap3A_793, %swap3A_794], %select_n3A_791 {strides = array<i32>} : memref<1x3072xf32, #tpu.memory_space<vmem>>, vector<16xf32>,
    %sub3A_796 = arith.constant 2047 : i32
    %sub3A_797 = arith.subi %sub3A_796, %mul3A_76 : i32
    %mul3A_798 = arith.constant 3072 : i32
    %mul3A_799 = arith.muli %select_n3A_72, %mul3A_798 : i32
    %sub3A_800 = arith.subi %sub3A_797, %mul3A_799 : i32
    %sub3A_801 = arith.constant 672 : i32
    %sub3A_802 = arith.subi %sub3A_800, %sub3A_801 : i32
    %sub3A_803 = vector.broadcast %sub3A_802 : i32 to vector<16xi32>
    %sub3A_804 = arith.subi %sub3A_803, %iota3A : vector<16xi32>
    %ge3A_805 = arith.constant 0 : i32
    %ge3A_806 = vector.broadcast %ge3A_805 : i32 to vector<16xi32>
    %ge3A_807 = arith.cmpi sge, %sub3A_804, %ge3A_806 : vector<16xi32>
    %select_n3A_808 = arith.select %ge3A_807, %gather3A, %gather3A_83 : vector<16xi1>, vector<16xf32>
    %swap3A_809 = arith.constant 0 : i32
    %swap3A_810 = arith.index_cast %swap3A_809 : i32 to index
    %swap3A_811 = arith.constant 672 : index
    %swap3A_812 = tpu.vector_load %arg5[%swap3A_810, %swap3A_811] {strides = array<i32>} : memref<1x3072xf32, #tpu.memory_space<vmem>>, vector<16xf32>,
    tpu.vector_store %arg5[%swap3A_810, %swap3A_811], %select_n3A_808 {strides = array<i32>} : memref<1x3072xf32, #tpu.memory_space<vmem>>, vector<16xf32>,
    %sub3A_813 = arith.constant 2047 : i32
    %sub3A_814 = arith.subi %sub3A_813, %mul3A_76 : i32
    %mul3A_815 = arith.constant 3072 : i32
    %mul3A_816 = arith.muli %select_n3A_72, %mul3A_815 : i32
    %sub3A_817 = arith.subi %sub3A_814, %mul3A_816 : i32
    %sub3A_818 = arith.constant 688 : i32
    %sub3A_819 = arith.subi %sub3A_817, %sub3A_818 : i32
    %sub3A_820 = vector.broadcast %sub3A_819 : i32 to vector<16xi32>
    %sub3A_821 = arith.subi %sub3A_820, %iota3A : vector<16xi32>
    %ge3A_822 = arith.constant 0 : i32
    %ge3A_823 = vector.broadcast %ge3A_822 : i32 to vector<16xi32>
    %ge3A_824 = arith.cmpi sge, %sub3A_821, %ge3A_823 : vector<16xi32>
    %select_n3A_825 = arith.select %ge3A_824, %gather3A, %gather3A_83 : vector<16xi1>, vector<16xf32>
    %swap3A_826 = arith.constant 0 : i32
    %swap3A_827 = arith.index_cast %swap3A_826 : i32 to index
    %swap3A_828 = arith.constant 688 : index
    %swap3A_829 = tpu.vector_load %arg5[%swap3A_827, %swap3A_828] {strides = array<i32>} : memref<1x3072xf32, #tpu.memory_space<vmem>>, vector<16xf32>,
    tpu.vector_store %arg5[%swap3A_827, %swap3A_828], %select_n3A_825 {strides = array<i32>} : memref<1x3072xf32, #tpu.memory_space<vmem>>, vector<16xf32>,
    %sub3A_830 = arith.constant 2047 : i32
    %sub3A_831 = arith.subi %sub3A_830, %mul3A_76 : i32
    %mul3A_832 = arith.constant 3072 : i32
    %mul3A_833 = arith.muli %select_n3A_72, %mul3A_832 : i32
    %sub3A_834 = arith.subi %sub3A_831, %mul3A_833 : i32
    %sub3A_835 = arith.constant 704 : i32
    %sub3A_836 = arith.subi %sub3A_834, %sub3A_835 : i32
    %sub3A_837 = vector.broadcast %sub3A_836 : i32 to vector<16xi32>
    %sub3A_838 = arith.subi %sub3A_837, %iota3A : vector<16xi32>
    %ge3A_839 = arith.constant 0 : i32
    %ge3A_840 = vector.broadcast %ge3A_839 : i32 to vector<16xi32>
    %ge3A_841 = arith.cmpi sge, %sub3A_838, %ge3A_840 : vector<16xi32>
    %select_n3A_842 = arith.select %ge3A_841, %gather3A, %gather3A_83 : vector<16xi1>, vector<16xf32>
    %swap3A_843 = arith.constant 0 : i32
    %swap3A_844 = arith.index_cast %swap3A_843 : i32 to index
    %swap3A_845 = arith.constant 704 : index
    %swap3A_846 = tpu.vector_load %arg5[%swap3A_844, %swap3A_845] {strides = array<i32>} : memref<1x3072xf32, #tpu.memory_space<vmem>>, vector<16xf32>,
    tpu.vector_store %arg5[%swap3A_844, %swap3A_845], %select_n3A_842 {strides = array<i32>} : memref<1x3072xf32, #tpu.memory_space<vmem>>, vector<16xf32>,
    %sub3A_847 = arith.constant 2047 : i32
    %sub3A_848 = arith.subi %sub3A_847, %mul3A_76 : i32
    %mul3A_849 = arith.constant 3072 : i32
    %mul3A_850 = arith.muli %select_n3A_72, %mul3A_849 : i32
    %sub3A_851 = arith.subi %sub3A_848, %mul3A_850 : i32
    %sub3A_852 = arith.constant 720 : i32
    %sub3A_853 = arith.subi %sub3A_851, %sub3A_852 : i32
    %sub3A_854 = vector.broadcast %sub3A_853 : i32 to vector<16xi32>
    %sub3A_855 = arith.subi %sub3A_854, %iota3A : vector<16xi32>
    %ge3A_856 = arith.constant 0 : i32
    %ge3A_857 = vector.broadcast %ge3A_856 : i32 to vector<16xi32>
    %ge3A_858 = arith.cmpi sge, %sub3A_855, %ge3A_857 : vector<16xi32>
    %select_n3A_859 = arith.select %ge3A_858, %gather3A, %gather3A_83 : vector<16xi1>, vector<16xf32>
    %swap3A_860 = arith.constant 0 : i32
    %swap3A_861 = arith.index_cast %swap3A_860 : i32 to index
    %swap3A_862 = arith.constant 720 : index
    %swap3A_863 = tpu.vector_load %arg5[%swap3A_861, %swap3A_862] {strides = array<i32>} : memref<1x3072xf32, #tpu.memory_space<vmem>>, vector<16xf32>,
    tpu.vector_store %arg5[%swap3A_861, %swap3A_862], %select_n3A_859 {strides = array<i32>} : memref<1x3072xf32, #tpu.memory_space<vmem>>, vector<16xf32>,
    %sub3A_864 = arith.constant 2047 : i32
    %sub3A_865 = arith.subi %sub3A_864, %mul3A_76 : i32
    %mul3A_866 = arith.constant 3072 : i32
    %mul3A_867 = arith.muli %select_n3A_72, %mul3A_866 : i32
    %sub3A_868 = arith.subi %sub3A_865, %mul3A_867 : i32
    %sub3A_869 = arith.constant 736 : i32
    %sub3A_870 = arith.subi %sub3A_868, %sub3A_869 : i32
    %sub3A_871 = vector.broadcast %sub3A_870 : i32 to vector<16xi32>
    %sub3A_872 = arith.subi %sub3A_871, %iota3A : vector<16xi32>
    %ge3A_873 = arith.constant 0 : i32
    %ge3A_874 = vector.broadcast %ge3A_873 : i32 to vector<16xi32>
    %ge3A_875 = arith.cmpi sge, %sub3A_872, %ge3A_874 : vector<16xi32>
    %select_n3A_876 = arith.select %ge3A_875, %gather3A, %gather3A_83 : vector<16xi1>, vector<16xf32>
    %swap3A_877 = arith.constant 0 : i32
    %swap3A_878 = arith.index_cast %swap3A_877 : i32 to index
    %swap3A_879 = arith.constant 736 : index
    %swap3A_880 = tpu.vector_load %arg5[%swap3A_878, %swap3A_879] {strides = array<i32>} : memref<1x3072xf32, #tpu.memory_space<vmem>>, vector<16xf32>,
    tpu.vector_store %arg5[%swap3A_878, %swap3A_879], %select_n3A_876 {strides = array<i32>} : memref<1x3072xf32, #tpu.memory_space<vmem>>, vector<16xf32>,
    %sub3A_881 = arith.constant 2047 : i32
    %sub3A_882 = arith.subi %sub3A_881, %mul3A_76 : i32
    %mul3A_883 = arith.constant 3072 : i32
    %mul3A_884 = arith.muli %select_n3A_72, %mul3A_883 : i32
    %sub3A_885 = arith.subi %sub3A_882, %mul3A_884 : i32
    %sub3A_886 = arith.constant 752 : i32
    %sub3A_887 = arith.subi %sub3A_885, %sub3A_886 : i32
    %sub3A_888 = vector.broadcast %sub3A_887 : i32 to vector<16xi32>
    %sub3A_889 = arith.subi %sub3A_888, %iota3A : vector<16xi32>
    %ge3A_890 = arith.constant 0 : i32
    %ge3A_891 = vector.broadcast %ge3A_890 : i32 to vector<16xi32>
    %ge3A_892 = arith.cmpi sge, %sub3A_889, %ge3A_891 : vector<16xi32>
    %select_n3A_893 = arith.select %ge3A_892, %gather3A, %gather3A_83 : vector<16xi1>, vector<16xf32>
    %swap3A_894 = arith.constant 0 : i32
    %swap3A_895 = arith.index_cast %swap3A_894 : i32 to index
    %swap3A_896 = arith.constant 752 : index
    %swap3A_897 = tpu.vector_load %arg5[%swap3A_895, %swap3A_896] {strides = array<i32>} : memref<1x3072xf32, #tpu.memory_space<vmem>>, vector<16xf32>,
    tpu.vector_store %arg5[%swap3A_895, %swap3A_896], %select_n3A_893 {strides = array<i32>} : memref<1x3072xf32, #tpu.memory_space<vmem>>, vector<16xf32>,
    %sub3A_898 = arith.constant 2047 : i32
    %sub3A_899 = arith.subi %sub3A_898, %mul3A_76 : i32
    %mul3A_900 = arith.constant 3072 : i32
    %mul3A_901 = arith.muli %select_n3A_72, %mul3A_900 : i32
    %sub3A_902 = arith.subi %sub3A_899, %mul3A_901 : i32
    %sub3A_903 = arith.constant 768 : i32
    %sub3A_904 = arith.subi %sub3A_902, %sub3A_903 : i32
    %sub3A_905 = vector.broadcast %sub3A_904 : i32 to vector<16xi32>
    %sub3A_906 = arith.subi %sub3A_905, %iota3A : vector<16xi32>
    %ge3A_907 = arith.constant 0 : i32
    %ge3A_908 = vector.broadcast %ge3A_907 : i32 to vector<16xi32>
    %ge3A_909 = arith.cmpi sge, %sub3A_906, %ge3A_908 : vector<16xi32>
    %select_n3A_910 = arith.select %ge3A_909, %gather3A, %gather3A_83 : vector<16xi1>, vector<16xf32>
    %swap3A_911 = arith.constant 0 : i32
    %swap3A_912 = arith.index_cast %swap3A_911 : i32 to index
    %swap3A_913 = arith.constant 768 : index
    %swap3A_914 = tpu.vector_load %arg5[%swap3A_912, %swap3A_913] {strides = array<i32>} : memref<1x3072xf32, #tpu.memory_space<vmem>>, vector<16xf32>,
    tpu.vector_store %arg5[%swap3A_912, %swap3A_913], %select_n3A_910 {strides = array<i32>} : memref<1x3072xf32, #tpu.memory_space<vmem>>, vector<16xf32>,
    %sub3A_915 = arith.constant 2047 : i32
    %sub3A_916 = arith.subi %sub3A_915, %mul3A_76 : i32
    %mul3A_917 = arith.constant 3072 : i32
    %mul3A_918 = arith.muli %select_n3A_72, %mul3A_917 : i32
    %sub3A_919 = arith.subi %sub3A_916, %mul3A_918 : i32
    %sub3A_920 = arith.constant 784 : i32
    %sub3A_921 = arith.subi %sub3A_919, %sub3A_920 : i32
    %sub3A_922 = vector.broadcast %sub3A_921 : i32 to vector<16xi32>
    %sub3A_923 = arith.subi %sub3A_922, %iota3A : vector<16xi32>
    %ge3A_924 = arith.constant 0 : i32
    %ge3A_925 = vector.broadcast %ge3A_924 : i32 to vector<16xi32>
    %ge3A_926 = arith.cmpi sge, %sub3A_923, %ge3A_925 : vector<16xi32>
    %select_n3A_927 = arith.select %ge3A_926, %gather3A, %gather3A_83 : vector<16xi1>, vector<16xf32>
    %swap3A_928 = arith.constant 0 : i32
    %swap3A_929 = arith.index_cast %swap3A_928 : i32 to index
    %swap3A_930 = arith.constant 784 : index
    %swap3A_931 = tpu.vector_load %arg5[%swap3A_929, %swap3A_930] {strides = array<i32>} : memref<1x3072xf32, #tpu.memory_space<vmem>>, vector<16xf32>,
    tpu.vector_store %arg5[%swap3A_929, %swap3A_930], %select_n3A_927 {strides = array<i32>} : memref<1x3072xf32, #tpu.memory_space<vmem>>, vector<16xf32>,
    %sub3A_932 = arith.constant 2047 : i32
    %sub3A_933 = arith.subi %sub3A_932, %mul3A_76 : i32
    %mul3A_934 = arith.constant 3072 : i32
    %mul3A_935 = arith.muli %select_n3A_72, %mul3A_934 : i32
    %sub3A_936 = arith.subi %sub3A_933, %mul3A_935 : i32
    %sub3A_937 = arith.constant 800 : i32
    %sub3A_938 = arith.subi %sub3A_936, %sub3A_937 : i32
    %sub3A_939 = vector.broadcast %sub3A_938 : i32 to vector<16xi32>
    %sub3A_940 = arith.subi %sub3A_939, %iota3A : vector<16xi32>
    %ge3A_941 = arith.constant 0 : i32
    %ge3A_942 = vector.broadcast %ge3A_941 : i32 to vector<16xi32>
    %ge3A_943 = arith.cmpi sge, %sub3A_940, %ge3A_942 : vector<16xi32>
    %select_n3A_944 = arith.select %ge3A_943, %gather3A, %gather3A_83 : vector<16xi1>, vector<16xf32>
    %swap3A_945 = arith.constant 0 : i32
    %swap3A_946 = arith.index_cast %swap3A_945 : i32 to index
    %swap3A_947 = arith.constant 800 : index
    %swap3A_948 = tpu.vector_load %arg5[%swap3A_946, %swap3A_947] {strides = array<i32>} : memref<1x3072xf32, #tpu.memory_space<vmem>>, vector<16xf32>,
    tpu.vector_store %arg5[%swap3A_946, %swap3A_947], %select_n3A_944 {strides = array<i32>} : memref<1x3072xf32, #tpu.memory_space<vmem>>, vector<16xf32>,
    %sub3A_949 = arith.constant 2047 : i32
    %sub3A_950 = arith.subi %sub3A_949, %mul3A_76 : i32
    %mul3A_951 = arith.constant 3072 : i32
    %mul3A_952 = arith.muli %select_n3A_72, %mul3A_951 : i32
    %sub3A_953 = arith.subi %sub3A_950, %mul3A_952 : i32
    %sub3A_954 = arith.constant 816 : i32
    %sub3A_955 = arith.subi %sub3A_953, %sub3A_954 : i32
    %sub3A_956 = vector.broadcast %sub3A_955 : i32 to vector<16xi32>
    %sub3A_957 = arith.subi %sub3A_956, %iota3A : vector<16xi32>
    %ge3A_958 = arith.constant 0 : i32
    %ge3A_959 = vector.broadcast %ge3A_958 : i32 to vector<16xi32>
    %ge3A_960 = arith.cmpi sge, %sub3A_957, %ge3A_959 : vector<16xi32>
    %select_n3A_961 = arith.select %ge3A_960, %gather3A, %gather3A_83 : vector<16xi1>, vector<16xf32>
    %swap3A_962 = arith.constant 0 : i32
    %swap3A_963 = arith.index_cast %swap3A_962 : i32 to index
    %swap3A_964 = arith.constant 816 : index
    %swap3A_965 = tpu.vector_load %arg5[%swap3A_963, %swap3A_964] {strides = array<i32>} : memref<1x3072xf32, #tpu.memory_space<vmem>>, vector<16xf32>,
    tpu.vector_store %arg5[%swap3A_963, %swap3A_964], %select_n3A_961 {strides = array<i32>} : memref<1x3072xf32, #tpu.memory_space<vmem>>, vector<16xf32>,
    %sub3A_966 = arith.constant 2047 : i32
    %sub3A_967 = arith.subi %sub3A_966, %mul3A_76 : i32
    %mul3A_968 = arith.constant 3072 : i32
    %mul3A_969 = arith.muli %select_n3A_72, %mul3A_968 : i32
    %sub3A_970 = arith.subi %sub3A_967, %mul3A_969 : i32
    %sub3A_971 = arith.constant 832 : i32
    %sub3A_972 = arith.subi %sub3A_970, %sub3A_971 : i32
    %sub3A_973 = vector.broadcast %sub3A_972 : i32 to vector<16xi32>
    %sub3A_974 = arith.subi %sub3A_973, %iota3A : vector<16xi32>
    %ge3A_975 = arith.constant 0 : i32
    %ge3A_976 = vector.broadcast %ge3A_975 : i32 to vector<16xi32>
    %ge3A_977 = arith.cmpi sge, %sub3A_974, %ge3A_976 : vector<16xi32>
    %select_n3A_978 = arith.select %ge3A_977, %gather3A, %gather3A_83 : vector<16xi1>, vector<16xf32>
    %swap3A_979 = arith.constant 0 : i32
    %swap3A_980 = arith.index_cast %swap3A_979 : i32 to index
    %swap3A_981 = arith.constant 832 : index
    %swap3A_982 = tpu.vector_load %arg5[%swap3A_980, %swap3A_981] {strides = array<i32>} : memref<1x3072xf32, #tpu.memory_space<vmem>>, vector<16xf32>,
    tpu.vector_store %arg5[%swap3A_980, %swap3A_981], %select_n3A_978 {strides = array<i32>} : memref<1x3072xf32, #tpu.memory_space<vmem>>, vector<16xf32>,
    %sub3A_983 = arith.constant 2047 : i32
    %sub3A_984 = arith.subi %sub3A_983, %mul3A_76 : i32
    %mul3A_985 = arith.constant 3072 : i32
    %mul3A_986 = arith.muli %select_n3A_72, %mul3A_985 : i32
    %sub3A_987 = arith.subi %sub3A_984, %mul3A_986 : i32
    %sub3A_988 = arith.constant 848 : i32
    %sub3A_989 = arith.subi %sub3A_987, %sub3A_988 : i32
    %sub3A_990 = vector.broadcast %sub3A_989 : i32 to vector<16xi32>
    %sub3A_991 = arith.subi %sub3A_990, %iota3A : vector<16xi32>
    %ge3A_992 = arith.constant 0 : i32
    %ge3A_993 = vector.broadcast %ge3A_992 : i32 to vector<16xi32>
    %ge3A_994 = arith.cmpi sge, %sub3A_991, %ge3A_993 : vector<16xi32>
    %select_n3A_995 = arith.select %ge3A_994, %gather3A, %gather3A_83 : vector<16xi1>, vector<16xf32>
    %swap3A_996 = arith.constant 0 : i32
    %swap3A_997 = arith.index_cast %swap3A_996 : i32 to index
    %swap3A_998 = arith.constant 848 : index
    %swap3A_999 = tpu.vector_load %arg5[%swap3A_997, %swap3A_998] {strides = array<i32>} : memref<1x3072xf32, #tpu.memory_space<vmem>>, vector<16xf32>,
    tpu.vector_store %arg5[%swap3A_997, %swap3A_998], %select_n3A_995 {strides = array<i32>} : memref<1x3072xf32, #tpu.memory_space<vmem>>, vector<16xf32>,
    %sub3A_1000 = arith.constant 2047 : i32
    %sub3A_1001 = arith.subi %sub3A_1000, %mul3A_76 : i32
    %mul3A_1002 = arith.constant 3072 : i32
    %mul3A_1003 = arith.muli %select_n3A_72, %mul3A_1002 : i32
    %sub3A_1004 = arith.subi %sub3A_1001, %mul3A_1003 : i32
    %sub3A_1005 = arith.constant 864 : i32
    %sub3A_1006 = arith.subi %sub3A_1004, %sub3A_1005 : i32
    %sub3A_1007 = vector.broadcast %sub3A_1006 : i32 to vector<16xi32>
    %sub3A_1008 = arith.subi %sub3A_1007, %iota3A : vector<16xi32>
    %ge3A_1009 = arith.constant 0 : i32
    %ge3A_1010 = vector.broadcast %ge3A_1009 : i32 to vector<16xi32>
    %ge3A_1011 = arith.cmpi sge, %sub3A_1008, %ge3A_1010 : vector<16xi32>
    %select_n3A_1012 = arith.select %ge3A_1011, %gather3A, %gather3A_83 : vector<16xi1>, vector<16xf32>
    %swap3A_1013 = arith.constant 0 : i32
    %swap3A_1014 = arith.index_cast %swap3A_1013 : i32 to index
    %swap3A_1015 = arith.constant 864 : index
    %swap3A_1016 = tpu.vector_load %arg5[%swap3A_1014, %swap3A_1015] {strides = array<i32>} : memref<1x3072xf32, #tpu.memory_space<vmem>>, vector<16xf32>,
    tpu.vector_store %arg5[%swap3A_1014, %swap3A_1015], %select_n3A_1012 {strides = array<i32>} : memref<1x3072xf32, #tpu.memory_space<vmem>>, vector<16xf32>,
    %sub3A_1017 = arith.constant 2047 : i32
    %sub3A_1018 = arith.subi %sub3A_1017, %mul3A_76 : i32
    %mul3A_1019 = arith.constant 3072 : i32
    %mul3A_1020 = arith.muli %select_n3A_72, %mul3A_1019 : i32
    %sub3A_1021 = arith.subi %sub3A_1018, %mul3A_1020 : i32
    %sub3A_1022 = arith.constant 880 : i32
    %sub3A_1023 = arith.subi %sub3A_1021, %sub3A_1022 : i32
    %sub3A_1024 = vector.broadcast %sub3A_1023 : i32 to vector<16xi32>
    %sub3A_1025 = arith.subi %sub3A_1024, %iota3A : vector<16xi32>
    %ge3A_1026 = arith.constant 0 : i32
    %ge3A_1027 = vector.broadcast %ge3A_1026 : i32 to vector<16xi32>
    %ge3A_1028 = arith.cmpi sge, %sub3A_1025, %ge3A_1027 : vector<16xi32>
    %select_n3A_1029 = arith.select %ge3A_1028, %gather3A, %gather3A_83 : vector<16xi1>, vector<16xf32>
    %swap3A_1030 = arith.constant 0 : i32
    %swap3A_1031 = arith.index_cast %swap3A_1030 : i32 to index
    %swap3A_1032 = arith.constant 880 : index
    %swap3A_1033 = tpu.vector_load %arg5[%swap3A_1031, %swap3A_1032] {strides = array<i32>} : memref<1x3072xf32, #tpu.memory_space<vmem>>, vector<16xf32>,
    tpu.vector_store %arg5[%swap3A_1031, %swap3A_1032], %select_n3A_1029 {strides = array<i32>} : memref<1x3072xf32, #tpu.memory_space<vmem>>, vector<16xf32>,
    %sub3A_1034 = arith.constant 2047 : i32
    %sub3A_1035 = arith.subi %sub3A_1034, %mul3A_76 : i32
    %mul3A_1036 = arith.constant 3072 : i32
    %mul3A_1037 = arith.muli %select_n3A_72, %mul3A_1036 : i32
    %sub3A_1038 = arith.subi %sub3A_1035, %mul3A_1037 : i32
    %sub3A_1039 = arith.constant 896 : i32
    %sub3A_1040 = arith.subi %sub3A_1038, %sub3A_1039 : i32
    %sub3A_1041 = vector.broadcast %sub3A_1040 : i32 to vector<16xi32>
    %sub3A_1042 = arith.subi %sub3A_1041, %iota3A : vector<16xi32>
    %ge3A_1043 = arith.constant 0 : i32
    %ge3A_1044 = vector.broadcast %ge3A_1043 : i32 to vector<16xi32>
    %ge3A_1045 = arith.cmpi sge, %sub3A_1042, %ge3A_1044 : vector<16xi32>
    %select_n3A_1046 = arith.select %ge3A_1045, %gather3A, %gather3A_83 : vector<16xi1>, vector<16xf32>
    %swap3A_1047 = arith.constant 0 : i32
    %swap3A_1048 = arith.index_cast %swap3A_1047 : i32 to index
    %swap3A_1049 = arith.constant 896 : index
    %swap3A_1050 = tpu.vector_load %arg5[%swap3A_1048, %swap3A_1049] {strides = array<i32>} : memref<1x3072xf32, #tpu.memory_space<vmem>>, vector<16xf32>,
    tpu.vector_store %arg5[%swap3A_1048, %swap3A_1049], %select_n3A_1046 {strides = array<i32>} : memref<1x3072xf32, #tpu.memory_space<vmem>>, vector<16xf32>,
    %sub3A_1051 = arith.constant 2047 : i32
    %sub3A_1052 = arith.subi %sub3A_1051, %mul3A_76 : i32
    %mul3A_1053 = arith.constant 3072 : i32
    %mul3A_1054 = arith.muli %select_n3A_72, %mul3A_1053 : i32
    %sub3A_1055 = arith.subi %sub3A_1052, %mul3A_1054 : i32
    %sub3A_1056 = arith.constant 912 : i32
    %sub3A_1057 = arith.subi %sub3A_1055, %sub3A_1056 : i32
    %sub3A_1058 = vector.broadcast %sub3A_1057 : i32 to vector<16xi32>
    %sub3A_1059 = arith.subi %sub3A_1058, %iota3A : vector<16xi32>
    %ge3A_1060 = arith.constant 0 : i32
    %ge3A_1061 = vector.broadcast %ge3A_1060 : i32 to vector<16xi32>
    %ge3A_1062 = arith.cmpi sge, %sub3A_1059, %ge3A_1061 : vector<16xi32>
    %select_n3A_1063 = arith.select %ge3A_1062, %gather3A, %gather3A_83 : vector<16xi1>, vector<16xf32>
    %swap3A_1064 = arith.constant 0 : i32
    %swap3A_1065 = arith.index_cast %swap3A_1064 : i32 to index
    %swap3A_1066 = arith.constant 912 : index
    %swap3A_1067 = tpu.vector_load %arg5[%swap3A_1065, %swap3A_1066] {strides = array<i32>} : memref<1x3072xf32, #tpu.memory_space<vmem>>, vector<16xf32>,
    tpu.vector_store %arg5[%swap3A_1065, %swap3A_1066], %select_n3A_1063 {strides = array<i32>} : memref<1x3072xf32, #tpu.memory_space<vmem>>, vector<16xf32>,
    %sub3A_1068 = arith.constant 2047 : i32
    %sub3A_1069 = arith.subi %sub3A_1068, %mul3A_76 : i32
    %mul3A_1070 = arith.constant 3072 : i32
    %mul3A_1071 = arith.muli %select_n3A_72, %mul3A_1070 : i32
    %sub3A_1072 = arith.subi %sub3A_1069, %mul3A_1071 : i32
    %sub3A_1073 = arith.constant 928 : i32
    %sub3A_1074 = arith.subi %sub3A_1072, %sub3A_1073 : i32
    %sub3A_1075 = vector.broadcast %sub3A_1074 : i32 to vector<16xi32>
    %sub3A_1076 = arith.subi %sub3A_1075, %iota3A : vector<16xi32>
    %lt3A_1077 = arith.constant 0 : i32
    %lt3A_1078 = vector.broadcast %lt3A_1077 : i32 to vector<16xi32>
    %lt3A_1079 = arith.cmpi slt, %sub3A_1076, %lt3A_1078 : vector<16xi32>
    %jit3A_1080 = arith.constant 16 : i32
    %jit3A_1081 = arith.constant 0 : i32
    %broadcast_in_dim3A_1082 = vector.broadcast %jit3A_1080 : i32 to vector<16xi32>
    %broadcast_in_dim3A_1083 = vector.broadcast %jit3A_1081 : i32 to vector<16xi32>
    %select_n3A_1084 = arith.select %lt3A_1079, %broadcast_in_dim3A_1082, %broadcast_in_dim3A_1083 : vector<16xi1>, vector<16xi32>
    %abs3A = math.absi %sub3A_1076 : vector<16xi32>
    %broadcast_in_dim3A_1085 = arith.constant 8 : i32
    %broadcast_in_dim3A_1086 = vector.broadcast %broadcast_in_dim3A_1085 : i32 to vector<16xi32>
    %ge3A_1087 = arith.constant 12 : i32
    %ge3A_1088 = vector.broadcast %ge3A_1087 : i32 to vector<16xi32>
    %ge3A_1089 = arith.cmpi sge, %abs3A, %ge3A_1088 : vector<16xi32>
    %convert_element_type3A = arith.extui %ge3A_1089 : vector<16xi1> to vector<16xi32>
    %add3A_1090 = arith.addi %broadcast_in_dim3A_1086, %convert_element_type3A : vector<16xi32>
    %ge3A_1091 = arith.constant 16 : i32
    %ge3A_1092 = vector.broadcast %ge3A_1091 : i32 to vector<16xi32>
    %ge3A_1093 = arith.cmpi sge, %abs3A, %ge3A_1092 : vector<16xi32>
    %convert_element_type3A_1094 = arith.extui %ge3A_1093 : vector<16xi1> to vector<16xi32>
    %add3A_1095 = arith.addi %add3A_1090, %convert_element_type3A_1094 : vector<16xi32>
    %ge3A_1096 = arith.constant 23 : i32
    %ge3A_1097 = vector.broadcast %ge3A_1096 : i32 to vector<16xi32>
    %ge3A_1098 = arith.cmpi sge, %abs3A, %ge3A_1097 : vector<16xi32>
    %convert_element_type3A_1099 = arith.extui %ge3A_1098 : vector<16xi1> to vector<16xi32>
    %add3A_1100 = arith.addi %add3A_1095, %convert_element_type3A_1099 : vector<16xi32>
    %ge3A_1101 = arith.constant 32 : i32
    %ge3A_1102 = vector.broadcast %ge3A_1101 : i32 to vector<16xi32>
    %ge3A_1103 = arith.cmpi sge, %abs3A, %ge3A_1102 : vector<16xi32>
    %convert_element_type3A_1104 = arith.extui %ge3A_1103 : vector<16xi1> to vector<16xi32>
    %add3A_1105 = arith.addi %add3A_1100, %convert_element_type3A_1104 : vector<16xi32>
    %ge3A_1106 = arith.constant 46 : i32
    %ge3A_1107 = vector.broadcast %ge3A_1106 : i32 to vector<16xi32>
    %ge3A_1108 = arith.cmpi sge, %abs3A, %ge3A_1107 : vector<16xi32>
    %convert_element_type3A_1109 = arith.extui %ge3A_1108 : vector<16xi1> to vector<16xi32>
    %add3A_1110 = arith.addi %add3A_1105, %convert_element_type3A_1109 : vector<16xi32>
    %ge3A_1111 = arith.constant 64 : i32
    %ge3A_1112 = vector.broadcast %ge3A_1111 : i32 to vector<16xi32>
    %ge3A_1113 = arith.cmpi sge, %abs3A, %ge3A_1112 : vector<16xi32>
    %convert_element_type3A_1114 = arith.extui %ge3A_1113 : vector<16xi1> to vector<16xi32>
    %add3A_1115 = arith.addi %add3A_1110, %convert_element_type3A_1114 : vector<16xi32>
    %ge3A_1116 = arith.constant 91 : i32
    %ge3A_1117 = vector.broadcast %ge3A_1116 : i32 to vector<16xi32>
    %ge3A_1118 = arith.cmpi sge, %abs3A, %ge3A_1117 : vector<16xi32>
    %convert_element_type3A_1119 = arith.extui %ge3A_1118 : vector<16xi1> to vector<16xi32>
    %add3A_1120 = arith.addi %add3A_1115, %convert_element_type3A_1119 : vector<16xi32>
    %lt3A_1121 = arith.constant 8 : i32
    %lt3A_1122 = vector.broadcast %lt3A_1121 : i32 to vector<16xi32>
    %lt3A_1123 = arith.cmpi slt, %abs3A, %lt3A_1122 : vector<16xi32>
    %select_n3A_1124 = arith.select %lt3A_1123, %abs3A, %add3A_1120 : vector<16xi1>, vector<16xi32>
    %add3A_1125 = arith.addi %select_n3A_1084, %select_n3A_1124 : vector<16xi32>
    %gather3A_1126 = tpu.vector_load_idx %arg4[%add3A_1125, %broadcast_in_dim3A] : memref<32x16xf32, #tpu.memory_space<vmem>>[vector<16xi32>, vector<16xi32>], vector<16xf32>,
    %swap3A_1127 = arith.constant 0 : i32
    %swap3A_1128 = arith.index_cast %swap3A_1127 : i32 to index
    %swap3A_1129 = arith.constant 928 : index
    %swap3A_1130 = tpu.vector_load %arg5[%swap3A_1128, %swap3A_1129] {strides = array<i32>} : memref<1x3072xf32, #tpu.memory_space<vmem>>, vector<16xf32>,
    tpu.vector_store %arg5[%swap3A_1128, %swap3A_1129], %gather3A_1126 {strides = array<i32>} : memref<1x3072xf32, #tpu.memory_space<vmem>>, vector<16xf32>,
    %sub3A_1131 = arith.constant 2047 : i32
    %sub3A_1132 = arith.subi %sub3A_1131, %mul3A_76 : i32
    %mul3A_1133 = arith.constant 3072 : i32
    %mul3A_1134 = arith.muli %select_n3A_72, %mul3A_1133 : i32
    %sub3A_1135 = arith.subi %sub3A_1132, %mul3A_1134 : i32
    %sub3A_1136 = arith.constant 944 : i32
    %sub3A_1137 = arith.subi %sub3A_1135, %sub3A_1136 : i32
    %sub3A_1138 = vector.broadcast %sub3A_1137 : i32 to vector<16xi32>
    %sub3A_1139 = arith.subi %sub3A_1138, %iota3A : vector<16xi32>
    %lt3A_1140 = arith.constant 0 : i32
    %lt3A_1141 = vector.broadcast %lt3A_1140 : i32 to vector<16xi32>
    %lt3A_1142 = arith.cmpi slt, %sub3A_1139, %lt3A_1141 : vector<16xi32>
    %jit3A_1143 = arith.constant 16 : i32
    %jit3A_1144 = arith.constant 0 : i32
    %broadcast_in_dim3A_1145 = vector.broadcast %jit3A_1143 : i32 to vector<16xi32>
    %broadcast_in_dim3A_1146 = vector.broadcast %jit3A_1144 : i32 to vector<16xi32>
    %select_n3A_1147 = arith.select %lt3A_1142, %broadcast_in_dim3A_1145, %broadcast_in_dim3A_1146 : vector<16xi1>, vector<16xi32>
    %abs3A_1148 = math.absi %sub3A_1139 : vector<16xi32>
    %broadcast_in_dim3A_1149 = arith.constant 8 : i32
    %broadcast_in_dim3A_1150 = vector.broadcast %broadcast_in_dim3A_1149 : i32 to vector<16xi32>
    %ge3A_1151 = arith.constant 12 : i32
    %ge3A_1152 = vector.broadcast %ge3A_1151 : i32 to vector<16xi32>
    %ge3A_1153 = arith.cmpi sge, %abs3A_1148, %ge3A_1152 : vector<16xi32>
    %convert_element_type3A_1154 = arith.extui %ge3A_1153 : vector<16xi1> to vector<16xi32>
    %add3A_1155 = arith.addi %broadcast_in_dim3A_1150, %convert_element_type3A_1154 : vector<16xi32>
    %ge3A_1156 = arith.constant 16 : i32
    %ge3A_1157 = vector.broadcast %ge3A_1156 : i32 to vector<16xi32>
    %ge3A_1158 = arith.cmpi sge, %abs3A_1148, %ge3A_1157 : vector<16xi32>
    %convert_element_type3A_1159 = arith.extui %ge3A_1158 : vector<16xi1> to vector<16xi32>
    %add3A_1160 = arith.addi %add3A_1155, %convert_element_type3A_1159 : vector<16xi32>
    %ge3A_1161 = arith.constant 23 : i32
    %ge3A_1162 = vector.broadcast %ge3A_1161 : i32 to vector<16xi32>
    %ge3A_1163 = arith.cmpi sge, %abs3A_1148, %ge3A_1162 : vector<16xi32>
    %convert_element_type3A_1164 = arith.extui %ge3A_1163 : vector<16xi1> to vector<16xi32>
    %add3A_1165 = arith.addi %add3A_1160, %convert_element_type3A_1164 : vector<16xi32>
    %ge3A_1166 = arith.constant 32 : i32
    %ge3A_1167 = vector.broadcast %ge3A_1166 : i32 to vector<16xi32>
    %ge3A_1168 = arith.cmpi sge, %abs3A_1148, %ge3A_1167 : vector<16xi32>
    %convert_element_type3A_1169 = arith.extui %ge3A_1168 : vector<16xi1> to vector<16xi32>
    %add3A_1170 = arith.addi %add3A_1165, %convert_element_type3A_1169 : vector<16xi32>
    %ge3A_1171 = arith.constant 46 : i32
    %ge3A_1172 = vector.broadcast %ge3A_1171 : i32 to vector<16xi32>
    %ge3A_1173 = arith.cmpi sge, %abs3A_1148, %ge3A_1172 : vector<16xi32>
    %convert_element_type3A_1174 = arith.extui %ge3A_1173 : vector<16xi1> to vector<16xi32>
    %add3A_1175 = arith.addi %add3A_1170, %convert_element_type3A_1174 : vector<16xi32>
    %ge3A_1176 = arith.constant 64 : i32
    %ge3A_1177 = vector.broadcast %ge3A_1176 : i32 to vector<16xi32>
    %ge3A_1178 = arith.cmpi sge, %abs3A_1148, %ge3A_1177 : vector<16xi32>
    %convert_element_type3A_1179 = arith.extui %ge3A_1178 : vector<16xi1> to vector<16xi32>
    %add3A_1180 = arith.addi %add3A_1175, %convert_element_type3A_1179 : vector<16xi32>
    %ge3A_1181 = arith.constant 91 : i32
    %ge3A_1182 = vector.broadcast %ge3A_1181 : i32 to vector<16xi32>
    %ge3A_1183 = arith.cmpi sge, %abs3A_1148, %ge3A_1182 : vector<16xi32>
    %convert_element_type3A_1184 = arith.extui %ge3A_1183 : vector<16xi1> to vector<16xi32>
    %add3A_1185 = arith.addi %add3A_1180, %convert_element_type3A_1184 : vector<16xi32>
    %lt3A_1186 = arith.constant 8 : i32
    %lt3A_1187 = vector.broadcast %lt3A_1186 : i32 to vector<16xi32>
    %lt3A_1188 = arith.cmpi slt, %abs3A_1148, %lt3A_1187 : vector<16xi32>
    %select_n3A_1189 = arith.select %lt3A_1188, %abs3A_1148, %add3A_1185 : vector<16xi1>, vector<16xi32>
    %add3A_1190 = arith.addi %select_n3A_1147, %select_n3A_1189 : vector<16xi32>
    %gather3A_1191 = tpu.vector_load_idx %arg4[%add3A_1190, %broadcast_in_dim3A] : memref<32x16xf32, #tpu.memory_space<vmem>>[vector<16xi32>, vector<16xi32>], vector<16xf32>,
    %swap3A_1192 = arith.constant 0 : i32
    %swap3A_1193 = arith.index_cast %swap3A_1192 : i32 to index
    %swap3A_1194 = arith.constant 944 : index
    %swap3A_1195 = tpu.vector_load %arg5[%swap3A_1193, %swap3A_1194] {strides = array<i32>} : memref<1x3072xf32, #tpu.memory_space<vmem>>, vector<16xf32>,
    tpu.vector_store %arg5[%swap3A_1193, %swap3A_1194], %gather3A_1191 {strides = array<i32>} : memref<1x3072xf32, #tpu.memory_space<vmem>>, vector<16xf32>,
    %sub3A_1196 = arith.constant 2047 : i32
    %sub3A_1197 = arith.subi %sub3A_1196, %mul3A_76 : i32
    %mul3A_1198 = arith.constant 3072 : i32
    %mul3A_1199 = arith.muli %select_n3A_72, %mul3A_1198 : i32
    %sub3A_1200 = arith.subi %sub3A_1197, %mul3A_1199 : i32
    %sub3A_1201 = arith.constant 960 : i32
    %sub3A_1202 = arith.subi %sub3A_1200, %sub3A_1201 : i32
    %sub3A_1203 = vector.broadcast %sub3A_1202 : i32 to vector<16xi32>
    %sub3A_1204 = arith.subi %sub3A_1203, %iota3A : vector<16xi32>
    %lt3A_1205 = arith.constant 0 : i32
    %lt3A_1206 = vector.broadcast %lt3A_1205 : i32 to vector<16xi32>
    %lt3A_1207 = arith.cmpi slt, %sub3A_1204, %lt3A_1206 : vector<16xi32>
    %jit3A_1208 = arith.constant 16 : i32
    %jit3A_1209 = arith.constant 0 : i32
    %broadcast_in_dim3A_1210 = vector.broadcast %jit3A_1208 : i32 to vector<16xi32>
    %broadcast_in_dim3A_1211 = vector.broadcast %jit3A_1209 : i32 to vector<16xi32>
    %select_n3A_1212 = arith.select %lt3A_1207, %broadcast_in_dim3A_1210, %broadcast_in_dim3A_1211 : vector<16xi1>, vector<16xi32>
    %abs3A_1213 = math.absi %sub3A_1204 : vector<16xi32>
    %broadcast_in_dim3A_1214 = arith.constant 8 : i32
    %broadcast_in_dim3A_1215 = vector.broadcast %broadcast_in_dim3A_1214 : i32 to vector<16xi32>
    %ge3A_1216 = arith.constant 12 : i32
    %ge3A_1217 = vector.broadcast %ge3A_1216 : i32 to vector<16xi32>
    %ge3A_1218 = arith.cmpi sge, %abs3A_1213, %ge3A_1217 : vector<16xi32>
    %convert_element_type3A_1219 = arith.extui %ge3A_1218 : vector<16xi1> to vector<16xi32>
    %add3A_1220 = arith.addi %broadcast_in_dim3A_1215, %convert_element_type3A_1219 : vector<16xi32>
    %ge3A_1221 = arith.constant 16 : i32
    %ge3A_1222 = vector.broadcast %ge3A_1221 : i32 to vector<16xi32>
    %ge3A_1223 = arith.cmpi sge, %abs3A_1213, %ge3A_1222 : vector<16xi32>
    %convert_element_type3A_1224 = arith.extui %ge3A_1223 : vector<16xi1> to vector<16xi32>
    %add3A_1225 = arith.addi %add3A_1220, %convert_element_type3A_1224 : vector<16xi32>
    %ge3A_1226 = arith.constant 23 : i32
    %ge3A_1227 = vector.broadcast %ge3A_1226 : i32 to vector<16xi32>
    %ge3A_1228 = arith.cmpi sge, %abs3A_1213, %ge3A_1227 : vector<16xi32>
    %convert_element_type3A_1229 = arith.extui %ge3A_1228 : vector<16xi1> to vector<16xi32>
    %add3A_1230 = arith.addi %add3A_1225, %convert_element_type3A_1229 : vector<16xi32>
    %ge3A_1231 = arith.constant 32 : i32
    %ge3A_1232 = vector.broadcast %ge3A_1231 : i32 to vector<16xi32>
    %ge3A_1233 = arith.cmpi sge, %abs3A_1213, %ge3A_1232 : vector<16xi32>
    %convert_element_type3A_1234 = arith.extui %ge3A_1233 : vector<16xi1> to vector<16xi32>
    %add3A_1235 = arith.addi %add3A_1230, %convert_element_type3A_1234 : vector<16xi32>
    %ge3A_1236 = arith.constant 46 : i32
    %ge3A_1237 = vector.broadcast %ge3A_1236 : i32 to vector<16xi32>
    %ge3A_1238 = arith.cmpi sge, %abs3A_1213, %ge3A_1237 : vector<16xi32>
    %convert_element_type3A_1239 = arith.extui %ge3A_1238 : vector<16xi1> to vector<16xi32>
    %add3A_1240 = arith.addi %add3A_1235, %convert_element_type3A_1239 : vector<16xi32>
    %ge3A_1241 = arith.constant 64 : i32
    %ge3A_1242 = vector.broadcast %ge3A_1241 : i32 to vector<16xi32>
    %ge3A_1243 = arith.cmpi sge, %abs3A_1213, %ge3A_1242 : vector<16xi32>
    %convert_element_type3A_1244 = arith.extui %ge3A_1243 : vector<16xi1> to vector<16xi32>
    %add3A_1245 = arith.addi %add3A_1240, %convert_element_type3A_1244 : vector<16xi32>
    %ge3A_1246 = arith.constant 91 : i32
    %ge3A_1247 = vector.broadcast %ge3A_1246 : i32 to vector<16xi32>
    %ge3A_1248 = arith.cmpi sge, %abs3A_1213, %ge3A_1247 : vector<16xi32>
    %convert_element_type3A_1249 = arith.extui %ge3A_1248 : vector<16xi1> to vector<16xi32>
    %add3A_1250 = arith.addi %add3A_1245, %convert_element_type3A_1249 : vector<16xi32>
    %lt3A_1251 = arith.constant 8 : i32
    %lt3A_1252 = vector.broadcast %lt3A_1251 : i32 to vector<16xi32>
    %lt3A_1253 = arith.cmpi slt, %abs3A_1213, %lt3A_1252 : vector<16xi32>
    %select_n3A_1254 = arith.select %lt3A_1253, %abs3A_1213, %add3A_1250 : vector<16xi1>, vector<16xi32>
    %add3A_1255 = arith.addi %select_n3A_1212, %select_n3A_1254 : vector<16xi32>
    %gather3A_1256 = tpu.vector_load_idx %arg4[%add3A_1255, %broadcast_in_dim3A] : memref<32x16xf32, #tpu.memory_space<vmem>>[vector<16xi32>, vector<16xi32>], vector<16xf32>,
    %swap3A_1257 = arith.constant 0 : i32
    %swap3A_1258 = arith.index_cast %swap3A_1257 : i32 to index
    %swap3A_1259 = arith.constant 960 : index
    %swap3A_1260 = tpu.vector_load %arg5[%swap3A_1258, %swap3A_1259] {strides = array<i32>} : memref<1x3072xf32, #tpu.memory_space<vmem>>, vector<16xf32>,
    tpu.vector_store %arg5[%swap3A_1258, %swap3A_1259], %gather3A_1256 {strides = array<i32>} : memref<1x3072xf32, #tpu.memory_space<vmem>>, vector<16xf32>,
    %sub3A_1261 = arith.constant 2047 : i32
    %sub3A_1262 = arith.subi %sub3A_1261, %mul3A_76 : i32
    %mul3A_1263 = arith.constant 3072 : i32
    %mul3A_1264 = arith.muli %select_n3A_72, %mul3A_1263 : i32
    %sub3A_1265 = arith.subi %sub3A_1262, %mul3A_1264 : i32
    %sub3A_1266 = arith.constant 976 : i32
    %sub3A_1267 = arith.subi %sub3A_1265, %sub3A_1266 : i32
    %sub3A_1268 = vector.broadcast %sub3A_1267 : i32 to vector<16xi32>
    %sub3A_1269 = arith.subi %sub3A_1268, %iota3A : vector<16xi32>
    %lt3A_1270 = arith.constant 0 : i32
    %lt3A_1271 = vector.broadcast %lt3A_1270 : i32 to vector<16xi32>
    %lt3A_1272 = arith.cmpi slt, %sub3A_1269, %lt3A_1271 : vector<16xi32>
    %jit3A_1273 = arith.constant 16 : i32
    %jit3A_1274 = arith.constant 0 : i32
    %broadcast_in_dim3A_1275 = vector.broadcast %jit3A_1273 : i32 to vector<16xi32>
    %broadcast_in_dim3A_1276 = vector.broadcast %jit3A_1274 : i32 to vector<16xi32>
    %select_n3A_1277 = arith.select %lt3A_1272, %broadcast_in_dim3A_1275, %broadcast_in_dim3A_1276 : vector<16xi1>, vector<16xi32>
    %abs3A_1278 = math.absi %sub3A_1269 : vector<16xi32>
    %broadcast_in_dim3A_1279 = arith.constant 8 : i32
    %broadcast_in_dim3A_1280 = vector.broadcast %broadcast_in_dim3A_1279 : i32 to vector<16xi32>
    %ge3A_1281 = arith.constant 12 : i32
    %ge3A_1282 = vector.broadcast %ge3A_1281 : i32 to vector<16xi32>
    %ge3A_1283 = arith.cmpi sge, %abs3A_1278, %ge3A_1282 : vector<16xi32>
    %convert_element_type3A_1284 = arith.extui %ge3A_1283 : vector<16xi1> to vector<16xi32>
    %add3A_1285 = arith.addi %broadcast_in_dim3A_1280, %convert_element_type3A_1284 : vector<16xi32>
    %ge3A_1286 = arith.constant 16 : i32
    %ge3A_1287 = vector.broadcast %ge3A_1286 : i32 to vector<16xi32>
    %ge3A_1288 = arith.cmpi sge, %abs3A_1278, %ge3A_1287 : vector<16xi32>
    %convert_element_type3A_1289 = arith.extui %ge3A_1288 : vector<16xi1> to vector<16xi32>
    %add3A_1290 = arith.addi %add3A_1285, %convert_element_type3A_1289 : vector<16xi32>
    %ge3A_1291 = arith.constant 23 : i32
    %ge3A_1292 = vector.broadcast %ge3A_1291 : i32 to vector<16xi32>
    %ge3A_1293 = arith.cmpi sge, %abs3A_1278, %ge3A_1292 : vector<16xi32>
    %convert_element_type3A_1294 = arith.extui %ge3A_1293 : vector<16xi1> to vector<16xi32>
    %add3A_1295 = arith.addi %add3A_1290, %convert_element_type3A_1294 : vector<16xi32>
    %ge3A_1296 = arith.constant 32 : i32
    %ge3A_1297 = vector.broadcast %ge3A_1296 : i32 to vector<16xi32>
    %ge3A_1298 = arith.cmpi sge, %abs3A_1278, %ge3A_1297 : vector<16xi32>
    %convert_element_type3A_1299 = arith.extui %ge3A_1298 : vector<16xi1> to vector<16xi32>
    %add3A_1300 = arith.addi %add3A_1295, %convert_element_type3A_1299 : vector<16xi32>
    %ge3A_1301 = arith.constant 46 : i32
    %ge3A_1302 = vector.broadcast %ge3A_1301 : i32 to vector<16xi32>
    %ge3A_1303 = arith.cmpi sge, %abs3A_1278, %ge3A_1302 : vector<16xi32>
    %convert_element_type3A_1304 = arith.extui %ge3A_1303 : vector<16xi1> to vector<16xi32>
    %add3A_1305 = arith.addi %add3A_1300, %convert_element_type3A_1304 : vector<16xi32>
    %ge3A_1306 = arith.constant 64 : i32
    %ge3A_1307 = vector.broadcast %ge3A_1306 : i32 to vector<16xi32>
    %ge3A_1308 = arith.cmpi sge, %abs3A_1278, %ge3A_1307 : vector<16xi32>
    %convert_element_type3A_1309 = arith.extui %ge3A_1308 : vector<16xi1> to vector<16xi32>
    %add3A_1310 = arith.addi %add3A_1305, %convert_element_type3A_1309 : vector<16xi32>
    %ge3A_1311 = arith.constant 91 : i32
    %ge3A_1312 = vector.broadcast %ge3A_1311 : i32 to vector<16xi32>
    %ge3A_1313 = arith.cmpi sge, %abs3A_1278, %ge3A_1312 : vector<16xi32>
    %convert_element_type3A_1314 = arith.extui %ge3A_1313 : vector<16xi1> to vector<16xi32>
    %add3A_1315 = arith.addi %add3A_1310, %convert_element_type3A_1314 : vector<16xi32>
    %lt3A_1316 = arith.constant 8 : i32
    %lt3A_1317 = vector.broadcast %lt3A_1316 : i32 to vector<16xi32>
    %lt3A_1318 = arith.cmpi slt, %abs3A_1278, %lt3A_1317 : vector<16xi32>
    %select_n3A_1319 = arith.select %lt3A_1318, %abs3A_1278, %add3A_1315 : vector<16xi1>, vector<16xi32>
    %add3A_1320 = arith.addi %select_n3A_1277, %select_n3A_1319 : vector<16xi32>
    %gather3A_1321 = tpu.vector_load_idx %arg4[%add3A_1320, %broadcast_in_dim3A] : memref<32x16xf32, #tpu.memory_space<vmem>>[vector<16xi32>, vector<16xi32>], vector<16xf32>,
    %swap3A_1322 = arith.constant 0 : i32
    %swap3A_1323 = arith.index_cast %swap3A_1322 : i32 to index
    %swap3A_1324 = arith.constant 976 : index
    %swap3A_1325 = tpu.vector_load %arg5[%swap3A_1323, %swap3A_1324] {strides = array<i32>} : memref<1x3072xf32, #tpu.memory_space<vmem>>, vector<16xf32>,
    tpu.vector_store %arg5[%swap3A_1323, %swap3A_1324], %gather3A_1321 {strides = array<i32>} : memref<1x3072xf32, #tpu.memory_space<vmem>>, vector<16xf32>,
    %sub3A_1326 = arith.constant 2047 : i32
    %sub3A_1327 = arith.subi %sub3A_1326, %mul3A_76 : i32
    %mul3A_1328 = arith.constant 3072 : i32
    %mul3A_1329 = arith.muli %select_n3A_72, %mul3A_1328 : i32
    %sub3A_1330 = arith.subi %sub3A_1327, %mul3A_1329 : i32
    %sub3A_1331 = arith.constant 992 : i32
    %sub3A_1332 = arith.subi %sub3A_1330, %sub3A_1331 : i32
    %sub3A_1333 = vector.broadcast %sub3A_1332 : i32 to vector<16xi32>
    %sub3A_1334 = arith.subi %sub3A_1333, %iota3A : vector<16xi32>
    %lt3A_1335 = arith.constant 0 : i32
    %lt3A_1336 = vector.broadcast %lt3A_1335 : i32 to vector<16xi32>
    %lt3A_1337 = arith.cmpi slt, %sub3A_1334, %lt3A_1336 : vector<16xi32>
    %jit3A_1338 = arith.constant 16 : i32
    %jit3A_1339 = arith.constant 0 : i32
    %broadcast_in_dim3A_1340 = vector.broadcast %jit3A_1338 : i32 to vector<16xi32>
    %broadcast_in_dim3A_1341 = vector.broadcast %jit3A_1339 : i32 to vector<16xi32>
    %select_n3A_1342 = arith.select %lt3A_1337, %broadcast_in_dim3A_1340, %broadcast_in_dim3A_1341 : vector<16xi1>, vector<16xi32>
    %abs3A_1343 = math.absi %sub3A_1334 : vector<16xi32>
    %broadcast_in_dim3A_1344 = arith.constant 8 : i32
    %broadcast_in_dim3A_1345 = vector.broadcast %broadcast_in_dim3A_1344 : i32 to vector<16xi32>
    %ge3A_1346 = arith.constant 12 : i32
    %ge3A_1347 = vector.broadcast %ge3A_1346 : i32 to vector<16xi32>
    %ge3A_1348 = arith.cmpi sge, %abs3A_1343, %ge3A_1347 : vector<16xi32>
    %convert_element_type3A_1349 = arith.extui %ge3A_1348 : vector<16xi1> to vector<16xi32>
    %add3A_1350 = arith.addi %broadcast_in_dim3A_1345, %convert_element_type3A_1349 : vector<16xi32>
    %ge3A_1351 = arith.constant 16 : i32
    %ge3A_1352 = vector.broadcast %ge3A_1351 : i32 to vector<16xi32>
    %ge3A_1353 = arith.cmpi sge, %abs3A_1343, %ge3A_1352 : vector<16xi32>
    %convert_element_type3A_1354 = arith.extui %ge3A_1353 : vector<16xi1> to vector<16xi32>
    %add3A_1355 = arith.addi %add3A_1350, %convert_element_type3A_1354 : vector<16xi32>
    %ge3A_1356 = arith.constant 23 : i32
    %ge3A_1357 = vector.broadcast %ge3A_1356 : i32 to vector<16xi32>
    %ge3A_1358 = arith.cmpi sge, %abs3A_1343, %ge3A_1357 : vector<16xi32>
    %convert_element_type3A_1359 = arith.extui %ge3A_1358 : vector<16xi1> to vector<16xi32>
    %add3A_1360 = arith.addi %add3A_1355, %convert_element_type3A_1359 : vector<16xi32>
    %ge3A_1361 = arith.constant 32 : i32
    %ge3A_1362 = vector.broadcast %ge3A_1361 : i32 to vector<16xi32>
    %ge3A_1363 = arith.cmpi sge, %abs3A_1343, %ge3A_1362 : vector<16xi32>
    %convert_element_type3A_1364 = arith.extui %ge3A_1363 : vector<16xi1> to vector<16xi32>
    %add3A_1365 = arith.addi %add3A_1360, %convert_element_type3A_1364 : vector<16xi32>
    %ge3A_1366 = arith.constant 46 : i32
    %ge3A_1367 = vector.broadcast %ge3A_1366 : i32 to vector<16xi32>
    %ge3A_1368 = arith.cmpi sge, %abs3A_1343, %ge3A_1367 : vector<16xi32>
    %convert_element_type3A_1369 = arith.extui %ge3A_1368 : vector<16xi1> to vector<16xi32>
    %add3A_1370 = arith.addi %add3A_1365, %convert_element_type3A_1369 : vector<16xi32>
    %ge3A_1371 = arith.constant 64 : i32
    %ge3A_1372 = vector.broadcast %ge3A_1371 : i32 to vector<16xi32>
    %ge3A_1373 = arith.cmpi sge, %abs3A_1343, %ge3A_1372 : vector<16xi32>
    %convert_element_type3A_1374 = arith.extui %ge3A_1373 : vector<16xi1> to vector<16xi32>
    %add3A_1375 = arith.addi %add3A_1370, %convert_element_type3A_1374 : vector<16xi32>
    %ge3A_1376 = arith.constant 91 : i32
    %ge3A_1377 = vector.broadcast %ge3A_1376 : i32 to vector<16xi32>
    %ge3A_1378 = arith.cmpi sge, %abs3A_1343, %ge3A_1377 : vector<16xi32>
    %convert_element_type3A_1379 = arith.extui %ge3A_1378 : vector<16xi1> to vector<16xi32>
    %add3A_1380 = arith.addi %add3A_1375, %convert_element_type3A_1379 : vector<16xi32>
    %lt3A_1381 = arith.constant 8 : i32
    %lt3A_1382 = vector.broadcast %lt3A_1381 : i32 to vector<16xi32>
    %lt3A_1383 = arith.cmpi slt, %abs3A_1343, %lt3A_1382 : vector<16xi32>
    %select_n3A_1384 = arith.select %lt3A_1383, %abs3A_1343, %add3A_1380 : vector<16xi1>, vector<16xi32>
    %add3A_1385 = arith.addi %select_n3A_1342, %select_n3A_1384 : vector<16xi32>
    %gather3A_1386 = tpu.vector_load_idx %arg4[%add3A_1385, %broadcast_in_dim3A] : memref<32x16xf32, #tpu.memory_space<vmem>>[vector<16xi32>, vector<16xi32>], vector<16xf32>,
    %swap3A_1387 = arith.constant 0 : i32
    %swap3A_1388 = arith.index_cast %swap3A_1387 : i32 to index
    %swap3A_1389 = arith.constant 992 : index
    %swap3A_1390 = tpu.vector_load %arg5[%swap3A_1388, %swap3A_1389] {strides = array<i32>} : memref<1x3072xf32, #tpu.memory_space<vmem>>, vector<16xf32>,
    tpu.vector_store %arg5[%swap3A_1388, %swap3A_1389], %gather3A_1386 {strides = array<i32>} : memref<1x3072xf32, #tpu.memory_space<vmem>>, vector<16xf32>,
    %sub3A_1391 = arith.constant 2047 : i32
    %sub3A_1392 = arith.subi %sub3A_1391, %mul3A_76 : i32
    %mul3A_1393 = arith.constant 3072 : i32
    %mul3A_1394 = arith.muli %select_n3A_72, %mul3A_1393 : i32
    %sub3A_1395 = arith.subi %sub3A_1392, %mul3A_1394 : i32
    %sub3A_1396 = arith.constant 1008 : i32
    %sub3A_1397 = arith.subi %sub3A_1395, %sub3A_1396 : i32
    %sub3A_1398 = vector.broadcast %sub3A_1397 : i32 to vector<16xi32>
    %sub3A_1399 = arith.subi %sub3A_1398, %iota3A : vector<16xi32>
    %lt3A_1400 = arith.constant 0 : i32
    %lt3A_1401 = vector.broadcast %lt3A_1400 : i32 to vector<16xi32>
    %lt3A_1402 = arith.cmpi slt, %sub3A_1399, %lt3A_1401 : vector<16xi32>
    %jit3A_1403 = arith.constant 16 : i32
    %jit3A_1404 = arith.constant 0 : i32
    %broadcast_in_dim3A_1405 = vector.broadcast %jit3A_1403 : i32 to vector<16xi32>
    %broadcast_in_dim3A_1406 = vector.broadcast %jit3A_1404 : i32 to vector<16xi32>
    %select_n3A_1407 = arith.select %lt3A_1402, %broadcast_in_dim3A_1405, %broadcast_in_dim3A_1406 : vector<16xi1>, vector<16xi32>
    %abs3A_1408 = math.absi %sub3A_1399 : vector<16xi32>
    %broadcast_in_dim3A_1409 = arith.constant 8 : i32
    %broadcast_in_dim3A_1410 = vector.broadcast %broadcast_in_dim3A_1409 : i32 to vector<16xi32>
    %ge3A_1411 = arith.constant 12 : i32
    %ge3A_1412 = vector.broadcast %ge3A_1411 : i32 to vector<16xi32>
    %ge3A_1413 = arith.cmpi sge, %abs3A_1408, %ge3A_1412 : vector<16xi32>
    %convert_element_type3A_1414 = arith.extui %ge3A_1413 : vector<16xi1> to vector<16xi32>
    %add3A_1415 = arith.addi %broadcast_in_dim3A_1410, %convert_element_type3A_1414 : vector<16xi32>
    %ge3A_1416 = arith.constant 16 : i32
    %ge3A_1417 = vector.broadcast %ge3A_1416 : i32 to vector<16xi32>
    %ge3A_1418 = arith.cmpi sge, %abs3A_1408, %ge3A_1417 : vector<16xi32>
    %convert_element_type3A_1419 = arith.extui %ge3A_1418 : vector<16xi1> to vector<16xi32>
    %add3A_1420 = arith.addi %add3A_1415, %convert_element_type3A_1419 : vector<16xi32>
    %ge3A_1421 = arith.constant 23 : i32
    %ge3A_1422 = vector.broadcast %ge3A_1421 : i32 to vector<16xi32>
    %ge3A_1423 = arith.cmpi sge, %abs3A_1408, %ge3A_1422 : vector<16xi32>
    %convert_element_type3A_1424 = arith.extui %ge3A_1423 : vector<16xi1> to vector<16xi32>
    %add3A_1425 = arith.addi %add3A_1420, %convert_element_type3A_1424 : vector<16xi32>
    %ge3A_1426 = arith.constant 32 : i32
    %ge3A_1427 = vector.broadcast %ge3A_1426 : i32 to vector<16xi32>
    %ge3A_1428 = arith.cmpi sge, %abs3A_1408, %ge3A_1427 : vector<16xi32>
    %convert_element_type3A_1429 = arith.extui %ge3A_1428 : vector<16xi1> to vector<16xi32>
    %add3A_1430 = arith.addi %add3A_1425, %convert_element_type3A_1429 : vector<16xi32>
    %ge3A_1431 = arith.constant 46 : i32
    %ge3A_1432 = vector.broadcast %ge3A_1431 : i32 to vector<16xi32>
    %ge3A_1433 = arith.cmpi sge, %abs3A_1408, %ge3A_1432 : vector<16xi32>
    %convert_element_type3A_1434 = arith.extui %ge3A_1433 : vector<16xi1> to vector<16xi32>
    %add3A_1435 = arith.addi %add3A_1430, %convert_element_type3A_1434 : vector<16xi32>
    %ge3A_1436 = arith.constant 64 : i32
    %ge3A_1437 = vector.broadcast %ge3A_1436 : i32 to vector<16xi32>
    %ge3A_1438 = arith.cmpi sge, %abs3A_1408, %ge3A_1437 : vector<16xi32>
    %convert_element_type3A_1439 = arith.extui %ge3A_1438 : vector<16xi1> to vector<16xi32>
    %add3A_1440 = arith.addi %add3A_1435, %convert_element_type3A_1439 : vector<16xi32>
    %ge3A_1441 = arith.constant 91 : i32
    %ge3A_1442 = vector.broadcast %ge3A_1441 : i32 to vector<16xi32>
    %ge3A_1443 = arith.cmpi sge, %abs3A_1408, %ge3A_1442 : vector<16xi32>
    %convert_element_type3A_1444 = arith.extui %ge3A_1443 : vector<16xi1> to vector<16xi32>
    %add3A_1445 = arith.addi %add3A_1440, %convert_element_type3A_1444 : vector<16xi32>
    %lt3A_1446 = arith.constant 8 : i32
    %lt3A_1447 = vector.broadcast %lt3A_1446 : i32 to vector<16xi32>
    %lt3A_1448 = arith.cmpi slt, %abs3A_1408, %lt3A_1447 : vector<16xi32>
    %select_n3A_1449 = arith.select %lt3A_1448, %abs3A_1408, %add3A_1445 : vector<16xi1>, vector<16xi32>
    %add3A_1450 = arith.addi %select_n3A_1407, %select_n3A_1449 : vector<16xi32>
    %gather3A_1451 = tpu.vector_load_idx %arg4[%add3A_1450, %broadcast_in_dim3A] : memref<32x16xf32, #tpu.memory_space<vmem>>[vector<16xi32>, vector<16xi32>], vector<16xf32>,
    %swap3A_1452 = arith.constant 0 : i32
    %swap3A_1453 = arith.index_cast %swap3A_1452 : i32 to index
    %swap3A_1454 = arith.constant 1008 : index
    %swap3A_1455 = tpu.vector_load %arg5[%swap3A_1453, %swap3A_1454] {strides = array<i32>} : memref<1x3072xf32, #tpu.memory_space<vmem>>, vector<16xf32>,
    tpu.vector_store %arg5[%swap3A_1453, %swap3A_1454], %gather3A_1451 {strides = array<i32>} : memref<1x3072xf32, #tpu.memory_space<vmem>>, vector<16xf32>,
    %sub3A_1456 = arith.constant 2047 : i32
    %sub3A_1457 = arith.subi %sub3A_1456, %mul3A_76 : i32
    %mul3A_1458 = arith.constant 3072 : i32
    %mul3A_1459 = arith.muli %select_n3A_72, %mul3A_1458 : i32
    %sub3A_1460 = arith.subi %sub3A_1457, %mul3A_1459 : i32
    %sub3A_1461 = arith.constant 1024 : i32
    %sub3A_1462 = arith.subi %sub3A_1460, %sub3A_1461 : i32
    %sub3A_1463 = vector.broadcast %sub3A_1462 : i32 to vector<16xi32>
    %sub3A_1464 = arith.subi %sub3A_1463, %iota3A : vector<16xi32>
    %lt3A_1465 = arith.constant 0 : i32
    %lt3A_1466 = vector.broadcast %lt3A_1465 : i32 to vector<16xi32>
    %lt3A_1467 = arith.cmpi slt, %sub3A_1464, %lt3A_1466 : vector<16xi32>
    %jit3A_1468 = arith.constant 16 : i32
    %jit3A_1469 = arith.constant 0 : i32
    %broadcast_in_dim3A_1470 = vector.broadcast %jit3A_1468 : i32 to vector<16xi32>
    %broadcast_in_dim3A_1471 = vector.broadcast %jit3A_1469 : i32 to vector<16xi32>
    %select_n3A_1472 = arith.select %lt3A_1467, %broadcast_in_dim3A_1470, %broadcast_in_dim3A_1471 : vector<16xi1>, vector<16xi32>
    %abs3A_1473 = math.absi %sub3A_1464 : vector<16xi32>
    %broadcast_in_dim3A_1474 = arith.constant 8 : i32
    %broadcast_in_dim3A_1475 = vector.broadcast %broadcast_in_dim3A_1474 : i32 to vector<16xi32>
    %ge3A_1476 = arith.constant 12 : i32
    %ge3A_1477 = vector.broadcast %ge3A_1476 : i32 to vector<16xi32>
    %ge3A_1478 = arith.cmpi sge, %abs3A_1473, %ge3A_1477 : vector<16xi32>
    %convert_element_type3A_1479 = arith.extui %ge3A_1478 : vector<16xi1> to vector<16xi32>
    %add3A_1480 = arith.addi %broadcast_in_dim3A_1475, %convert_element_type3A_1479 : vector<16xi32>
    %ge3A_1481 = arith.constant 16 : i32
    %ge3A_1482 = vector.broadcast %ge3A_1481 : i32 to vector<16xi32>
    %ge3A_1483 = arith.cmpi sge, %abs3A_1473, %ge3A_1482 : vector<16xi32>
    %convert_element_type3A_1484 = arith.extui %ge3A_1483 : vector<16xi1> to vector<16xi32>
    %add3A_1485 = arith.addi %add3A_1480, %convert_element_type3A_1484 : vector<16xi32>
    %ge3A_1486 = arith.constant 23 : i32
    %ge3A_1487 = vector.broadcast %ge3A_1486 : i32 to vector<16xi32>
    %ge3A_1488 = arith.cmpi sge, %abs3A_1473, %ge3A_1487 : vector<16xi32>
    %convert_element_type3A_1489 = arith.extui %ge3A_1488 : vector<16xi1> to vector<16xi32>
    %add3A_1490 = arith.addi %add3A_1485, %convert_element_type3A_1489 : vector<16xi32>
    %ge3A_1491 = arith.constant 32 : i32
    %ge3A_1492 = vector.broadcast %ge3A_1491 : i32 to vector<16xi32>
    %ge3A_1493 = arith.cmpi sge, %abs3A_1473, %ge3A_1492 : vector<16xi32>
    %convert_element_type3A_1494 = arith.extui %ge3A_1493 : vector<16xi1> to vector<16xi32>
    %add3A_1495 = arith.addi %add3A_1490, %convert_element_type3A_1494 : vector<16xi32>
    %ge3A_1496 = arith.constant 46 : i32
    %ge3A_1497 = vector.broadcast %ge3A_1496 : i32 to vector<16xi32>
    %ge3A_1498 = arith.cmpi sge, %abs3A_1473, %ge3A_1497 : vector<16xi32>
    %convert_element_type3A_1499 = arith.extui %ge3A_1498 : vector<16xi1> to vector<16xi32>
    %add3A_1500 = arith.addi %add3A_1495, %convert_element_type3A_1499 : vector<16xi32>
    %ge3A_1501 = arith.constant 64 : i32
    %ge3A_1502 = vector.broadcast %ge3A_1501 : i32 to vector<16xi32>
    %ge3A_1503 = arith.cmpi sge, %abs3A_1473, %ge3A_1502 : vector<16xi32>
    %convert_element_type3A_1504 = arith.extui %ge3A_1503 : vector<16xi1> to vector<16xi32>
    %add3A_1505 = arith.addi %add3A_1500, %convert_element_type3A_1504 : vector<16xi32>
    %ge3A_1506 = arith.constant 91 : i32
    %ge3A_1507 = vector.broadcast %ge3A_1506 : i32 to vector<16xi32>
    %ge3A_1508 = arith.cmpi sge, %abs3A_1473, %ge3A_1507 : vector<16xi32>
    %convert_element_type3A_1509 = arith.extui %ge3A_1508 : vector<16xi1> to vector<16xi32>
    %add3A_1510 = arith.addi %add3A_1505, %convert_element_type3A_1509 : vector<16xi32>
    %lt3A_1511 = arith.constant 8 : i32
    %lt3A_1512 = vector.broadcast %lt3A_1511 : i32 to vector<16xi32>
    %lt3A_1513 = arith.cmpi slt, %abs3A_1473, %lt3A_1512 : vector<16xi32>
    %select_n3A_1514 = arith.select %lt3A_1513, %abs3A_1473, %add3A_1510 : vector<16xi1>, vector<16xi32>
    %add3A_1515 = arith.addi %select_n3A_1472, %select_n3A_1514 : vector<16xi32>
    %gather3A_1516 = tpu.vector_load_idx %arg4[%add3A_1515, %broadcast_in_dim3A] : memref<32x16xf32, #tpu.memory_space<vmem>>[vector<16xi32>, vector<16xi32>], vector<16xf32>,
    %swap3A_1517 = arith.constant 0 : i32
    %swap3A_1518 = arith.index_cast %swap3A_1517 : i32 to index
    %swap3A_1519 = arith.constant 1024 : index
    %swap3A_1520 = tpu.vector_load %arg5[%swap3A_1518, %swap3A_1519] {strides = array<i32>} : memref<1x3072xf32, #tpu.memory_space<vmem>>, vector<16xf32>,
    tpu.vector_store %arg5[%swap3A_1518, %swap3A_1519], %gather3A_1516 {strides = array<i32>} : memref<1x3072xf32, #tpu.memory_space<vmem>>, vector<16xf32>,
    %sub3A_1521 = arith.constant 2047 : i32
    %sub3A_1522 = arith.subi %sub3A_1521, %mul3A_76 : i32
    %mul3A_1523 = arith.constant 3072 : i32
    %mul3A_1524 = arith.muli %select_n3A_72, %mul3A_1523 : i32
    %sub3A_1525 = arith.subi %sub3A_1522, %mul3A_1524 : i32
    %sub3A_1526 = arith.constant 1040 : i32
    %sub3A_1527 = arith.subi %sub3A_1525, %sub3A_1526 : i32
    %sub3A_1528 = vector.broadcast %sub3A_1527 : i32 to vector<16xi32>
    %sub3A_1529 = arith.subi %sub3A_1528, %iota3A : vector<16xi32>
    %lt3A_1530 = arith.constant 0 : i32
    %lt3A_1531 = vector.broadcast %lt3A_1530 : i32 to vector<16xi32>
    %lt3A_1532 = arith.cmpi slt, %sub3A_1529, %lt3A_1531 : vector<16xi32>
    %jit3A_1533 = arith.constant 16 : i32
    %jit3A_1534 = arith.constant 0 : i32
    %broadcast_in_dim3A_1535 = vector.broadcast %jit3A_1533 : i32 to vector<16xi32>
    %broadcast_in_dim3A_1536 = vector.broadcast %jit3A_1534 : i32 to vector<16xi32>
    %select_n3A_1537 = arith.select %lt3A_1532, %broadcast_in_dim3A_1535, %broadcast_in_dim3A_1536 : vector<16xi1>, vector<16xi32>
    %abs3A_1538 = math.absi %sub3A_1529 : vector<16xi32>
    %broadcast_in_dim3A_1539 = arith.constant 8 : i32
    %broadcast_in_dim3A_1540 = vector.broadcast %broadcast_in_dim3A_1539 : i32 to vector<16xi32>
    %ge3A_1541 = arith.constant 12 : i32
    %ge3A_1542 = vector.broadcast %ge3A_1541 : i32 to vector<16xi32>
    %ge3A_1543 = arith.cmpi sge, %abs3A_1538, %ge3A_1542 : vector<16xi32>
    %convert_element_type3A_1544 = arith.extui %ge3A_1543 : vector<16xi1> to vector<16xi32>
    %add3A_1545 = arith.addi %broadcast_in_dim3A_1540, %convert_element_type3A_1544 : vector<16xi32>
    %ge3A_1546 = arith.constant 16 : i32
    %ge3A_1547 = vector.broadcast %ge3A_1546 : i32 to vector<16xi32>
    %ge3A_1548 = arith.cmpi sge, %abs3A_1538, %ge3A_1547 : vector<16xi32>
    %convert_element_type3A_1549 = arith.extui %ge3A_1548 : vector<16xi1> to vector<16xi32>
    %add3A_1550 = arith.addi %add3A_1545, %convert_element_type3A_1549 : vector<16xi32>
    %ge3A_1551 = arith.constant 23 : i32
    %ge3A_1552 = vector.broadcast %ge3A_1551 : i32 to vector<16xi32>
    %ge3A_1553 = arith.cmpi sge, %abs3A_1538, %ge3A_1552 : vector<16xi32>
    %convert_element_type3A_1554 = arith.extui %ge3A_1553 : vector<16xi1> to vector<16xi32>
    %add3A_1555 = arith.addi %add3A_1550, %convert_element_type3A_1554 : vector<16xi32>
    %ge3A_1556 = arith.constant 32 : i32
    %ge3A_1557 = vector.broadcast %ge3A_1556 : i32 to vector<16xi32>
    %ge3A_1558 = arith.cmpi sge, %abs3A_1538, %ge3A_1557 : vector<16xi32>
    %convert_element_type3A_1559 = arith.extui %ge3A_1558 : vector<16xi1> to vector<16xi32>
    %add3A_1560 = arith.addi %add3A_1555, %convert_element_type3A_1559 : vector<16xi32>
    %ge3A_1561 = arith.constant 46 : i32
    %ge3A_1562 = vector.broadcast %ge3A_1561 : i32 to vector<16xi32>
    %ge3A_1563 = arith.cmpi sge, %abs3A_1538, %ge3A_1562 : vector<16xi32>
    %convert_element_type3A_1564 = arith.extui %ge3A_1563 : vector<16xi1> to vector<16xi32>
    %add3A_1565 = arith.addi %add3A_1560, %convert_element_type3A_1564 : vector<16xi32>
    %ge3A_1566 = arith.constant 64 : i32
    %ge3A_1567 = vector.broadcast %ge3A_1566 : i32 to vector<16xi32>
    %ge3A_1568 = arith.cmpi sge, %abs3A_1538, %ge3A_1567 : vector<16xi32>
    %convert_element_type3A_1569 = arith.extui %ge3A_1568 : vector<16xi1> to vector<16xi32>
    %add3A_1570 = arith.addi %add3A_1565, %convert_element_type3A_1569 : vector<16xi32>
    %ge3A_1571 = arith.constant 91 : i32
    %ge3A_1572 = vector.broadcast %ge3A_1571 : i32 to vector<16xi32>
    %ge3A_1573 = arith.cmpi sge, %abs3A_1538, %ge3A_1572 : vector<16xi32>
    %convert_element_type3A_1574 = arith.extui %ge3A_1573 : vector<16xi1> to vector<16xi32>
    %add3A_1575 = arith.addi %add3A_1570, %convert_element_type3A_1574 : vector<16xi32>
    %lt3A_1576 = arith.constant 8 : i32
    %lt3A_1577 = vector.broadcast %lt3A_1576 : i32 to vector<16xi32>
    %lt3A_1578 = arith.cmpi slt, %abs3A_1538, %lt3A_1577 : vector<16xi32>
    %select_n3A_1579 = arith.select %lt3A_1578, %abs3A_1538, %add3A_1575 : vector<16xi1>, vector<16xi32>
    %add3A_1580 = arith.addi %select_n3A_1537, %select_n3A_1579 : vector<16xi32>
    %gather3A_1581 = tpu.vector_load_idx %arg4[%add3A_1580, %broadcast_in_dim3A] : memref<32x16xf32, #tpu.memory_space<vmem>>[vector<16xi32>, vector<16xi32>], vector<16xf32>,
    %swap3A_1582 = arith.constant 0 : i32
    %swap3A_1583 = arith.index_cast %swap3A_1582 : i32 to index
    %swap3A_1584 = arith.constant 1040 : index
    %swap3A_1585 = tpu.vector_load %arg5[%swap3A_1583, %swap3A_1584] {strides = array<i32>} : memref<1x3072xf32, #tpu.memory_space<vmem>>, vector<16xf32>,
    tpu.vector_store %arg5[%swap3A_1583, %swap3A_1584], %gather3A_1581 {strides = array<i32>} : memref<1x3072xf32, #tpu.memory_space<vmem>>, vector<16xf32>,
    %sub3A_1586 = arith.constant 2047 : i32
    %sub3A_1587 = arith.subi %sub3A_1586, %mul3A_76 : i32
    %mul3A_1588 = arith.constant 3072 : i32
    %mul3A_1589 = arith.muli %select_n3A_72, %mul3A_1588 : i32
    %sub3A_1590 = arith.subi %sub3A_1587, %mul3A_1589 : i32
    %sub3A_1591 = arith.constant 1056 : i32
    %sub3A_1592 = arith.subi %sub3A_1590, %sub3A_1591 : i32
    %sub3A_1593 = vector.broadcast %sub3A_1592 : i32 to vector<16xi32>
    %sub3A_1594 = arith.subi %sub3A_1593, %iota3A : vector<16xi32>
    %lt3A_1595 = arith.constant 0 : i32
    %lt3A_1596 = vector.broadcast %lt3A_1595 : i32 to vector<16xi32>
    %lt3A_1597 = arith.cmpi slt, %sub3A_1594, %lt3A_1596 : vector<16xi32>
    %jit3A_1598 = arith.constant 16 : i32
    %jit3A_1599 = arith.constant 0 : i32
    %broadcast_in_dim3A_1600 = vector.broadcast %jit3A_1598 : i32 to vector<16xi32>
    %broadcast_in_dim3A_1601 = vector.broadcast %jit3A_1599 : i32 to vector<16xi32>
    %select_n3A_1602 = arith.select %lt3A_1597, %broadcast_in_dim3A_1600, %broadcast_in_dim3A_1601 : vector<16xi1>, vector<16xi32>
    %abs3A_1603 = math.absi %sub3A_1594 : vector<16xi32>
    %broadcast_in_dim3A_1604 = arith.constant 8 : i32
    %broadcast_in_dim3A_1605 = vector.broadcast %broadcast_in_dim3A_1604 : i32 to vector<16xi32>
    %ge3A_1606 = arith.constant 12 : i32
    %ge3A_1607 = vector.broadcast %ge3A_1606 : i32 to vector<16xi32>
    %ge3A_1608 = arith.cmpi sge, %abs3A_1603, %ge3A_1607 : vector<16xi32>
    %convert_element_type3A_1609 = arith.extui %ge3A_1608 : vector<16xi1> to vector<16xi32>
    %add3A_1610 = arith.addi %broadcast_in_dim3A_1605, %convert_element_type3A_1609 : vector<16xi32>
    %ge3A_1611 = arith.constant 16 : i32
    %ge3A_1612 = vector.broadcast %ge3A_1611 : i32 to vector<16xi32>
    %ge3A_1613 = arith.cmpi sge, %abs3A_1603, %ge3A_1612 : vector<16xi32>
    %convert_element_type3A_1614 = arith.extui %ge3A_1613 : vector<16xi1> to vector<16xi32>
    %add3A_1615 = arith.addi %add3A_1610, %convert_element_type3A_1614 : vector<16xi32>
    %ge3A_1616 = arith.constant 23 : i32
    %ge3A_1617 = vector.broadcast %ge3A_1616 : i32 to vector<16xi32>
    %ge3A_1618 = arith.cmpi sge, %abs3A_1603, %ge3A_1617 : vector<16xi32>
    %convert_element_type3A_1619 = arith.extui %ge3A_1618 : vector<16xi1> to vector<16xi32>
    %add3A_1620 = arith.addi %add3A_1615, %convert_element_type3A_1619 : vector<16xi32>
    %ge3A_1621 = arith.constant 32 : i32
    %ge3A_1622 = vector.broadcast %ge3A_1621 : i32 to vector<16xi32>
    %ge3A_1623 = arith.cmpi sge, %abs3A_1603, %ge3A_1622 : vector<16xi32>
    %convert_element_type3A_1624 = arith.extui %ge3A_1623 : vector<16xi1> to vector<16xi32>
    %add3A_1625 = arith.addi %add3A_1620, %convert_element_type3A_1624 : vector<16xi32>
    %ge3A_1626 = arith.constant 46 : i32
    %ge3A_1627 = vector.broadcast %ge3A_1626 : i32 to vector<16xi32>
    %ge3A_1628 = arith.cmpi sge, %abs3A_1603, %ge3A_1627 : vector<16xi32>
    %convert_element_type3A_1629 = arith.extui %ge3A_1628 : vector<16xi1> to vector<16xi32>
    %add3A_1630 = arith.addi %add3A_1625, %convert_element_type3A_1629 : vector<16xi32>
    %ge3A_1631 = arith.constant 64 : i32
    %ge3A_1632 = vector.broadcast %ge3A_1631 : i32 to vector<16xi32>
    %ge3A_1633 = arith.cmpi sge, %abs3A_1603, %ge3A_1632 : vector<16xi32>
    %convert_element_type3A_1634 = arith.extui %ge3A_1633 : vector<16xi1> to vector<16xi32>
    %add3A_1635 = arith.addi %add3A_1630, %convert_element_type3A_1634 : vector<16xi32>
    %ge3A_1636 = arith.constant 91 : i32
    %ge3A_1637 = vector.broadcast %ge3A_1636 : i32 to vector<16xi32>
    %ge3A_1638 = arith.cmpi sge, %abs3A_1603, %ge3A_1637 : vector<16xi32>
    %convert_element_type3A_1639 = arith.extui %ge3A_1638 : vector<16xi1> to vector<16xi32>
    %add3A_1640 = arith.addi %add3A_1635, %convert_element_type3A_1639 : vector<16xi32>
    %lt3A_1641 = arith.constant 8 : i32
    %lt3A_1642 = vector.broadcast %lt3A_1641 : i32 to vector<16xi32>
    %lt3A_1643 = arith.cmpi slt, %abs3A_1603, %lt3A_1642 : vector<16xi32>
    %select_n3A_1644 = arith.select %lt3A_1643, %abs3A_1603, %add3A_1640 : vector<16xi1>, vector<16xi32>
    %add3A_1645 = arith.addi %select_n3A_1602, %select_n3A_1644 : vector<16xi32>
    %gather3A_1646 = tpu.vector_load_idx %arg4[%add3A_1645, %broadcast_in_dim3A] : memref<32x16xf32, #tpu.memory_space<vmem>>[vector<16xi32>, vector<16xi32>], vector<16xf32>,
    %swap3A_1647 = arith.constant 0 : i32
    %swap3A_1648 = arith.index_cast %swap3A_1647 : i32 to index
    %swap3A_1649 = arith.constant 1056 : index
    %swap3A_1650 = tpu.vector_load %arg5[%swap3A_1648, %swap3A_1649] {strides = array<i32>} : memref<1x3072xf32, #tpu.memory_space<vmem>>, vector<16xf32>,
    tpu.vector_store %arg5[%swap3A_1648, %swap3A_1649], %gather3A_1646 {strides = array<i32>} : memref<1x3072xf32, #tpu.memory_space<vmem>>, vector<16xf32>,
    %sub3A_1651 = arith.constant 2047 : i32
    %sub3A_1652 = arith.subi %sub3A_1651, %mul3A_76 : i32
    %mul3A_1653 = arith.constant 3072 : i32
    %mul3A_1654 = arith.muli %select_n3A_72, %mul3A_1653 : i32
    %sub3A_1655 = arith.subi %sub3A_1652, %mul3A_1654 : i32
    %sub3A_1656 = arith.constant 1072 : i32
    %sub3A_1657 = arith.subi %sub3A_1655, %sub3A_1656 : i32
    %sub3A_1658 = vector.broadcast %sub3A_1657 : i32 to vector<16xi32>
    %sub3A_1659 = arith.subi %sub3A_1658, %iota3A : vector<16xi32>
    %lt3A_1660 = arith.constant 0 : i32
    %lt3A_1661 = vector.broadcast %lt3A_1660 : i32 to vector<16xi32>
    %lt3A_1662 = arith.cmpi slt, %sub3A_1659, %lt3A_1661 : vector<16xi32>
    %jit3A_1663 = arith.constant 16 : i32
    %jit3A_1664 = arith.constant 0 : i32
    %broadcast_in_dim3A_1665 = vector.broadcast %jit3A_1663 : i32 to vector<16xi32>
    %broadcast_in_dim3A_1666 = vector.broadcast %jit3A_1664 : i32 to vector<16xi32>
    %select_n3A_1667 = arith.select %lt3A_1662, %broadcast_in_dim3A_1665, %broadcast_in_dim3A_1666 : vector<16xi1>, vector<16xi32>
    %abs3A_1668 = math.absi %sub3A_1659 : vector<16xi32>
    %broadcast_in_dim3A_1669 = arith.constant 8 : i32
    %broadcast_in_dim3A_1670 = vector.broadcast %broadcast_in_dim3A_1669 : i32 to vector<16xi32>
    %ge3A_1671 = arith.constant 12 : i32
    %ge3A_1672 = vector.broadcast %ge3A_1671 : i32 to vector<16xi32>
    %ge3A_1673 = arith.cmpi sge, %abs3A_1668, %ge3A_1672 : vector<16xi32>
    %convert_element_type3A_1674 = arith.extui %ge3A_1673 : vector<16xi1> to vector<16xi32>
    %add3A_1675 = arith.addi %broadcast_in_dim3A_1670, %convert_element_type3A_1674 : vector<16xi32>
    %ge3A_1676 = arith.constant 16 : i32
    %ge3A_1677 = vector.broadcast %ge3A_1676 : i32 to vector<16xi32>
    %ge3A_1678 = arith.cmpi sge, %abs3A_1668, %ge3A_1677 : vector<16xi32>
    %convert_element_type3A_1679 = arith.extui %ge3A_1678 : vector<16xi1> to vector<16xi32>
    %add3A_1680 = arith.addi %add3A_1675, %convert_element_type3A_1679 : vector<16xi32>
    %ge3A_1681 = arith.constant 23 : i32
    %ge3A_1682 = vector.broadcast %ge3A_1681 : i32 to vector<16xi32>
    %ge3A_1683 = arith.cmpi sge, %abs3A_1668, %ge3A_1682 : vector<16xi32>
    %convert_element_type3A_1684 = arith.extui %ge3A_1683 : vector<16xi1> to vector<16xi32>
    %add3A_1685 = arith.addi %add3A_1680, %convert_element_type3A_1684 : vector<16xi32>
    %ge3A_1686 = arith.constant 32 : i32
    %ge3A_1687 = vector.broadcast %ge3A_1686 : i32 to vector<16xi32>
    %ge3A_1688 = arith.cmpi sge, %abs3A_1668, %ge3A_1687 : vector<16xi32>
    %convert_element_type3A_1689 = arith.extui %ge3A_1688 : vector<16xi1> to vector<16xi32>
    %add3A_1690 = arith.addi %add3A_1685, %convert_element_type3A_1689 : vector<16xi32>
    %ge3A_1691 = arith.constant 46 : i32
    %ge3A_1692 = vector.broadcast %ge3A_1691 : i32 to vector<16xi32>
    %ge3A_1693 = arith.cmpi sge, %abs3A_1668, %ge3A_1692 : vector<16xi32>
    %convert_element_type3A_1694 = arith.extui %ge3A_1693 : vector<16xi1> to vector<16xi32>
    %add3A_1695 = arith.addi %add3A_1690, %convert_element_type3A_1694 : vector<16xi32>
    %ge3A_1696 = arith.constant 64 : i32
    %ge3A_1697 = vector.broadcast %ge3A_1696 : i32 to vector<16xi32>
    %ge3A_1698 = arith.cmpi sge, %abs3A_1668, %ge3A_1697 : vector<16xi32>
    %convert_element_type3A_1699 = arith.extui %ge3A_1698 : vector<16xi1> to vector<16xi32>
    %add3A_1700 = arith.addi %add3A_1695, %convert_element_type3A_1699 : vector<16xi32>
    %ge3A_1701 = arith.constant 91 : i32
    %ge3A_1702 = vector.broadcast %ge3A_1701 : i32 to vector<16xi32>
    %ge3A_1703 = arith.cmpi sge, %abs3A_1668, %ge3A_1702 : vector<16xi32>
    %convert_element_type3A_1704 = arith.extui %ge3A_1703 : vector<16xi1> to vector<16xi32>
    %add3A_1705 = arith.addi %add3A_1700, %convert_element_type3A_1704 : vector<16xi32>
    %lt3A_1706 = arith.constant 8 : i32
    %lt3A_1707 = vector.broadcast %lt3A_1706 : i32 to vector<16xi32>
    %lt3A_1708 = arith.cmpi slt, %abs3A_1668, %lt3A_1707 : vector<16xi32>
    %select_n3A_1709 = arith.select %lt3A_1708, %abs3A_1668, %add3A_1705 : vector<16xi1>, vector<16xi32>
    %add3A_1710 = arith.addi %select_n3A_1667, %select_n3A_1709 : vector<16xi32>
    %gather3A_1711 = tpu.vector_load_idx %arg4[%add3A_1710, %broadcast_in_dim3A] : memref<32x16xf32, #tpu.memory_space<vmem>>[vector<16xi32>, vector<16xi32>], vector<16xf32>,
    %swap3A_1712 = arith.constant 0 : i32
    %swap3A_1713 = arith.index_cast %swap3A_1712 : i32 to index
    %swap3A_1714 = arith.constant 1072 : index
    %swap3A_1715 = tpu.vector_load %arg5[%swap3A_1713, %swap3A_1714] {strides = array<i32>} : memref<1x3072xf32, #tpu.memory_space<vmem>>, vector<16xf32>,
    tpu.vector_store %arg5[%swap3A_1713, %swap3A_1714], %gather3A_1711 {strides = array<i32>} : memref<1x3072xf32, #tpu.memory_space<vmem>>, vector<16xf32>,
    %sub3A_1716 = arith.constant 2047 : i32
    %sub3A_1717 = arith.subi %sub3A_1716, %mul3A_76 : i32
    %mul3A_1718 = arith.constant 3072 : i32
    %mul3A_1719 = arith.muli %select_n3A_72, %mul3A_1718 : i32
    %sub3A_1720 = arith.subi %sub3A_1717, %mul3A_1719 : i32
    %sub3A_1721 = arith.constant 1088 : i32
    %sub3A_1722 = arith.subi %sub3A_1720, %sub3A_1721 : i32
    %sub3A_1723 = vector.broadcast %sub3A_1722 : i32 to vector<16xi32>
    %sub3A_1724 = arith.subi %sub3A_1723, %iota3A : vector<16xi32>
    %lt3A_1725 = arith.constant 0 : i32
    %lt3A_1726 = vector.broadcast %lt3A_1725 : i32 to vector<16xi32>
    %lt3A_1727 = arith.cmpi slt, %sub3A_1724, %lt3A_1726 : vector<16xi32>
    %jit3A_1728 = arith.constant 16 : i32
    %jit3A_1729 = arith.constant 0 : i32
    %broadcast_in_dim3A_1730 = vector.broadcast %jit3A_1728 : i32 to vector<16xi32>
    %broadcast_in_dim3A_1731 = vector.broadcast %jit3A_1729 : i32 to vector<16xi32>
    %select_n3A_1732 = arith.select %lt3A_1727, %broadcast_in_dim3A_1730, %broadcast_in_dim3A_1731 : vector<16xi1>, vector<16xi32>
    %abs3A_1733 = math.absi %sub3A_1724 : vector<16xi32>
    %broadcast_in_dim3A_1734 = arith.constant 8 : i32
    %broadcast_in_dim3A_1735 = vector.broadcast %broadcast_in_dim3A_1734 : i32 to vector<16xi32>
    %ge3A_1736 = arith.constant 12 : i32
    %ge3A_1737 = vector.broadcast %ge3A_1736 : i32 to vector<16xi32>
    %ge3A_1738 = arith.cmpi sge, %abs3A_1733, %ge3A_1737 : vector<16xi32>
    %convert_element_type3A_1739 = arith.extui %ge3A_1738 : vector<16xi1> to vector<16xi32>
    %add3A_1740 = arith.addi %broadcast_in_dim3A_1735, %convert_element_type3A_1739 : vector<16xi32>
    %ge3A_1741 = arith.constant 16 : i32
    %ge3A_1742 = vector.broadcast %ge3A_1741 : i32 to vector<16xi32>
    %ge3A_1743 = arith.cmpi sge, %abs3A_1733, %ge3A_1742 : vector<16xi32>
    %convert_element_type3A_1744 = arith.extui %ge3A_1743 : vector<16xi1> to vector<16xi32>
    %add3A_1745 = arith.addi %add3A_1740, %convert_element_type3A_1744 : vector<16xi32>
    %ge3A_1746 = arith.constant 23 : i32
    %ge3A_1747 = vector.broadcast %ge3A_1746 : i32 to vector<16xi32>
    %ge3A_1748 = arith.cmpi sge, %abs3A_1733, %ge3A_1747 : vector<16xi32>
    %convert_element_type3A_1749 = arith.extui %ge3A_1748 : vector<16xi1> to vector<16xi32>
    %add3A_1750 = arith.addi %add3A_1745, %convert_element_type3A_1749 : vector<16xi32>
    %ge3A_1751 = arith.constant 32 : i32
    %ge3A_1752 = vector.broadcast %ge3A_1751 : i32 to vector<16xi32>
    %ge3A_1753 = arith.cmpi sge, %abs3A_1733, %ge3A_1752 : vector<16xi32>
    %convert_element_type3A_1754 = arith.extui %ge3A_1753 : vector<16xi1> to vector<16xi32>
    %add3A_1755 = arith.addi %add3A_1750, %convert_element_type3A_1754 : vector<16xi32>
    %ge3A_1756 = arith.constant 46 : i32
    %ge3A_1757 = vector.broadcast %ge3A_1756 : i32 to vector<16xi32>
    %ge3A_1758 = arith.cmpi sge, %abs3A_1733, %ge3A_1757 : vector<16xi32>
    %convert_element_type3A_1759 = arith.extui %ge3A_1758 : vector<16xi1> to vector<16xi32>
    %add3A_1760 = arith.addi %add3A_1755, %convert_element_type3A_1759 : vector<16xi32>
    %ge3A_1761 = arith.constant 64 : i32
    %ge3A_1762 = vector.broadcast %ge3A_1761 : i32 to vector<16xi32>
    %ge3A_1763 = arith.cmpi sge, %abs3A_1733, %ge3A_1762 : vector<16xi32>
    %convert_element_type3A_1764 = arith.extui %ge3A_1763 : vector<16xi1> to vector<16xi32>
    %add3A_1765 = arith.addi %add3A_1760, %convert_element_type3A_1764 : vector<16xi32>
    %ge3A_1766 = arith.constant 91 : i32
    %ge3A_1767 = vector.broadcast %ge3A_1766 : i32 to vector<16xi32>
    %ge3A_1768 = arith.cmpi sge, %abs3A_1733, %ge3A_1767 : vector<16xi32>
    %convert_element_type3A_1769 = arith.extui %ge3A_1768 : vector<16xi1> to vector<16xi32>
    %add3A_1770 = arith.addi %add3A_1765, %convert_element_type3A_1769 : vector<16xi32>
    %lt3A_1771 = arith.constant 8 : i32
    %lt3A_1772 = vector.broadcast %lt3A_1771 : i32 to vector<16xi32>
    %lt3A_1773 = arith.cmpi slt, %abs3A_1733, %lt3A_1772 : vector<16xi32>
    %select_n3A_1774 = arith.select %lt3A_1773, %abs3A_1733, %add3A_1770 : vector<16xi1>, vector<16xi32>
    %add3A_1775 = arith.addi %select_n3A_1732, %select_n3A_1774 : vector<16xi32>
    %gather3A_1776 = tpu.vector_load_idx %arg4[%add3A_1775, %broadcast_in_dim3A] : memref<32x16xf32, #tpu.memory_space<vmem>>[vector<16xi32>, vector<16xi32>], vector<16xf32>,
    %swap3A_1777 = arith.constant 0 : i32
    %swap3A_1778 = arith.index_cast %swap3A_1777 : i32 to index
    %swap3A_1779 = arith.constant 1088 : index
    %swap3A_1780 = tpu.vector_load %arg5[%swap3A_1778, %swap3A_1779] {strides = array<i32>} : memref<1x3072xf32, #tpu.memory_space<vmem>>, vector<16xf32>,
    tpu.vector_store %arg5[%swap3A_1778, %swap3A_1779], %gather3A_1776 {strides = array<i32>} : memref<1x3072xf32, #tpu.memory_space<vmem>>, vector<16xf32>,
    %sub3A_1781 = arith.constant 2047 : i32
    %sub3A_1782 = arith.subi %sub3A_1781, %mul3A_76 : i32
    %mul3A_1783 = arith.constant 3072 : i32
    %mul3A_1784 = arith.muli %select_n3A_72, %mul3A_1783 : i32
    %sub3A_1785 = arith.subi %sub3A_1782, %mul3A_1784 : i32
    %sub3A_1786 = arith.constant 1104 : i32
    %sub3A_1787 = arith.subi %sub3A_1785, %sub3A_1786 : i32
    %sub3A_1788 = vector.broadcast %sub3A_1787 : i32 to vector<16xi32>
    %sub3A_1789 = arith.subi %sub3A_1788, %iota3A : vector<16xi32>
    %lt3A_1790 = arith.constant 0 : i32
    %lt3A_1791 = vector.broadcast %lt3A_1790 : i32 to vector<16xi32>
    %lt3A_1792 = arith.cmpi slt, %sub3A_1789, %lt3A_1791 : vector<16xi32>
    %jit3A_1793 = arith.constant 16 : i32
    %jit3A_1794 = arith.constant 0 : i32
    %broadcast_in_dim3A_1795 = vector.broadcast %jit3A_1793 : i32 to vector<16xi32>
    %broadcast_in_dim3A_1796 = vector.broadcast %jit3A_1794 : i32 to vector<16xi32>
    %select_n3A_1797 = arith.select %lt3A_1792, %broadcast_in_dim3A_1795, %broadcast_in_dim3A_1796 : vector<16xi1>, vector<16xi32>
    %abs3A_1798 = math.absi %sub3A_1789 : vector<16xi32>
    %broadcast_in_dim3A_1799 = arith.constant 8 : i32
    %broadcast_in_dim3A_1800 = vector.broadcast %broadcast_in_dim3A_1799 : i32 to vector<16xi32>
    %ge3A_1801 = arith.constant 12 : i32
    %ge3A_1802 = vector.broadcast %ge3A_1801 : i32 to vector<16xi32>
    %ge3A_1803 = arith.cmpi sge, %abs3A_1798, %ge3A_1802 : vector<16xi32>
    %convert_element_type3A_1804 = arith.extui %ge3A_1803 : vector<16xi1> to vector<16xi32>
    %add3A_1805 = arith.addi %broadcast_in_dim3A_1800, %convert_element_type3A_1804 : vector<16xi32>
    %ge3A_1806 = arith.constant 16 : i32
    %ge3A_1807 = vector.broadcast %ge3A_1806 : i32 to vector<16xi32>
    %ge3A_1808 = arith.cmpi sge, %abs3A_1798, %ge3A_1807 : vector<16xi32>
    %convert_element_type3A_1809 = arith.extui %ge3A_1808 : vector<16xi1> to vector<16xi32>
    %add3A_1810 = arith.addi %add3A_1805, %convert_element_type3A_1809 : vector<16xi32>
    %ge3A_1811 = arith.constant 23 : i32
    %ge3A_1812 = vector.broadcast %ge3A_1811 : i32 to vector<16xi32>
    %ge3A_1813 = arith.cmpi sge, %abs3A_1798, %ge3A_1812 : vector<16xi32>
    %convert_element_type3A_1814 = arith.extui %ge3A_1813 : vector<16xi1> to vector<16xi32>
    %add3A_1815 = arith.addi %add3A_1810, %convert_element_type3A_1814 : vector<16xi32>
    %ge3A_1816 = arith.constant 32 : i32
    %ge3A_1817 = vector.broadcast %ge3A_1816 : i32 to vector<16xi32>
    %ge3A_1818 = arith.cmpi sge, %abs3A_1798, %ge3A_1817 : vector<16xi32>
    %convert_element_type3A_1819 = arith.extui %ge3A_1818 : vector<16xi1> to vector<16xi32>
    %add3A_1820 = arith.addi %add3A_1815, %convert_element_type3A_1819 : vector<16xi32>
    %ge3A_1821 = arith.constant 46 : i32
    %ge3A_1822 = vector.broadcast %ge3A_1821 : i32 to vector<16xi32>
    %ge3A_1823 = arith.cmpi sge, %abs3A_1798, %ge3A_1822 : vector<16xi32>
    %convert_element_type3A_1824 = arith.extui %ge3A_1823 : vector<16xi1> to vector<16xi32>
    %add3A_1825 = arith.addi %add3A_1820, %convert_element_type3A_1824 : vector<16xi32>
    %ge3A_1826 = arith.constant 64 : i32
    %ge3A_1827 = vector.broadcast %ge3A_1826 : i32 to vector<16xi32>
    %ge3A_1828 = arith.cmpi sge, %abs3A_1798, %ge3A_1827 : vector<16xi32>
    %convert_element_type3A_1829 = arith.extui %ge3A_1828 : vector<16xi1> to vector<16xi32>
    %add3A_1830 = arith.addi %add3A_1825, %convert_element_type3A_1829 : vector<16xi32>
    %ge3A_1831 = arith.constant 91 : i32
    %ge3A_1832 = vector.broadcast %ge3A_1831 : i32 to vector<16xi32>
    %ge3A_1833 = arith.cmpi sge, %abs3A_1798, %ge3A_1832 : vector<16xi32>
    %convert_element_type3A_1834 = arith.extui %ge3A_1833 : vector<16xi1> to vector<16xi32>
    %add3A_1835 = arith.addi %add3A_1830, %convert_element_type3A_1834 : vector<16xi32>
    %lt3A_1836 = arith.constant 8 : i32
    %lt3A_1837 = vector.broadcast %lt3A_1836 : i32 to vector<16xi32>
    %lt3A_1838 = arith.cmpi slt, %abs3A_1798, %lt3A_1837 : vector<16xi32>
    %select_n3A_1839 = arith.select %lt3A_1838, %abs3A_1798, %add3A_1835 : vector<16xi1>, vector<16xi32>
    %add3A_1840 = arith.addi %select_n3A_1797, %select_n3A_1839 : vector<16xi32>
    %gather3A_1841 = tpu.vector_load_idx %arg4[%add3A_1840, %broadcast_in_dim3A] : memref<32x16xf32, #tpu.memory_space<vmem>>[vector<16xi32>, vector<16xi32>], vector<16xf32>,
    %swap3A_1842 = arith.constant 0 : i32
    %swap3A_1843 = arith.index_cast %swap3A_1842 : i32 to index
    %swap3A_1844 = arith.constant 1104 : index
    %swap3A_1845 = tpu.vector_load %arg5[%swap3A_1843, %swap3A_1844] {strides = array<i32>} : memref<1x3072xf32, #tpu.memory_space<vmem>>, vector<16xf32>,
    tpu.vector_store %arg5[%swap3A_1843, %swap3A_1844], %gather3A_1841 {strides = array<i32>} : memref<1x3072xf32, #tpu.memory_space<vmem>>, vector<16xf32>,
    %sub3A_1846 = arith.constant 2047 : i32
    %sub3A_1847 = arith.subi %sub3A_1846, %mul3A_76 : i32
    %mul3A_1848 = arith.constant 3072 : i32
    %mul3A_1849 = arith.muli %select_n3A_72, %mul3A_1848 : i32
    %sub3A_1850 = arith.subi %sub3A_1847, %mul3A_1849 : i32
    %sub3A_1851 = arith.constant 1120 : i32
    %sub3A_1852 = arith.subi %sub3A_1850, %sub3A_1851 : i32
    %sub3A_1853 = vector.broadcast %sub3A_1852 : i32 to vector<16xi32>
    %sub3A_1854 = arith.subi %sub3A_1853, %iota3A : vector<16xi32>
    %ge3A_1855 = arith.constant 0 : i32
    %ge3A_1856 = vector.broadcast %ge3A_1855 : i32 to vector<16xi32>
    %ge3A_1857 = arith.cmpi sge, %sub3A_1854, %ge3A_1856 : vector<16xi32>
    %select_n3A_1858 = arith.select %ge3A_1857, %gather3A, %gather3A_83 : vector<16xi1>, vector<16xf32>
    %swap3A_1859 = arith.constant 0 : i32
    %swap3A_1860 = arith.index_cast %swap3A_1859 : i32 to index
    %swap3A_1861 = arith.constant 1120 : index
    %swap3A_1862 = tpu.vector_load %arg5[%swap3A_1860, %swap3A_1861] {strides = array<i32>} : memref<1x3072xf32, #tpu.memory_space<vmem>>, vector<16xf32>,
    tpu.vector_store %arg5[%swap3A_1860, %swap3A_1861], %select_n3A_1858 {strides = array<i32>} : memref<1x3072xf32, #tpu.memory_space<vmem>>, vector<16xf32>,
    %sub3A_1863 = arith.constant 2047 : i32
    %sub3A_1864 = arith.subi %sub3A_1863, %mul3A_76 : i32
    %mul3A_1865 = arith.constant 3072 : i32
    %mul3A_1866 = arith.muli %select_n3A_72, %mul3A_1865 : i32
    %sub3A_1867 = arith.subi %sub3A_1864, %mul3A_1866 : i32
    %sub3A_1868 = arith.constant 1136 : i32
    %sub3A_1869 = arith.subi %sub3A_1867, %sub3A_1868 : i32
    %sub3A_1870 = vector.broadcast %sub3A_1869 : i32 to vector<16xi32>
    %sub3A_1871 = arith.subi %sub3A_1870, %iota3A : vector<16xi32>
    %ge3A_1872 = arith.constant 0 : i32
    %ge3A_1873 = vector.broadcast %ge3A_1872 : i32 to vector<16xi32>
    %ge3A_1874 = arith.cmpi sge, %sub3A_1871, %ge3A_1873 : vector<16xi32>
    %select_n3A_1875 = arith.select %ge3A_1874, %gather3A, %gather3A_83 : vector<16xi1>, vector<16xf32>
    %swap3A_1876 = arith.constant 0 : i32
    %swap3A_1877 = arith.index_cast %swap3A_1876 : i32 to index
    %swap3A_1878 = arith.constant 1136 : index
    %swap3A_1879 = tpu.vector_load %arg5[%swap3A_1877, %swap3A_1878] {strides = array<i32>} : memref<1x3072xf32, #tpu.memory_space<vmem>>, vector<16xf32>,
    tpu.vector_store %arg5[%swap3A_1877, %swap3A_1878], %select_n3A_1875 {strides = array<i32>} : memref<1x3072xf32, #tpu.memory_space<vmem>>, vector<16xf32>,
    %sub3A_1880 = arith.constant 2047 : i32
    %sub3A_1881 = arith.subi %sub3A_1880, %mul3A_76 : i32
    %mul3A_1882 = arith.constant 3072 : i32
    %mul3A_1883 = arith.muli %select_n3A_72, %mul3A_1882 : i32
    %sub3A_1884 = arith.subi %sub3A_1881, %mul3A_1883 : i32
    %sub3A_1885 = arith.constant 1152 : i32
    %sub3A_1886 = arith.subi %sub3A_1884, %sub3A_1885 : i32
    %sub3A_1887 = vector.broadcast %sub3A_1886 : i32 to vector<16xi32>
    %sub3A_1888 = arith.subi %sub3A_1887, %iota3A : vector<16xi32>
    %ge3A_1889 = arith.constant 0 : i32
    %ge3A_1890 = vector.broadcast %ge3A_1889 : i32 to vector<16xi32>
    %ge3A_1891 = arith.cmpi sge, %sub3A_1888, %ge3A_1890 : vector<16xi32>
    %select_n3A_1892 = arith.select %ge3A_1891, %gather3A, %gather3A_83 : vector<16xi1>, vector<16xf32>
    %swap3A_1893 = arith.constant 0 : i32
    %swap3A_1894 = arith.index_cast %swap3A_1893 : i32 to index
    %swap3A_1895 = arith.constant 1152 : index
    %swap3A_1896 = tpu.vector_load %arg5[%swap3A_1894, %swap3A_1895] {strides = array<i32>} : memref<1x3072xf32, #tpu.memory_space<vmem>>, vector<16xf32>,
    tpu.vector_store %arg5[%swap3A_1894, %swap3A_1895], %select_n3A_1892 {strides = array<i32>} : memref<1x3072xf32, #tpu.memory_space<vmem>>, vector<16xf32>,
    %sub3A_1897 = arith.constant 2047 : i32
    %sub3A_1898 = arith.subi %sub3A_1897, %mul3A_76 : i32
    %mul3A_1899 = arith.constant 3072 : i32
    %mul3A_1900 = arith.muli %select_n3A_72, %mul3A_1899 : i32
    %sub3A_1901 = arith.subi %sub3A_1898, %mul3A_1900 : i32
    %sub3A_1902 = arith.constant 1168 : i32
    %sub3A_1903 = arith.subi %sub3A_1901, %sub3A_1902 : i32
    %sub3A_1904 = vector.broadcast %sub3A_1903 : i32 to vector<16xi32>
    %sub3A_1905 = arith.subi %sub3A_1904, %iota3A : vector<16xi32>
    %ge3A_1906 = arith.constant 0 : i32
    %ge3A_1907 = vector.broadcast %ge3A_1906 : i32 to vector<16xi32>
    %ge3A_1908 = arith.cmpi sge, %sub3A_1905, %ge3A_1907 : vector<16xi32>
    %select_n3A_1909 = arith.select %ge3A_1908, %gather3A, %gather3A_83 : vector<16xi1>, vector<16xf32>
    %swap3A_1910 = arith.constant 0 : i32
    %swap3A_1911 = arith.index_cast %swap3A_1910 : i32 to index
    %swap3A_1912 = arith.constant 1168 : index
    %swap3A_1913 = tpu.vector_load %arg5[%swap3A_1911, %swap3A_1912] {strides = array<i32>} : memref<1x3072xf32, #tpu.memory_space<vmem>>, vector<16xf32>,
    tpu.vector_store %arg5[%swap3A_1911, %swap3A_1912], %select_n3A_1909 {strides = array<i32>} : memref<1x3072xf32, #tpu.memory_space<vmem>>, vector<16xf32>,
    %sub3A_1914 = arith.constant 2047 : i32
    %sub3A_1915 = arith.subi %sub3A_1914, %mul3A_76 : i32
    %mul3A_1916 = arith.constant 3072 : i32
    %mul3A_1917 = arith.muli %select_n3A_72, %mul3A_1916 : i32
    %sub3A_1918 = arith.subi %sub3A_1915, %mul3A_1917 : i32
    %sub3A_1919 = arith.constant 1184 : i32
    %sub3A_1920 = arith.subi %sub3A_1918, %sub3A_1919 : i32
    %sub3A_1921 = vector.broadcast %sub3A_1920 : i32 to vector<16xi32>
    %sub3A_1922 = arith.subi %sub3A_1921, %iota3A : vector<16xi32>
    %ge3A_1923 = arith.constant 0 : i32
    %ge3A_1924 = vector.broadcast %ge3A_1923 : i32 to vector<16xi32>
    %ge3A_1925 = arith.cmpi sge, %sub3A_1922, %ge3A_1924 : vector<16xi32>
    %select_n3A_1926 = arith.select %ge3A_1925, %gather3A, %gather3A_83 : vector<16xi1>, vector<16xf32>
    %swap3A_1927 = arith.constant 0 : i32
    %swap3A_1928 = arith.index_cast %swap3A_1927 : i32 to index
    %swap3A_1929 = arith.constant 1184 : index
    %swap3A_1930 = tpu.vector_load %arg5[%swap3A_1928, %swap3A_1929] {strides = array<i32>} : memref<1x3072xf32, #tpu.memory_space<vmem>>, vector<16xf32>,
    tpu.vector_store %arg5[%swap3A_1928, %swap3A_1929], %select_n3A_1926 {strides = array<i32>} : memref<1x3072xf32, #tpu.memory_space<vmem>>, vector<16xf32>,
    %sub3A_1931 = arith.constant 2047 : i32
    %sub3A_1932 = arith.subi %sub3A_1931, %mul3A_76 : i32
    %mul3A_1933 = arith.constant 3072 : i32
    %mul3A_1934 = arith.muli %select_n3A_72, %mul3A_1933 : i32
    %sub3A_1935 = arith.subi %sub3A_1932, %mul3A_1934 : i32
    %sub3A_1936 = arith.constant 1200 : i32
    %sub3A_1937 = arith.subi %sub3A_1935, %sub3A_1936 : i32
    %sub3A_1938 = vector.broadcast %sub3A_1937 : i32 to vector<16xi32>
    %sub3A_1939 = arith.subi %sub3A_1938, %iota3A : vector<16xi32>
    %ge3A_1940 = arith.constant 0 : i32
    %ge3A_1941 = vector.broadcast %ge3A_1940 : i32 to vector<16xi32>
    %ge3A_1942 = arith.cmpi sge, %sub3A_1939, %ge3A_1941 : vector<16xi32>
    %select_n3A_1943 = arith.select %ge3A_1942, %gather3A, %gather3A_83 : vector<16xi1>, vector<16xf32>
    %swap3A_1944 = arith.constant 0 : i32
    %swap3A_1945 = arith.index_cast %swap3A_1944 : i32 to index
    %swap3A_1946 = arith.constant 1200 : index
    %swap3A_1947 = tpu.vector_load %arg5[%swap3A_1945, %swap3A_1946] {strides = array<i32>} : memref<1x3072xf32, #tpu.memory_space<vmem>>, vector<16xf32>,
    tpu.vector_store %arg5[%swap3A_1945, %swap3A_1946], %select_n3A_1943 {strides = array<i32>} : memref<1x3072xf32, #tpu.memory_space<vmem>>, vector<16xf32>,
    %sub3A_1948 = arith.constant 2047 : i32
    %sub3A_1949 = arith.subi %sub3A_1948, %mul3A_76 : i32
    %mul3A_1950 = arith.constant 3072 : i32
    %mul3A_1951 = arith.muli %select_n3A_72, %mul3A_1950 : i32
    %sub3A_1952 = arith.subi %sub3A_1949, %mul3A_1951 : i32
    %sub3A_1953 = arith.constant 1216 : i32
    %sub3A_1954 = arith.subi %sub3A_1952, %sub3A_1953 : i32
    %sub3A_1955 = vector.broadcast %sub3A_1954 : i32 to vector<16xi32>
    %sub3A_1956 = arith.subi %sub3A_1955, %iota3A : vector<16xi32>
    %ge3A_1957 = arith.constant 0 : i32
    %ge3A_1958 = vector.broadcast %ge3A_1957 : i32 to vector<16xi32>
    %ge3A_1959 = arith.cmpi sge, %sub3A_1956, %ge3A_1958 : vector<16xi32>
    %select_n3A_1960 = arith.select %ge3A_1959, %gather3A, %gather3A_83 : vector<16xi1>, vector<16xf32>
    %swap3A_1961 = arith.constant 0 : i32
    %swap3A_1962 = arith.index_cast %swap3A_1961 : i32 to index
    %swap3A_1963 = arith.constant 1216 : index
    %swap3A_1964 = tpu.vector_load %arg5[%swap3A_1962, %swap3A_1963] {strides = array<i32>} : memref<1x3072xf32, #tpu.memory_space<vmem>>, vector<16xf32>,
    tpu.vector_store %arg5[%swap3A_1962, %swap3A_1963], %select_n3A_1960 {strides = array<i32>} : memref<1x3072xf32, #tpu.memory_space<vmem>>, vector<16xf32>,
    %sub3A_1965 = arith.constant 2047 : i32
    %sub3A_1966 = arith.subi %sub3A_1965, %mul3A_76 : i32
    %mul3A_1967 = arith.constant 3072 : i32
    %mul3A_1968 = arith.muli %select_n3A_72, %mul3A_1967 : i32
    %sub3A_1969 = arith.subi %sub3A_1966, %mul3A_1968 : i32
    %sub3A_1970 = arith.constant 1232 : i32
    %sub3A_1971 = arith.subi %sub3A_1969, %sub3A_1970 : i32
    %sub3A_1972 = vector.broadcast %sub3A_1971 : i32 to vector<16xi32>
    %sub3A_1973 = arith.subi %sub3A_1972, %iota3A : vector<16xi32>
    %ge3A_1974 = arith.constant 0 : i32
    %ge3A_1975 = vector.broadcast %ge3A_1974 : i32 to vector<16xi32>
    %ge3A_1976 = arith.cmpi sge, %sub3A_1973, %ge3A_1975 : vector<16xi32>
    %select_n3A_1977 = arith.select %ge3A_1976, %gather3A, %gather3A_83 : vector<16xi1>, vector<16xf32>
    %swap3A_1978 = arith.constant 0 : i32
    %swap3A_1979 = arith.index_cast %swap3A_1978 : i32 to index
    %swap3A_1980 = arith.constant 1232 : index
    %swap3A_1981 = tpu.vector_load %arg5[%swap3A_1979, %swap3A_1980] {strides = array<i32>} : memref<1x3072xf32, #tpu.memory_space<vmem>>, vector<16xf32>,
    tpu.vector_store %arg5[%swap3A_1979, %swap3A_1980], %select_n3A_1977 {strides = array<i32>} : memref<1x3072xf32, #tpu.memory_space<vmem>>, vector<16xf32>,
    %sub3A_1982 = arith.constant 2047 : i32
    %sub3A_1983 = arith.subi %sub3A_1982, %mul3A_76 : i32
    %mul3A_1984 = arith.constant 3072 : i32
    %mul3A_1985 = arith.muli %select_n3A_72, %mul3A_1984 : i32
    %sub3A_1986 = arith.subi %sub3A_1983, %mul3A_1985 : i32
    %sub3A_1987 = arith.constant 1248 : i32
    %sub3A_1988 = arith.subi %sub3A_1986, %sub3A_1987 : i32
    %sub3A_1989 = vector.broadcast %sub3A_1988 : i32 to vector<16xi32>
    %sub3A_1990 = arith.subi %sub3A_1989, %iota3A : vector<16xi32>
    %ge3A_1991 = arith.constant 0 : i32
    %ge3A_1992 = vector.broadcast %ge3A_1991 : i32 to vector<16xi32>
    %ge3A_1993 = arith.cmpi sge, %sub3A_1990, %ge3A_1992 : vector<16xi32>
    %select_n3A_1994 = arith.select %ge3A_1993, %gather3A, %gather3A_83 : vector<16xi1>, vector<16xf32>
    %swap3A_1995 = arith.constant 0 : i32
    %swap3A_1996 = arith.index_cast %swap3A_1995 : i32 to index
    %swap3A_1997 = arith.constant 1248 : index
    %swap3A_1998 = tpu.vector_load %arg5[%swap3A_1996, %swap3A_1997] {strides = array<i32>} : memref<1x3072xf32, #tpu.memory_space<vmem>>, vector<16xf32>,
    tpu.vector_store %arg5[%swap3A_1996, %swap3A_1997], %select_n3A_1994 {strides = array<i32>} : memref<1x3072xf32, #tpu.memory_space<vmem>>, vector<16xf32>,
    %sub3A_1999 = arith.constant 2047 : i32
    %sub3A_2000 = arith.subi %sub3A_1999, %mul3A_76 : i32
    %mul3A_2001 = arith.constant 3072 : i32
    %mul3A_2002 = arith.muli %select_n3A_72, %mul3A_2001 : i32
    %sub3A_2003 = arith.subi %sub3A_2000, %mul3A_2002 : i32
    %sub3A_2004 = arith.constant 1264 : i32
    %sub3A_2005 = arith.subi %sub3A_2003, %sub3A_2004 : i32
    %sub3A_2006 = vector.broadcast %sub3A_2005 : i32 to vector<16xi32>
    %sub3A_2007 = arith.subi %sub3A_2006, %iota3A : vector<16xi32>
    %ge3A_2008 = arith.constant 0 : i32
    %ge3A_2009 = vector.broadcast %ge3A_2008 : i32 to vector<16xi32>
    %ge3A_2010 = arith.cmpi sge, %sub3A_2007, %ge3A_2009 : vector<16xi32>
    %select_n3A_2011 = arith.select %ge3A_2010, %gather3A, %gather3A_83 : vector<16xi1>, vector<16xf32>
    %swap3A_2012 = arith.constant 0 : i32
    %swap3A_2013 = arith.index_cast %swap3A_2012 : i32 to index
    %swap3A_2014 = arith.constant 1264 : index
    %swap3A_2015 = tpu.vector_load %arg5[%swap3A_2013, %swap3A_2014] {strides = array<i32>} : memref<1x3072xf32, #tpu.memory_space<vmem>>, vector<16xf32>,
    tpu.vector_store %arg5[%swap3A_2013, %swap3A_2014], %select_n3A_2011 {strides = array<i32>} : memref<1x3072xf32, #tpu.memory_space<vmem>>, vector<16xf32>,
    %sub3A_2016 = arith.constant 2047 : i32
    %sub3A_2017 = arith.subi %sub3A_2016, %mul3A_76 : i32
    %mul3A_2018 = arith.constant 3072 : i32
    %mul3A_2019 = arith.muli %select_n3A_72, %mul3A_2018 : i32
    %sub3A_2020 = arith.subi %sub3A_2017, %mul3A_2019 : i32
    %sub3A_2021 = arith.constant 1280 : i32
    %sub3A_2022 = arith.subi %sub3A_2020, %sub3A_2021 : i32
    %sub3A_2023 = vector.broadcast %sub3A_2022 : i32 to vector<16xi32>
    %sub3A_2024 = arith.subi %sub3A_2023, %iota3A : vector<16xi32>
    %ge3A_2025 = arith.constant 0 : i32
    %ge3A_2026 = vector.broadcast %ge3A_2025 : i32 to vector<16xi32>
    %ge3A_2027 = arith.cmpi sge, %sub3A_2024, %ge3A_2026 : vector<16xi32>
    %select_n3A_2028 = arith.select %ge3A_2027, %gather3A, %gather3A_83 : vector<16xi1>, vector<16xf32>
    %swap3A_2029 = arith.constant 0 : i32
    %swap3A_2030 = arith.index_cast %swap3A_2029 : i32 to index
    %swap3A_2031 = arith.constant 1280 : index
    %swap3A_2032 = tpu.vector_load %arg5[%swap3A_2030, %swap3A_2031] {strides = array<i32>} : memref<1x3072xf32, #tpu.memory_space<vmem>>, vector<16xf32>,
    tpu.vector_store %arg5[%swap3A_2030, %swap3A_2031], %select_n3A_2028 {strides = array<i32>} : memref<1x3072xf32, #tpu.memory_space<vmem>>, vector<16xf32>,
    %sub3A_2033 = arith.constant 2047 : i32
    %sub3A_2034 = arith.subi %sub3A_2033, %mul3A_76 : i32
    %mul3A_2035 = arith.constant 3072 : i32
    %mul3A_2036 = arith.muli %select_n3A_72, %mul3A_2035 : i32
    %sub3A_2037 = arith.subi %sub3A_2034, %mul3A_2036 : i32
    %sub3A_2038 = arith.constant 1296 : i32
    %sub3A_2039 = arith.subi %sub3A_2037, %sub3A_2038 : i32
    %sub3A_2040 = vector.broadcast %sub3A_2039 : i32 to vector<16xi32>
    %sub3A_2041 = arith.subi %sub3A_2040, %iota3A : vector<16xi32>
    %ge3A_2042 = arith.constant 0 : i32
    %ge3A_2043 = vector.broadcast %ge3A_2042 : i32 to vector<16xi32>
    %ge3A_2044 = arith.cmpi sge, %sub3A_2041, %ge3A_2043 : vector<16xi32>
    %select_n3A_2045 = arith.select %ge3A_2044, %gather3A, %gather3A_83 : vector<16xi1>, vector<16xf32>
    %swap3A_2046 = arith.constant 0 : i32
    %swap3A_2047 = arith.index_cast %swap3A_2046 : i32 to index
    %swap3A_2048 = arith.constant 1296 : index
    %swap3A_2049 = tpu.vector_load %arg5[%swap3A_2047, %swap3A_2048] {strides = array<i32>} : memref<1x3072xf32, #tpu.memory_space<vmem>>, vector<16xf32>,
    tpu.vector_store %arg5[%swap3A_2047, %swap3A_2048], %select_n3A_2045 {strides = array<i32>} : memref<1x3072xf32, #tpu.memory_space<vmem>>, vector<16xf32>,
    %sub3A_2050 = arith.constant 2047 : i32
    %sub3A_2051 = arith.subi %sub3A_2050, %mul3A_76 : i32
    %mul3A_2052 = arith.constant 3072 : i32
    %mul3A_2053 = arith.muli %select_n3A_72, %mul3A_2052 : i32
    %sub3A_2054 = arith.subi %sub3A_2051, %mul3A_2053 : i32
    %sub3A_2055 = arith.constant 1312 : i32
    %sub3A_2056 = arith.subi %sub3A_2054, %sub3A_2055 : i32
    %sub3A_2057 = vector.broadcast %sub3A_2056 : i32 to vector<16xi32>
    %sub3A_2058 = arith.subi %sub3A_2057, %iota3A : vector<16xi32>
    %ge3A_2059 = arith.constant 0 : i32
    %ge3A_2060 = vector.broadcast %ge3A_2059 : i32 to vector<16xi32>
    %ge3A_2061 = arith.cmpi sge, %sub3A_2058, %ge3A_2060 : vector<16xi32>
    %select_n3A_2062 = arith.select %ge3A_2061, %gather3A, %gather3A_83 : vector<16xi1>, vector<16xf32>
    %swap3A_2063 = arith.constant 0 : i32
    %swap3A_2064 = arith.index_cast %swap3A_2063 : i32 to index
    %swap3A_2065 = arith.constant 1312 : index
    %swap3A_2066 = tpu.vector_load %arg5[%swap3A_2064, %swap3A_2065] {strides = array<i32>} : memref<1x3072xf32, #tpu.memory_space<vmem>>, vector<16xf32>,
    tpu.vector_store %arg5[%swap3A_2064, %swap3A_2065], %select_n3A_2062 {strides = array<i32>} : memref<1x3072xf32, #tpu.memory_space<vmem>>, vector<16xf32>,
    %sub3A_2067 = arith.constant 2047 : i32
    %sub3A_2068 = arith.subi %sub3A_2067, %mul3A_76 : i32
    %mul3A_2069 = arith.constant 3072 : i32
    %mul3A_2070 = arith.muli %select_n3A_72, %mul3A_2069 : i32
    %sub3A_2071 = arith.subi %sub3A_2068, %mul3A_2070 : i32
    %sub3A_2072 = arith.constant 1328 : i32
    %sub3A_2073 = arith.subi %sub3A_2071, %sub3A_2072 : i32
    %sub3A_2074 = vector.broadcast %sub3A_2073 : i32 to vector<16xi32>
    %sub3A_2075 = arith.subi %sub3A_2074, %iota3A : vector<16xi32>
    %ge3A_2076 = arith.constant 0 : i32
    %ge3A_2077 = vector.broadcast %ge3A_2076 : i32 to vector<16xi32>
    %ge3A_2078 = arith.cmpi sge, %sub3A_2075, %ge3A_2077 : vector<16xi32>
    %select_n3A_2079 = arith.select %ge3A_2078, %gather3A, %gather3A_83 : vector<16xi1>, vector<16xf32>
    %swap3A_2080 = arith.constant 0 : i32
    %swap3A_2081 = arith.index_cast %swap3A_2080 : i32 to index
    %swap3A_2082 = arith.constant 1328 : index
    %swap3A_2083 = tpu.vector_load %arg5[%swap3A_2081, %swap3A_2082] {strides = array<i32>} : memref<1x3072xf32, #tpu.memory_space<vmem>>, vector<16xf32>,
    tpu.vector_store %arg5[%swap3A_2081, %swap3A_2082], %select_n3A_2079 {strides = array<i32>} : memref<1x3072xf32, #tpu.memory_space<vmem>>, vector<16xf32>,
    %sub3A_2084 = arith.constant 2047 : i32
    %sub3A_2085 = arith.subi %sub3A_2084, %mul3A_76 : i32
    %mul3A_2086 = arith.constant 3072 : i32
    %mul3A_2087 = arith.muli %select_n3A_72, %mul3A_2086 : i32
    %sub3A_2088 = arith.subi %sub3A_2085, %mul3A_2087 : i32
    %sub3A_2089 = arith.constant 1344 : i32
    %sub3A_2090 = arith.subi %sub3A_2088, %sub3A_2089 : i32
    %sub3A_2091 = vector.broadcast %sub3A_2090 : i32 to vector<16xi32>
    %sub3A_2092 = arith.subi %sub3A_2091, %iota3A : vector<16xi32>
    %ge3A_2093 = arith.constant 0 : i32
    %ge3A_2094 = vector.broadcast %ge3A_2093 : i32 to vector<16xi32>
    %ge3A_2095 = arith.cmpi sge, %sub3A_2092, %ge3A_2094 : vector<16xi32>
    %select_n3A_2096 = arith.select %ge3A_2095, %gather3A, %gather3A_83 : vector<16xi1>, vector<16xf32>
    %swap3A_2097 = arith.constant 0 : i32
    %swap3A_2098 = arith.index_cast %swap3A_2097 : i32 to index
    %swap3A_2099 = arith.constant 1344 : index
    %swap3A_2100 = tpu.vector_load %arg5[%swap3A_2098, %swap3A_2099] {strides = array<i32>} : memref<1x3072xf32, #tpu.memory_space<vmem>>, vector<16xf32>,
    tpu.vector_store %arg5[%swap3A_2098, %swap3A_2099], %select_n3A_2096 {strides = array<i32>} : memref<1x3072xf32, #tpu.memory_space<vmem>>, vector<16xf32>,
    %sub3A_2101 = arith.constant 2047 : i32
    %sub3A_2102 = arith.subi %sub3A_2101, %mul3A_76 : i32
    %mul3A_2103 = arith.constant 3072 : i32
    %mul3A_2104 = arith.muli %select_n3A_72, %mul3A_2103 : i32
    %sub3A_2105 = arith.subi %sub3A_2102, %mul3A_2104 : i32
    %sub3A_2106 = arith.constant 1360 : i32
    %sub3A_2107 = arith.subi %sub3A_2105, %sub3A_2106 : i32
    %sub3A_2108 = vector.broadcast %sub3A_2107 : i32 to vector<16xi32>
    %sub3A_2109 = arith.subi %sub3A_2108, %iota3A : vector<16xi32>
    %ge3A_2110 = arith.constant 0 : i32
    %ge3A_2111 = vector.broadcast %ge3A_2110 : i32 to vector<16xi32>
    %ge3A_2112 = arith.cmpi sge, %sub3A_2109, %ge3A_2111 : vector<16xi32>
    %select_n3A_2113 = arith.select %ge3A_2112, %gather3A, %gather3A_83 : vector<16xi1>, vector<16xf32>
    %swap3A_2114 = arith.constant 0 : i32
    %swap3A_2115 = arith.index_cast %swap3A_2114 : i32 to index
    %swap3A_2116 = arith.constant 1360 : index
    %swap3A_2117 = tpu.vector_load %arg5[%swap3A_2115, %swap3A_2116] {strides = array<i32>} : memref<1x3072xf32, #tpu.memory_space<vmem>>, vector<16xf32>,
    tpu.vector_store %arg5[%swap3A_2115, %swap3A_2116], %select_n3A_2113 {strides = array<i32>} : memref<1x3072xf32, #tpu.memory_space<vmem>>, vector<16xf32>,
    %sub3A_2118 = arith.constant 2047 : i32
    %sub3A_2119 = arith.subi %sub3A_2118, %mul3A_76 : i32
    %mul3A_2120 = arith.constant 3072 : i32
    %mul3A_2121 = arith.muli %select_n3A_72, %mul3A_2120 : i32
    %sub3A_2122 = arith.subi %sub3A_2119, %mul3A_2121 : i32
    %sub3A_2123 = arith.constant 1376 : i32
    %sub3A_2124 = arith.subi %sub3A_2122, %sub3A_2123 : i32
    %sub3A_2125 = vector.broadcast %sub3A_2124 : i32 to vector<16xi32>
    %sub3A_2126 = arith.subi %sub3A_2125, %iota3A : vector<16xi32>
    %ge3A_2127 = arith.constant 0 : i32
    %ge3A_2128 = vector.broadcast %ge3A_2127 : i32 to vector<16xi32>
    %ge3A_2129 = arith.cmpi sge, %sub3A_2126, %ge3A_2128 : vector<16xi32>
    %select_n3A_2130 = arith.select %ge3A_2129, %gather3A, %gather3A_83 : vector<16xi1>, vector<16xf32>
    %swap3A_2131 = arith.constant 0 : i32
    %swap3A_2132 = arith.index_cast %swap3A_2131 : i32 to index
    %swap3A_2133 = arith.constant 1376 : index
    %swap3A_2134 = tpu.vector_load %arg5[%swap3A_2132, %swap3A_2133] {strides = array<i32>} : memref<1x3072xf32, #tpu.memory_space<vmem>>, vector<16xf32>,
    tpu.vector_store %arg5[%swap3A_2132, %swap3A_2133], %select_n3A_2130 {strides = array<i32>} : memref<1x3072xf32, #tpu.memory_space<vmem>>, vector<16xf32>,
    %sub3A_2135 = arith.constant 2047 : i32
    %sub3A_2136 = arith.subi %sub3A_2135, %mul3A_76 : i32
    %mul3A_2137 = arith.constant 3072 : i32
    %mul3A_2138 = arith.muli %select_n3A_72, %mul3A_2137 : i32
    %sub3A_2139 = arith.subi %sub3A_2136, %mul3A_2138 : i32
    %sub3A_2140 = arith.constant 1392 : i32
    %sub3A_2141 = arith.subi %sub3A_2139, %sub3A_2140 : i32
    %sub3A_2142 = vector.broadcast %sub3A_2141 : i32 to vector<16xi32>
    %sub3A_2143 = arith.subi %sub3A_2142, %iota3A : vector<16xi32>
    %ge3A_2144 = arith.constant 0 : i32
    %ge3A_2145 = vector.broadcast %ge3A_2144 : i32 to vector<16xi32>
    %ge3A_2146 = arith.cmpi sge, %sub3A_2143, %ge3A_2145 : vector<16xi32>
    %select_n3A_2147 = arith.select %ge3A_2146, %gather3A, %gather3A_83 : vector<16xi1>, vector<16xf32>
    %swap3A_2148 = arith.constant 0 : i32
    %swap3A_2149 = arith.index_cast %swap3A_2148 : i32 to index
    %swap3A_2150 = arith.constant 1392 : index
    %swap3A_2151 = tpu.vector_load %arg5[%swap3A_2149, %swap3A_2150] {strides = array<i32>} : memref<1x3072xf32, #tpu.memory_space<vmem>>, vector<16xf32>,
    tpu.vector_store %arg5[%swap3A_2149, %swap3A_2150], %select_n3A_2147 {strides = array<i32>} : memref<1x3072xf32, #tpu.memory_space<vmem>>, vector<16xf32>,
    %sub3A_2152 = arith.constant 2047 : i32
    %sub3A_2153 = arith.subi %sub3A_2152, %mul3A_76 : i32
    %mul3A_2154 = arith.constant 3072 : i32
    %mul3A_2155 = arith.muli %select_n3A_72, %mul3A_2154 : i32
    %sub3A_2156 = arith.subi %sub3A_2153, %mul3A_2155 : i32
    %sub3A_2157 = arith.constant 1408 : i32
    %sub3A_2158 = arith.subi %sub3A_2156, %sub3A_2157 : i32
    %sub3A_2159 = vector.broadcast %sub3A_2158 : i32 to vector<16xi32>
    %sub3A_2160 = arith.subi %sub3A_2159, %iota3A : vector<16xi32>
    %ge3A_2161 = arith.constant 0 : i32
    %ge3A_2162 = vector.broadcast %ge3A_2161 : i32 to vector<16xi32>
    %ge3A_2163 = arith.cmpi sge, %sub3A_2160, %ge3A_2162 : vector<16xi32>
    %select_n3A_2164 = arith.select %ge3A_2163, %gather3A, %gather3A_83 : vector<16xi1>, vector<16xf32>
    %swap3A_2165 = arith.constant 0 : i32
    %swap3A_2166 = arith.index_cast %swap3A_2165 : i32 to index
    %swap3A_2167 = arith.constant 1408 : index
    %swap3A_2168 = tpu.vector_load %arg5[%swap3A_2166, %swap3A_2167] {strides = array<i32>} : memref<1x3072xf32, #tpu.memory_space<vmem>>, vector<16xf32>,
    tpu.vector_store %arg5[%swap3A_2166, %swap3A_2167], %select_n3A_2164 {strides = array<i32>} : memref<1x3072xf32, #tpu.memory_space<vmem>>, vector<16xf32>,
    %sub3A_2169 = arith.constant 2047 : i32
    %sub3A_2170 = arith.subi %sub3A_2169, %mul3A_76 : i32
    %mul3A_2171 = arith.constant 3072 : i32
    %mul3A_2172 = arith.muli %select_n3A_72, %mul3A_2171 : i32
    %sub3A_2173 = arith.subi %sub3A_2170, %mul3A_2172 : i32
    %sub3A_2174 = arith.constant 1424 : i32
    %sub3A_2175 = arith.subi %sub3A_2173, %sub3A_2174 : i32
    %sub3A_2176 = vector.broadcast %sub3A_2175 : i32 to vector<16xi32>
    %sub3A_2177 = arith.subi %sub3A_2176, %iota3A : vector<16xi32>
    %ge3A_2178 = arith.constant 0 : i32
    %ge3A_2179 = vector.broadcast %ge3A_2178 : i32 to vector<16xi32>
    %ge3A_2180 = arith.cmpi sge, %sub3A_2177, %ge3A_2179 : vector<16xi32>
    %select_n3A_2181 = arith.select %ge3A_2180, %gather3A, %gather3A_83 : vector<16xi1>, vector<16xf32>
    %swap3A_2182 = arith.constant 0 : i32
    %swap3A_2183 = arith.index_cast %swap3A_2182 : i32 to index
    %swap3A_2184 = arith.constant 1424 : index
    %swap3A_2185 = tpu.vector_load %arg5[%swap3A_2183, %swap3A_2184] {strides = array<i32>} : memref<1x3072xf32, #tpu.memory_space<vmem>>, vector<16xf32>,
    tpu.vector_store %arg5[%swap3A_2183, %swap3A_2184], %select_n3A_2181 {strides = array<i32>} : memref<1x3072xf32, #tpu.memory_space<vmem>>, vector<16xf32>,
    %sub3A_2186 = arith.constant 2047 : i32
    %sub3A_2187 = arith.subi %sub3A_2186, %mul3A_76 : i32
    %mul3A_2188 = arith.constant 3072 : i32
    %mul3A_2189 = arith.muli %select_n3A_72, %mul3A_2188 : i32
    %sub3A_2190 = arith.subi %sub3A_2187, %mul3A_2189 : i32
    %sub3A_2191 = arith.constant 1440 : i32
    %sub3A_2192 = arith.subi %sub3A_2190, %sub3A_2191 : i32
    %sub3A_2193 = vector.broadcast %sub3A_2192 : i32 to vector<16xi32>
    %sub3A_2194 = arith.subi %sub3A_2193, %iota3A : vector<16xi32>
    %ge3A_2195 = arith.constant 0 : i32
    %ge3A_2196 = vector.broadcast %ge3A_2195 : i32 to vector<16xi32>
    %ge3A_2197 = arith.cmpi sge, %sub3A_2194, %ge3A_2196 : vector<16xi32>
    %select_n3A_2198 = arith.select %ge3A_2197, %gather3A, %gather3A_83 : vector<16xi1>, vector<16xf32>
    %swap3A_2199 = arith.constant 0 : i32
    %swap3A_2200 = arith.index_cast %swap3A_2199 : i32 to index
    %swap3A_2201 = arith.constant 1440 : index
    %swap3A_2202 = tpu.vector_load %arg5[%swap3A_2200, %swap3A_2201] {strides = array<i32>} : memref<1x3072xf32, #tpu.memory_space<vmem>>, vector<16xf32>,
    tpu.vector_store %arg5[%swap3A_2200, %swap3A_2201], %select_n3A_2198 {strides = array<i32>} : memref<1x3072xf32, #tpu.memory_space<vmem>>, vector<16xf32>,
    %sub3A_2203 = arith.constant 2047 : i32
    %sub3A_2204 = arith.subi %sub3A_2203, %mul3A_76 : i32
    %mul3A_2205 = arith.constant 3072 : i32
    %mul3A_2206 = arith.muli %select_n3A_72, %mul3A_2205 : i32
    %sub3A_2207 = arith.subi %sub3A_2204, %mul3A_2206 : i32
    %sub3A_2208 = arith.constant 1456 : i32
    %sub3A_2209 = arith.subi %sub3A_2207, %sub3A_2208 : i32
    %sub3A_2210 = vector.broadcast %sub3A_2209 : i32 to vector<16xi32>
    %sub3A_2211 = arith.subi %sub3A_2210, %iota3A : vector<16xi32>
    %ge3A_2212 = arith.constant 0 : i32
    %ge3A_2213 = vector.broadcast %ge3A_2212 : i32 to vector<16xi32>
    %ge3A_2214 = arith.cmpi sge, %sub3A_2211, %ge3A_2213 : vector<16xi32>
    %select_n3A_2215 = arith.select %ge3A_2214, %gather3A, %gather3A_83 : vector<16xi1>, vector<16xf32>
    %swap3A_2216 = arith.constant 0 : i32
    %swap3A_2217 = arith.index_cast %swap3A_2216 : i32 to index
    %swap3A_2218 = arith.constant 1456 : index
    %swap3A_2219 = tpu.vector_load %arg5[%swap3A_2217, %swap3A_2218] {strides = array<i32>} : memref<1x3072xf32, #tpu.memory_space<vmem>>, vector<16xf32>,
    tpu.vector_store %arg5[%swap3A_2217, %swap3A_2218], %select_n3A_2215 {strides = array<i32>} : memref<1x3072xf32, #tpu.memory_space<vmem>>, vector<16xf32>,
    %sub3A_2220 = arith.constant 2047 : i32
    %sub3A_2221 = arith.subi %sub3A_2220, %mul3A_76 : i32
    %mul3A_2222 = arith.constant 3072 : i32
    %mul3A_2223 = arith.muli %select_n3A_72, %mul3A_2222 : i32
    %sub3A_2224 = arith.subi %sub3A_2221, %mul3A_2223 : i32
    %sub3A_2225 = arith.constant 1472 : i32
    %sub3A_2226 = arith.subi %sub3A_2224, %sub3A_2225 : i32
    %sub3A_2227 = vector.broadcast %sub3A_2226 : i32 to vector<16xi32>
    %sub3A_2228 = arith.subi %sub3A_2227, %iota3A : vector<16xi32>
    %ge3A_2229 = arith.constant 0 : i32
    %ge3A_2230 = vector.broadcast %ge3A_2229 : i32 to vector<16xi32>
    %ge3A_2231 = arith.cmpi sge, %sub3A_2228, %ge3A_2230 : vector<16xi32>
    %select_n3A_2232 = arith.select %ge3A_2231, %gather3A, %gather3A_83 : vector<16xi1>, vector<16xf32>
    %swap3A_2233 = arith.constant 0 : i32
    %swap3A_2234 = arith.index_cast %swap3A_2233 : i32 to index
    %swap3A_2235 = arith.constant 1472 : index
    %swap3A_2236 = tpu.vector_load %arg5[%swap3A_2234, %swap3A_2235] {strides = array<i32>} : memref<1x3072xf32, #tpu.memory_space<vmem>>, vector<16xf32>,
    tpu.vector_store %arg5[%swap3A_2234, %swap3A_2235], %select_n3A_2232 {strides = array<i32>} : memref<1x3072xf32, #tpu.memory_space<vmem>>, vector<16xf32>,
    %sub3A_2237 = arith.constant 2047 : i32
    %sub3A_2238 = arith.subi %sub3A_2237, %mul3A_76 : i32
    %mul3A_2239 = arith.constant 3072 : i32
    %mul3A_2240 = arith.muli %select_n3A_72, %mul3A_2239 : i32
    %sub3A_2241 = arith.subi %sub3A_2238, %mul3A_2240 : i32
    %sub3A_2242 = arith.constant 1488 : i32
    %sub3A_2243 = arith.subi %sub3A_2241, %sub3A_2242 : i32
    %sub3A_2244 = vector.broadcast %sub3A_2243 : i32 to vector<16xi32>
    %sub3A_2245 = arith.subi %sub3A_2244, %iota3A : vector<16xi32>
    %ge3A_2246 = arith.constant 0 : i32
    %ge3A_2247 = vector.broadcast %ge3A_2246 : i32 to vector<16xi32>
    %ge3A_2248 = arith.cmpi sge, %sub3A_2245, %ge3A_2247 : vector<16xi32>
    %select_n3A_2249 = arith.select %ge3A_2248, %gather3A, %gather3A_83 : vector<16xi1>, vector<16xf32>
    %swap3A_2250 = arith.constant 0 : i32
    %swap3A_2251 = arith.index_cast %swap3A_2250 : i32 to index
    %swap3A_2252 = arith.constant 1488 : index
    %swap3A_2253 = tpu.vector_load %arg5[%swap3A_2251, %swap3A_2252] {strides = array<i32>} : memref<1x3072xf32, #tpu.memory_space<vmem>>, vector<16xf32>,
    tpu.vector_store %arg5[%swap3A_2251, %swap3A_2252], %select_n3A_2249 {strides = array<i32>} : memref<1x3072xf32, #tpu.memory_space<vmem>>, vector<16xf32>,
    %sub3A_2254 = arith.constant 2047 : i32
    %sub3A_2255 = arith.subi %sub3A_2254, %mul3A_76 : i32
    %mul3A_2256 = arith.constant 3072 : i32
    %mul3A_2257 = arith.muli %select_n3A_72, %mul3A_2256 : i32
    %sub3A_2258 = arith.subi %sub3A_2255, %mul3A_2257 : i32
    %sub3A_2259 = arith.constant 1504 : i32
    %sub3A_2260 = arith.subi %sub3A_2258, %sub3A_2259 : i32
    %sub3A_2261 = vector.broadcast %sub3A_2260 : i32 to vector<16xi32>
    %sub3A_2262 = arith.subi %sub3A_2261, %iota3A : vector<16xi32>
    %ge3A_2263 = arith.constant 0 : i32
    %ge3A_2264 = vector.broadcast %ge3A_2263 : i32 to vector<16xi32>
    %ge3A_2265 = arith.cmpi sge, %sub3A_2262, %ge3A_2264 : vector<16xi32>
    %select_n3A_2266 = arith.select %ge3A_2265, %gather3A, %gather3A_83 : vector<16xi1>, vector<16xf32>
    %swap3A_2267 = arith.constant 0 : i32
    %swap3A_2268 = arith.index_cast %swap3A_2267 : i32 to index
    %swap3A_2269 = arith.constant 1504 : index
    %swap3A_2270 = tpu.vector_load %arg5[%swap3A_2268, %swap3A_2269] {strides = array<i32>} : memref<1x3072xf32, #tpu.memory_space<vmem>>, vector<16xf32>,
    tpu.vector_store %arg5[%swap3A_2268, %swap3A_2269], %select_n3A_2266 {strides = array<i32>} : memref<1x3072xf32, #tpu.memory_space<vmem>>, vector<16xf32>,
    %sub3A_2271 = arith.constant 2047 : i32
    %sub3A_2272 = arith.subi %sub3A_2271, %mul3A_76 : i32
    %mul3A_2273 = arith.constant 3072 : i32
    %mul3A_2274 = arith.muli %select_n3A_72, %mul3A_2273 : i32
    %sub3A_2275 = arith.subi %sub3A_2272, %mul3A_2274 : i32
    %sub3A_2276 = arith.constant 1520 : i32
    %sub3A_2277 = arith.subi %sub3A_2275, %sub3A_2276 : i32
    %sub3A_2278 = vector.broadcast %sub3A_2277 : i32 to vector<16xi32>
    %sub3A_2279 = arith.subi %sub3A_2278, %iota3A : vector<16xi32>
    %ge3A_2280 = arith.constant 0 : i32
    %ge3A_2281 = vector.broadcast %ge3A_2280 : i32 to vector<16xi32>
    %ge3A_2282 = arith.cmpi sge, %sub3A_2279, %ge3A_2281 : vector<16xi32>
    %select_n3A_2283 = arith.select %ge3A_2282, %gather3A, %gather3A_83 : vector<16xi1>, vector<16xf32>
    %swap3A_2284 = arith.constant 0 : i32
    %swap3A_2285 = arith.index_cast %swap3A_2284 : i32 to index
    %swap3A_2286 = arith.constant 1520 : index
    %swap3A_2287 = tpu.vector_load %arg5[%swap3A_2285, %swap3A_2286] {strides = array<i32>} : memref<1x3072xf32, #tpu.memory_space<vmem>>, vector<16xf32>,
    tpu.vector_store %arg5[%swap3A_2285, %swap3A_2286], %select_n3A_2283 {strides = array<i32>} : memref<1x3072xf32, #tpu.memory_space<vmem>>, vector<16xf32>,
    %sub3A_2288 = arith.constant 2047 : i32
    %sub3A_2289 = arith.subi %sub3A_2288, %mul3A_76 : i32
    %mul3A_2290 = arith.constant 3072 : i32
    %mul3A_2291 = arith.muli %select_n3A_72, %mul3A_2290 : i32
    %sub3A_2292 = arith.subi %sub3A_2289, %mul3A_2291 : i32
    %sub3A_2293 = arith.constant 1536 : i32
    %sub3A_2294 = arith.subi %sub3A_2292, %sub3A_2293 : i32
    %sub3A_2295 = vector.broadcast %sub3A_2294 : i32 to vector<16xi32>
    %sub3A_2296 = arith.subi %sub3A_2295, %iota3A : vector<16xi32>
    %ge3A_2297 = arith.constant 0 : i32
    %ge3A_2298 = vector.broadcast %ge3A_2297 : i32 to vector<16xi32>
    %ge3A_2299 = arith.cmpi sge, %sub3A_2296, %ge3A_2298 : vector<16xi32>
    %select_n3A_2300 = arith.select %ge3A_2299, %gather3A, %gather3A_83 : vector<16xi1>, vector<16xf32>
    %swap3A_2301 = arith.constant 0 : i32
    %swap3A_2302 = arith.index_cast %swap3A_2301 : i32 to index
    %swap3A_2303 = arith.constant 1536 : index
    %swap3A_2304 = tpu.vector_load %arg5[%swap3A_2302, %swap3A_2303] {strides = array<i32>} : memref<1x3072xf32, #tpu.memory_space<vmem>>, vector<16xf32>,
    tpu.vector_store %arg5[%swap3A_2302, %swap3A_2303], %select_n3A_2300 {strides = array<i32>} : memref<1x3072xf32, #tpu.memory_space<vmem>>, vector<16xf32>,
    %sub3A_2305 = arith.constant 2047 : i32
    %sub3A_2306 = arith.subi %sub3A_2305, %mul3A_76 : i32
    %mul3A_2307 = arith.constant 3072 : i32
    %mul3A_2308 = arith.muli %select_n3A_72, %mul3A_2307 : i32
    %sub3A_2309 = arith.subi %sub3A_2306, %mul3A_2308 : i32
    %sub3A_2310 = arith.constant 1552 : i32
    %sub3A_2311 = arith.subi %sub3A_2309, %sub3A_2310 : i32
    %sub3A_2312 = vector.broadcast %sub3A_2311 : i32 to vector<16xi32>
    %sub3A_2313 = arith.subi %sub3A_2312, %iota3A : vector<16xi32>
    %ge3A_2314 = arith.constant 0 : i32
    %ge3A_2315 = vector.broadcast %ge3A_2314 : i32 to vector<16xi32>
    %ge3A_2316 = arith.cmpi sge, %sub3A_2313, %ge3A_2315 : vector<16xi32>
    %select_n3A_2317 = arith.select %ge3A_2316, %gather3A, %gather3A_83 : vector<16xi1>, vector<16xf32>
    %swap3A_2318 = arith.constant 0 : i32
    %swap3A_2319 = arith.index_cast %swap3A_2318 : i32 to index
    %swap3A_2320 = arith.constant 1552 : index
    %swap3A_2321 = tpu.vector_load %arg5[%swap3A_2319, %swap3A_2320] {strides = array<i32>} : memref<1x3072xf32, #tpu.memory_space<vmem>>, vector<16xf32>,
    tpu.vector_store %arg5[%swap3A_2319, %swap3A_2320], %select_n3A_2317 {strides = array<i32>} : memref<1x3072xf32, #tpu.memory_space<vmem>>, vector<16xf32>,
    %sub3A_2322 = arith.constant 2047 : i32
    %sub3A_2323 = arith.subi %sub3A_2322, %mul3A_76 : i32
    %mul3A_2324 = arith.constant 3072 : i32
    %mul3A_2325 = arith.muli %select_n3A_72, %mul3A_2324 : i32
    %sub3A_2326 = arith.subi %sub3A_2323, %mul3A_2325 : i32
    %sub3A_2327 = arith.constant 1568 : i32
    %sub3A_2328 = arith.subi %sub3A_2326, %sub3A_2327 : i32
    %sub3A_2329 = vector.broadcast %sub3A_2328 : i32 to vector<16xi32>
    %sub3A_2330 = arith.subi %sub3A_2329, %iota3A : vector<16xi32>
    %ge3A_2331 = arith.constant 0 : i32
    %ge3A_2332 = vector.broadcast %ge3A_2331 : i32 to vector<16xi32>
    %ge3A_2333 = arith.cmpi sge, %sub3A_2330, %ge3A_2332 : vector<16xi32>
    %select_n3A_2334 = arith.select %ge3A_2333, %gather3A, %gather3A_83 : vector<16xi1>, vector<16xf32>
    %swap3A_2335 = arith.constant 0 : i32
    %swap3A_2336 = arith.index_cast %swap3A_2335 : i32 to index
    %swap3A_2337 = arith.constant 1568 : index
    %swap3A_2338 = tpu.vector_load %arg5[%swap3A_2336, %swap3A_2337] {strides = array<i32>} : memref<1x3072xf32, #tpu.memory_space<vmem>>, vector<16xf32>,
    tpu.vector_store %arg5[%swap3A_2336, %swap3A_2337], %select_n3A_2334 {strides = array<i32>} : memref<1x3072xf32, #tpu.memory_space<vmem>>, vector<16xf32>,
    %sub3A_2339 = arith.constant 2047 : i32
    %sub3A_2340 = arith.subi %sub3A_2339, %mul3A_76 : i32
    %mul3A_2341 = arith.constant 3072 : i32
    %mul3A_2342 = arith.muli %select_n3A_72, %mul3A_2341 : i32
    %sub3A_2343 = arith.subi %sub3A_2340, %mul3A_2342 : i32
    %sub3A_2344 = arith.constant 1584 : i32
    %sub3A_2345 = arith.subi %sub3A_2343, %sub3A_2344 : i32
    %sub3A_2346 = vector.broadcast %sub3A_2345 : i32 to vector<16xi32>
    %sub3A_2347 = arith.subi %sub3A_2346, %iota3A : vector<16xi32>
    %ge3A_2348 = arith.constant 0 : i32
    %ge3A_2349 = vector.broadcast %ge3A_2348 : i32 to vector<16xi32>
    %ge3A_2350 = arith.cmpi sge, %sub3A_2347, %ge3A_2349 : vector<16xi32>
    %select_n3A_2351 = arith.select %ge3A_2350, %gather3A, %gather3A_83 : vector<16xi1>, vector<16xf32>
    %swap3A_2352 = arith.constant 0 : i32
    %swap3A_2353 = arith.index_cast %swap3A_2352 : i32 to index
    %swap3A_2354 = arith.constant 1584 : index
    %swap3A_2355 = tpu.vector_load %arg5[%swap3A_2353, %swap3A_2354] {strides = array<i32>} : memref<1x3072xf32, #tpu.memory_space<vmem>>, vector<16xf32>,
    tpu.vector_store %arg5[%swap3A_2353, %swap3A_2354], %select_n3A_2351 {strides = array<i32>} : memref<1x3072xf32, #tpu.memory_space<vmem>>, vector<16xf32>,
    %sub3A_2356 = arith.constant 2047 : i32
    %sub3A_2357 = arith.subi %sub3A_2356, %mul3A_76 : i32
    %mul3A_2358 = arith.constant 3072 : i32
    %mul3A_2359 = arith.muli %select_n3A_72, %mul3A_2358 : i32
    %sub3A_2360 = arith.subi %sub3A_2357, %mul3A_2359 : i32
    %sub3A_2361 = arith.constant 1600 : i32
    %sub3A_2362 = arith.subi %sub3A_2360, %sub3A_2361 : i32
    %sub3A_2363 = vector.broadcast %sub3A_2362 : i32 to vector<16xi32>
    %sub3A_2364 = arith.subi %sub3A_2363, %iota3A : vector<16xi32>
    %ge3A_2365 = arith.constant 0 : i32
    %ge3A_2366 = vector.broadcast %ge3A_2365 : i32 to vector<16xi32>
    %ge3A_2367 = arith.cmpi sge, %sub3A_2364, %ge3A_2366 : vector<16xi32>
    %select_n3A_2368 = arith.select %ge3A_2367, %gather3A, %gather3A_83 : vector<16xi1>, vector<16xf32>
    %swap3A_2369 = arith.constant 0 : i32
    %swap3A_2370 = arith.index_cast %swap3A_2369 : i32 to index
    %swap3A_2371 = arith.constant 1600 : index
    %swap3A_2372 = tpu.vector_load %arg5[%swap3A_2370, %swap3A_2371] {strides = array<i32>} : memref<1x3072xf32, #tpu.memory_space<vmem>>, vector<16xf32>,
    tpu.vector_store %arg5[%swap3A_2370, %swap3A_2371], %select_n3A_2368 {strides = array<i32>} : memref<1x3072xf32, #tpu.memory_space<vmem>>, vector<16xf32>,
    %sub3A_2373 = arith.constant 2047 : i32
    %sub3A_2374 = arith.subi %sub3A_2373, %mul3A_76 : i32
    %mul3A_2375 = arith.constant 3072 : i32
    %mul3A_2376 = arith.muli %select_n3A_72, %mul3A_2375 : i32
    %sub3A_2377 = arith.subi %sub3A_2374, %mul3A_2376 : i32
    %sub3A_2378 = arith.constant 1616 : i32
    %sub3A_2379 = arith.subi %sub3A_2377, %sub3A_2378 : i32
    %sub3A_2380 = vector.broadcast %sub3A_2379 : i32 to vector<16xi32>
    %sub3A_2381 = arith.subi %sub3A_2380, %iota3A : vector<16xi32>
    %ge3A_2382 = arith.constant 0 : i32
    %ge3A_2383 = vector.broadcast %ge3A_2382 : i32 to vector<16xi32>
    %ge3A_2384 = arith.cmpi sge, %sub3A_2381, %ge3A_2383 : vector<16xi32>
    %select_n3A_2385 = arith.select %ge3A_2384, %gather3A, %gather3A_83 : vector<16xi1>, vector<16xf32>
    %swap3A_2386 = arith.constant 0 : i32
    %swap3A_2387 = arith.index_cast %swap3A_2386 : i32 to index
    %swap3A_2388 = arith.constant 1616 : index
    %swap3A_2389 = tpu.vector_load %arg5[%swap3A_2387, %swap3A_2388] {strides = array<i32>} : memref<1x3072xf32, #tpu.memory_space<vmem>>, vector<16xf32>,
    tpu.vector_store %arg5[%swap3A_2387, %swap3A_2388], %select_n3A_2385 {strides = array<i32>} : memref<1x3072xf32, #tpu.memory_space<vmem>>, vector<16xf32>,
    %sub3A_2390 = arith.constant 2047 : i32
    %sub3A_2391 = arith.subi %sub3A_2390, %mul3A_76 : i32
    %mul3A_2392 = arith.constant 3072 : i32
    %mul3A_2393 = arith.muli %select_n3A_72, %mul3A_2392 : i32
    %sub3A_2394 = arith.subi %sub3A_2391, %mul3A_2393 : i32
    %sub3A_2395 = arith.constant 1632 : i32
    %sub3A_2396 = arith.subi %sub3A_2394, %sub3A_2395 : i32
    %sub3A_2397 = vector.broadcast %sub3A_2396 : i32 to vector<16xi32>
    %sub3A_2398 = arith.subi %sub3A_2397, %iota3A : vector<16xi32>
    %ge3A_2399 = arith.constant 0 : i32
    %ge3A_2400 = vector.broadcast %ge3A_2399 : i32 to vector<16xi32>
    %ge3A_2401 = arith.cmpi sge, %sub3A_2398, %ge3A_2400 : vector<16xi32>
    %select_n3A_2402 = arith.select %ge3A_2401, %gather3A, %gather3A_83 : vector<16xi1>, vector<16xf32>
    %swap3A_2403 = arith.constant 0 : i32
    %swap3A_2404 = arith.index_cast %swap3A_2403 : i32 to index
    %swap3A_2405 = arith.constant 1632 : index
    %swap3A_2406 = tpu.vector_load %arg5[%swap3A_2404, %swap3A_2405] {strides = array<i32>} : memref<1x3072xf32, #tpu.memory_space<vmem>>, vector<16xf32>,
    tpu.vector_store %arg5[%swap3A_2404, %swap3A_2405], %select_n3A_2402 {strides = array<i32>} : memref<1x3072xf32, #tpu.memory_space<vmem>>, vector<16xf32>,
    %sub3A_2407 = arith.constant 2047 : i32
    %sub3A_2408 = arith.subi %sub3A_2407, %mul3A_76 : i32
    %mul3A_2409 = arith.constant 3072 : i32
    %mul3A_2410 = arith.muli %select_n3A_72, %mul3A_2409 : i32
    %sub3A_2411 = arith.subi %sub3A_2408, %mul3A_2410 : i32
    %sub3A_2412 = arith.constant 1648 : i32
    %sub3A_2413 = arith.subi %sub3A_2411, %sub3A_2412 : i32
    %sub3A_2414 = vector.broadcast %sub3A_2413 : i32 to vector<16xi32>
    %sub3A_2415 = arith.subi %sub3A_2414, %iota3A : vector<16xi32>
    %ge3A_2416 = arith.constant 0 : i32
    %ge3A_2417 = vector.broadcast %ge3A_2416 : i32 to vector<16xi32>
    %ge3A_2418 = arith.cmpi sge, %sub3A_2415, %ge3A_2417 : vector<16xi32>
    %select_n3A_2419 = arith.select %ge3A_2418, %gather3A, %gather3A_83 : vector<16xi1>, vector<16xf32>
    %swap3A_2420 = arith.constant 0 : i32
    %swap3A_2421 = arith.index_cast %swap3A_2420 : i32 to index
    %swap3A_2422 = arith.constant 1648 : index
    %swap3A_2423 = tpu.vector_load %arg5[%swap3A_2421, %swap3A_2422] {strides = array<i32>} : memref<1x3072xf32, #tpu.memory_space<vmem>>, vector<16xf32>,
    tpu.vector_store %arg5[%swap3A_2421, %swap3A_2422], %select_n3A_2419 {strides = array<i32>} : memref<1x3072xf32, #tpu.memory_space<vmem>>, vector<16xf32>,
    %sub3A_2424 = arith.constant 2047 : i32
    %sub3A_2425 = arith.subi %sub3A_2424, %mul3A_76 : i32
    %mul3A_2426 = arith.constant 3072 : i32
    %mul3A_2427 = arith.muli %select_n3A_72, %mul3A_2426 : i32
    %sub3A_2428 = arith.subi %sub3A_2425, %mul3A_2427 : i32
    %sub3A_2429 = arith.constant 1664 : i32
    %sub3A_2430 = arith.subi %sub3A_2428, %sub3A_2429 : i32
    %sub3A_2431 = vector.broadcast %sub3A_2430 : i32 to vector<16xi32>
    %sub3A_2432 = arith.subi %sub3A_2431, %iota3A : vector<16xi32>
    %ge3A_2433 = arith.constant 0 : i32
    %ge3A_2434 = vector.broadcast %ge3A_2433 : i32 to vector<16xi32>
    %ge3A_2435 = arith.cmpi sge, %sub3A_2432, %ge3A_2434 : vector<16xi32>
    %select_n3A_2436 = arith.select %ge3A_2435, %gather3A, %gather3A_83 : vector<16xi1>, vector<16xf32>
    %swap3A_2437 = arith.constant 0 : i32
    %swap3A_2438 = arith.index_cast %swap3A_2437 : i32 to index
    %swap3A_2439 = arith.constant 1664 : index
    %swap3A_2440 = tpu.vector_load %arg5[%swap3A_2438, %swap3A_2439] {strides = array<i32>} : memref<1x3072xf32, #tpu.memory_space<vmem>>, vector<16xf32>,
    tpu.vector_store %arg5[%swap3A_2438, %swap3A_2439], %select_n3A_2436 {strides = array<i32>} : memref<1x3072xf32, #tpu.memory_space<vmem>>, vector<16xf32>,
    %sub3A_2441 = arith.constant 2047 : i32
    %sub3A_2442 = arith.subi %sub3A_2441, %mul3A_76 : i32
    %mul3A_2443 = arith.constant 3072 : i32
    %mul3A_2444 = arith.muli %select_n3A_72, %mul3A_2443 : i32
    %sub3A_2445 = arith.subi %sub3A_2442, %mul3A_2444 : i32
    %sub3A_2446 = arith.constant 1680 : i32
    %sub3A_2447 = arith.subi %sub3A_2445, %sub3A_2446 : i32
    %sub3A_2448 = vector.broadcast %sub3A_2447 : i32 to vector<16xi32>
    %sub3A_2449 = arith.subi %sub3A_2448, %iota3A : vector<16xi32>
    %ge3A_2450 = arith.constant 0 : i32
    %ge3A_2451 = vector.broadcast %ge3A_2450 : i32 to vector<16xi32>
    %ge3A_2452 = arith.cmpi sge, %sub3A_2449, %ge3A_2451 : vector<16xi32>
    %select_n3A_2453 = arith.select %ge3A_2452, %gather3A, %gather3A_83 : vector<16xi1>, vector<16xf32>
    %swap3A_2454 = arith.constant 0 : i32
    %swap3A_2455 = arith.index_cast %swap3A_2454 : i32 to index
    %swap3A_2456 = arith.constant 1680 : index
    %swap3A_2457 = tpu.vector_load %arg5[%swap3A_2455, %swap3A_2456] {strides = array<i32>} : memref<1x3072xf32, #tpu.memory_space<vmem>>, vector<16xf32>,
    tpu.vector_store %arg5[%swap3A_2455, %swap3A_2456], %select_n3A_2453 {strides = array<i32>} : memref<1x3072xf32, #tpu.memory_space<vmem>>, vector<16xf32>,
    %sub3A_2458 = arith.constant 2047 : i32
    %sub3A_2459 = arith.subi %sub3A_2458, %mul3A_76 : i32
    %mul3A_2460 = arith.constant 3072 : i32
    %mul3A_2461 = arith.muli %select_n3A_72, %mul3A_2460 : i32
    %sub3A_2462 = arith.subi %sub3A_2459, %mul3A_2461 : i32
    %sub3A_2463 = arith.constant 1696 : i32
    %sub3A_2464 = arith.subi %sub3A_2462, %sub3A_2463 : i32
    %sub3A_2465 = vector.broadcast %sub3A_2464 : i32 to vector<16xi32>
    %sub3A_2466 = arith.subi %sub3A_2465, %iota3A : vector<16xi32>
    %ge3A_2467 = arith.constant 0 : i32
    %ge3A_2468 = vector.broadcast %ge3A_2467 : i32 to vector<16xi32>
    %ge3A_2469 = arith.cmpi sge, %sub3A_2466, %ge3A_2468 : vector<16xi32>
    %select_n3A_2470 = arith.select %ge3A_2469, %gather3A, %gather3A_83 : vector<16xi1>, vector<16xf32>
    %swap3A_2471 = arith.constant 0 : i32
    %swap3A_2472 = arith.index_cast %swap3A_2471 : i32 to index
    %swap3A_2473 = arith.constant 1696 : index
    %swap3A_2474 = tpu.vector_load %arg5[%swap3A_2472, %swap3A_2473] {strides = array<i32>} : memref<1x3072xf32, #tpu.memory_space<vmem>>, vector<16xf32>,
    tpu.vector_store %arg5[%swap3A_2472, %swap3A_2473], %select_n3A_2470 {strides = array<i32>} : memref<1x3072xf32, #tpu.memory_space<vmem>>, vector<16xf32>,
    %sub3A_2475 = arith.constant 2047 : i32
    %sub3A_2476 = arith.subi %sub3A_2475, %mul3A_76 : i32
    %mul3A_2477 = arith.constant 3072 : i32
    %mul3A_2478 = arith.muli %select_n3A_72, %mul3A_2477 : i32
    %sub3A_2479 = arith.subi %sub3A_2476, %mul3A_2478 : i32
    %sub3A_2480 = arith.constant 1712 : i32
    %sub3A_2481 = arith.subi %sub3A_2479, %sub3A_2480 : i32
    %sub3A_2482 = vector.broadcast %sub3A_2481 : i32 to vector<16xi32>
    %sub3A_2483 = arith.subi %sub3A_2482, %iota3A : vector<16xi32>
    %ge3A_2484 = arith.constant 0 : i32
    %ge3A_2485 = vector.broadcast %ge3A_2484 : i32 to vector<16xi32>
    %ge3A_2486 = arith.cmpi sge, %sub3A_2483, %ge3A_2485 : vector<16xi32>
    %select_n3A_2487 = arith.select %ge3A_2486, %gather3A, %gather3A_83 : vector<16xi1>, vector<16xf32>
    %swap3A_2488 = arith.constant 0 : i32
    %swap3A_2489 = arith.index_cast %swap3A_2488 : i32 to index
    %swap3A_2490 = arith.constant 1712 : index
    %swap3A_2491 = tpu.vector_load %arg5[%swap3A_2489, %swap3A_2490] {strides = array<i32>} : memref<1x3072xf32, #tpu.memory_space<vmem>>, vector<16xf32>,
    tpu.vector_store %arg5[%swap3A_2489, %swap3A_2490], %select_n3A_2487 {strides = array<i32>} : memref<1x3072xf32, #tpu.memory_space<vmem>>, vector<16xf32>,
    %sub3A_2492 = arith.constant 2047 : i32
    %sub3A_2493 = arith.subi %sub3A_2492, %mul3A_76 : i32
    %mul3A_2494 = arith.constant 3072 : i32
    %mul3A_2495 = arith.muli %select_n3A_72, %mul3A_2494 : i32
    %sub3A_2496 = arith.subi %sub3A_2493, %mul3A_2495 : i32
    %sub3A_2497 = arith.constant 1728 : i32
    %sub3A_2498 = arith.subi %sub3A_2496, %sub3A_2497 : i32
    %sub3A_2499 = vector.broadcast %sub3A_2498 : i32 to vector<16xi32>
    %sub3A_2500 = arith.subi %sub3A_2499, %iota3A : vector<16xi32>
    %ge3A_2501 = arith.constant 0 : i32
    %ge3A_2502 = vector.broadcast %ge3A_2501 : i32 to vector<16xi32>
    %ge3A_2503 = arith.cmpi sge, %sub3A_2500, %ge3A_2502 : vector<16xi32>
    %select_n3A_2504 = arith.select %ge3A_2503, %gather3A, %gather3A_83 : vector<16xi1>, vector<16xf32>
    %swap3A_2505 = arith.constant 0 : i32
    %swap3A_2506 = arith.index_cast %swap3A_2505 : i32 to index
    %swap3A_2507 = arith.constant 1728 : index
    %swap3A_2508 = tpu.vector_load %arg5[%swap3A_2506, %swap3A_2507] {strides = array<i32>} : memref<1x3072xf32, #tpu.memory_space<vmem>>, vector<16xf32>,
    tpu.vector_store %arg5[%swap3A_2506, %swap3A_2507], %select_n3A_2504 {strides = array<i32>} : memref<1x3072xf32, #tpu.memory_space<vmem>>, vector<16xf32>,
    %sub3A_2509 = arith.constant 2047 : i32
    %sub3A_2510 = arith.subi %sub3A_2509, %mul3A_76 : i32
    %mul3A_2511 = arith.constant 3072 : i32
    %mul3A_2512 = arith.muli %select_n3A_72, %mul3A_2511 : i32
    %sub3A_2513 = arith.subi %sub3A_2510, %mul3A_2512 : i32
    %sub3A_2514 = arith.constant 1744 : i32
    %sub3A_2515 = arith.subi %sub3A_2513, %sub3A_2514 : i32
    %sub3A_2516 = vector.broadcast %sub3A_2515 : i32 to vector<16xi32>
    %sub3A_2517 = arith.subi %sub3A_2516, %iota3A : vector<16xi32>
    %ge3A_2518 = arith.constant 0 : i32
    %ge3A_2519 = vector.broadcast %ge3A_2518 : i32 to vector<16xi32>
    %ge3A_2520 = arith.cmpi sge, %sub3A_2517, %ge3A_2519 : vector<16xi32>
    %select_n3A_2521 = arith.select %ge3A_2520, %gather3A, %gather3A_83 : vector<16xi1>, vector<16xf32>
    %swap3A_2522 = arith.constant 0 : i32
    %swap3A_2523 = arith.index_cast %swap3A_2522 : i32 to index
    %swap3A_2524 = arith.constant 1744 : index
    %swap3A_2525 = tpu.vector_load %arg5[%swap3A_2523, %swap3A_2524] {strides = array<i32>} : memref<1x3072xf32, #tpu.memory_space<vmem>>, vector<16xf32>,
    tpu.vector_store %arg5[%swap3A_2523, %swap3A_2524], %select_n3A_2521 {strides = array<i32>} : memref<1x3072xf32, #tpu.memory_space<vmem>>, vector<16xf32>,
    %sub3A_2526 = arith.constant 2047 : i32
    %sub3A_2527 = arith.subi %sub3A_2526, %mul3A_76 : i32
    %mul3A_2528 = arith.constant 3072 : i32
    %mul3A_2529 = arith.muli %select_n3A_72, %mul3A_2528 : i32
    %sub3A_2530 = arith.subi %sub3A_2527, %mul3A_2529 : i32
    %sub3A_2531 = arith.constant 1760 : i32
    %sub3A_2532 = arith.subi %sub3A_2530, %sub3A_2531 : i32
    %sub3A_2533 = vector.broadcast %sub3A_2532 : i32 to vector<16xi32>
    %sub3A_2534 = arith.subi %sub3A_2533, %iota3A : vector<16xi32>
    %ge3A_2535 = arith.constant 0 : i32
    %ge3A_2536 = vector.broadcast %ge3A_2535 : i32 to vector<16xi32>
    %ge3A_2537 = arith.cmpi sge, %sub3A_2534, %ge3A_2536 : vector<16xi32>
    %select_n3A_2538 = arith.select %ge3A_2537, %gather3A, %gather3A_83 : vector<16xi1>, vector<16xf32>
    %swap3A_2539 = arith.constant 0 : i32
    %swap3A_2540 = arith.index_cast %swap3A_2539 : i32 to index
    %swap3A_2541 = arith.constant 1760 : index
    %swap3A_2542 = tpu.vector_load %arg5[%swap3A_2540, %swap3A_2541] {strides = array<i32>} : memref<1x3072xf32, #tpu.memory_space<vmem>>, vector<16xf32>,
    tpu.vector_store %arg5[%swap3A_2540, %swap3A_2541], %select_n3A_2538 {strides = array<i32>} : memref<1x3072xf32, #tpu.memory_space<vmem>>, vector<16xf32>,
    %sub3A_2543 = arith.constant 2047 : i32
    %sub3A_2544 = arith.subi %sub3A_2543, %mul3A_76 : i32
    %mul3A_2545 = arith.constant 3072 : i32
    %mul3A_2546 = arith.muli %select_n3A_72, %mul3A_2545 : i32
    %sub3A_2547 = arith.subi %sub3A_2544, %mul3A_2546 : i32
    %sub3A_2548 = arith.constant 1776 : i32
    %sub3A_2549 = arith.subi %sub3A_2547, %sub3A_2548 : i32
    %sub3A_2550 = vector.broadcast %sub3A_2549 : i32 to vector<16xi32>
    %sub3A_2551 = arith.subi %sub3A_2550, %iota3A : vector<16xi32>
    %ge3A_2552 = arith.constant 0 : i32
    %ge3A_2553 = vector.broadcast %ge3A_2552 : i32 to vector<16xi32>
    %ge3A_2554 = arith.cmpi sge, %sub3A_2551, %ge3A_2553 : vector<16xi32>
    %select_n3A_2555 = arith.select %ge3A_2554, %gather3A, %gather3A_83 : vector<16xi1>, vector<16xf32>
    %swap3A_2556 = arith.constant 0 : i32
    %swap3A_2557 = arith.index_cast %swap3A_2556 : i32 to index
    %swap3A_2558 = arith.constant 1776 : index
    %swap3A_2559 = tpu.vector_load %arg5[%swap3A_2557, %swap3A_2558] {strides = array<i32>} : memref<1x3072xf32, #tpu.memory_space<vmem>>, vector<16xf32>,
    tpu.vector_store %arg5[%swap3A_2557, %swap3A_2558], %select_n3A_2555 {strides = array<i32>} : memref<1x3072xf32, #tpu.memory_space<vmem>>, vector<16xf32>,
    %sub3A_2560 = arith.constant 2047 : i32
    %sub3A_2561 = arith.subi %sub3A_2560, %mul3A_76 : i32
    %mul3A_2562 = arith.constant 3072 : i32
    %mul3A_2563 = arith.muli %select_n3A_72, %mul3A_2562 : i32
    %sub3A_2564 = arith.subi %sub3A_2561, %mul3A_2563 : i32
    %sub3A_2565 = arith.constant 1792 : i32
    %sub3A_2566 = arith.subi %sub3A_2564, %sub3A_2565 : i32
    %sub3A_2567 = vector.broadcast %sub3A_2566 : i32 to vector<16xi32>
    %sub3A_2568 = arith.subi %sub3A_2567, %iota3A : vector<16xi32>
    %ge3A_2569 = arith.constant 0 : i32
    %ge3A_2570 = vector.broadcast %ge3A_2569 : i32 to vector<16xi32>
    %ge3A_2571 = arith.cmpi sge, %sub3A_2568, %ge3A_2570 : vector<16xi32>
    %select_n3A_2572 = arith.select %ge3A_2571, %gather3A, %gather3A_83 : vector<16xi1>, vector<16xf32>
    %swap3A_2573 = arith.constant 0 : i32
    %swap3A_2574 = arith.index_cast %swap3A_2573 : i32 to index
    %swap3A_2575 = arith.constant 1792 : index
    %swap3A_2576 = tpu.vector_load %arg5[%swap3A_2574, %swap3A_2575] {strides = array<i32>} : memref<1x3072xf32, #tpu.memory_space<vmem>>, vector<16xf32>,
    tpu.vector_store %arg5[%swap3A_2574, %swap3A_2575], %select_n3A_2572 {strides = array<i32>} : memref<1x3072xf32, #tpu.memory_space<vmem>>, vector<16xf32>,
    %sub3A_2577 = arith.constant 2047 : i32
    %sub3A_2578 = arith.subi %sub3A_2577, %mul3A_76 : i32
    %mul3A_2579 = arith.constant 3072 : i32
    %mul3A_2580 = arith.muli %select_n3A_72, %mul3A_2579 : i32
    %sub3A_2581 = arith.subi %sub3A_2578, %mul3A_2580 : i32
    %sub3A_2582 = arith.constant 1808 : i32
    %sub3A_2583 = arith.subi %sub3A_2581, %sub3A_2582 : i32
    %sub3A_2584 = vector.broadcast %sub3A_2583 : i32 to vector<16xi32>
    %sub3A_2585 = arith.subi %sub3A_2584, %iota3A : vector<16xi32>
    %ge3A_2586 = arith.constant 0 : i32
    %ge3A_2587 = vector.broadcast %ge3A_2586 : i32 to vector<16xi32>
    %ge3A_2588 = arith.cmpi sge, %sub3A_2585, %ge3A_2587 : vector<16xi32>
    %select_n3A_2589 = arith.select %ge3A_2588, %gather3A, %gather3A_83 : vector<16xi1>, vector<16xf32>
    %swap3A_2590 = arith.constant 0 : i32
    %swap3A_2591 = arith.index_cast %swap3A_2590 : i32 to index
    %swap3A_2592 = arith.constant 1808 : index
    %swap3A_2593 = tpu.vector_load %arg5[%swap3A_2591, %swap3A_2592] {strides = array<i32>} : memref<1x3072xf32, #tpu.memory_space<vmem>>, vector<16xf32>,
    tpu.vector_store %arg5[%swap3A_2591, %swap3A_2592], %select_n3A_2589 {strides = array<i32>} : memref<1x3072xf32, #tpu.memory_space<vmem>>, vector<16xf32>,
    %sub3A_2594 = arith.constant 2047 : i32
    %sub3A_2595 = arith.subi %sub3A_2594, %mul3A_76 : i32
    %mul3A_2596 = arith.constant 3072 : i32
    %mul3A_2597 = arith.muli %select_n3A_72, %mul3A_2596 : i32
    %sub3A_2598 = arith.subi %sub3A_2595, %mul3A_2597 : i32
    %sub3A_2599 = arith.constant 1824 : i32
    %sub3A_2600 = arith.subi %sub3A_2598, %sub3A_2599 : i32
    %sub3A_2601 = vector.broadcast %sub3A_2600 : i32 to vector<16xi32>
    %sub3A_2602 = arith.subi %sub3A_2601, %iota3A : vector<16xi32>
    %ge3A_2603 = arith.constant 0 : i32
    %ge3A_2604 = vector.broadcast %ge3A_2603 : i32 to vector<16xi32>
    %ge3A_2605 = arith.cmpi sge, %sub3A_2602, %ge3A_2604 : vector<16xi32>
    %select_n3A_2606 = arith.select %ge3A_2605, %gather3A, %gather3A_83 : vector<16xi1>, vector<16xf32>
    %swap3A_2607 = arith.constant 0 : i32
    %swap3A_2608 = arith.index_cast %swap3A_2607 : i32 to index
    %swap3A_2609 = arith.constant 1824 : index
    %swap3A_2610 = tpu.vector_load %arg5[%swap3A_2608, %swap3A_2609] {strides = array<i32>} : memref<1x3072xf32, #tpu.memory_space<vmem>>, vector<16xf32>,
    tpu.vector_store %arg5[%swap3A_2608, %swap3A_2609], %select_n3A_2606 {strides = array<i32>} : memref<1x3072xf32, #tpu.memory_space<vmem>>, vector<16xf32>,
    %sub3A_2611 = arith.constant 2047 : i32
    %sub3A_2612 = arith.subi %sub3A_2611, %mul3A_76 : i32
    %mul3A_2613 = arith.constant 3072 : i32
    %mul3A_2614 = arith.muli %select_n3A_72, %mul3A_2613 : i32
    %sub3A_2615 = arith.subi %sub3A_2612, %mul3A_2614 : i32
    %sub3A_2616 = arith.constant 1840 : i32
    %sub3A_2617 = arith.subi %sub3A_2615, %sub3A_2616 : i32
    %sub3A_2618 = vector.broadcast %sub3A_2617 : i32 to vector<16xi32>
    %sub3A_2619 = arith.subi %sub3A_2618, %iota3A : vector<16xi32>
    %ge3A_2620 = arith.constant 0 : i32
    %ge3A_2621 = vector.broadcast %ge3A_2620 : i32 to vector<16xi32>
    %ge3A_2622 = arith.cmpi sge, %sub3A_2619, %ge3A_2621 : vector<16xi32>
    %select_n3A_2623 = arith.select %ge3A_2622, %gather3A, %gather3A_83 : vector<16xi1>, vector<16xf32>
    %swap3A_2624 = arith.constant 0 : i32
    %swap3A_2625 = arith.index_cast %swap3A_2624 : i32 to index
    %swap3A_2626 = arith.constant 1840 : index
    %swap3A_2627 = tpu.vector_load %arg5[%swap3A_2625, %swap3A_2626] {strides = array<i32>} : memref<1x3072xf32, #tpu.memory_space<vmem>>, vector<16xf32>,
    tpu.vector_store %arg5[%swap3A_2625, %swap3A_2626], %select_n3A_2623 {strides = array<i32>} : memref<1x3072xf32, #tpu.memory_space<vmem>>, vector<16xf32>,
    %sub3A_2628 = arith.constant 2047 : i32
    %sub3A_2629 = arith.subi %sub3A_2628, %mul3A_76 : i32
    %mul3A_2630 = arith.constant 3072 : i32
    %mul3A_2631 = arith.muli %select_n3A_72, %mul3A_2630 : i32
    %sub3A_2632 = arith.subi %sub3A_2629, %mul3A_2631 : i32
    %sub3A_2633 = arith.constant 1856 : i32
    %sub3A_2634 = arith.subi %sub3A_2632, %sub3A_2633 : i32
    %sub3A_2635 = vector.broadcast %sub3A_2634 : i32 to vector<16xi32>
    %sub3A_2636 = arith.subi %sub3A_2635, %iota3A : vector<16xi32>
    %ge3A_2637 = arith.constant 0 : i32
    %ge3A_2638 = vector.broadcast %ge3A_2637 : i32 to vector<16xi32>
    %ge3A_2639 = arith.cmpi sge, %sub3A_2636, %ge3A_2638 : vector<16xi32>
    %select_n3A_2640 = arith.select %ge3A_2639, %gather3A, %gather3A_83 : vector<16xi1>, vector<16xf32>
    %swap3A_2641 = arith.constant 0 : i32
    %swap3A_2642 = arith.index_cast %swap3A_2641 : i32 to index
    %swap3A_2643 = arith.constant 1856 : index
    %swap3A_2644 = tpu.vector_load %arg5[%swap3A_2642, %swap3A_2643] {strides = array<i32>} : memref<1x3072xf32, #tpu.memory_space<vmem>>, vector<16xf32>,
    tpu.vector_store %arg5[%swap3A_2642, %swap3A_2643], %select_n3A_2640 {strides = array<i32>} : memref<1x3072xf32, #tpu.memory_space<vmem>>, vector<16xf32>,
    %sub3A_2645 = arith.constant 2047 : i32
    %sub3A_2646 = arith.subi %sub3A_2645, %mul3A_76 : i32
    %mul3A_2647 = arith.constant 3072 : i32
    %mul3A_2648 = arith.muli %select_n3A_72, %mul3A_2647 : i32
    %sub3A_2649 = arith.subi %sub3A_2646, %mul3A_2648 : i32
    %sub3A_2650 = arith.constant 1872 : i32
    %sub3A_2651 = arith.subi %sub3A_2649, %sub3A_2650 : i32
    %sub3A_2652 = vector.broadcast %sub3A_2651 : i32 to vector<16xi32>
    %sub3A_2653 = arith.subi %sub3A_2652, %iota3A : vector<16xi32>
    %ge3A_2654 = arith.constant 0 : i32
    %ge3A_2655 = vector.broadcast %ge3A_2654 : i32 to vector<16xi32>
    %ge3A_2656 = arith.cmpi sge, %sub3A_2653, %ge3A_2655 : vector<16xi32>
    %select_n3A_2657 = arith.select %ge3A_2656, %gather3A, %gather3A_83 : vector<16xi1>, vector<16xf32>
    %swap3A_2658 = arith.constant 0 : i32
    %swap3A_2659 = arith.index_cast %swap3A_2658 : i32 to index
    %swap3A_2660 = arith.constant 1872 : index
    %swap3A_2661 = tpu.vector_load %arg5[%swap3A_2659, %swap3A_2660] {strides = array<i32>} : memref<1x3072xf32, #tpu.memory_space<vmem>>, vector<16xf32>,
    tpu.vector_store %arg5[%swap3A_2659, %swap3A_2660], %select_n3A_2657 {strides = array<i32>} : memref<1x3072xf32, #tpu.memory_space<vmem>>, vector<16xf32>,
    %sub3A_2662 = arith.constant 2047 : i32
    %sub3A_2663 = arith.subi %sub3A_2662, %mul3A_76 : i32
    %mul3A_2664 = arith.constant 3072 : i32
    %mul3A_2665 = arith.muli %select_n3A_72, %mul3A_2664 : i32
    %sub3A_2666 = arith.subi %sub3A_2663, %mul3A_2665 : i32
    %sub3A_2667 = arith.constant 1888 : i32
    %sub3A_2668 = arith.subi %sub3A_2666, %sub3A_2667 : i32
    %sub3A_2669 = vector.broadcast %sub3A_2668 : i32 to vector<16xi32>
    %sub3A_2670 = arith.subi %sub3A_2669, %iota3A : vector<16xi32>
    %ge3A_2671 = arith.constant 0 : i32
    %ge3A_2672 = vector.broadcast %ge3A_2671 : i32 to vector<16xi32>
    %ge3A_2673 = arith.cmpi sge, %sub3A_2670, %ge3A_2672 : vector<16xi32>
    %select_n3A_2674 = arith.select %ge3A_2673, %gather3A, %gather3A_83 : vector<16xi1>, vector<16xf32>
    %swap3A_2675 = arith.constant 0 : i32
    %swap3A_2676 = arith.index_cast %swap3A_2675 : i32 to index
    %swap3A_2677 = arith.constant 1888 : index
    %swap3A_2678 = tpu.vector_load %arg5[%swap3A_2676, %swap3A_2677] {strides = array<i32>} : memref<1x3072xf32, #tpu.memory_space<vmem>>, vector<16xf32>,
    tpu.vector_store %arg5[%swap3A_2676, %swap3A_2677], %select_n3A_2674 {strides = array<i32>} : memref<1x3072xf32, #tpu.memory_space<vmem>>, vector<16xf32>,
    %sub3A_2679 = arith.constant 2047 : i32
    %sub3A_2680 = arith.subi %sub3A_2679, %mul3A_76 : i32
    %mul3A_2681 = arith.constant 3072 : i32
    %mul3A_2682 = arith.muli %select_n3A_72, %mul3A_2681 : i32
    %sub3A_2683 = arith.subi %sub3A_2680, %mul3A_2682 : i32
    %sub3A_2684 = arith.constant 1904 : i32
    %sub3A_2685 = arith.subi %sub3A_2683, %sub3A_2684 : i32
    %sub3A_2686 = vector.broadcast %sub3A_2685 : i32 to vector<16xi32>
    %sub3A_2687 = arith.subi %sub3A_2686, %iota3A : vector<16xi32>
    %ge3A_2688 = arith.constant 0 : i32
    %ge3A_2689 = vector.broadcast %ge3A_2688 : i32 to vector<16xi32>
    %ge3A_2690 = arith.cmpi sge, %sub3A_2687, %ge3A_2689 : vector<16xi32>
    %select_n3A_2691 = arith.select %ge3A_2690, %gather3A, %gather3A_83 : vector<16xi1>, vector<16xf32>
    %swap3A_2692 = arith.constant 0 : i32
    %swap3A_2693 = arith.index_cast %swap3A_2692 : i32 to index
    %swap3A_2694 = arith.constant 1904 : index
    %swap3A_2695 = tpu.vector_load %arg5[%swap3A_2693, %swap3A_2694] {strides = array<i32>} : memref<1x3072xf32, #tpu.memory_space<vmem>>, vector<16xf32>,
    tpu.vector_store %arg5[%swap3A_2693, %swap3A_2694], %select_n3A_2691 {strides = array<i32>} : memref<1x3072xf32, #tpu.memory_space<vmem>>, vector<16xf32>,
    %sub3A_2696 = arith.constant 2047 : i32
    %sub3A_2697 = arith.subi %sub3A_2696, %mul3A_76 : i32
    %mul3A_2698 = arith.constant 3072 : i32
    %mul3A_2699 = arith.muli %select_n3A_72, %mul3A_2698 : i32
    %sub3A_2700 = arith.subi %sub3A_2697, %mul3A_2699 : i32
    %sub3A_2701 = arith.constant 1920 : i32
    %sub3A_2702 = arith.subi %sub3A_2700, %sub3A_2701 : i32
    %sub3A_2703 = vector.broadcast %sub3A_2702 : i32 to vector<16xi32>
    %sub3A_2704 = arith.subi %sub3A_2703, %iota3A : vector<16xi32>
    %ge3A_2705 = arith.constant 0 : i32
    %ge3A_2706 = vector.broadcast %ge3A_2705 : i32 to vector<16xi32>
    %ge3A_2707 = arith.cmpi sge, %sub3A_2704, %ge3A_2706 : vector<16xi32>
    %select_n3A_2708 = arith.select %ge3A_2707, %gather3A, %gather3A_83 : vector<16xi1>, vector<16xf32>
    %swap3A_2709 = arith.constant 0 : i32
    %swap3A_2710 = arith.index_cast %swap3A_2709 : i32 to index
    %swap3A_2711 = arith.constant 1920 : index
    %swap3A_2712 = tpu.vector_load %arg5[%swap3A_2710, %swap3A_2711] {strides = array<i32>} : memref<1x3072xf32, #tpu.memory_space<vmem>>, vector<16xf32>,
    tpu.vector_store %arg5[%swap3A_2710, %swap3A_2711], %select_n3A_2708 {strides = array<i32>} : memref<1x3072xf32, #tpu.memory_space<vmem>>, vector<16xf32>,
    %sub3A_2713 = arith.constant 2047 : i32
    %sub3A_2714 = arith.subi %sub3A_2713, %mul3A_76 : i32
    %mul3A_2715 = arith.constant 3072 : i32
    %mul3A_2716 = arith.muli %select_n3A_72, %mul3A_2715 : i32
    %sub3A_2717 = arith.subi %sub3A_2714, %mul3A_2716 : i32
    %sub3A_2718 = arith.constant 1936 : i32
    %sub3A_2719 = arith.subi %sub3A_2717, %sub3A_2718 : i32
    %sub3A_2720 = vector.broadcast %sub3A_2719 : i32 to vector<16xi32>
    %sub3A_2721 = arith.subi %sub3A_2720, %iota3A : vector<16xi32>
    %ge3A_2722 = arith.constant 0 : i32
    %ge3A_2723 = vector.broadcast %ge3A_2722 : i32 to vector<16xi32>
    %ge3A_2724 = arith.cmpi sge, %sub3A_2721, %ge3A_2723 : vector<16xi32>
    %select_n3A_2725 = arith.select %ge3A_2724, %gather3A, %gather3A_83 : vector<16xi1>, vector<16xf32>
    %swap3A_2726 = arith.constant 0 : i32
    %swap3A_2727 = arith.index_cast %swap3A_2726 : i32 to index
    %swap3A_2728 = arith.constant 1936 : index
    %swap3A_2729 = tpu.vector_load %arg5[%swap3A_2727, %swap3A_2728] {strides = array<i32>} : memref<1x3072xf32, #tpu.memory_space<vmem>>, vector<16xf32>,
    tpu.vector_store %arg5[%swap3A_2727, %swap3A_2728], %select_n3A_2725 {strides = array<i32>} : memref<1x3072xf32, #tpu.memory_space<vmem>>, vector<16xf32>,
    %sub3A_2730 = arith.constant 2047 : i32
    %sub3A_2731 = arith.subi %sub3A_2730, %mul3A_76 : i32
    %mul3A_2732 = arith.constant 3072 : i32
    %mul3A_2733 = arith.muli %select_n3A_72, %mul3A_2732 : i32
    %sub3A_2734 = arith.subi %sub3A_2731, %mul3A_2733 : i32
    %sub3A_2735 = arith.constant 1952 : i32
    %sub3A_2736 = arith.subi %sub3A_2734, %sub3A_2735 : i32
    %sub3A_2737 = vector.broadcast %sub3A_2736 : i32 to vector<16xi32>
    %sub3A_2738 = arith.subi %sub3A_2737, %iota3A : vector<16xi32>
    %lt3A_2739 = arith.constant 0 : i32
    %lt3A_2740 = vector.broadcast %lt3A_2739 : i32 to vector<16xi32>
    %lt3A_2741 = arith.cmpi slt, %sub3A_2738, %lt3A_2740 : vector<16xi32>
    %jit3A_2742 = arith.constant 16 : i32
    %jit3A_2743 = arith.constant 0 : i32
    %broadcast_in_dim3A_2744 = vector.broadcast %jit3A_2742 : i32 to vector<16xi32>
    %broadcast_in_dim3A_2745 = vector.broadcast %jit3A_2743 : i32 to vector<16xi32>
    %select_n3A_2746 = arith.select %lt3A_2741, %broadcast_in_dim3A_2744, %broadcast_in_dim3A_2745 : vector<16xi1>, vector<16xi32>
    %abs3A_2747 = math.absi %sub3A_2738 : vector<16xi32>
    %broadcast_in_dim3A_2748 = arith.constant 8 : i32
    %broadcast_in_dim3A_2749 = vector.broadcast %broadcast_in_dim3A_2748 : i32 to vector<16xi32>
    %ge3A_2750 = arith.constant 12 : i32
    %ge3A_2751 = vector.broadcast %ge3A_2750 : i32 to vector<16xi32>
    %ge3A_2752 = arith.cmpi sge, %abs3A_2747, %ge3A_2751 : vector<16xi32>
    %convert_element_type3A_2753 = arith.extui %ge3A_2752 : vector<16xi1> to vector<16xi32>
    %add3A_2754 = arith.addi %broadcast_in_dim3A_2749, %convert_element_type3A_2753 : vector<16xi32>
    %ge3A_2755 = arith.constant 16 : i32
    %ge3A_2756 = vector.broadcast %ge3A_2755 : i32 to vector<16xi32>
    %ge3A_2757 = arith.cmpi sge, %abs3A_2747, %ge3A_2756 : vector<16xi32>
    %convert_element_type3A_2758 = arith.extui %ge3A_2757 : vector<16xi1> to vector<16xi32>
    %add3A_2759 = arith.addi %add3A_2754, %convert_element_type3A_2758 : vector<16xi32>
    %ge3A_2760 = arith.constant 23 : i32
    %ge3A_2761 = vector.broadcast %ge3A_2760 : i32 to vector<16xi32>
    %ge3A_2762 = arith.cmpi sge, %abs3A_2747, %ge3A_2761 : vector<16xi32>
    %convert_element_type3A_2763 = arith.extui %ge3A_2762 : vector<16xi1> to vector<16xi32>
    %add3A_2764 = arith.addi %add3A_2759, %convert_element_type3A_2763 : vector<16xi32>
    %ge3A_2765 = arith.constant 32 : i32
    %ge3A_2766 = vector.broadcast %ge3A_2765 : i32 to vector<16xi32>
    %ge3A_2767 = arith.cmpi sge, %abs3A_2747, %ge3A_2766 : vector<16xi32>
    %convert_element_type3A_2768 = arith.extui %ge3A_2767 : vector<16xi1> to vector<16xi32>
    %add3A_2769 = arith.addi %add3A_2764, %convert_element_type3A_2768 : vector<16xi32>
    %ge3A_2770 = arith.constant 46 : i32
    %ge3A_2771 = vector.broadcast %ge3A_2770 : i32 to vector<16xi32>
    %ge3A_2772 = arith.cmpi sge, %abs3A_2747, %ge3A_2771 : vector<16xi32>
    %convert_element_type3A_2773 = arith.extui %ge3A_2772 : vector<16xi1> to vector<16xi32>
    %add3A_2774 = arith.addi %add3A_2769, %convert_element_type3A_2773 : vector<16xi32>
    %ge3A_2775 = arith.constant 64 : i32
    %ge3A_2776 = vector.broadcast %ge3A_2775 : i32 to vector<16xi32>
    %ge3A_2777 = arith.cmpi sge, %abs3A_2747, %ge3A_2776 : vector<16xi32>
    %convert_element_type3A_2778 = arith.extui %ge3A_2777 : vector<16xi1> to vector<16xi32>
    %add3A_2779 = arith.addi %add3A_2774, %convert_element_type3A_2778 : vector<16xi32>
    %ge3A_2780 = arith.constant 91 : i32
    %ge3A_2781 = vector.broadcast %ge3A_2780 : i32 to vector<16xi32>
    %ge3A_2782 = arith.cmpi sge, %abs3A_2747, %ge3A_2781 : vector<16xi32>
    %convert_element_type3A_2783 = arith.extui %ge3A_2782 : vector<16xi1> to vector<16xi32>
    %add3A_2784 = arith.addi %add3A_2779, %convert_element_type3A_2783 : vector<16xi32>
    %lt3A_2785 = arith.constant 8 : i32
    %lt3A_2786 = vector.broadcast %lt3A_2785 : i32 to vector<16xi32>
    %lt3A_2787 = arith.cmpi slt, %abs3A_2747, %lt3A_2786 : vector<16xi32>
    %select_n3A_2788 = arith.select %lt3A_2787, %abs3A_2747, %add3A_2784 : vector<16xi1>, vector<16xi32>
    %add3A_2789 = arith.addi %select_n3A_2746, %select_n3A_2788 : vector<16xi32>
    %gather3A_2790 = tpu.vector_load_idx %arg4[%add3A_2789, %broadcast_in_dim3A] : memref<32x16xf32, #tpu.memory_space<vmem>>[vector<16xi32>, vector<16xi32>], vector<16xf32>,
    %swap3A_2791 = arith.constant 0 : i32
    %swap3A_2792 = arith.index_cast %swap3A_2791 : i32 to index
    %swap3A_2793 = arith.constant 1952 : index
    %swap3A_2794 = tpu.vector_load %arg5[%swap3A_2792, %swap3A_2793] {strides = array<i32>} : memref<1x3072xf32, #tpu.memory_space<vmem>>, vector<16xf32>,
    tpu.vector_store %arg5[%swap3A_2792, %swap3A_2793], %gather3A_2790 {strides = array<i32>} : memref<1x3072xf32, #tpu.memory_space<vmem>>, vector<16xf32>,
    %sub3A_2795 = arith.constant 2047 : i32
    %sub3A_2796 = arith.subi %sub3A_2795, %mul3A_76 : i32
    %mul3A_2797 = arith.constant 3072 : i32
    %mul3A_2798 = arith.muli %select_n3A_72, %mul3A_2797 : i32
    %sub3A_2799 = arith.subi %sub3A_2796, %mul3A_2798 : i32
    %sub3A_2800 = arith.constant 1968 : i32
    %sub3A_2801 = arith.subi %sub3A_2799, %sub3A_2800 : i32
    %sub3A_2802 = vector.broadcast %sub3A_2801 : i32 to vector<16xi32>
    %sub3A_2803 = arith.subi %sub3A_2802, %iota3A : vector<16xi32>
    %lt3A_2804 = arith.constant 0 : i32
    %lt3A_2805 = vector.broadcast %lt3A_2804 : i32 to vector<16xi32>
    %lt3A_2806 = arith.cmpi slt, %sub3A_2803, %lt3A_2805 : vector<16xi32>
    %jit3A_2807 = arith.constant 16 : i32
    %jit3A_2808 = arith.constant 0 : i32
    %broadcast_in_dim3A_2809 = vector.broadcast %jit3A_2807 : i32 to vector<16xi32>
    %broadcast_in_dim3A_2810 = vector.broadcast %jit3A_2808 : i32 to vector<16xi32>
    %select_n3A_2811 = arith.select %lt3A_2806, %broadcast_in_dim3A_2809, %broadcast_in_dim3A_2810 : vector<16xi1>, vector<16xi32>
    %abs3A_2812 = math.absi %sub3A_2803 : vector<16xi32>
    %broadcast_in_dim3A_2813 = arith.constant 8 : i32
    %broadcast_in_dim3A_2814 = vector.broadcast %broadcast_in_dim3A_2813 : i32 to vector<16xi32>
    %ge3A_2815 = arith.constant 12 : i32
    %ge3A_2816 = vector.broadcast %ge3A_2815 : i32 to vector<16xi32>
    %ge3A_2817 = arith.cmpi sge, %abs3A_2812, %ge3A_2816 : vector<16xi32>
    %convert_element_type3A_2818 = arith.extui %ge3A_2817 : vector<16xi1> to vector<16xi32>
    %add3A_2819 = arith.addi %broadcast_in_dim3A_2814, %convert_element_type3A_2818 : vector<16xi32>
    %ge3A_2820 = arith.constant 16 : i32
    %ge3A_2821 = vector.broadcast %ge3A_2820 : i32 to vector<16xi32>
    %ge3A_2822 = arith.cmpi sge, %abs3A_2812, %ge3A_2821 : vector<16xi32>
    %convert_element_type3A_2823 = arith.extui %ge3A_2822 : vector<16xi1> to vector<16xi32>
    %add3A_2824 = arith.addi %add3A_2819, %convert_element_type3A_2823 : vector<16xi32>
    %ge3A_2825 = arith.constant 23 : i32
    %ge3A_2826 = vector.broadcast %ge3A_2825 : i32 to vector<16xi32>
    %ge3A_2827 = arith.cmpi sge, %abs3A_2812, %ge3A_2826 : vector<16xi32>
    %convert_element_type3A_2828 = arith.extui %ge3A_2827 : vector<16xi1> to vector<16xi32>
    %add3A_2829 = arith.addi %add3A_2824, %convert_element_type3A_2828 : vector<16xi32>
    %ge3A_2830 = arith.constant 32 : i32
    %ge3A_2831 = vector.broadcast %ge3A_2830 : i32 to vector<16xi32>
    %ge3A_2832 = arith.cmpi sge, %abs3A_2812, %ge3A_2831 : vector<16xi32>
    %convert_element_type3A_2833 = arith.extui %ge3A_2832 : vector<16xi1> to vector<16xi32>
    %add3A_2834 = arith.addi %add3A_2829, %convert_element_type3A_2833 : vector<16xi32>
    %ge3A_2835 = arith.constant 46 : i32
    %ge3A_2836 = vector.broadcast %ge3A_2835 : i32 to vector<16xi32>
    %ge3A_2837 = arith.cmpi sge, %abs3A_2812, %ge3A_2836 : vector<16xi32>
    %convert_element_type3A_2838 = arith.extui %ge3A_2837 : vector<16xi1> to vector<16xi32>
    %add3A_2839 = arith.addi %add3A_2834, %convert_element_type3A_2838 : vector<16xi32>
    %ge3A_2840 = arith.constant 64 : i32
    %ge3A_2841 = vector.broadcast %ge3A_2840 : i32 to vector<16xi32>
    %ge3A_2842 = arith.cmpi sge, %abs3A_2812, %ge3A_2841 : vector<16xi32>
    %convert_element_type3A_2843 = arith.extui %ge3A_2842 : vector<16xi1> to vector<16xi32>
    %add3A_2844 = arith.addi %add3A_2839, %convert_element_type3A_2843 : vector<16xi32>
    %ge3A_2845 = arith.constant 91 : i32
    %ge3A_2846 = vector.broadcast %ge3A_2845 : i32 to vector<16xi32>
    %ge3A_2847 = arith.cmpi sge, %abs3A_2812, %ge3A_2846 : vector<16xi32>
    %convert_element_type3A_2848 = arith.extui %ge3A_2847 : vector<16xi1> to vector<16xi32>
    %add3A_2849 = arith.addi %add3A_2844, %convert_element_type3A_2848 : vector<16xi32>
    %lt3A_2850 = arith.constant 8 : i32
    %lt3A_2851 = vector.broadcast %lt3A_2850 : i32 to vector<16xi32>
    %lt3A_2852 = arith.cmpi slt, %abs3A_2812, %lt3A_2851 : vector<16xi32>
    %select_n3A_2853 = arith.select %lt3A_2852, %abs3A_2812, %add3A_2849 : vector<16xi1>, vector<16xi32>
    %add3A_2854 = arith.addi %select_n3A_2811, %select_n3A_2853 : vector<16xi32>
    %gather3A_2855 = tpu.vector_load_idx %arg4[%add3A_2854, %broadcast_in_dim3A] : memref<32x16xf32, #tpu.memory_space<vmem>>[vector<16xi32>, vector<16xi32>], vector<16xf32>,
    %swap3A_2856 = arith.constant 0 : i32
    %swap3A_2857 = arith.index_cast %swap3A_2856 : i32 to index
    %swap3A_2858 = arith.constant 1968 : index
    %swap3A_2859 = tpu.vector_load %arg5[%swap3A_2857, %swap3A_2858] {strides = array<i32>} : memref<1x3072xf32, #tpu.memory_space<vmem>>, vector<16xf32>,
    tpu.vector_store %arg5[%swap3A_2857, %swap3A_2858], %gather3A_2855 {strides = array<i32>} : memref<1x3072xf32, #tpu.memory_space<vmem>>, vector<16xf32>,
    %sub3A_2860 = arith.constant 2047 : i32
    %sub3A_2861 = arith.subi %sub3A_2860, %mul3A_76 : i32
    %mul3A_2862 = arith.constant 3072 : i32
    %mul3A_2863 = arith.muli %select_n3A_72, %mul3A_2862 : i32
    %sub3A_2864 = arith.subi %sub3A_2861, %mul3A_2863 : i32
    %sub3A_2865 = arith.constant 1984 : i32
    %sub3A_2866 = arith.subi %sub3A_2864, %sub3A_2865 : i32
    %sub3A_2867 = vector.broadcast %sub3A_2866 : i32 to vector<16xi32>
    %sub3A_2868 = arith.subi %sub3A_2867, %iota3A : vector<16xi32>
    %lt3A_2869 = arith.constant 0 : i32
    %lt3A_2870 = vector.broadcast %lt3A_2869 : i32 to vector<16xi32>
    %lt3A_2871 = arith.cmpi slt, %sub3A_2868, %lt3A_2870 : vector<16xi32>
    %jit3A_2872 = arith.constant 16 : i32
    %jit3A_2873 = arith.constant 0 : i32
    %broadcast_in_dim3A_2874 = vector.broadcast %jit3A_2872 : i32 to vector<16xi32>
    %broadcast_in_dim3A_2875 = vector.broadcast %jit3A_2873 : i32 to vector<16xi32>
    %select_n3A_2876 = arith.select %lt3A_2871, %broadcast_in_dim3A_2874, %broadcast_in_dim3A_2875 : vector<16xi1>, vector<16xi32>
    %abs3A_2877 = math.absi %sub3A_2868 : vector<16xi32>
    %broadcast_in_dim3A_2878 = arith.constant 8 : i32
    %broadcast_in_dim3A_2879 = vector.broadcast %broadcast_in_dim3A_2878 : i32 to vector<16xi32>
    %ge3A_2880 = arith.constant 12 : i32
    %ge3A_2881 = vector.broadcast %ge3A_2880 : i32 to vector<16xi32>
    %ge3A_2882 = arith.cmpi sge, %abs3A_2877, %ge3A_2881 : vector<16xi32>
    %convert_element_type3A_2883 = arith.extui %ge3A_2882 : vector<16xi1> to vector<16xi32>
    %add3A_2884 = arith.addi %broadcast_in_dim3A_2879, %convert_element_type3A_2883 : vector<16xi32>
    %ge3A_2885 = arith.constant 16 : i32
    %ge3A_2886 = vector.broadcast %ge3A_2885 : i32 to vector<16xi32>
    %ge3A_2887 = arith.cmpi sge, %abs3A_2877, %ge3A_2886 : vector<16xi32>
    %convert_element_type3A_2888 = arith.extui %ge3A_2887 : vector<16xi1> to vector<16xi32>
    %add3A_2889 = arith.addi %add3A_2884, %convert_element_type3A_2888 : vector<16xi32>
    %ge3A_2890 = arith.constant 23 : i32
    %ge3A_2891 = vector.broadcast %ge3A_2890 : i32 to vector<16xi32>
    %ge3A_2892 = arith.cmpi sge, %abs3A_2877, %ge3A_2891 : vector<16xi32>
    %convert_element_type3A_2893 = arith.extui %ge3A_2892 : vector<16xi1> to vector<16xi32>
    %add3A_2894 = arith.addi %add3A_2889, %convert_element_type3A_2893 : vector<16xi32>
    %ge3A_2895 = arith.constant 32 : i32
    %ge3A_2896 = vector.broadcast %ge3A_2895 : i32 to vector<16xi32>
    %ge3A_2897 = arith.cmpi sge, %abs3A_2877, %ge3A_2896 : vector<16xi32>
    %convert_element_type3A_2898 = arith.extui %ge3A_2897 : vector<16xi1> to vector<16xi32>
    %add3A_2899 = arith.addi %add3A_2894, %convert_element_type3A_2898 : vector<16xi32>
    %ge3A_2900 = arith.constant 46 : i32
    %ge3A_2901 = vector.broadcast %ge3A_2900 : i32 to vector<16xi32>
    %ge3A_2902 = arith.cmpi sge, %abs3A_2877, %ge3A_2901 : vector<16xi32>
    %convert_element_type3A_2903 = arith.extui %ge3A_2902 : vector<16xi1> to vector<16xi32>
    %add3A_2904 = arith.addi %add3A_2899, %convert_element_type3A_2903 : vector<16xi32>
    %ge3A_2905 = arith.constant 64 : i32
    %ge3A_2906 = vector.broadcast %ge3A_2905 : i32 to vector<16xi32>
    %ge3A_2907 = arith.cmpi sge, %abs3A_2877, %ge3A_2906 : vector<16xi32>
    %convert_element_type3A_2908 = arith.extui %ge3A_2907 : vector<16xi1> to vector<16xi32>
    %add3A_2909 = arith.addi %add3A_2904, %convert_element_type3A_2908 : vector<16xi32>
    %ge3A_2910 = arith.constant 91 : i32
    %ge3A_2911 = vector.broadcast %ge3A_2910 : i32 to vector<16xi32>
    %ge3A_2912 = arith.cmpi sge, %abs3A_2877, %ge3A_2911 : vector<16xi32>
    %convert_element_type3A_2913 = arith.extui %ge3A_2912 : vector<16xi1> to vector<16xi32>
    %add3A_2914 = arith.addi %add3A_2909, %convert_element_type3A_2913 : vector<16xi32>
    %lt3A_2915 = arith.constant 8 : i32
    %lt3A_2916 = vector.broadcast %lt3A_2915 : i32 to vector<16xi32>
    %lt3A_2917 = arith.cmpi slt, %abs3A_2877, %lt3A_2916 : vector<16xi32>
    %select_n3A_2918 = arith.select %lt3A_2917, %abs3A_2877, %add3A_2914 : vector<16xi1>, vector<16xi32>
    %add3A_2919 = arith.addi %select_n3A_2876, %select_n3A_2918 : vector<16xi32>
    %gather3A_2920 = tpu.vector_load_idx %arg4[%add3A_2919, %broadcast_in_dim3A] : memref<32x16xf32, #tpu.memory_space<vmem>>[vector<16xi32>, vector<16xi32>], vector<16xf32>,
    %swap3A_2921 = arith.constant 0 : i32
    %swap3A_2922 = arith.index_cast %swap3A_2921 : i32 to index
    %swap3A_2923 = arith.constant 1984 : index
    %swap3A_2924 = tpu.vector_load %arg5[%swap3A_2922, %swap3A_2923] {strides = array<i32>} : memref<1x3072xf32, #tpu.memory_space<vmem>>, vector<16xf32>,
    tpu.vector_store %arg5[%swap3A_2922, %swap3A_2923], %gather3A_2920 {strides = array<i32>} : memref<1x3072xf32, #tpu.memory_space<vmem>>, vector<16xf32>,
    %sub3A_2925 = arith.constant 2047 : i32
    %sub3A_2926 = arith.subi %sub3A_2925, %mul3A_76 : i32
    %mul3A_2927 = arith.constant 3072 : i32
    %mul3A_2928 = arith.muli %select_n3A_72, %mul3A_2927 : i32
    %sub3A_2929 = arith.subi %sub3A_2926, %mul3A_2928 : i32
    %sub3A_2930 = arith.constant 2000 : i32
    %sub3A_2931 = arith.subi %sub3A_2929, %sub3A_2930 : i32
    %sub3A_2932 = vector.broadcast %sub3A_2931 : i32 to vector<16xi32>
    %sub3A_2933 = arith.subi %sub3A_2932, %iota3A : vector<16xi32>
    %lt3A_2934 = arith.constant 0 : i32
    %lt3A_2935 = vector.broadcast %lt3A_2934 : i32 to vector<16xi32>
    %lt3A_2936 = arith.cmpi slt, %sub3A_2933, %lt3A_2935 : vector<16xi32>
    %jit3A_2937 = arith.constant 16 : i32
    %jit3A_2938 = arith.constant 0 : i32
    %broadcast_in_dim3A_2939 = vector.broadcast %jit3A_2937 : i32 to vector<16xi32>
    %broadcast_in_dim3A_2940 = vector.broadcast %jit3A_2938 : i32 to vector<16xi32>
    %select_n3A_2941 = arith.select %lt3A_2936, %broadcast_in_dim3A_2939, %broadcast_in_dim3A_2940 : vector<16xi1>, vector<16xi32>
    %abs3A_2942 = math.absi %sub3A_2933 : vector<16xi32>
    %broadcast_in_dim3A_2943 = arith.constant 8 : i32
    %broadcast_in_dim3A_2944 = vector.broadcast %broadcast_in_dim3A_2943 : i32 to vector<16xi32>
    %ge3A_2945 = arith.constant 12 : i32
    %ge3A_2946 = vector.broadcast %ge3A_2945 : i32 to vector<16xi32>
    %ge3A_2947 = arith.cmpi sge, %abs3A_2942, %ge3A_2946 : vector<16xi32>
    %convert_element_type3A_2948 = arith.extui %ge3A_2947 : vector<16xi1> to vector<16xi32>
    %add3A_2949 = arith.addi %broadcast_in_dim3A_2944, %convert_element_type3A_2948 : vector<16xi32>
    %ge3A_2950 = arith.constant 16 : i32
    %ge3A_2951 = vector.broadcast %ge3A_2950 : i32 to vector<16xi32>
    %ge3A_2952 = arith.cmpi sge, %abs3A_2942, %ge3A_2951 : vector<16xi32>
    %convert_element_type3A_2953 = arith.extui %ge3A_2952 : vector<16xi1> to vector<16xi32>
    %add3A_2954 = arith.addi %add3A_2949, %convert_element_type3A_2953 : vector<16xi32>
    %ge3A_2955 = arith.constant 23 : i32
    %ge3A_2956 = vector.broadcast %ge3A_2955 : i32 to vector<16xi32>
    %ge3A_2957 = arith.cmpi sge, %abs3A_2942, %ge3A_2956 : vector<16xi32>
    %convert_element_type3A_2958 = arith.extui %ge3A_2957 : vector<16xi1> to vector<16xi32>
    %add3A_2959 = arith.addi %add3A_2954, %convert_element_type3A_2958 : vector<16xi32>
    %ge3A_2960 = arith.constant 32 : i32
    %ge3A_2961 = vector.broadcast %ge3A_2960 : i32 to vector<16xi32>
    %ge3A_2962 = arith.cmpi sge, %abs3A_2942, %ge3A_2961 : vector<16xi32>
    %convert_element_type3A_2963 = arith.extui %ge3A_2962 : vector<16xi1> to vector<16xi32>
    %add3A_2964 = arith.addi %add3A_2959, %convert_element_type3A_2963 : vector<16xi32>
    %ge3A_2965 = arith.constant 46 : i32
    %ge3A_2966 = vector.broadcast %ge3A_2965 : i32 to vector<16xi32>
    %ge3A_2967 = arith.cmpi sge, %abs3A_2942, %ge3A_2966 : vector<16xi32>
    %convert_element_type3A_2968 = arith.extui %ge3A_2967 : vector<16xi1> to vector<16xi32>
    %add3A_2969 = arith.addi %add3A_2964, %convert_element_type3A_2968 : vector<16xi32>
    %ge3A_2970 = arith.constant 64 : i32
    %ge3A_2971 = vector.broadcast %ge3A_2970 : i32 to vector<16xi32>
    %ge3A_2972 = arith.cmpi sge, %abs3A_2942, %ge3A_2971 : vector<16xi32>
    %convert_element_type3A_2973 = arith.extui %ge3A_2972 : vector<16xi1> to vector<16xi32>
    %add3A_2974 = arith.addi %add3A_2969, %convert_element_type3A_2973 : vector<16xi32>
    %ge3A_2975 = arith.constant 91 : i32
    %ge3A_2976 = vector.broadcast %ge3A_2975 : i32 to vector<16xi32>
    %ge3A_2977 = arith.cmpi sge, %abs3A_2942, %ge3A_2976 : vector<16xi32>
    %convert_element_type3A_2978 = arith.extui %ge3A_2977 : vector<16xi1> to vector<16xi32>
    %add3A_2979 = arith.addi %add3A_2974, %convert_element_type3A_2978 : vector<16xi32>
    %lt3A_2980 = arith.constant 8 : i32
    %lt3A_2981 = vector.broadcast %lt3A_2980 : i32 to vector<16xi32>
    %lt3A_2982 = arith.cmpi slt, %abs3A_2942, %lt3A_2981 : vector<16xi32>
    %select_n3A_2983 = arith.select %lt3A_2982, %abs3A_2942, %add3A_2979 : vector<16xi1>, vector<16xi32>
    %add3A_2984 = arith.addi %select_n3A_2941, %select_n3A_2983 : vector<16xi32>
    %gather3A_2985 = tpu.vector_load_idx %arg4[%add3A_2984, %broadcast_in_dim3A] : memref<32x16xf32, #tpu.memory_space<vmem>>[vector<16xi32>, vector<16xi32>], vector<16xf32>,
    %swap3A_2986 = arith.constant 0 : i32
    %swap3A_2987 = arith.index_cast %swap3A_2986 : i32 to index
    %swap3A_2988 = arith.constant 2000 : index
    %swap3A_2989 = tpu.vector_load %arg5[%swap3A_2987, %swap3A_2988] {strides = array<i32>} : memref<1x3072xf32, #tpu.memory_space<vmem>>, vector<16xf32>,
    tpu.vector_store %arg5[%swap3A_2987, %swap3A_2988], %gather3A_2985 {strides = array<i32>} : memref<1x3072xf32, #tpu.memory_space<vmem>>, vector<16xf32>,
    %sub3A_2990 = arith.constant 2047 : i32
    %sub3A_2991 = arith.subi %sub3A_2990, %mul3A_76 : i32
    %mul3A_2992 = arith.constant 3072 : i32
    %mul3A_2993 = arith.muli %select_n3A_72, %mul3A_2992 : i32
    %sub3A_2994 = arith.subi %sub3A_2991, %mul3A_2993 : i32
    %sub3A_2995 = arith.constant 2016 : i32
    %sub3A_2996 = arith.subi %sub3A_2994, %sub3A_2995 : i32
    %sub3A_2997 = vector.broadcast %sub3A_2996 : i32 to vector<16xi32>
    %sub3A_2998 = arith.subi %sub3A_2997, %iota3A : vector<16xi32>
    %lt3A_2999 = arith.constant 0 : i32
    %lt3A_3000 = vector.broadcast %lt3A_2999 : i32 to vector<16xi32>
    %lt3A_3001 = arith.cmpi slt, %sub3A_2998, %lt3A_3000 : vector<16xi32>
    %jit3A_3002 = arith.constant 16 : i32
    %jit3A_3003 = arith.constant 0 : i32
    %broadcast_in_dim3A_3004 = vector.broadcast %jit3A_3002 : i32 to vector<16xi32>
    %broadcast_in_dim3A_3005 = vector.broadcast %jit3A_3003 : i32 to vector<16xi32>
    %select_n3A_3006 = arith.select %lt3A_3001, %broadcast_in_dim3A_3004, %broadcast_in_dim3A_3005 : vector<16xi1>, vector<16xi32>
    %abs3A_3007 = math.absi %sub3A_2998 : vector<16xi32>
    %broadcast_in_dim3A_3008 = arith.constant 8 : i32
    %broadcast_in_dim3A_3009 = vector.broadcast %broadcast_in_dim3A_3008 : i32 to vector<16xi32>
    %ge3A_3010 = arith.constant 12 : i32
    %ge3A_3011 = vector.broadcast %ge3A_3010 : i32 to vector<16xi32>
    %ge3A_3012 = arith.cmpi sge, %abs3A_3007, %ge3A_3011 : vector<16xi32>
    %convert_element_type3A_3013 = arith.extui %ge3A_3012 : vector<16xi1> to vector<16xi32>
    %add3A_3014 = arith.addi %broadcast_in_dim3A_3009, %convert_element_type3A_3013 : vector<16xi32>
    %ge3A_3015 = arith.constant 16 : i32
    %ge3A_3016 = vector.broadcast %ge3A_3015 : i32 to vector<16xi32>
    %ge3A_3017 = arith.cmpi sge, %abs3A_3007, %ge3A_3016 : vector<16xi32>
    %convert_element_type3A_3018 = arith.extui %ge3A_3017 : vector<16xi1> to vector<16xi32>
    %add3A_3019 = arith.addi %add3A_3014, %convert_element_type3A_3018 : vector<16xi32>
    %ge3A_3020 = arith.constant 23 : i32
    %ge3A_3021 = vector.broadcast %ge3A_3020 : i32 to vector<16xi32>
    %ge3A_3022 = arith.cmpi sge, %abs3A_3007, %ge3A_3021 : vector<16xi32>
    %convert_element_type3A_3023 = arith.extui %ge3A_3022 : vector<16xi1> to vector<16xi32>
    %add3A_3024 = arith.addi %add3A_3019, %convert_element_type3A_3023 : vector<16xi32>
    %ge3A_3025 = arith.constant 32 : i32
    %ge3A_3026 = vector.broadcast %ge3A_3025 : i32 to vector<16xi32>
    %ge3A_3027 = arith.cmpi sge, %abs3A_3007, %ge3A_3026 : vector<16xi32>
    %convert_element_type3A_3028 = arith.extui %ge3A_3027 : vector<16xi1> to vector<16xi32>
    %add3A_3029 = arith.addi %add3A_3024, %convert_element_type3A_3028 : vector<16xi32>
    %ge3A_3030 = arith.constant 46 : i32
    %ge3A_3031 = vector.broadcast %ge3A_3030 : i32 to vector<16xi32>
    %ge3A_3032 = arith.cmpi sge, %abs3A_3007, %ge3A_3031 : vector<16xi32>
    %convert_element_type3A_3033 = arith.extui %ge3A_3032 : vector<16xi1> to vector<16xi32>
    %add3A_3034 = arith.addi %add3A_3029, %convert_element_type3A_3033 : vector<16xi32>
    %ge3A_3035 = arith.constant 64 : i32
    %ge3A_3036 = vector.broadcast %ge3A_3035 : i32 to vector<16xi32>
    %ge3A_3037 = arith.cmpi sge, %abs3A_3007, %ge3A_3036 : vector<16xi32>
    %convert_element_type3A_3038 = arith.extui %ge3A_3037 : vector<16xi1> to vector<16xi32>
    %add3A_3039 = arith.addi %add3A_3034, %convert_element_type3A_3038 : vector<16xi32>
    %ge3A_3040 = arith.constant 91 : i32
    %ge3A_3041 = vector.broadcast %ge3A_3040 : i32 to vector<16xi32>
    %ge3A_3042 = arith.cmpi sge, %abs3A_3007, %ge3A_3041 : vector<16xi32>
    %convert_element_type3A_3043 = arith.extui %ge3A_3042 : vector<16xi1> to vector<16xi32>
    %add3A_3044 = arith.addi %add3A_3039, %convert_element_type3A_3043 : vector<16xi32>
    %lt3A_3045 = arith.constant 8 : i32
    %lt3A_3046 = vector.broadcast %lt3A_3045 : i32 to vector<16xi32>
    %lt3A_3047 = arith.cmpi slt, %abs3A_3007, %lt3A_3046 : vector<16xi32>
    %select_n3A_3048 = arith.select %lt3A_3047, %abs3A_3007, %add3A_3044 : vector<16xi1>, vector<16xi32>
    %add3A_3049 = arith.addi %select_n3A_3006, %select_n3A_3048 : vector<16xi32>
    %gather3A_3050 = tpu.vector_load_idx %arg4[%add3A_3049, %broadcast_in_dim3A] : memref<32x16xf32, #tpu.memory_space<vmem>>[vector<16xi32>, vector<16xi32>], vector<16xf32>,
    %swap3A_3051 = arith.constant 0 : i32
    %swap3A_3052 = arith.index_cast %swap3A_3051 : i32 to index
    %swap3A_3053 = arith.constant 2016 : index
    %swap3A_3054 = tpu.vector_load %arg5[%swap3A_3052, %swap3A_3053] {strides = array<i32>} : memref<1x3072xf32, #tpu.memory_space<vmem>>, vector<16xf32>,
    tpu.vector_store %arg5[%swap3A_3052, %swap3A_3053], %gather3A_3050 {strides = array<i32>} : memref<1x3072xf32, #tpu.memory_space<vmem>>, vector<16xf32>,
    %sub3A_3055 = arith.constant 2047 : i32
    %sub3A_3056 = arith.subi %sub3A_3055, %mul3A_76 : i32
    %mul3A_3057 = arith.constant 3072 : i32
    %mul3A_3058 = arith.muli %select_n3A_72, %mul3A_3057 : i32
    %sub3A_3059 = arith.subi %sub3A_3056, %mul3A_3058 : i32
    %sub3A_3060 = arith.constant 2032 : i32
    %sub3A_3061 = arith.subi %sub3A_3059, %sub3A_3060 : i32
    %sub3A_3062 = vector.broadcast %sub3A_3061 : i32 to vector<16xi32>
    %sub3A_3063 = arith.subi %sub3A_3062, %iota3A : vector<16xi32>
    %lt3A_3064 = arith.constant 0 : i32
    %lt3A_3065 = vector.broadcast %lt3A_3064 : i32 to vector<16xi32>
    %lt3A_3066 = arith.cmpi slt, %sub3A_3063, %lt3A_3065 : vector<16xi32>
    %jit3A_3067 = arith.constant 16 : i32
    %jit3A_3068 = arith.constant 0 : i32
    %broadcast_in_dim3A_3069 = vector.broadcast %jit3A_3067 : i32 to vector<16xi32>
    %broadcast_in_dim3A_3070 = vector.broadcast %jit3A_3068 : i32 to vector<16xi32>
    %select_n3A_3071 = arith.select %lt3A_3066, %broadcast_in_dim3A_3069, %broadcast_in_dim3A_3070 : vector<16xi1>, vector<16xi32>
    %abs3A_3072 = math.absi %sub3A_3063 : vector<16xi32>
    %broadcast_in_dim3A_3073 = arith.constant 8 : i32
    %broadcast_in_dim3A_3074 = vector.broadcast %broadcast_in_dim3A_3073 : i32 to vector<16xi32>
    %ge3A_3075 = arith.constant 12 : i32
    %ge3A_3076 = vector.broadcast %ge3A_3075 : i32 to vector<16xi32>
    %ge3A_3077 = arith.cmpi sge, %abs3A_3072, %ge3A_3076 : vector<16xi32>
    %convert_element_type3A_3078 = arith.extui %ge3A_3077 : vector<16xi1> to vector<16xi32>
    %add3A_3079 = arith.addi %broadcast_in_dim3A_3074, %convert_element_type3A_3078 : vector<16xi32>
    %ge3A_3080 = arith.constant 16 : i32
    %ge3A_3081 = vector.broadcast %ge3A_3080 : i32 to vector<16xi32>
    %ge3A_3082 = arith.cmpi sge, %abs3A_3072, %ge3A_3081 : vector<16xi32>
    %convert_element_type3A_3083 = arith.extui %ge3A_3082 : vector<16xi1> to vector<16xi32>
    %add3A_3084 = arith.addi %add3A_3079, %convert_element_type3A_3083 : vector<16xi32>
    %ge3A_3085 = arith.constant 23 : i32
    %ge3A_3086 = vector.broadcast %ge3A_3085 : i32 to vector<16xi32>
    %ge3A_3087 = arith.cmpi sge, %abs3A_3072, %ge3A_3086 : vector<16xi32>
    %convert_element_type3A_3088 = arith.extui %ge3A_3087 : vector<16xi1> to vector<16xi32>
    %add3A_3089 = arith.addi %add3A_3084, %convert_element_type3A_3088 : vector<16xi32>
    %ge3A_3090 = arith.constant 32 : i32
    %ge3A_3091 = vector.broadcast %ge3A_3090 : i32 to vector<16xi32>
    %ge3A_3092 = arith.cmpi sge, %abs3A_3072, %ge3A_3091 : vector<16xi32>
    %convert_element_type3A_3093 = arith.extui %ge3A_3092 : vector<16xi1> to vector<16xi32>
    %add3A_3094 = arith.addi %add3A_3089, %convert_element_type3A_3093 : vector<16xi32>
    %ge3A_3095 = arith.constant 46 : i32
    %ge3A_3096 = vector.broadcast %ge3A_3095 : i32 to vector<16xi32>
    %ge3A_3097 = arith.cmpi sge, %abs3A_3072, %ge3A_3096 : vector<16xi32>
    %convert_element_type3A_3098 = arith.extui %ge3A_3097 : vector<16xi1> to vector<16xi32>
    %add3A_3099 = arith.addi %add3A_3094, %convert_element_type3A_3098 : vector<16xi32>
    %ge3A_3100 = arith.constant 64 : i32
    %ge3A_3101 = vector.broadcast %ge3A_3100 : i32 to vector<16xi32>
    %ge3A_3102 = arith.cmpi sge, %abs3A_3072, %ge3A_3101 : vector<16xi32>
    %convert_element_type3A_3103 = arith.extui %ge3A_3102 : vector<16xi1> to vector<16xi32>
    %add3A_3104 = arith.addi %add3A_3099, %convert_element_type3A_3103 : vector<16xi32>
    %ge3A_3105 = arith.constant 91 : i32
    %ge3A_3106 = vector.broadcast %ge3A_3105 : i32 to vector<16xi32>
    %ge3A_3107 = arith.cmpi sge, %abs3A_3072, %ge3A_3106 : vector<16xi32>
    %convert_element_type3A_3108 = arith.extui %ge3A_3107 : vector<16xi1> to vector<16xi32>
    %add3A_3109 = arith.addi %add3A_3104, %convert_element_type3A_3108 : vector<16xi32>
    %lt3A_3110 = arith.constant 8 : i32
    %lt3A_3111 = vector.broadcast %lt3A_3110 : i32 to vector<16xi32>
    %lt3A_3112 = arith.cmpi slt, %abs3A_3072, %lt3A_3111 : vector<16xi32>
    %select_n3A_3113 = arith.select %lt3A_3112, %abs3A_3072, %add3A_3109 : vector<16xi1>, vector<16xi32>
    %add3A_3114 = arith.addi %select_n3A_3071, %select_n3A_3113 : vector<16xi32>
    %gather3A_3115 = tpu.vector_load_idx %arg4[%add3A_3114, %broadcast_in_dim3A] : memref<32x16xf32, #tpu.memory_space<vmem>>[vector<16xi32>, vector<16xi32>], vector<16xf32>,
    %swap3A_3116 = arith.constant 0 : i32
    %swap3A_3117 = arith.index_cast %swap3A_3116 : i32 to index
    %swap3A_3118 = arith.constant 2032 : index
    %swap3A_3119 = tpu.vector_load %arg5[%swap3A_3117, %swap3A_3118] {strides = array<i32>} : memref<1x3072xf32, #tpu.memory_space<vmem>>, vector<16xf32>,
    tpu.vector_store %arg5[%swap3A_3117, %swap3A_3118], %gather3A_3115 {strides = array<i32>} : memref<1x3072xf32, #tpu.memory_space<vmem>>, vector<16xf32>,
    %sub3A_3120 = arith.constant 2047 : i32
    %sub3A_3121 = arith.subi %sub3A_3120, %mul3A_76 : i32
    %mul3A_3122 = arith.constant 3072 : i32
    %mul3A_3123 = arith.muli %select_n3A_72, %mul3A_3122 : i32
    %sub3A_3124 = arith.subi %sub3A_3121, %mul3A_3123 : i32
    %sub3A_3125 = arith.constant 2048 : i32
    %sub3A_3126 = arith.subi %sub3A_3124, %sub3A_3125 : i32
    %sub3A_3127 = vector.broadcast %sub3A_3126 : i32 to vector<16xi32>
    %sub3A_3128 = arith.subi %sub3A_3127, %iota3A : vector<16xi32>
    %lt3A_3129 = arith.constant 0 : i32
    %lt3A_3130 = vector.broadcast %lt3A_3129 : i32 to vector<16xi32>
    %lt3A_3131 = arith.cmpi slt, %sub3A_3128, %lt3A_3130 : vector<16xi32>
    %jit3A_3132 = arith.constant 16 : i32
    %jit3A_3133 = arith.constant 0 : i32
    %broadcast_in_dim3A_3134 = vector.broadcast %jit3A_3132 : i32 to vector<16xi32>
    %broadcast_in_dim3A_3135 = vector.broadcast %jit3A_3133 : i32 to vector<16xi32>
    %select_n3A_3136 = arith.select %lt3A_3131, %broadcast_in_dim3A_3134, %broadcast_in_dim3A_3135 : vector<16xi1>, vector<16xi32>
    %abs3A_3137 = math.absi %sub3A_3128 : vector<16xi32>
    %broadcast_in_dim3A_3138 = arith.constant 8 : i32
    %broadcast_in_dim3A_3139 = vector.broadcast %broadcast_in_dim3A_3138 : i32 to vector<16xi32>
    %ge3A_3140 = arith.constant 12 : i32
    %ge3A_3141 = vector.broadcast %ge3A_3140 : i32 to vector<16xi32>
    %ge3A_3142 = arith.cmpi sge, %abs3A_3137, %ge3A_3141 : vector<16xi32>
    %convert_element_type3A_3143 = arith.extui %ge3A_3142 : vector<16xi1> to vector<16xi32>
    %add3A_3144 = arith.addi %broadcast_in_dim3A_3139, %convert_element_type3A_3143 : vector<16xi32>
    %ge3A_3145 = arith.constant 16 : i32
    %ge3A_3146 = vector.broadcast %ge3A_3145 : i32 to vector<16xi32>
    %ge3A_3147 = arith.cmpi sge, %abs3A_3137, %ge3A_3146 : vector<16xi32>
    %convert_element_type3A_3148 = arith.extui %ge3A_3147 : vector<16xi1> to vector<16xi32>
    %add3A_3149 = arith.addi %add3A_3144, %convert_element_type3A_3148 : vector<16xi32>
    %ge3A_3150 = arith.constant 23 : i32
    %ge3A_3151 = vector.broadcast %ge3A_3150 : i32 to vector<16xi32>
    %ge3A_3152 = arith.cmpi sge, %abs3A_3137, %ge3A_3151 : vector<16xi32>
    %convert_element_type3A_3153 = arith.extui %ge3A_3152 : vector<16xi1> to vector<16xi32>
    %add3A_3154 = arith.addi %add3A_3149, %convert_element_type3A_3153 : vector<16xi32>
    %ge3A_3155 = arith.constant 32 : i32
    %ge3A_3156 = vector.broadcast %ge3A_3155 : i32 to vector<16xi32>
    %ge3A_3157 = arith.cmpi sge, %abs3A_3137, %ge3A_3156 : vector<16xi32>
    %convert_element_type3A_3158 = arith.extui %ge3A_3157 : vector<16xi1> to vector<16xi32>
    %add3A_3159 = arith.addi %add3A_3154, %convert_element_type3A_3158 : vector<16xi32>
    %ge3A_3160 = arith.constant 46 : i32
    %ge3A_3161 = vector.broadcast %ge3A_3160 : i32 to vector<16xi32>
    %ge3A_3162 = arith.cmpi sge, %abs3A_3137, %ge3A_3161 : vector<16xi32>
    %convert_element_type3A_3163 = arith.extui %ge3A_3162 : vector<16xi1> to vector<16xi32>
    %add3A_3164 = arith.addi %add3A_3159, %convert_element_type3A_3163 : vector<16xi32>
    %ge3A_3165 = arith.constant 64 : i32
    %ge3A_3166 = vector.broadcast %ge3A_3165 : i32 to vector<16xi32>
    %ge3A_3167 = arith.cmpi sge, %abs3A_3137, %ge3A_3166 : vector<16xi32>
    %convert_element_type3A_3168 = arith.extui %ge3A_3167 : vector<16xi1> to vector<16xi32>
    %add3A_3169 = arith.addi %add3A_3164, %convert_element_type3A_3168 : vector<16xi32>
    %ge3A_3170 = arith.constant 91 : i32
    %ge3A_3171 = vector.broadcast %ge3A_3170 : i32 to vector<16xi32>
    %ge3A_3172 = arith.cmpi sge, %abs3A_3137, %ge3A_3171 : vector<16xi32>
    %convert_element_type3A_3173 = arith.extui %ge3A_3172 : vector<16xi1> to vector<16xi32>
    %add3A_3174 = arith.addi %add3A_3169, %convert_element_type3A_3173 : vector<16xi32>
    %lt3A_3175 = arith.constant 8 : i32
    %lt3A_3176 = vector.broadcast %lt3A_3175 : i32 to vector<16xi32>
    %lt3A_3177 = arith.cmpi slt, %abs3A_3137, %lt3A_3176 : vector<16xi32>
    %select_n3A_3178 = arith.select %lt3A_3177, %abs3A_3137, %add3A_3174 : vector<16xi1>, vector<16xi32>
    %add3A_3179 = arith.addi %select_n3A_3136, %select_n3A_3178 : vector<16xi32>
    %gather3A_3180 = tpu.vector_load_idx %arg4[%add3A_3179, %broadcast_in_dim3A] : memref<32x16xf32, #tpu.memory_space<vmem>>[vector<16xi32>, vector<16xi32>], vector<16xf32>,
    %swap3A_3181 = arith.constant 0 : i32
    %swap3A_3182 = arith.index_cast %swap3A_3181 : i32 to index
    %swap3A_3183 = arith.constant 2048 : index
    %swap3A_3184 = tpu.vector_load %arg5[%swap3A_3182, %swap3A_3183] {strides = array<i32>} : memref<1x3072xf32, #tpu.memory_space<vmem>>, vector<16xf32>,
    tpu.vector_store %arg5[%swap3A_3182, %swap3A_3183], %gather3A_3180 {strides = array<i32>} : memref<1x3072xf32, #tpu.memory_space<vmem>>, vector<16xf32>,
    %sub3A_3185 = arith.constant 2047 : i32
    %sub3A_3186 = arith.subi %sub3A_3185, %mul3A_76 : i32
    %mul3A_3187 = arith.constant 3072 : i32
    %mul3A_3188 = arith.muli %select_n3A_72, %mul3A_3187 : i32
    %sub3A_3189 = arith.subi %sub3A_3186, %mul3A_3188 : i32
    %sub3A_3190 = arith.constant 2064 : i32
    %sub3A_3191 = arith.subi %sub3A_3189, %sub3A_3190 : i32
    %sub3A_3192 = vector.broadcast %sub3A_3191 : i32 to vector<16xi32>
    %sub3A_3193 = arith.subi %sub3A_3192, %iota3A : vector<16xi32>
    %lt3A_3194 = arith.constant 0 : i32
    %lt3A_3195 = vector.broadcast %lt3A_3194 : i32 to vector<16xi32>
    %lt3A_3196 = arith.cmpi slt, %sub3A_3193, %lt3A_3195 : vector<16xi32>
    %jit3A_3197 = arith.constant 16 : i32
    %jit3A_3198 = arith.constant 0 : i32
    %broadcast_in_dim3A_3199 = vector.broadcast %jit3A_3197 : i32 to vector<16xi32>
    %broadcast_in_dim3A_3200 = vector.broadcast %jit3A_3198 : i32 to vector<16xi32>
    %select_n3A_3201 = arith.select %lt3A_3196, %broadcast_in_dim3A_3199, %broadcast_in_dim3A_3200 : vector<16xi1>, vector<16xi32>
    %abs3A_3202 = math.absi %sub3A_3193 : vector<16xi32>
    %broadcast_in_dim3A_3203 = arith.constant 8 : i32
    %broadcast_in_dim3A_3204 = vector.broadcast %broadcast_in_dim3A_3203 : i32 to vector<16xi32>
    %ge3A_3205 = arith.constant 12 : i32
    %ge3A_3206 = vector.broadcast %ge3A_3205 : i32 to vector<16xi32>
    %ge3A_3207 = arith.cmpi sge, %abs3A_3202, %ge3A_3206 : vector<16xi32>
    %convert_element_type3A_3208 = arith.extui %ge3A_3207 : vector<16xi1> to vector<16xi32>
    %add3A_3209 = arith.addi %broadcast_in_dim3A_3204, %convert_element_type3A_3208 : vector<16xi32>
    %ge3A_3210 = arith.constant 16 : i32
    %ge3A_3211 = vector.broadcast %ge3A_3210 : i32 to vector<16xi32>
    %ge3A_3212 = arith.cmpi sge, %abs3A_3202, %ge3A_3211 : vector<16xi32>
    %convert_element_type3A_3213 = arith.extui %ge3A_3212 : vector<16xi1> to vector<16xi32>
    %add3A_3214 = arith.addi %add3A_3209, %convert_element_type3A_3213 : vector<16xi32>
    %ge3A_3215 = arith.constant 23 : i32
    %ge3A_3216 = vector.broadcast %ge3A_3215 : i32 to vector<16xi32>
    %ge3A_3217 = arith.cmpi sge, %abs3A_3202, %ge3A_3216 : vector<16xi32>
    %convert_element_type3A_3218 = arith.extui %ge3A_3217 : vector<16xi1> to vector<16xi32>
    %add3A_3219 = arith.addi %add3A_3214, %convert_element_type3A_3218 : vector<16xi32>
    %ge3A_3220 = arith.constant 32 : i32
    %ge3A_3221 = vector.broadcast %ge3A_3220 : i32 to vector<16xi32>
    %ge3A_3222 = arith.cmpi sge, %abs3A_3202, %ge3A_3221 : vector<16xi32>
    %convert_element_type3A_3223 = arith.extui %ge3A_3222 : vector<16xi1> to vector<16xi32>
    %add3A_3224 = arith.addi %add3A_3219, %convert_element_type3A_3223 : vector<16xi32>
    %ge3A_3225 = arith.constant 46 : i32
    %ge3A_3226 = vector.broadcast %ge3A_3225 : i32 to vector<16xi32>
    %ge3A_3227 = arith.cmpi sge, %abs3A_3202, %ge3A_3226 : vector<16xi32>
    %convert_element_type3A_3228 = arith.extui %ge3A_3227 : vector<16xi1> to vector<16xi32>
    %add3A_3229 = arith.addi %add3A_3224, %convert_element_type3A_3228 : vector<16xi32>
    %ge3A_3230 = arith.constant 64 : i32
    %ge3A_3231 = vector.broadcast %ge3A_3230 : i32 to vector<16xi32>
    %ge3A_3232 = arith.cmpi sge, %abs3A_3202, %ge3A_3231 : vector<16xi32>
    %convert_element_type3A_3233 = arith.extui %ge3A_3232 : vector<16xi1> to vector<16xi32>
    %add3A_3234 = arith.addi %add3A_3229, %convert_element_type3A_3233 : vector<16xi32>
    %ge3A_3235 = arith.constant 91 : i32
    %ge3A_3236 = vector.broadcast %ge3A_3235 : i32 to vector<16xi32>
    %ge3A_3237 = arith.cmpi sge, %abs3A_3202, %ge3A_3236 : vector<16xi32>
    %convert_element_type3A_3238 = arith.extui %ge3A_3237 : vector<16xi1> to vector<16xi32>
    %add3A_3239 = arith.addi %add3A_3234, %convert_element_type3A_3238 : vector<16xi32>
    %lt3A_3240 = arith.constant 8 : i32
    %lt3A_3241 = vector.broadcast %lt3A_3240 : i32 to vector<16xi32>
    %lt3A_3242 = arith.cmpi slt, %abs3A_3202, %lt3A_3241 : vector<16xi32>
    %select_n3A_3243 = arith.select %lt3A_3242, %abs3A_3202, %add3A_3239 : vector<16xi1>, vector<16xi32>
    %add3A_3244 = arith.addi %select_n3A_3201, %select_n3A_3243 : vector<16xi32>
    %gather3A_3245 = tpu.vector_load_idx %arg4[%add3A_3244, %broadcast_in_dim3A] : memref<32x16xf32, #tpu.memory_space<vmem>>[vector<16xi32>, vector<16xi32>], vector<16xf32>,
    %swap3A_3246 = arith.constant 0 : i32
    %swap3A_3247 = arith.index_cast %swap3A_3246 : i32 to index
    %swap3A_3248 = arith.constant 2064 : index
    %swap3A_3249 = tpu.vector_load %arg5[%swap3A_3247, %swap3A_3248] {strides = array<i32>} : memref<1x3072xf32, #tpu.memory_space<vmem>>, vector<16xf32>,
    tpu.vector_store %arg5[%swap3A_3247, %swap3A_3248], %gather3A_3245 {strides = array<i32>} : memref<1x3072xf32, #tpu.memory_space<vmem>>, vector<16xf32>,
    %sub3A_3250 = arith.constant 2047 : i32
    %sub3A_3251 = arith.subi %sub3A_3250, %mul3A_76 : i32
    %mul3A_3252 = arith.constant 3072 : i32
    %mul3A_3253 = arith.muli %select_n3A_72, %mul3A_3252 : i32
    %sub3A_3254 = arith.subi %sub3A_3251, %mul3A_3253 : i32
    %sub3A_3255 = arith.constant 2080 : i32
    %sub3A_3256 = arith.subi %sub3A_3254, %sub3A_3255 : i32
    %sub3A_3257 = vector.broadcast %sub3A_3256 : i32 to vector<16xi32>
    %sub3A_3258 = arith.subi %sub3A_3257, %iota3A : vector<16xi32>
    %lt3A_3259 = arith.constant 0 : i32
    %lt3A_3260 = vector.broadcast %lt3A_3259 : i32 to vector<16xi32>
    %lt3A_3261 = arith.cmpi slt, %sub3A_3258, %lt3A_3260 : vector<16xi32>
    %jit3A_3262 = arith.constant 16 : i32
    %jit3A_3263 = arith.constant 0 : i32
    %broadcast_in_dim3A_3264 = vector.broadcast %jit3A_3262 : i32 to vector<16xi32>
    %broadcast_in_dim3A_3265 = vector.broadcast %jit3A_3263 : i32 to vector<16xi32>
    %select_n3A_3266 = arith.select %lt3A_3261, %broadcast_in_dim3A_3264, %broadcast_in_dim3A_3265 : vector<16xi1>, vector<16xi32>
    %abs3A_3267 = math.absi %sub3A_3258 : vector<16xi32>
    %broadcast_in_dim3A_3268 = arith.constant 8 : i32
    %broadcast_in_dim3A_3269 = vector.broadcast %broadcast_in_dim3A_3268 : i32 to vector<16xi32>
    %ge3A_3270 = arith.constant 12 : i32
    %ge3A_3271 = vector.broadcast %ge3A_3270 : i32 to vector<16xi32>
    %ge3A_3272 = arith.cmpi sge, %abs3A_3267, %ge3A_3271 : vector<16xi32>
    %convert_element_type3A_3273 = arith.extui %ge3A_3272 : vector<16xi1> to vector<16xi32>
    %add3A_3274 = arith.addi %broadcast_in_dim3A_3269, %convert_element_type3A_3273 : vector<16xi32>
    %ge3A_3275 = arith.constant 16 : i32
    %ge3A_3276 = vector.broadcast %ge3A_3275 : i32 to vector<16xi32>
    %ge3A_3277 = arith.cmpi sge, %abs3A_3267, %ge3A_3276 : vector<16xi32>
    %convert_element_type3A_3278 = arith.extui %ge3A_3277 : vector<16xi1> to vector<16xi32>
    %add3A_3279 = arith.addi %add3A_3274, %convert_element_type3A_3278 : vector<16xi32>
    %ge3A_3280 = arith.constant 23 : i32
    %ge3A_3281 = vector.broadcast %ge3A_3280 : i32 to vector<16xi32>
    %ge3A_3282 = arith.cmpi sge, %abs3A_3267, %ge3A_3281 : vector<16xi32>
    %convert_element_type3A_3283 = arith.extui %ge3A_3282 : vector<16xi1> to vector<16xi32>
    %add3A_3284 = arith.addi %add3A_3279, %convert_element_type3A_3283 : vector<16xi32>
    %ge3A_3285 = arith.constant 32 : i32
    %ge3A_3286 = vector.broadcast %ge3A_3285 : i32 to vector<16xi32>
    %ge3A_3287 = arith.cmpi sge, %abs3A_3267, %ge3A_3286 : vector<16xi32>
    %convert_element_type3A_3288 = arith.extui %ge3A_3287 : vector<16xi1> to vector<16xi32>
    %add3A_3289 = arith.addi %add3A_3284, %convert_element_type3A_3288 : vector<16xi32>
    %ge3A_3290 = arith.constant 46 : i32
    %ge3A_3291 = vector.broadcast %ge3A_3290 : i32 to vector<16xi32>
    %ge3A_3292 = arith.cmpi sge, %abs3A_3267, %ge3A_3291 : vector<16xi32>
    %convert_element_type3A_3293 = arith.extui %ge3A_3292 : vector<16xi1> to vector<16xi32>
    %add3A_3294 = arith.addi %add3A_3289, %convert_element_type3A_3293 : vector<16xi32>
    %ge3A_3295 = arith.constant 64 : i32
    %ge3A_3296 = vector.broadcast %ge3A_3295 : i32 to vector<16xi32>
    %ge3A_3297 = arith.cmpi sge, %abs3A_3267, %ge3A_3296 : vector<16xi32>
    %convert_element_type3A_3298 = arith.extui %ge3A_3297 : vector<16xi1> to vector<16xi32>
    %add3A_3299 = arith.addi %add3A_3294, %convert_element_type3A_3298 : vector<16xi32>
    %ge3A_3300 = arith.constant 91 : i32
    %ge3A_3301 = vector.broadcast %ge3A_3300 : i32 to vector<16xi32>
    %ge3A_3302 = arith.cmpi sge, %abs3A_3267, %ge3A_3301 : vector<16xi32>
    %convert_element_type3A_3303 = arith.extui %ge3A_3302 : vector<16xi1> to vector<16xi32>
    %add3A_3304 = arith.addi %add3A_3299, %convert_element_type3A_3303 : vector<16xi32>
    %lt3A_3305 = arith.constant 8 : i32
    %lt3A_3306 = vector.broadcast %lt3A_3305 : i32 to vector<16xi32>
    %lt3A_3307 = arith.cmpi slt, %abs3A_3267, %lt3A_3306 : vector<16xi32>
    %select_n3A_3308 = arith.select %lt3A_3307, %abs3A_3267, %add3A_3304 : vector<16xi1>, vector<16xi32>
    %add3A_3309 = arith.addi %select_n3A_3266, %select_n3A_3308 : vector<16xi32>
    %gather3A_3310 = tpu.vector_load_idx %arg4[%add3A_3309, %broadcast_in_dim3A] : memref<32x16xf32, #tpu.memory_space<vmem>>[vector<16xi32>, vector<16xi32>], vector<16xf32>,
    %swap3A_3311 = arith.constant 0 : i32
    %swap3A_3312 = arith.index_cast %swap3A_3311 : i32 to index
    %swap3A_3313 = arith.constant 2080 : index
    %swap3A_3314 = tpu.vector_load %arg5[%swap3A_3312, %swap3A_3313] {strides = array<i32>} : memref<1x3072xf32, #tpu.memory_space<vmem>>, vector<16xf32>,
    tpu.vector_store %arg5[%swap3A_3312, %swap3A_3313], %gather3A_3310 {strides = array<i32>} : memref<1x3072xf32, #tpu.memory_space<vmem>>, vector<16xf32>,
    %sub3A_3315 = arith.constant 2047 : i32
    %sub3A_3316 = arith.subi %sub3A_3315, %mul3A_76 : i32
    %mul3A_3317 = arith.constant 3072 : i32
    %mul3A_3318 = arith.muli %select_n3A_72, %mul3A_3317 : i32
    %sub3A_3319 = arith.subi %sub3A_3316, %mul3A_3318 : i32
    %sub3A_3320 = arith.constant 2096 : i32
    %sub3A_3321 = arith.subi %sub3A_3319, %sub3A_3320 : i32
    %sub3A_3322 = vector.broadcast %sub3A_3321 : i32 to vector<16xi32>
    %sub3A_3323 = arith.subi %sub3A_3322, %iota3A : vector<16xi32>
    %lt3A_3324 = arith.constant 0 : i32
    %lt3A_3325 = vector.broadcast %lt3A_3324 : i32 to vector<16xi32>
    %lt3A_3326 = arith.cmpi slt, %sub3A_3323, %lt3A_3325 : vector<16xi32>
    %jit3A_3327 = arith.constant 16 : i32
    %jit3A_3328 = arith.constant 0 : i32
    %broadcast_in_dim3A_3329 = vector.broadcast %jit3A_3327 : i32 to vector<16xi32>
    %broadcast_in_dim3A_3330 = vector.broadcast %jit3A_3328 : i32 to vector<16xi32>
    %select_n3A_3331 = arith.select %lt3A_3326, %broadcast_in_dim3A_3329, %broadcast_in_dim3A_3330 : vector<16xi1>, vector<16xi32>
    %abs3A_3332 = math.absi %sub3A_3323 : vector<16xi32>
    %broadcast_in_dim3A_3333 = arith.constant 8 : i32
    %broadcast_in_dim3A_3334 = vector.broadcast %broadcast_in_dim3A_3333 : i32 to vector<16xi32>
    %ge3A_3335 = arith.constant 12 : i32
    %ge3A_3336 = vector.broadcast %ge3A_3335 : i32 to vector<16xi32>
    %ge3A_3337 = arith.cmpi sge, %abs3A_3332, %ge3A_3336 : vector<16xi32>
    %convert_element_type3A_3338 = arith.extui %ge3A_3337 : vector<16xi1> to vector<16xi32>
    %add3A_3339 = arith.addi %broadcast_in_dim3A_3334, %convert_element_type3A_3338 : vector<16xi32>
    %ge3A_3340 = arith.constant 16 : i32
    %ge3A_3341 = vector.broadcast %ge3A_3340 : i32 to vector<16xi32>
    %ge3A_3342 = arith.cmpi sge, %abs3A_3332, %ge3A_3341 : vector<16xi32>
    %convert_element_type3A_3343 = arith.extui %ge3A_3342 : vector<16xi1> to vector<16xi32>
    %add3A_3344 = arith.addi %add3A_3339, %convert_element_type3A_3343 : vector<16xi32>
    %ge3A_3345 = arith.constant 23 : i32
    %ge3A_3346 = vector.broadcast %ge3A_3345 : i32 to vector<16xi32>
    %ge3A_3347 = arith.cmpi sge, %abs3A_3332, %ge3A_3346 : vector<16xi32>
    %convert_element_type3A_3348 = arith.extui %ge3A_3347 : vector<16xi1> to vector<16xi32>
    %add3A_3349 = arith.addi %add3A_3344, %convert_element_type3A_3348 : vector<16xi32>
    %ge3A_3350 = arith.constant 32 : i32
    %ge3A_3351 = vector.broadcast %ge3A_3350 : i32 to vector<16xi32>
    %ge3A_3352 = arith.cmpi sge, %abs3A_3332, %ge3A_3351 : vector<16xi32>
    %convert_element_type3A_3353 = arith.extui %ge3A_3352 : vector<16xi1> to vector<16xi32>
    %add3A_3354 = arith.addi %add3A_3349, %convert_element_type3A_3353 : vector<16xi32>
    %ge3A_3355 = arith.constant 46 : i32
    %ge3A_3356 = vector.broadcast %ge3A_3355 : i32 to vector<16xi32>
    %ge3A_3357 = arith.cmpi sge, %abs3A_3332, %ge3A_3356 : vector<16xi32>
    %convert_element_type3A_3358 = arith.extui %ge3A_3357 : vector<16xi1> to vector<16xi32>
    %add3A_3359 = arith.addi %add3A_3354, %convert_element_type3A_3358 : vector<16xi32>
    %ge3A_3360 = arith.constant 64 : i32
    %ge3A_3361 = vector.broadcast %ge3A_3360 : i32 to vector<16xi32>
    %ge3A_3362 = arith.cmpi sge, %abs3A_3332, %ge3A_3361 : vector<16xi32>
    %convert_element_type3A_3363 = arith.extui %ge3A_3362 : vector<16xi1> to vector<16xi32>
    %add3A_3364 = arith.addi %add3A_3359, %convert_element_type3A_3363 : vector<16xi32>
    %ge3A_3365 = arith.constant 91 : i32
    %ge3A_3366 = vector.broadcast %ge3A_3365 : i32 to vector<16xi32>
    %ge3A_3367 = arith.cmpi sge, %abs3A_3332, %ge3A_3366 : vector<16xi32>
    %convert_element_type3A_3368 = arith.extui %ge3A_3367 : vector<16xi1> to vector<16xi32>
    %add3A_3369 = arith.addi %add3A_3364, %convert_element_type3A_3368 : vector<16xi32>
    %lt3A_3370 = arith.constant 8 : i32
    %lt3A_3371 = vector.broadcast %lt3A_3370 : i32 to vector<16xi32>
    %lt3A_3372 = arith.cmpi slt, %abs3A_3332, %lt3A_3371 : vector<16xi32>
    %select_n3A_3373 = arith.select %lt3A_3372, %abs3A_3332, %add3A_3369 : vector<16xi1>, vector<16xi32>
    %add3A_3374 = arith.addi %select_n3A_3331, %select_n3A_3373 : vector<16xi32>
    %gather3A_3375 = tpu.vector_load_idx %arg4[%add3A_3374, %broadcast_in_dim3A] : memref<32x16xf32, #tpu.memory_space<vmem>>[vector<16xi32>, vector<16xi32>], vector<16xf32>,
    %swap3A_3376 = arith.constant 0 : i32
    %swap3A_3377 = arith.index_cast %swap3A_3376 : i32 to index
    %swap3A_3378 = arith.constant 2096 : index
    %swap3A_3379 = tpu.vector_load %arg5[%swap3A_3377, %swap3A_3378] {strides = array<i32>} : memref<1x3072xf32, #tpu.memory_space<vmem>>, vector<16xf32>,
    tpu.vector_store %arg5[%swap3A_3377, %swap3A_3378], %gather3A_3375 {strides = array<i32>} : memref<1x3072xf32, #tpu.memory_space<vmem>>, vector<16xf32>,
    %sub3A_3380 = arith.constant 2047 : i32
    %sub3A_3381 = arith.subi %sub3A_3380, %mul3A_76 : i32
    %mul3A_3382 = arith.constant 3072 : i32
    %mul3A_3383 = arith.muli %select_n3A_72, %mul3A_3382 : i32
    %sub3A_3384 = arith.subi %sub3A_3381, %mul3A_3383 : i32
    %sub3A_3385 = arith.constant 2112 : i32
    %sub3A_3386 = arith.subi %sub3A_3384, %sub3A_3385 : i32
    %sub3A_3387 = vector.broadcast %sub3A_3386 : i32 to vector<16xi32>
    %sub3A_3388 = arith.subi %sub3A_3387, %iota3A : vector<16xi32>
    %lt3A_3389 = arith.constant 0 : i32
    %lt3A_3390 = vector.broadcast %lt3A_3389 : i32 to vector<16xi32>
    %lt3A_3391 = arith.cmpi slt, %sub3A_3388, %lt3A_3390 : vector<16xi32>
    %jit3A_3392 = arith.constant 16 : i32
    %jit3A_3393 = arith.constant 0 : i32
    %broadcast_in_dim3A_3394 = vector.broadcast %jit3A_3392 : i32 to vector<16xi32>
    %broadcast_in_dim3A_3395 = vector.broadcast %jit3A_3393 : i32 to vector<16xi32>
    %select_n3A_3396 = arith.select %lt3A_3391, %broadcast_in_dim3A_3394, %broadcast_in_dim3A_3395 : vector<16xi1>, vector<16xi32>
    %abs3A_3397 = math.absi %sub3A_3388 : vector<16xi32>
    %broadcast_in_dim3A_3398 = arith.constant 8 : i32
    %broadcast_in_dim3A_3399 = vector.broadcast %broadcast_in_dim3A_3398 : i32 to vector<16xi32>
    %ge3A_3400 = arith.constant 12 : i32
    %ge3A_3401 = vector.broadcast %ge3A_3400 : i32 to vector<16xi32>
    %ge3A_3402 = arith.cmpi sge, %abs3A_3397, %ge3A_3401 : vector<16xi32>
    %convert_element_type3A_3403 = arith.extui %ge3A_3402 : vector<16xi1> to vector<16xi32>
    %add3A_3404 = arith.addi %broadcast_in_dim3A_3399, %convert_element_type3A_3403 : vector<16xi32>
    %ge3A_3405 = arith.constant 16 : i32
    %ge3A_3406 = vector.broadcast %ge3A_3405 : i32 to vector<16xi32>
    %ge3A_3407 = arith.cmpi sge, %abs3A_3397, %ge3A_3406 : vector<16xi32>
    %convert_element_type3A_3408 = arith.extui %ge3A_3407 : vector<16xi1> to vector<16xi32>
    %add3A_3409 = arith.addi %add3A_3404, %convert_element_type3A_3408 : vector<16xi32>
    %ge3A_3410 = arith.constant 23 : i32
    %ge3A_3411 = vector.broadcast %ge3A_3410 : i32 to vector<16xi32>
    %ge3A_3412 = arith.cmpi sge, %abs3A_3397, %ge3A_3411 : vector<16xi32>
    %convert_element_type3A_3413 = arith.extui %ge3A_3412 : vector<16xi1> to vector<16xi32>
    %add3A_3414 = arith.addi %add3A_3409, %convert_element_type3A_3413 : vector<16xi32>
    %ge3A_3415 = arith.constant 32 : i32
    %ge3A_3416 = vector.broadcast %ge3A_3415 : i32 to vector<16xi32>
    %ge3A_3417 = arith.cmpi sge, %abs3A_3397, %ge3A_3416 : vector<16xi32>
    %convert_element_type3A_3418 = arith.extui %ge3A_3417 : vector<16xi1> to vector<16xi32>
    %add3A_3419 = arith.addi %add3A_3414, %convert_element_type3A_3418 : vector<16xi32>
    %ge3A_3420 = arith.constant 46 : i32
    %ge3A_3421 = vector.broadcast %ge3A_3420 : i32 to vector<16xi32>
    %ge3A_3422 = arith.cmpi sge, %abs3A_3397, %ge3A_3421 : vector<16xi32>
    %convert_element_type3A_3423 = arith.extui %ge3A_3422 : vector<16xi1> to vector<16xi32>
    %add3A_3424 = arith.addi %add3A_3419, %convert_element_type3A_3423 : vector<16xi32>
    %ge3A_3425 = arith.constant 64 : i32
    %ge3A_3426 = vector.broadcast %ge3A_3425 : i32 to vector<16xi32>
    %ge3A_3427 = arith.cmpi sge, %abs3A_3397, %ge3A_3426 : vector<16xi32>
    %convert_element_type3A_3428 = arith.extui %ge3A_3427 : vector<16xi1> to vector<16xi32>
    %add3A_3429 = arith.addi %add3A_3424, %convert_element_type3A_3428 : vector<16xi32>
    %ge3A_3430 = arith.constant 91 : i32
    %ge3A_3431 = vector.broadcast %ge3A_3430 : i32 to vector<16xi32>
    %ge3A_3432 = arith.cmpi sge, %abs3A_3397, %ge3A_3431 : vector<16xi32>
    %convert_element_type3A_3433 = arith.extui %ge3A_3432 : vector<16xi1> to vector<16xi32>
    %add3A_3434 = arith.addi %add3A_3429, %convert_element_type3A_3433 : vector<16xi32>
    %lt3A_3435 = arith.constant 8 : i32
    %lt3A_3436 = vector.broadcast %lt3A_3435 : i32 to vector<16xi32>
    %lt3A_3437 = arith.cmpi slt, %abs3A_3397, %lt3A_3436 : vector<16xi32>
    %select_n3A_3438 = arith.select %lt3A_3437, %abs3A_3397, %add3A_3434 : vector<16xi1>, vector<16xi32>
    %add3A_3439 = arith.addi %select_n3A_3396, %select_n3A_3438 : vector<16xi32>
    %gather3A_3440 = tpu.vector_load_idx %arg4[%add3A_3439, %broadcast_in_dim3A] : memref<32x16xf32, #tpu.memory_space<vmem>>[vector<16xi32>, vector<16xi32>], vector<16xf32>,
    %swap3A_3441 = arith.constant 0 : i32
    %swap3A_3442 = arith.index_cast %swap3A_3441 : i32 to index
    %swap3A_3443 = arith.constant 2112 : index
    %swap3A_3444 = tpu.vector_load %arg5[%swap3A_3442, %swap3A_3443] {strides = array<i32>} : memref<1x3072xf32, #tpu.memory_space<vmem>>, vector<16xf32>,
    tpu.vector_store %arg5[%swap3A_3442, %swap3A_3443], %gather3A_3440 {strides = array<i32>} : memref<1x3072xf32, #tpu.memory_space<vmem>>, vector<16xf32>,
    %sub3A_3445 = arith.constant 2047 : i32
    %sub3A_3446 = arith.subi %sub3A_3445, %mul3A_76 : i32
    %mul3A_3447 = arith.constant 3072 : i32
    %mul3A_3448 = arith.muli %select_n3A_72, %mul3A_3447 : i32
    %sub3A_3449 = arith.subi %sub3A_3446, %mul3A_3448 : i32
    %sub3A_3450 = arith.constant 2128 : i32
    %sub3A_3451 = arith.subi %sub3A_3449, %sub3A_3450 : i32
    %sub3A_3452 = vector.broadcast %sub3A_3451 : i32 to vector<16xi32>
    %sub3A_3453 = arith.subi %sub3A_3452, %iota3A : vector<16xi32>
    %lt3A_3454 = arith.constant 0 : i32
    %lt3A_3455 = vector.broadcast %lt3A_3454 : i32 to vector<16xi32>
    %lt3A_3456 = arith.cmpi slt, %sub3A_3453, %lt3A_3455 : vector<16xi32>
    %jit3A_3457 = arith.constant 16 : i32
    %jit3A_3458 = arith.constant 0 : i32
    %broadcast_in_dim3A_3459 = vector.broadcast %jit3A_3457 : i32 to vector<16xi32>
    %broadcast_in_dim3A_3460 = vector.broadcast %jit3A_3458 : i32 to vector<16xi32>
    %select_n3A_3461 = arith.select %lt3A_3456, %broadcast_in_dim3A_3459, %broadcast_in_dim3A_3460 : vector<16xi1>, vector<16xi32>
    %abs3A_3462 = math.absi %sub3A_3453 : vector<16xi32>
    %broadcast_in_dim3A_3463 = arith.constant 8 : i32
    %broadcast_in_dim3A_3464 = vector.broadcast %broadcast_in_dim3A_3463 : i32 to vector<16xi32>
    %ge3A_3465 = arith.constant 12 : i32
    %ge3A_3466 = vector.broadcast %ge3A_3465 : i32 to vector<16xi32>
    %ge3A_3467 = arith.cmpi sge, %abs3A_3462, %ge3A_3466 : vector<16xi32>
    %convert_element_type3A_3468 = arith.extui %ge3A_3467 : vector<16xi1> to vector<16xi32>
    %add3A_3469 = arith.addi %broadcast_in_dim3A_3464, %convert_element_type3A_3468 : vector<16xi32>
    %ge3A_3470 = arith.constant 16 : i32
    %ge3A_3471 = vector.broadcast %ge3A_3470 : i32 to vector<16xi32>
    %ge3A_3472 = arith.cmpi sge, %abs3A_3462, %ge3A_3471 : vector<16xi32>
    %convert_element_type3A_3473 = arith.extui %ge3A_3472 : vector<16xi1> to vector<16xi32>
    %add3A_3474 = arith.addi %add3A_3469, %convert_element_type3A_3473 : vector<16xi32>
    %ge3A_3475 = arith.constant 23 : i32
    %ge3A_3476 = vector.broadcast %ge3A_3475 : i32 to vector<16xi32>
    %ge3A_3477 = arith.cmpi sge, %abs3A_3462, %ge3A_3476 : vector<16xi32>
    %convert_element_type3A_3478 = arith.extui %ge3A_3477 : vector<16xi1> to vector<16xi32>
    %add3A_3479 = arith.addi %add3A_3474, %convert_element_type3A_3478 : vector<16xi32>
    %ge3A_3480 = arith.constant 32 : i32
    %ge3A_3481 = vector.broadcast %ge3A_3480 : i32 to vector<16xi32>
    %ge3A_3482 = arith.cmpi sge, %abs3A_3462, %ge3A_3481 : vector<16xi32>
    %convert_element_type3A_3483 = arith.extui %ge3A_3482 : vector<16xi1> to vector<16xi32>
    %add3A_3484 = arith.addi %add3A_3479, %convert_element_type3A_3483 : vector<16xi32>
    %ge3A_3485 = arith.constant 46 : i32
    %ge3A_3486 = vector.broadcast %ge3A_3485 : i32 to vector<16xi32>
    %ge3A_3487 = arith.cmpi sge, %abs3A_3462, %ge3A_3486 : vector<16xi32>
    %convert_element_type3A_3488 = arith.extui %ge3A_3487 : vector<16xi1> to vector<16xi32>
    %add3A_3489 = arith.addi %add3A_3484, %convert_element_type3A_3488 : vector<16xi32>
    %ge3A_3490 = arith.constant 64 : i32
    %ge3A_3491 = vector.broadcast %ge3A_3490 : i32 to vector<16xi32>
    %ge3A_3492 = arith.cmpi sge, %abs3A_3462, %ge3A_3491 : vector<16xi32>
    %convert_element_type3A_3493 = arith.extui %ge3A_3492 : vector<16xi1> to vector<16xi32>
    %add3A_3494 = arith.addi %add3A_3489, %convert_element_type3A_3493 : vector<16xi32>
    %ge3A_3495 = arith.constant 91 : i32
    %ge3A_3496 = vector.broadcast %ge3A_3495 : i32 to vector<16xi32>
    %ge3A_3497 = arith.cmpi sge, %abs3A_3462, %ge3A_3496 : vector<16xi32>
    %convert_element_type3A_3498 = arith.extui %ge3A_3497 : vector<16xi1> to vector<16xi32>
    %add3A_3499 = arith.addi %add3A_3494, %convert_element_type3A_3498 : vector<16xi32>
    %lt3A_3500 = arith.constant 8 : i32
    %lt3A_3501 = vector.broadcast %lt3A_3500 : i32 to vector<16xi32>
    %lt3A_3502 = arith.cmpi slt, %abs3A_3462, %lt3A_3501 : vector<16xi32>
    %select_n3A_3503 = arith.select %lt3A_3502, %abs3A_3462, %add3A_3499 : vector<16xi1>, vector<16xi32>
    %add3A_3504 = arith.addi %select_n3A_3461, %select_n3A_3503 : vector<16xi32>
    %gather3A_3505 = tpu.vector_load_idx %arg4[%add3A_3504, %broadcast_in_dim3A] : memref<32x16xf32, #tpu.memory_space<vmem>>[vector<16xi32>, vector<16xi32>], vector<16xf32>,
    %swap3A_3506 = arith.constant 0 : i32
    %swap3A_3507 = arith.index_cast %swap3A_3506 : i32 to index
    %swap3A_3508 = arith.constant 2128 : index
    %swap3A_3509 = tpu.vector_load %arg5[%swap3A_3507, %swap3A_3508] {strides = array<i32>} : memref<1x3072xf32, #tpu.memory_space<vmem>>, vector<16xf32>,
    tpu.vector_store %arg5[%swap3A_3507, %swap3A_3508], %gather3A_3505 {strides = array<i32>} : memref<1x3072xf32, #tpu.memory_space<vmem>>, vector<16xf32>,
    %sub3A_3510 = arith.constant 2047 : i32
    %sub3A_3511 = arith.subi %sub3A_3510, %mul3A_76 : i32
    %mul3A_3512 = arith.constant 3072 : i32
    %mul3A_3513 = arith.muli %select_n3A_72, %mul3A_3512 : i32
    %sub3A_3514 = arith.subi %sub3A_3511, %mul3A_3513 : i32
    %sub3A_3515 = arith.constant 2144 : i32
    %sub3A_3516 = arith.subi %sub3A_3514, %sub3A_3515 : i32
    %sub3A_3517 = vector.broadcast %sub3A_3516 : i32 to vector<16xi32>
    %sub3A_3518 = arith.subi %sub3A_3517, %iota3A : vector<16xi32>
    %ge3A_3519 = arith.constant 0 : i32
    %ge3A_3520 = vector.broadcast %ge3A_3519 : i32 to vector<16xi32>
    %ge3A_3521 = arith.cmpi sge, %sub3A_3518, %ge3A_3520 : vector<16xi32>
    %select_n3A_3522 = arith.select %ge3A_3521, %gather3A, %gather3A_83 : vector<16xi1>, vector<16xf32>
    %swap3A_3523 = arith.constant 0 : i32
    %swap3A_3524 = arith.index_cast %swap3A_3523 : i32 to index
    %swap3A_3525 = arith.constant 2144 : index
    %swap3A_3526 = tpu.vector_load %arg5[%swap3A_3524, %swap3A_3525] {strides = array<i32>} : memref<1x3072xf32, #tpu.memory_space<vmem>>, vector<16xf32>,
    tpu.vector_store %arg5[%swap3A_3524, %swap3A_3525], %select_n3A_3522 {strides = array<i32>} : memref<1x3072xf32, #tpu.memory_space<vmem>>, vector<16xf32>,
    %sub3A_3527 = arith.constant 2047 : i32
    %sub3A_3528 = arith.subi %sub3A_3527, %mul3A_76 : i32
    %mul3A_3529 = arith.constant 3072 : i32
    %mul3A_3530 = arith.muli %select_n3A_72, %mul3A_3529 : i32
    %sub3A_3531 = arith.subi %sub3A_3528, %mul3A_3530 : i32
    %sub3A_3532 = arith.constant 2160 : i32
    %sub3A_3533 = arith.subi %sub3A_3531, %sub3A_3532 : i32
    %sub3A_3534 = vector.broadcast %sub3A_3533 : i32 to vector<16xi32>
    %sub3A_3535 = arith.subi %sub3A_3534, %iota3A : vector<16xi32>
    %ge3A_3536 = arith.constant 0 : i32
    %ge3A_3537 = vector.broadcast %ge3A_3536 : i32 to vector<16xi32>
    %ge3A_3538 = arith.cmpi sge, %sub3A_3535, %ge3A_3537 : vector<16xi32>
    %select_n3A_3539 = arith.select %ge3A_3538, %gather3A, %gather3A_83 : vector<16xi1>, vector<16xf32>
    %swap3A_3540 = arith.constant 0 : i32
    %swap3A_3541 = arith.index_cast %swap3A_3540 : i32 to index
    %swap3A_3542 = arith.constant 2160 : index
    %swap3A_3543 = tpu.vector_load %arg5[%swap3A_3541, %swap3A_3542] {strides = array<i32>} : memref<1x3072xf32, #tpu.memory_space<vmem>>, vector<16xf32>,
    tpu.vector_store %arg5[%swap3A_3541, %swap3A_3542], %select_n3A_3539 {strides = array<i32>} : memref<1x3072xf32, #tpu.memory_space<vmem>>, vector<16xf32>,
    %sub3A_3544 = arith.constant 2047 : i32
    %sub3A_3545 = arith.subi %sub3A_3544, %mul3A_76 : i32
    %mul3A_3546 = arith.constant 3072 : i32
    %mul3A_3547 = arith.muli %select_n3A_72, %mul3A_3546 : i32
    %sub3A_3548 = arith.subi %sub3A_3545, %mul3A_3547 : i32
    %sub3A_3549 = arith.constant 2176 : i32
    %sub3A_3550 = arith.subi %sub3A_3548, %sub3A_3549 : i32
    %sub3A_3551 = vector.broadcast %sub3A_3550 : i32 to vector<16xi32>
    %sub3A_3552 = arith.subi %sub3A_3551, %iota3A : vector<16xi32>
    %ge3A_3553 = arith.constant 0 : i32
    %ge3A_3554 = vector.broadcast %ge3A_3553 : i32 to vector<16xi32>
    %ge3A_3555 = arith.cmpi sge, %sub3A_3552, %ge3A_3554 : vector<16xi32>
    %select_n3A_3556 = arith.select %ge3A_3555, %gather3A, %gather3A_83 : vector<16xi1>, vector<16xf32>
    %swap3A_3557 = arith.constant 0 : i32
    %swap3A_3558 = arith.index_cast %swap3A_3557 : i32 to index
    %swap3A_3559 = arith.constant 2176 : index
    %swap3A_3560 = tpu.vector_load %arg5[%swap3A_3558, %swap3A_3559] {strides = array<i32>} : memref<1x3072xf32, #tpu.memory_space<vmem>>, vector<16xf32>,
    tpu.vector_store %arg5[%swap3A_3558, %swap3A_3559], %select_n3A_3556 {strides = array<i32>} : memref<1x3072xf32, #tpu.memory_space<vmem>>, vector<16xf32>,
    %sub3A_3561 = arith.constant 2047 : i32
    %sub3A_3562 = arith.subi %sub3A_3561, %mul3A_76 : i32
    %mul3A_3563 = arith.constant 3072 : i32
    %mul3A_3564 = arith.muli %select_n3A_72, %mul3A_3563 : i32
    %sub3A_3565 = arith.subi %sub3A_3562, %mul3A_3564 : i32
    %sub3A_3566 = arith.constant 2192 : i32
    %sub3A_3567 = arith.subi %sub3A_3565, %sub3A_3566 : i32
    %sub3A_3568 = vector.broadcast %sub3A_3567 : i32 to vector<16xi32>
    %sub3A_3569 = arith.subi %sub3A_3568, %iota3A : vector<16xi32>
    %ge3A_3570 = arith.constant 0 : i32
    %ge3A_3571 = vector.broadcast %ge3A_3570 : i32 to vector<16xi32>
    %ge3A_3572 = arith.cmpi sge, %sub3A_3569, %ge3A_3571 : vector<16xi32>
    %select_n3A_3573 = arith.select %ge3A_3572, %gather3A, %gather3A_83 : vector<16xi1>, vector<16xf32>
    %swap3A_3574 = arith.constant 0 : i32
    %swap3A_3575 = arith.index_cast %swap3A_3574 : i32 to index
    %swap3A_3576 = arith.constant 2192 : index
    %swap3A_3577 = tpu.vector_load %arg5[%swap3A_3575, %swap3A_3576] {strides = array<i32>} : memref<1x3072xf32, #tpu.memory_space<vmem>>, vector<16xf32>,
    tpu.vector_store %arg5[%swap3A_3575, %swap3A_3576], %select_n3A_3573 {strides = array<i32>} : memref<1x3072xf32, #tpu.memory_space<vmem>>, vector<16xf32>,
    %sub3A_3578 = arith.constant 2047 : i32
    %sub3A_3579 = arith.subi %sub3A_3578, %mul3A_76 : i32
    %mul3A_3580 = arith.constant 3072 : i32
    %mul3A_3581 = arith.muli %select_n3A_72, %mul3A_3580 : i32
    %sub3A_3582 = arith.subi %sub3A_3579, %mul3A_3581 : i32
    %sub3A_3583 = arith.constant 2208 : i32
    %sub3A_3584 = arith.subi %sub3A_3582, %sub3A_3583 : i32
    %sub3A_3585 = vector.broadcast %sub3A_3584 : i32 to vector<16xi32>
    %sub3A_3586 = arith.subi %sub3A_3585, %iota3A : vector<16xi32>
    %ge3A_3587 = arith.constant 0 : i32
    %ge3A_3588 = vector.broadcast %ge3A_3587 : i32 to vector<16xi32>
    %ge3A_3589 = arith.cmpi sge, %sub3A_3586, %ge3A_3588 : vector<16xi32>
    %select_n3A_3590 = arith.select %ge3A_3589, %gather3A, %gather3A_83 : vector<16xi1>, vector<16xf32>
    %swap3A_3591 = arith.constant 0 : i32
    %swap3A_3592 = arith.index_cast %swap3A_3591 : i32 to index
    %swap3A_3593 = arith.constant 2208 : index
    %swap3A_3594 = tpu.vector_load %arg5[%swap3A_3592, %swap3A_3593] {strides = array<i32>} : memref<1x3072xf32, #tpu.memory_space<vmem>>, vector<16xf32>,
    tpu.vector_store %arg5[%swap3A_3592, %swap3A_3593], %select_n3A_3590 {strides = array<i32>} : memref<1x3072xf32, #tpu.memory_space<vmem>>, vector<16xf32>,
    %sub3A_3595 = arith.constant 2047 : i32
    %sub3A_3596 = arith.subi %sub3A_3595, %mul3A_76 : i32
    %mul3A_3597 = arith.constant 3072 : i32
    %mul3A_3598 = arith.muli %select_n3A_72, %mul3A_3597 : i32
    %sub3A_3599 = arith.subi %sub3A_3596, %mul3A_3598 : i32
    %sub3A_3600 = arith.constant 2224 : i32
    %sub3A_3601 = arith.subi %sub3A_3599, %sub3A_3600 : i32
    %sub3A_3602 = vector.broadcast %sub3A_3601 : i32 to vector<16xi32>
    %sub3A_3603 = arith.subi %sub3A_3602, %iota3A : vector<16xi32>
    %ge3A_3604 = arith.constant 0 : i32
    %ge3A_3605 = vector.broadcast %ge3A_3604 : i32 to vector<16xi32>
    %ge3A_3606 = arith.cmpi sge, %sub3A_3603, %ge3A_3605 : vector<16xi32>
    %select_n3A_3607 = arith.select %ge3A_3606, %gather3A, %gather3A_83 : vector<16xi1>, vector<16xf32>
    %swap3A_3608 = arith.constant 0 : i32
    %swap3A_3609 = arith.index_cast %swap3A_3608 : i32 to index
    %swap3A_3610 = arith.constant 2224 : index
    %swap3A_3611 = tpu.vector_load %arg5[%swap3A_3609, %swap3A_3610] {strides = array<i32>} : memref<1x3072xf32, #tpu.memory_space<vmem>>, vector<16xf32>,
    tpu.vector_store %arg5[%swap3A_3609, %swap3A_3610], %select_n3A_3607 {strides = array<i32>} : memref<1x3072xf32, #tpu.memory_space<vmem>>, vector<16xf32>,
    %sub3A_3612 = arith.constant 2047 : i32
    %sub3A_3613 = arith.subi %sub3A_3612, %mul3A_76 : i32
    %mul3A_3614 = arith.constant 3072 : i32
    %mul3A_3615 = arith.muli %select_n3A_72, %mul3A_3614 : i32
    %sub3A_3616 = arith.subi %sub3A_3613, %mul3A_3615 : i32
    %sub3A_3617 = arith.constant 2240 : i32
    %sub3A_3618 = arith.subi %sub3A_3616, %sub3A_3617 : i32
    %sub3A_3619 = vector.broadcast %sub3A_3618 : i32 to vector<16xi32>
    %sub3A_3620 = arith.subi %sub3A_3619, %iota3A : vector<16xi32>
    %ge3A_3621 = arith.constant 0 : i32
    %ge3A_3622 = vector.broadcast %ge3A_3621 : i32 to vector<16xi32>
    %ge3A_3623 = arith.cmpi sge, %sub3A_3620, %ge3A_3622 : vector<16xi32>
    %select_n3A_3624 = arith.select %ge3A_3623, %gather3A, %gather3A_83 : vector<16xi1>, vector<16xf32>
    %swap3A_3625 = arith.constant 0 : i32
    %swap3A_3626 = arith.index_cast %swap3A_3625 : i32 to index
    %swap3A_3627 = arith.constant 2240 : index
    %swap3A_3628 = tpu.vector_load %arg5[%swap3A_3626, %swap3A_3627] {strides = array<i32>} : memref<1x3072xf32, #tpu.memory_space<vmem>>, vector<16xf32>,
    tpu.vector_store %arg5[%swap3A_3626, %swap3A_3627], %select_n3A_3624 {strides = array<i32>} : memref<1x3072xf32, #tpu.memory_space<vmem>>, vector<16xf32>,
    %sub3A_3629 = arith.constant 2047 : i32
    %sub3A_3630 = arith.subi %sub3A_3629, %mul3A_76 : i32
    %mul3A_3631 = arith.constant 3072 : i32
    %mul3A_3632 = arith.muli %select_n3A_72, %mul3A_3631 : i32
    %sub3A_3633 = arith.subi %sub3A_3630, %mul3A_3632 : i32
    %sub3A_3634 = arith.constant 2256 : i32
    %sub3A_3635 = arith.subi %sub3A_3633, %sub3A_3634 : i32
    %sub3A_3636 = vector.broadcast %sub3A_3635 : i32 to vector<16xi32>
    %sub3A_3637 = arith.subi %sub3A_3636, %iota3A : vector<16xi32>
    %ge3A_3638 = arith.constant 0 : i32
    %ge3A_3639 = vector.broadcast %ge3A_3638 : i32 to vector<16xi32>
    %ge3A_3640 = arith.cmpi sge, %sub3A_3637, %ge3A_3639 : vector<16xi32>
    %select_n3A_3641 = arith.select %ge3A_3640, %gather3A, %gather3A_83 : vector<16xi1>, vector<16xf32>
    %swap3A_3642 = arith.constant 0 : i32
    %swap3A_3643 = arith.index_cast %swap3A_3642 : i32 to index
    %swap3A_3644 = arith.constant 2256 : index
    %swap3A_3645 = tpu.vector_load %arg5[%swap3A_3643, %swap3A_3644] {strides = array<i32>} : memref<1x3072xf32, #tpu.memory_space<vmem>>, vector<16xf32>,
    tpu.vector_store %arg5[%swap3A_3643, %swap3A_3644], %select_n3A_3641 {strides = array<i32>} : memref<1x3072xf32, #tpu.memory_space<vmem>>, vector<16xf32>,
    %sub3A_3646 = arith.constant 2047 : i32
    %sub3A_3647 = arith.subi %sub3A_3646, %mul3A_76 : i32
    %mul3A_3648 = arith.constant 3072 : i32
    %mul3A_3649 = arith.muli %select_n3A_72, %mul3A_3648 : i32
    %sub3A_3650 = arith.subi %sub3A_3647, %mul3A_3649 : i32
    %sub3A_3651 = arith.constant 2272 : i32
    %sub3A_3652 = arith.subi %sub3A_3650, %sub3A_3651 : i32
    %sub3A_3653 = vector.broadcast %sub3A_3652 : i32 to vector<16xi32>
    %sub3A_3654 = arith.subi %sub3A_3653, %iota3A : vector<16xi32>
    %ge3A_3655 = arith.constant 0 : i32
    %ge3A_3656 = vector.broadcast %ge3A_3655 : i32 to vector<16xi32>
    %ge3A_3657 = arith.cmpi sge, %sub3A_3654, %ge3A_3656 : vector<16xi32>
    %select_n3A_3658 = arith.select %ge3A_3657, %gather3A, %gather3A_83 : vector<16xi1>, vector<16xf32>
    %swap3A_3659 = arith.constant 0 : i32
    %swap3A_3660 = arith.index_cast %swap3A_3659 : i32 to index
    %swap3A_3661 = arith.constant 2272 : index
    %swap3A_3662 = tpu.vector_load %arg5[%swap3A_3660, %swap3A_3661] {strides = array<i32>} : memref<1x3072xf32, #tpu.memory_space<vmem>>, vector<16xf32>,
    tpu.vector_store %arg5[%swap3A_3660, %swap3A_3661], %select_n3A_3658 {strides = array<i32>} : memref<1x3072xf32, #tpu.memory_space<vmem>>, vector<16xf32>,
    %sub3A_3663 = arith.constant 2047 : i32
    %sub3A_3664 = arith.subi %sub3A_3663, %mul3A_76 : i32
    %mul3A_3665 = arith.constant 3072 : i32
    %mul3A_3666 = arith.muli %select_n3A_72, %mul3A_3665 : i32
    %sub3A_3667 = arith.subi %sub3A_3664, %mul3A_3666 : i32
    %sub3A_3668 = arith.constant 2288 : i32
    %sub3A_3669 = arith.subi %sub3A_3667, %sub3A_3668 : i32
    %sub3A_3670 = vector.broadcast %sub3A_3669 : i32 to vector<16xi32>
    %sub3A_3671 = arith.subi %sub3A_3670, %iota3A : vector<16xi32>
    %ge3A_3672 = arith.constant 0 : i32
    %ge3A_3673 = vector.broadcast %ge3A_3672 : i32 to vector<16xi32>
    %ge3A_3674 = arith.cmpi sge, %sub3A_3671, %ge3A_3673 : vector<16xi32>
    %select_n3A_3675 = arith.select %ge3A_3674, %gather3A, %gather3A_83 : vector<16xi1>, vector<16xf32>
    %swap3A_3676 = arith.constant 0 : i32
    %swap3A_3677 = arith.index_cast %swap3A_3676 : i32 to index
    %swap3A_3678 = arith.constant 2288 : index
    %swap3A_3679 = tpu.vector_load %arg5[%swap3A_3677, %swap3A_3678] {strides = array<i32>} : memref<1x3072xf32, #tpu.memory_space<vmem>>, vector<16xf32>,
    tpu.vector_store %arg5[%swap3A_3677, %swap3A_3678], %select_n3A_3675 {strides = array<i32>} : memref<1x3072xf32, #tpu.memory_space<vmem>>, vector<16xf32>,
    %sub3A_3680 = arith.constant 2047 : i32
    %sub3A_3681 = arith.subi %sub3A_3680, %mul3A_76 : i32
    %mul3A_3682 = arith.constant 3072 : i32
    %mul3A_3683 = arith.muli %select_n3A_72, %mul3A_3682 : i32
    %sub3A_3684 = arith.subi %sub3A_3681, %mul3A_3683 : i32
    %sub3A_3685 = arith.constant 2304 : i32
    %sub3A_3686 = arith.subi %sub3A_3684, %sub3A_3685 : i32
    %sub3A_3687 = vector.broadcast %sub3A_3686 : i32 to vector<16xi32>
    %sub3A_3688 = arith.subi %sub3A_3687, %iota3A : vector<16xi32>
    %ge3A_3689 = arith.constant 0 : i32
    %ge3A_3690 = vector.broadcast %ge3A_3689 : i32 to vector<16xi32>
    %ge3A_3691 = arith.cmpi sge, %sub3A_3688, %ge3A_3690 : vector<16xi32>
    %select_n3A_3692 = arith.select %ge3A_3691, %gather3A, %gather3A_83 : vector<16xi1>, vector<16xf32>
    %swap3A_3693 = arith.constant 0 : i32
    %swap3A_3694 = arith.index_cast %swap3A_3693 : i32 to index
    %swap3A_3695 = arith.constant 2304 : index
    %swap3A_3696 = tpu.vector_load %arg5[%swap3A_3694, %swap3A_3695] {strides = array<i32>} : memref<1x3072xf32, #tpu.memory_space<vmem>>, vector<16xf32>,
    tpu.vector_store %arg5[%swap3A_3694, %swap3A_3695], %select_n3A_3692 {strides = array<i32>} : memref<1x3072xf32, #tpu.memory_space<vmem>>, vector<16xf32>,
    %sub3A_3697 = arith.constant 2047 : i32
    %sub3A_3698 = arith.subi %sub3A_3697, %mul3A_76 : i32
    %mul3A_3699 = arith.constant 3072 : i32
    %mul3A_3700 = arith.muli %select_n3A_72, %mul3A_3699 : i32
    %sub3A_3701 = arith.subi %sub3A_3698, %mul3A_3700 : i32
    %sub3A_3702 = arith.constant 2320 : i32
    %sub3A_3703 = arith.subi %sub3A_3701, %sub3A_3702 : i32
    %sub3A_3704 = vector.broadcast %sub3A_3703 : i32 to vector<16xi32>
    %sub3A_3705 = arith.subi %sub3A_3704, %iota3A : vector<16xi32>
    %ge3A_3706 = arith.constant 0 : i32
    %ge3A_3707 = vector.broadcast %ge3A_3706 : i32 to vector<16xi32>
    %ge3A_3708 = arith.cmpi sge, %sub3A_3705, %ge3A_3707 : vector<16xi32>
    %select_n3A_3709 = arith.select %ge3A_3708, %gather3A, %gather3A_83 : vector<16xi1>, vector<16xf32>
    %swap3A_3710 = arith.constant 0 : i32
    %swap3A_3711 = arith.index_cast %swap3A_3710 : i32 to index
    %swap3A_3712 = arith.constant 2320 : index
    %swap3A_3713 = tpu.vector_load %arg5[%swap3A_3711, %swap3A_3712] {strides = array<i32>} : memref<1x3072xf32, #tpu.memory_space<vmem>>, vector<16xf32>,
    tpu.vector_store %arg5[%swap3A_3711, %swap3A_3712], %select_n3A_3709 {strides = array<i32>} : memref<1x3072xf32, #tpu.memory_space<vmem>>, vector<16xf32>,
    %sub3A_3714 = arith.constant 2047 : i32
    %sub3A_3715 = arith.subi %sub3A_3714, %mul3A_76 : i32
    %mul3A_3716 = arith.constant 3072 : i32
    %mul3A_3717 = arith.muli %select_n3A_72, %mul3A_3716 : i32
    %sub3A_3718 = arith.subi %sub3A_3715, %mul3A_3717 : i32
    %sub3A_3719 = arith.constant 2336 : i32
    %sub3A_3720 = arith.subi %sub3A_3718, %sub3A_3719 : i32
    %sub3A_3721 = vector.broadcast %sub3A_3720 : i32 to vector<16xi32>
    %sub3A_3722 = arith.subi %sub3A_3721, %iota3A : vector<16xi32>
    %ge3A_3723 = arith.constant 0 : i32
    %ge3A_3724 = vector.broadcast %ge3A_3723 : i32 to vector<16xi32>
    %ge3A_3725 = arith.cmpi sge, %sub3A_3722, %ge3A_3724 : vector<16xi32>
    %select_n3A_3726 = arith.select %ge3A_3725, %gather3A, %gather3A_83 : vector<16xi1>, vector<16xf32>
    %swap3A_3727 = arith.constant 0 : i32
    %swap3A_3728 = arith.index_cast %swap3A_3727 : i32 to index
    %swap3A_3729 = arith.constant 2336 : index
    %swap3A_3730 = tpu.vector_load %arg5[%swap3A_3728, %swap3A_3729] {strides = array<i32>} : memref<1x3072xf32, #tpu.memory_space<vmem>>, vector<16xf32>,
    tpu.vector_store %arg5[%swap3A_3728, %swap3A_3729], %select_n3A_3726 {strides = array<i32>} : memref<1x3072xf32, #tpu.memory_space<vmem>>, vector<16xf32>,
    %sub3A_3731 = arith.constant 2047 : i32
    %sub3A_3732 = arith.subi %sub3A_3731, %mul3A_76 : i32
    %mul3A_3733 = arith.constant 3072 : i32
    %mul3A_3734 = arith.muli %select_n3A_72, %mul3A_3733 : i32
    %sub3A_3735 = arith.subi %sub3A_3732, %mul3A_3734 : i32
    %sub3A_3736 = arith.constant 2352 : i32
    %sub3A_3737 = arith.subi %sub3A_3735, %sub3A_3736 : i32
    %sub3A_3738 = vector.broadcast %sub3A_3737 : i32 to vector<16xi32>
    %sub3A_3739 = arith.subi %sub3A_3738, %iota3A : vector<16xi32>
    %ge3A_3740 = arith.constant 0 : i32
    %ge3A_3741 = vector.broadcast %ge3A_3740 : i32 to vector<16xi32>
    %ge3A_3742 = arith.cmpi sge, %sub3A_3739, %ge3A_3741 : vector<16xi32>
    %select_n3A_3743 = arith.select %ge3A_3742, %gather3A, %gather3A_83 : vector<16xi1>, vector<16xf32>
    %swap3A_3744 = arith.constant 0 : i32
    %swap3A_3745 = arith.index_cast %swap3A_3744 : i32 to index
    %swap3A_3746 = arith.constant 2352 : index
    %swap3A_3747 = tpu.vector_load %arg5[%swap3A_3745, %swap3A_3746] {strides = array<i32>} : memref<1x3072xf32, #tpu.memory_space<vmem>>, vector<16xf32>,
    tpu.vector_store %arg5[%swap3A_3745, %swap3A_3746], %select_n3A_3743 {strides = array<i32>} : memref<1x3072xf32, #tpu.memory_space<vmem>>, vector<16xf32>,
    %sub3A_3748 = arith.constant 2047 : i32
    %sub3A_3749 = arith.subi %sub3A_3748, %mul3A_76 : i32
    %mul3A_3750 = arith.constant 3072 : i32
    %mul3A_3751 = arith.muli %select_n3A_72, %mul3A_3750 : i32
    %sub3A_3752 = arith.subi %sub3A_3749, %mul3A_3751 : i32
    %sub3A_3753 = arith.constant 2368 : i32
    %sub3A_3754 = arith.subi %sub3A_3752, %sub3A_3753 : i32
    %sub3A_3755 = vector.broadcast %sub3A_3754 : i32 to vector<16xi32>
    %sub3A_3756 = arith.subi %sub3A_3755, %iota3A : vector<16xi32>
    %ge3A_3757 = arith.constant 0 : i32
    %ge3A_3758 = vector.broadcast %ge3A_3757 : i32 to vector<16xi32>
    %ge3A_3759 = arith.cmpi sge, %sub3A_3756, %ge3A_3758 : vector<16xi32>
    %select_n3A_3760 = arith.select %ge3A_3759, %gather3A, %gather3A_83 : vector<16xi1>, vector<16xf32>
    %swap3A_3761 = arith.constant 0 : i32
    %swap3A_3762 = arith.index_cast %swap3A_3761 : i32 to index
    %swap3A_3763 = arith.constant 2368 : index
    %swap3A_3764 = tpu.vector_load %arg5[%swap3A_3762, %swap3A_3763] {strides = array<i32>} : memref<1x3072xf32, #tpu.memory_space<vmem>>, vector<16xf32>,
    tpu.vector_store %arg5[%swap3A_3762, %swap3A_3763], %select_n3A_3760 {strides = array<i32>} : memref<1x3072xf32, #tpu.memory_space<vmem>>, vector<16xf32>,
    %sub3A_3765 = arith.constant 2047 : i32
    %sub3A_3766 = arith.subi %sub3A_3765, %mul3A_76 : i32
    %mul3A_3767 = arith.constant 3072 : i32
    %mul3A_3768 = arith.muli %select_n3A_72, %mul3A_3767 : i32
    %sub3A_3769 = arith.subi %sub3A_3766, %mul3A_3768 : i32
    %sub3A_3770 = arith.constant 2384 : i32
    %sub3A_3771 = arith.subi %sub3A_3769, %sub3A_3770 : i32
    %sub3A_3772 = vector.broadcast %sub3A_3771 : i32 to vector<16xi32>
    %sub3A_3773 = arith.subi %sub3A_3772, %iota3A : vector<16xi32>
    %ge3A_3774 = arith.constant 0 : i32
    %ge3A_3775 = vector.broadcast %ge3A_3774 : i32 to vector<16xi32>
    %ge3A_3776 = arith.cmpi sge, %sub3A_3773, %ge3A_3775 : vector<16xi32>
    %select_n3A_3777 = arith.select %ge3A_3776, %gather3A, %gather3A_83 : vector<16xi1>, vector<16xf32>
    %swap3A_3778 = arith.constant 0 : i32
    %swap3A_3779 = arith.index_cast %swap3A_3778 : i32 to index
    %swap3A_3780 = arith.constant 2384 : index
    %swap3A_3781 = tpu.vector_load %arg5[%swap3A_3779, %swap3A_3780] {strides = array<i32>} : memref<1x3072xf32, #tpu.memory_space<vmem>>, vector<16xf32>,
    tpu.vector_store %arg5[%swap3A_3779, %swap3A_3780], %select_n3A_3777 {strides = array<i32>} : memref<1x3072xf32, #tpu.memory_space<vmem>>, vector<16xf32>,
    %sub3A_3782 = arith.constant 2047 : i32
    %sub3A_3783 = arith.subi %sub3A_3782, %mul3A_76 : i32
    %mul3A_3784 = arith.constant 3072 : i32
    %mul3A_3785 = arith.muli %select_n3A_72, %mul3A_3784 : i32
    %sub3A_3786 = arith.subi %sub3A_3783, %mul3A_3785 : i32
    %sub3A_3787 = arith.constant 2400 : i32
    %sub3A_3788 = arith.subi %sub3A_3786, %sub3A_3787 : i32
    %sub3A_3789 = vector.broadcast %sub3A_3788 : i32 to vector<16xi32>
    %sub3A_3790 = arith.subi %sub3A_3789, %iota3A : vector<16xi32>
    %ge3A_3791 = arith.constant 0 : i32
    %ge3A_3792 = vector.broadcast %ge3A_3791 : i32 to vector<16xi32>
    %ge3A_3793 = arith.cmpi sge, %sub3A_3790, %ge3A_3792 : vector<16xi32>
    %select_n3A_3794 = arith.select %ge3A_3793, %gather3A, %gather3A_83 : vector<16xi1>, vector<16xf32>
    %swap3A_3795 = arith.constant 0 : i32
    %swap3A_3796 = arith.index_cast %swap3A_3795 : i32 to index
    %swap3A_3797 = arith.constant 2400 : index
    %swap3A_3798 = tpu.vector_load %arg5[%swap3A_3796, %swap3A_3797] {strides = array<i32>} : memref<1x3072xf32, #tpu.memory_space<vmem>>, vector<16xf32>,
    tpu.vector_store %arg5[%swap3A_3796, %swap3A_3797], %select_n3A_3794 {strides = array<i32>} : memref<1x3072xf32, #tpu.memory_space<vmem>>, vector<16xf32>,
    %sub3A_3799 = arith.constant 2047 : i32
    %sub3A_3800 = arith.subi %sub3A_3799, %mul3A_76 : i32
    %mul3A_3801 = arith.constant 3072 : i32
    %mul3A_3802 = arith.muli %select_n3A_72, %mul3A_3801 : i32
    %sub3A_3803 = arith.subi %sub3A_3800, %mul3A_3802 : i32
    %sub3A_3804 = arith.constant 2416 : i32
    %sub3A_3805 = arith.subi %sub3A_3803, %sub3A_3804 : i32
    %sub3A_3806 = vector.broadcast %sub3A_3805 : i32 to vector<16xi32>
    %sub3A_3807 = arith.subi %sub3A_3806, %iota3A : vector<16xi32>
    %ge3A_3808 = arith.constant 0 : i32
    %ge3A_3809 = vector.broadcast %ge3A_3808 : i32 to vector<16xi32>
    %ge3A_3810 = arith.cmpi sge, %sub3A_3807, %ge3A_3809 : vector<16xi32>
    %select_n3A_3811 = arith.select %ge3A_3810, %gather3A, %gather3A_83 : vector<16xi1>, vector<16xf32>
    %swap3A_3812 = arith.constant 0 : i32
    %swap3A_3813 = arith.index_cast %swap3A_3812 : i32 to index
    %swap3A_3814 = arith.constant 2416 : index
    %swap3A_3815 = tpu.vector_load %arg5[%swap3A_3813, %swap3A_3814] {strides = array<i32>} : memref<1x3072xf32, #tpu.memory_space<vmem>>, vector<16xf32>,
    tpu.vector_store %arg5[%swap3A_3813, %swap3A_3814], %select_n3A_3811 {strides = array<i32>} : memref<1x3072xf32, #tpu.memory_space<vmem>>, vector<16xf32>,
    %sub3A_3816 = arith.constant 2047 : i32
    %sub3A_3817 = arith.subi %sub3A_3816, %mul3A_76 : i32
    %mul3A_3818 = arith.constant 3072 : i32
    %mul3A_3819 = arith.muli %select_n3A_72, %mul3A_3818 : i32
    %sub3A_3820 = arith.subi %sub3A_3817, %mul3A_3819 : i32
    %sub3A_3821 = arith.constant 2432 : i32
    %sub3A_3822 = arith.subi %sub3A_3820, %sub3A_3821 : i32
    %sub3A_3823 = vector.broadcast %sub3A_3822 : i32 to vector<16xi32>
    %sub3A_3824 = arith.subi %sub3A_3823, %iota3A : vector<16xi32>
    %ge3A_3825 = arith.constant 0 : i32
    %ge3A_3826 = vector.broadcast %ge3A_3825 : i32 to vector<16xi32>
    %ge3A_3827 = arith.cmpi sge, %sub3A_3824, %ge3A_3826 : vector<16xi32>
    %select_n3A_3828 = arith.select %ge3A_3827, %gather3A, %gather3A_83 : vector<16xi1>, vector<16xf32>
    %swap3A_3829 = arith.constant 0 : i32
    %swap3A_3830 = arith.index_cast %swap3A_3829 : i32 to index
    %swap3A_3831 = arith.constant 2432 : index
    %swap3A_3832 = tpu.vector_load %arg5[%swap3A_3830, %swap3A_3831] {strides = array<i32>} : memref<1x3072xf32, #tpu.memory_space<vmem>>, vector<16xf32>,
    tpu.vector_store %arg5[%swap3A_3830, %swap3A_3831], %select_n3A_3828 {strides = array<i32>} : memref<1x3072xf32, #tpu.memory_space<vmem>>, vector<16xf32>,
    %sub3A_3833 = arith.constant 2047 : i32
    %sub3A_3834 = arith.subi %sub3A_3833, %mul3A_76 : i32
    %mul3A_3835 = arith.constant 3072 : i32
    %mul3A_3836 = arith.muli %select_n3A_72, %mul3A_3835 : i32
    %sub3A_3837 = arith.subi %sub3A_3834, %mul3A_3836 : i32
    %sub3A_3838 = arith.constant 2448 : i32
    %sub3A_3839 = arith.subi %sub3A_3837, %sub3A_3838 : i32
    %sub3A_3840 = vector.broadcast %sub3A_3839 : i32 to vector<16xi32>
    %sub3A_3841 = arith.subi %sub3A_3840, %iota3A : vector<16xi32>
    %ge3A_3842 = arith.constant 0 : i32
    %ge3A_3843 = vector.broadcast %ge3A_3842 : i32 to vector<16xi32>
    %ge3A_3844 = arith.cmpi sge, %sub3A_3841, %ge3A_3843 : vector<16xi32>
    %select_n3A_3845 = arith.select %ge3A_3844, %gather3A, %gather3A_83 : vector<16xi1>, vector<16xf32>
    %swap3A_3846 = arith.constant 0 : i32
    %swap3A_3847 = arith.index_cast %swap3A_3846 : i32 to index
    %swap3A_3848 = arith.constant 2448 : index
    %swap3A_3849 = tpu.vector_load %arg5[%swap3A_3847, %swap3A_3848] {strides = array<i32>} : memref<1x3072xf32, #tpu.memory_space<vmem>>, vector<16xf32>,
    tpu.vector_store %arg5[%swap3A_3847, %swap3A_3848], %select_n3A_3845 {strides = array<i32>} : memref<1x3072xf32, #tpu.memory_space<vmem>>, vector<16xf32>,
    %sub3A_3850 = arith.constant 2047 : i32
    %sub3A_3851 = arith.subi %sub3A_3850, %mul3A_76 : i32
    %mul3A_3852 = arith.constant 3072 : i32
    %mul3A_3853 = arith.muli %select_n3A_72, %mul3A_3852 : i32
    %sub3A_3854 = arith.subi %sub3A_3851, %mul3A_3853 : i32
    %sub3A_3855 = arith.constant 2464 : i32
    %sub3A_3856 = arith.subi %sub3A_3854, %sub3A_3855 : i32
    %sub3A_3857 = vector.broadcast %sub3A_3856 : i32 to vector<16xi32>
    %sub3A_3858 = arith.subi %sub3A_3857, %iota3A : vector<16xi32>
    %ge3A_3859 = arith.constant 0 : i32
    %ge3A_3860 = vector.broadcast %ge3A_3859 : i32 to vector<16xi32>
    %ge3A_3861 = arith.cmpi sge, %sub3A_3858, %ge3A_3860 : vector<16xi32>
    %select_n3A_3862 = arith.select %ge3A_3861, %gather3A, %gather3A_83 : vector<16xi1>, vector<16xf32>
    %swap3A_3863 = arith.constant 0 : i32
    %swap3A_3864 = arith.index_cast %swap3A_3863 : i32 to index
    %swap3A_3865 = arith.constant 2464 : index
    %swap3A_3866 = tpu.vector_load %arg5[%swap3A_3864, %swap3A_3865] {strides = array<i32>} : memref<1x3072xf32, #tpu.memory_space<vmem>>, vector<16xf32>,
    tpu.vector_store %arg5[%swap3A_3864, %swap3A_3865], %select_n3A_3862 {strides = array<i32>} : memref<1x3072xf32, #tpu.memory_space<vmem>>, vector<16xf32>,
    %sub3A_3867 = arith.constant 2047 : i32
    %sub3A_3868 = arith.subi %sub3A_3867, %mul3A_76 : i32
    %mul3A_3869 = arith.constant 3072 : i32
    %mul3A_3870 = arith.muli %select_n3A_72, %mul3A_3869 : i32
    %sub3A_3871 = arith.subi %sub3A_3868, %mul3A_3870 : i32
    %sub3A_3872 = arith.constant 2480 : i32
    %sub3A_3873 = arith.subi %sub3A_3871, %sub3A_3872 : i32
    %sub3A_3874 = vector.broadcast %sub3A_3873 : i32 to vector<16xi32>
    %sub3A_3875 = arith.subi %sub3A_3874, %iota3A : vector<16xi32>
    %ge3A_3876 = arith.constant 0 : i32
    %ge3A_3877 = vector.broadcast %ge3A_3876 : i32 to vector<16xi32>
    %ge3A_3878 = arith.cmpi sge, %sub3A_3875, %ge3A_3877 : vector<16xi32>
    %select_n3A_3879 = arith.select %ge3A_3878, %gather3A, %gather3A_83 : vector<16xi1>, vector<16xf32>
    %swap3A_3880 = arith.constant 0 : i32
    %swap3A_3881 = arith.index_cast %swap3A_3880 : i32 to index
    %swap3A_3882 = arith.constant 2480 : index
    %swap3A_3883 = tpu.vector_load %arg5[%swap3A_3881, %swap3A_3882] {strides = array<i32>} : memref<1x3072xf32, #tpu.memory_space<vmem>>, vector<16xf32>,
    tpu.vector_store %arg5[%swap3A_3881, %swap3A_3882], %select_n3A_3879 {strides = array<i32>} : memref<1x3072xf32, #tpu.memory_space<vmem>>, vector<16xf32>,
    %sub3A_3884 = arith.constant 2047 : i32
    %sub3A_3885 = arith.subi %sub3A_3884, %mul3A_76 : i32
    %mul3A_3886 = arith.constant 3072 : i32
    %mul3A_3887 = arith.muli %select_n3A_72, %mul3A_3886 : i32
    %sub3A_3888 = arith.subi %sub3A_3885, %mul3A_3887 : i32
    %sub3A_3889 = arith.constant 2496 : i32
    %sub3A_3890 = arith.subi %sub3A_3888, %sub3A_3889 : i32
    %sub3A_3891 = vector.broadcast %sub3A_3890 : i32 to vector<16xi32>
    %sub3A_3892 = arith.subi %sub3A_3891, %iota3A : vector<16xi32>
    %ge3A_3893 = arith.constant 0 : i32
    %ge3A_3894 = vector.broadcast %ge3A_3893 : i32 to vector<16xi32>
    %ge3A_3895 = arith.cmpi sge, %sub3A_3892, %ge3A_3894 : vector<16xi32>
    %select_n3A_3896 = arith.select %ge3A_3895, %gather3A, %gather3A_83 : vector<16xi1>, vector<16xf32>
    %swap3A_3897 = arith.constant 0 : i32
    %swap3A_3898 = arith.index_cast %swap3A_3897 : i32 to index
    %swap3A_3899 = arith.constant 2496 : index
    %swap3A_3900 = tpu.vector_load %arg5[%swap3A_3898, %swap3A_3899] {strides = array<i32>} : memref<1x3072xf32, #tpu.memory_space<vmem>>, vector<16xf32>,
    tpu.vector_store %arg5[%swap3A_3898, %swap3A_3899], %select_n3A_3896 {strides = array<i32>} : memref<1x3072xf32, #tpu.memory_space<vmem>>, vector<16xf32>,
    %sub3A_3901 = arith.constant 2047 : i32
    %sub3A_3902 = arith.subi %sub3A_3901, %mul3A_76 : i32
    %mul3A_3903 = arith.constant 3072 : i32
    %mul3A_3904 = arith.muli %select_n3A_72, %mul3A_3903 : i32
    %sub3A_3905 = arith.subi %sub3A_3902, %mul3A_3904 : i32
    %sub3A_3906 = arith.constant 2512 : i32
    %sub3A_3907 = arith.subi %sub3A_3905, %sub3A_3906 : i32
    %sub3A_3908 = vector.broadcast %sub3A_3907 : i32 to vector<16xi32>
    %sub3A_3909 = arith.subi %sub3A_3908, %iota3A : vector<16xi32>
    %ge3A_3910 = arith.constant 0 : i32
    %ge3A_3911 = vector.broadcast %ge3A_3910 : i32 to vector<16xi32>
    %ge3A_3912 = arith.cmpi sge, %sub3A_3909, %ge3A_3911 : vector<16xi32>
    %select_n3A_3913 = arith.select %ge3A_3912, %gather3A, %gather3A_83 : vector<16xi1>, vector<16xf32>
    %swap3A_3914 = arith.constant 0 : i32
    %swap3A_3915 = arith.index_cast %swap3A_3914 : i32 to index
    %swap3A_3916 = arith.constant 2512 : index
    %swap3A_3917 = tpu.vector_load %arg5[%swap3A_3915, %swap3A_3916] {strides = array<i32>} : memref<1x3072xf32, #tpu.memory_space<vmem>>, vector<16xf32>,
    tpu.vector_store %arg5[%swap3A_3915, %swap3A_3916], %select_n3A_3913 {strides = array<i32>} : memref<1x3072xf32, #tpu.memory_space<vmem>>, vector<16xf32>,
    %sub3A_3918 = arith.constant 2047 : i32
    %sub3A_3919 = arith.subi %sub3A_3918, %mul3A_76 : i32
    %mul3A_3920 = arith.constant 3072 : i32
    %mul3A_3921 = arith.muli %select_n3A_72, %mul3A_3920 : i32
    %sub3A_3922 = arith.subi %sub3A_3919, %mul3A_3921 : i32
    %sub3A_3923 = arith.constant 2528 : i32
    %sub3A_3924 = arith.subi %sub3A_3922, %sub3A_3923 : i32
    %sub3A_3925 = vector.broadcast %sub3A_3924 : i32 to vector<16xi32>
    %sub3A_3926 = arith.subi %sub3A_3925, %iota3A : vector<16xi32>
    %ge3A_3927 = arith.constant 0 : i32
    %ge3A_3928 = vector.broadcast %ge3A_3927 : i32 to vector<16xi32>
    %ge3A_3929 = arith.cmpi sge, %sub3A_3926, %ge3A_3928 : vector<16xi32>
    %select_n3A_3930 = arith.select %ge3A_3929, %gather3A, %gather3A_83 : vector<16xi1>, vector<16xf32>
    %swap3A_3931 = arith.constant 0 : i32
    %swap3A_3932 = arith.index_cast %swap3A_3931 : i32 to index
    %swap3A_3933 = arith.constant 2528 : index
    %swap3A_3934 = tpu.vector_load %arg5[%swap3A_3932, %swap3A_3933] {strides = array<i32>} : memref<1x3072xf32, #tpu.memory_space<vmem>>, vector<16xf32>,
    tpu.vector_store %arg5[%swap3A_3932, %swap3A_3933], %select_n3A_3930 {strides = array<i32>} : memref<1x3072xf32, #tpu.memory_space<vmem>>, vector<16xf32>,
    %sub3A_3935 = arith.constant 2047 : i32
    %sub3A_3936 = arith.subi %sub3A_3935, %mul3A_76 : i32
    %mul3A_3937 = arith.constant 3072 : i32
    %mul3A_3938 = arith.muli %select_n3A_72, %mul3A_3937 : i32
    %sub3A_3939 = arith.subi %sub3A_3936, %mul3A_3938 : i32
    %sub3A_3940 = arith.constant 2544 : i32
    %sub3A_3941 = arith.subi %sub3A_3939, %sub3A_3940 : i32
    %sub3A_3942 = vector.broadcast %sub3A_3941 : i32 to vector<16xi32>
    %sub3A_3943 = arith.subi %sub3A_3942, %iota3A : vector<16xi32>
    %ge3A_3944 = arith.constant 0 : i32
    %ge3A_3945 = vector.broadcast %ge3A_3944 : i32 to vector<16xi32>
    %ge3A_3946 = arith.cmpi sge, %sub3A_3943, %ge3A_3945 : vector<16xi32>
    %select_n3A_3947 = arith.select %ge3A_3946, %gather3A, %gather3A_83 : vector<16xi1>, vector<16xf32>
    %swap3A_3948 = arith.constant 0 : i32
    %swap3A_3949 = arith.index_cast %swap3A_3948 : i32 to index
    %swap3A_3950 = arith.constant 2544 : index
    %swap3A_3951 = tpu.vector_load %arg5[%swap3A_3949, %swap3A_3950] {strides = array<i32>} : memref<1x3072xf32, #tpu.memory_space<vmem>>, vector<16xf32>,
    tpu.vector_store %arg5[%swap3A_3949, %swap3A_3950], %select_n3A_3947 {strides = array<i32>} : memref<1x3072xf32, #tpu.memory_space<vmem>>, vector<16xf32>,
    %sub3A_3952 = arith.constant 2047 : i32
    %sub3A_3953 = arith.subi %sub3A_3952, %mul3A_76 : i32
    %mul3A_3954 = arith.constant 3072 : i32
    %mul3A_3955 = arith.muli %select_n3A_72, %mul3A_3954 : i32
    %sub3A_3956 = arith.subi %sub3A_3953, %mul3A_3955 : i32
    %sub3A_3957 = arith.constant 2560 : i32
    %sub3A_3958 = arith.subi %sub3A_3956, %sub3A_3957 : i32
    %sub3A_3959 = vector.broadcast %sub3A_3958 : i32 to vector<16xi32>
    %sub3A_3960 = arith.subi %sub3A_3959, %iota3A : vector<16xi32>
    %ge3A_3961 = arith.constant 0 : i32
    %ge3A_3962 = vector.broadcast %ge3A_3961 : i32 to vector<16xi32>
    %ge3A_3963 = arith.cmpi sge, %sub3A_3960, %ge3A_3962 : vector<16xi32>
    %select_n3A_3964 = arith.select %ge3A_3963, %gather3A, %gather3A_83 : vector<16xi1>, vector<16xf32>
    %swap3A_3965 = arith.constant 0 : i32
    %swap3A_3966 = arith.index_cast %swap3A_3965 : i32 to index
    %swap3A_3967 = arith.constant 2560 : index
    %swap3A_3968 = tpu.vector_load %arg5[%swap3A_3966, %swap3A_3967] {strides = array<i32>} : memref<1x3072xf32, #tpu.memory_space<vmem>>, vector<16xf32>,
    tpu.vector_store %arg5[%swap3A_3966, %swap3A_3967], %select_n3A_3964 {strides = array<i32>} : memref<1x3072xf32, #tpu.memory_space<vmem>>, vector<16xf32>,
    %sub3A_3969 = arith.constant 2047 : i32
    %sub3A_3970 = arith.subi %sub3A_3969, %mul3A_76 : i32
    %mul3A_3971 = arith.constant 3072 : i32
    %mul3A_3972 = arith.muli %select_n3A_72, %mul3A_3971 : i32
    %sub3A_3973 = arith.subi %sub3A_3970, %mul3A_3972 : i32
    %sub3A_3974 = arith.constant 2576 : i32
    %sub3A_3975 = arith.subi %sub3A_3973, %sub3A_3974 : i32
    %sub3A_3976 = vector.broadcast %sub3A_3975 : i32 to vector<16xi32>
    %sub3A_3977 = arith.subi %sub3A_3976, %iota3A : vector<16xi32>
    %ge3A_3978 = arith.constant 0 : i32
    %ge3A_3979 = vector.broadcast %ge3A_3978 : i32 to vector<16xi32>
    %ge3A_3980 = arith.cmpi sge, %sub3A_3977, %ge3A_3979 : vector<16xi32>
    %select_n3A_3981 = arith.select %ge3A_3980, %gather3A, %gather3A_83 : vector<16xi1>, vector<16xf32>
    %swap3A_3982 = arith.constant 0 : i32
    %swap3A_3983 = arith.index_cast %swap3A_3982 : i32 to index
    %swap3A_3984 = arith.constant 2576 : index
    %swap3A_3985 = tpu.vector_load %arg5[%swap3A_3983, %swap3A_3984] {strides = array<i32>} : memref<1x3072xf32, #tpu.memory_space<vmem>>, vector<16xf32>,
    tpu.vector_store %arg5[%swap3A_3983, %swap3A_3984], %select_n3A_3981 {strides = array<i32>} : memref<1x3072xf32, #tpu.memory_space<vmem>>, vector<16xf32>,
    %sub3A_3986 = arith.constant 2047 : i32
    %sub3A_3987 = arith.subi %sub3A_3986, %mul3A_76 : i32
    %mul3A_3988 = arith.constant 3072 : i32
    %mul3A_3989 = arith.muli %select_n3A_72, %mul3A_3988 : i32
    %sub3A_3990 = arith.subi %sub3A_3987, %mul3A_3989 : i32
    %sub3A_3991 = arith.constant 2592 : i32
    %sub3A_3992 = arith.subi %sub3A_3990, %sub3A_3991 : i32
    %sub3A_3993 = vector.broadcast %sub3A_3992 : i32 to vector<16xi32>
    %sub3A_3994 = arith.subi %sub3A_3993, %iota3A : vector<16xi32>
    %ge3A_3995 = arith.constant 0 : i32
    %ge3A_3996 = vector.broadcast %ge3A_3995 : i32 to vector<16xi32>
    %ge3A_3997 = arith.cmpi sge, %sub3A_3994, %ge3A_3996 : vector<16xi32>
    %select_n3A_3998 = arith.select %ge3A_3997, %gather3A, %gather3A_83 : vector<16xi1>, vector<16xf32>
    %swap3A_3999 = arith.constant 0 : i32
    %swap3A_4000 = arith.index_cast %swap3A_3999 : i32 to index
    %swap3A_4001 = arith.constant 2592 : index
    %swap3A_4002 = tpu.vector_load %arg5[%swap3A_4000, %swap3A_4001] {strides = array<i32>} : memref<1x3072xf32, #tpu.memory_space<vmem>>, vector<16xf32>,
    tpu.vector_store %arg5[%swap3A_4000, %swap3A_4001], %select_n3A_3998 {strides = array<i32>} : memref<1x3072xf32, #tpu.memory_space<vmem>>, vector<16xf32>,
    %sub3A_4003 = arith.constant 2047 : i32
    %sub3A_4004 = arith.subi %sub3A_4003, %mul3A_76 : i32
    %mul3A_4005 = arith.constant 3072 : i32
    %mul3A_4006 = arith.muli %select_n3A_72, %mul3A_4005 : i32
    %sub3A_4007 = arith.subi %sub3A_4004, %mul3A_4006 : i32
    %sub3A_4008 = arith.constant 2608 : i32
    %sub3A_4009 = arith.subi %sub3A_4007, %sub3A_4008 : i32
    %sub3A_4010 = vector.broadcast %sub3A_4009 : i32 to vector<16xi32>
    %sub3A_4011 = arith.subi %sub3A_4010, %iota3A : vector<16xi32>
    %ge3A_4012 = arith.constant 0 : i32
    %ge3A_4013 = vector.broadcast %ge3A_4012 : i32 to vector<16xi32>
    %ge3A_4014 = arith.cmpi sge, %sub3A_4011, %ge3A_4013 : vector<16xi32>
    %select_n3A_4015 = arith.select %ge3A_4014, %gather3A, %gather3A_83 : vector<16xi1>, vector<16xf32>
    %swap3A_4016 = arith.constant 0 : i32
    %swap3A_4017 = arith.index_cast %swap3A_4016 : i32 to index
    %swap3A_4018 = arith.constant 2608 : index
    %swap3A_4019 = tpu.vector_load %arg5[%swap3A_4017, %swap3A_4018] {strides = array<i32>} : memref<1x3072xf32, #tpu.memory_space<vmem>>, vector<16xf32>,
    tpu.vector_store %arg5[%swap3A_4017, %swap3A_4018], %select_n3A_4015 {strides = array<i32>} : memref<1x3072xf32, #tpu.memory_space<vmem>>, vector<16xf32>,
    %sub3A_4020 = arith.constant 2047 : i32
    %sub3A_4021 = arith.subi %sub3A_4020, %mul3A_76 : i32
    %mul3A_4022 = arith.constant 3072 : i32
    %mul3A_4023 = arith.muli %select_n3A_72, %mul3A_4022 : i32
    %sub3A_4024 = arith.subi %sub3A_4021, %mul3A_4023 : i32
    %sub3A_4025 = arith.constant 2624 : i32
    %sub3A_4026 = arith.subi %sub3A_4024, %sub3A_4025 : i32
    %sub3A_4027 = vector.broadcast %sub3A_4026 : i32 to vector<16xi32>
    %sub3A_4028 = arith.subi %sub3A_4027, %iota3A : vector<16xi32>
    %ge3A_4029 = arith.constant 0 : i32
    %ge3A_4030 = vector.broadcast %ge3A_4029 : i32 to vector<16xi32>
    %ge3A_4031 = arith.cmpi sge, %sub3A_4028, %ge3A_4030 : vector<16xi32>
    %select_n3A_4032 = arith.select %ge3A_4031, %gather3A, %gather3A_83 : vector<16xi1>, vector<16xf32>
    %swap3A_4033 = arith.constant 0 : i32
    %swap3A_4034 = arith.index_cast %swap3A_4033 : i32 to index
    %swap3A_4035 = arith.constant 2624 : index
    %swap3A_4036 = tpu.vector_load %arg5[%swap3A_4034, %swap3A_4035] {strides = array<i32>} : memref<1x3072xf32, #tpu.memory_space<vmem>>, vector<16xf32>,
    tpu.vector_store %arg5[%swap3A_4034, %swap3A_4035], %select_n3A_4032 {strides = array<i32>} : memref<1x3072xf32, #tpu.memory_space<vmem>>, vector<16xf32>,
    %sub3A_4037 = arith.constant 2047 : i32
    %sub3A_4038 = arith.subi %sub3A_4037, %mul3A_76 : i32
    %mul3A_4039 = arith.constant 3072 : i32
    %mul3A_4040 = arith.muli %select_n3A_72, %mul3A_4039 : i32
    %sub3A_4041 = arith.subi %sub3A_4038, %mul3A_4040 : i32
    %sub3A_4042 = arith.constant 2640 : i32
    %sub3A_4043 = arith.subi %sub3A_4041, %sub3A_4042 : i32
    %sub3A_4044 = vector.broadcast %sub3A_4043 : i32 to vector<16xi32>
    %sub3A_4045 = arith.subi %sub3A_4044, %iota3A : vector<16xi32>
    %ge3A_4046 = arith.constant 0 : i32
    %ge3A_4047 = vector.broadcast %ge3A_4046 : i32 to vector<16xi32>
    %ge3A_4048 = arith.cmpi sge, %sub3A_4045, %ge3A_4047 : vector<16xi32>
    %select_n3A_4049 = arith.select %ge3A_4048, %gather3A, %gather3A_83 : vector<16xi1>, vector<16xf32>
    %swap3A_4050 = arith.constant 0 : i32
    %swap3A_4051 = arith.index_cast %swap3A_4050 : i32 to index
    %swap3A_4052 = arith.constant 2640 : index
    %swap3A_4053 = tpu.vector_load %arg5[%swap3A_4051, %swap3A_4052] {strides = array<i32>} : memref<1x3072xf32, #tpu.memory_space<vmem>>, vector<16xf32>,
    tpu.vector_store %arg5[%swap3A_4051, %swap3A_4052], %select_n3A_4049 {strides = array<i32>} : memref<1x3072xf32, #tpu.memory_space<vmem>>, vector<16xf32>,
    %sub3A_4054 = arith.constant 2047 : i32
    %sub3A_4055 = arith.subi %sub3A_4054, %mul3A_76 : i32
    %mul3A_4056 = arith.constant 3072 : i32
    %mul3A_4057 = arith.muli %select_n3A_72, %mul3A_4056 : i32
    %sub3A_4058 = arith.subi %sub3A_4055, %mul3A_4057 : i32
    %sub3A_4059 = arith.constant 2656 : i32
    %sub3A_4060 = arith.subi %sub3A_4058, %sub3A_4059 : i32
    %sub3A_4061 = vector.broadcast %sub3A_4060 : i32 to vector<16xi32>
    %sub3A_4062 = arith.subi %sub3A_4061, %iota3A : vector<16xi32>
    %ge3A_4063 = arith.constant 0 : i32
    %ge3A_4064 = vector.broadcast %ge3A_4063 : i32 to vector<16xi32>
    %ge3A_4065 = arith.cmpi sge, %sub3A_4062, %ge3A_4064 : vector<16xi32>
    %select_n3A_4066 = arith.select %ge3A_4065, %gather3A, %gather3A_83 : vector<16xi1>, vector<16xf32>
    %swap3A_4067 = arith.constant 0 : i32
    %swap3A_4068 = arith.index_cast %swap3A_4067 : i32 to index
    %swap3A_4069 = arith.constant 2656 : index
    %swap3A_4070 = tpu.vector_load %arg5[%swap3A_4068, %swap3A_4069] {strides = array<i32>} : memref<1x3072xf32, #tpu.memory_space<vmem>>, vector<16xf32>,
    tpu.vector_store %arg5[%swap3A_4068, %swap3A_4069], %select_n3A_4066 {strides = array<i32>} : memref<1x3072xf32, #tpu.memory_space<vmem>>, vector<16xf32>,
    %sub3A_4071 = arith.constant 2047 : i32
    %sub3A_4072 = arith.subi %sub3A_4071, %mul3A_76 : i32
    %mul3A_4073 = arith.constant 3072 : i32
    %mul3A_4074 = arith.muli %select_n3A_72, %mul3A_4073 : i32
    %sub3A_4075 = arith.subi %sub3A_4072, %mul3A_4074 : i32
    %sub3A_4076 = arith.constant 2672 : i32
    %sub3A_4077 = arith.subi %sub3A_4075, %sub3A_4076 : i32
    %sub3A_4078 = vector.broadcast %sub3A_4077 : i32 to vector<16xi32>
    %sub3A_4079 = arith.subi %sub3A_4078, %iota3A : vector<16xi32>
    %ge3A_4080 = arith.constant 0 : i32
    %ge3A_4081 = vector.broadcast %ge3A_4080 : i32 to vector<16xi32>
    %ge3A_4082 = arith.cmpi sge, %sub3A_4079, %ge3A_4081 : vector<16xi32>
    %select_n3A_4083 = arith.select %ge3A_4082, %gather3A, %gather3A_83 : vector<16xi1>, vector<16xf32>
    %swap3A_4084 = arith.constant 0 : i32
    %swap3A_4085 = arith.index_cast %swap3A_4084 : i32 to index
    %swap3A_4086 = arith.constant 2672 : index
    %swap3A_4087 = tpu.vector_load %arg5[%swap3A_4085, %swap3A_4086] {strides = array<i32>} : memref<1x3072xf32, #tpu.memory_space<vmem>>, vector<16xf32>,
    tpu.vector_store %arg5[%swap3A_4085, %swap3A_4086], %select_n3A_4083 {strides = array<i32>} : memref<1x3072xf32, #tpu.memory_space<vmem>>, vector<16xf32>,
    %sub3A_4088 = arith.constant 2047 : i32
    %sub3A_4089 = arith.subi %sub3A_4088, %mul3A_76 : i32
    %mul3A_4090 = arith.constant 3072 : i32
    %mul3A_4091 = arith.muli %select_n3A_72, %mul3A_4090 : i32
    %sub3A_4092 = arith.subi %sub3A_4089, %mul3A_4091 : i32
    %sub3A_4093 = arith.constant 2688 : i32
    %sub3A_4094 = arith.subi %sub3A_4092, %sub3A_4093 : i32
    %sub3A_4095 = vector.broadcast %sub3A_4094 : i32 to vector<16xi32>
    %sub3A_4096 = arith.subi %sub3A_4095, %iota3A : vector<16xi32>
    %ge3A_4097 = arith.constant 0 : i32
    %ge3A_4098 = vector.broadcast %ge3A_4097 : i32 to vector<16xi32>
    %ge3A_4099 = arith.cmpi sge, %sub3A_4096, %ge3A_4098 : vector<16xi32>
    %select_n3A_4100 = arith.select %ge3A_4099, %gather3A, %gather3A_83 : vector<16xi1>, vector<16xf32>
    %swap3A_4101 = arith.constant 0 : i32
    %swap3A_4102 = arith.index_cast %swap3A_4101 : i32 to index
    %swap3A_4103 = arith.constant 2688 : index
    %swap3A_4104 = tpu.vector_load %arg5[%swap3A_4102, %swap3A_4103] {strides = array<i32>} : memref<1x3072xf32, #tpu.memory_space<vmem>>, vector<16xf32>,
    tpu.vector_store %arg5[%swap3A_4102, %swap3A_4103], %select_n3A_4100 {strides = array<i32>} : memref<1x3072xf32, #tpu.memory_space<vmem>>, vector<16xf32>,
    %sub3A_4105 = arith.constant 2047 : i32
    %sub3A_4106 = arith.subi %sub3A_4105, %mul3A_76 : i32
    %mul3A_4107 = arith.constant 3072 : i32
    %mul3A_4108 = arith.muli %select_n3A_72, %mul3A_4107 : i32
    %sub3A_4109 = arith.subi %sub3A_4106, %mul3A_4108 : i32
    %sub3A_4110 = arith.constant 2704 : i32
    %sub3A_4111 = arith.subi %sub3A_4109, %sub3A_4110 : i32
    %sub3A_4112 = vector.broadcast %sub3A_4111 : i32 to vector<16xi32>
    %sub3A_4113 = arith.subi %sub3A_4112, %iota3A : vector<16xi32>
    %ge3A_4114 = arith.constant 0 : i32
    %ge3A_4115 = vector.broadcast %ge3A_4114 : i32 to vector<16xi32>
    %ge3A_4116 = arith.cmpi sge, %sub3A_4113, %ge3A_4115 : vector<16xi32>
    %select_n3A_4117 = arith.select %ge3A_4116, %gather3A, %gather3A_83 : vector<16xi1>, vector<16xf32>
    %swap3A_4118 = arith.constant 0 : i32
    %swap3A_4119 = arith.index_cast %swap3A_4118 : i32 to index
    %swap3A_4120 = arith.constant 2704 : index
    %swap3A_4121 = tpu.vector_load %arg5[%swap3A_4119, %swap3A_4120] {strides = array<i32>} : memref<1x3072xf32, #tpu.memory_space<vmem>>, vector<16xf32>,
    tpu.vector_store %arg5[%swap3A_4119, %swap3A_4120], %select_n3A_4117 {strides = array<i32>} : memref<1x3072xf32, #tpu.memory_space<vmem>>, vector<16xf32>,
    %sub3A_4122 = arith.constant 2047 : i32
    %sub3A_4123 = arith.subi %sub3A_4122, %mul3A_76 : i32
    %mul3A_4124 = arith.constant 3072 : i32
    %mul3A_4125 = arith.muli %select_n3A_72, %mul3A_4124 : i32
    %sub3A_4126 = arith.subi %sub3A_4123, %mul3A_4125 : i32
    %sub3A_4127 = arith.constant 2720 : i32
    %sub3A_4128 = arith.subi %sub3A_4126, %sub3A_4127 : i32
    %sub3A_4129 = vector.broadcast %sub3A_4128 : i32 to vector<16xi32>
    %sub3A_4130 = arith.subi %sub3A_4129, %iota3A : vector<16xi32>
    %ge3A_4131 = arith.constant 0 : i32
    %ge3A_4132 = vector.broadcast %ge3A_4131 : i32 to vector<16xi32>
    %ge3A_4133 = arith.cmpi sge, %sub3A_4130, %ge3A_4132 : vector<16xi32>
    %select_n3A_4134 = arith.select %ge3A_4133, %gather3A, %gather3A_83 : vector<16xi1>, vector<16xf32>
    %swap3A_4135 = arith.constant 0 : i32
    %swap3A_4136 = arith.index_cast %swap3A_4135 : i32 to index
    %swap3A_4137 = arith.constant 2720 : index
    %swap3A_4138 = tpu.vector_load %arg5[%swap3A_4136, %swap3A_4137] {strides = array<i32>} : memref<1x3072xf32, #tpu.memory_space<vmem>>, vector<16xf32>,
    tpu.vector_store %arg5[%swap3A_4136, %swap3A_4137], %select_n3A_4134 {strides = array<i32>} : memref<1x3072xf32, #tpu.memory_space<vmem>>, vector<16xf32>,
    %sub3A_4139 = arith.constant 2047 : i32
    %sub3A_4140 = arith.subi %sub3A_4139, %mul3A_76 : i32
    %mul3A_4141 = arith.constant 3072 : i32
    %mul3A_4142 = arith.muli %select_n3A_72, %mul3A_4141 : i32
    %sub3A_4143 = arith.subi %sub3A_4140, %mul3A_4142 : i32
    %sub3A_4144 = arith.constant 2736 : i32
    %sub3A_4145 = arith.subi %sub3A_4143, %sub3A_4144 : i32
    %sub3A_4146 = vector.broadcast %sub3A_4145 : i32 to vector<16xi32>
    %sub3A_4147 = arith.subi %sub3A_4146, %iota3A : vector<16xi32>
    %ge3A_4148 = arith.constant 0 : i32
    %ge3A_4149 = vector.broadcast %ge3A_4148 : i32 to vector<16xi32>
    %ge3A_4150 = arith.cmpi sge, %sub3A_4147, %ge3A_4149 : vector<16xi32>
    %select_n3A_4151 = arith.select %ge3A_4150, %gather3A, %gather3A_83 : vector<16xi1>, vector<16xf32>
    %swap3A_4152 = arith.constant 0 : i32
    %swap3A_4153 = arith.index_cast %swap3A_4152 : i32 to index
    %swap3A_4154 = arith.constant 2736 : index
    %swap3A_4155 = tpu.vector_load %arg5[%swap3A_4153, %swap3A_4154] {strides = array<i32>} : memref<1x3072xf32, #tpu.memory_space<vmem>>, vector<16xf32>,
    tpu.vector_store %arg5[%swap3A_4153, %swap3A_4154], %select_n3A_4151 {strides = array<i32>} : memref<1x3072xf32, #tpu.memory_space<vmem>>, vector<16xf32>,
    %sub3A_4156 = arith.constant 2047 : i32
    %sub3A_4157 = arith.subi %sub3A_4156, %mul3A_76 : i32
    %mul3A_4158 = arith.constant 3072 : i32
    %mul3A_4159 = arith.muli %select_n3A_72, %mul3A_4158 : i32
    %sub3A_4160 = arith.subi %sub3A_4157, %mul3A_4159 : i32
    %sub3A_4161 = arith.constant 2752 : i32
    %sub3A_4162 = arith.subi %sub3A_4160, %sub3A_4161 : i32
    %sub3A_4163 = vector.broadcast %sub3A_4162 : i32 to vector<16xi32>
    %sub3A_4164 = arith.subi %sub3A_4163, %iota3A : vector<16xi32>
    %ge3A_4165 = arith.constant 0 : i32
    %ge3A_4166 = vector.broadcast %ge3A_4165 : i32 to vector<16xi32>
    %ge3A_4167 = arith.cmpi sge, %sub3A_4164, %ge3A_4166 : vector<16xi32>
    %select_n3A_4168 = arith.select %ge3A_4167, %gather3A, %gather3A_83 : vector<16xi1>, vector<16xf32>
    %swap3A_4169 = arith.constant 0 : i32
    %swap3A_4170 = arith.index_cast %swap3A_4169 : i32 to index
    %swap3A_4171 = arith.constant 2752 : index
    %swap3A_4172 = tpu.vector_load %arg5[%swap3A_4170, %swap3A_4171] {strides = array<i32>} : memref<1x3072xf32, #tpu.memory_space<vmem>>, vector<16xf32>,
    tpu.vector_store %arg5[%swap3A_4170, %swap3A_4171], %select_n3A_4168 {strides = array<i32>} : memref<1x3072xf32, #tpu.memory_space<vmem>>, vector<16xf32>,
    %sub3A_4173 = arith.constant 2047 : i32
    %sub3A_4174 = arith.subi %sub3A_4173, %mul3A_76 : i32
    %mul3A_4175 = arith.constant 3072 : i32
    %mul3A_4176 = arith.muli %select_n3A_72, %mul3A_4175 : i32
    %sub3A_4177 = arith.subi %sub3A_4174, %mul3A_4176 : i32
    %sub3A_4178 = arith.constant 2768 : i32
    %sub3A_4179 = arith.subi %sub3A_4177, %sub3A_4178 : i32
    %sub3A_4180 = vector.broadcast %sub3A_4179 : i32 to vector<16xi32>
    %sub3A_4181 = arith.subi %sub3A_4180, %iota3A : vector<16xi32>
    %ge3A_4182 = arith.constant 0 : i32
    %ge3A_4183 = vector.broadcast %ge3A_4182 : i32 to vector<16xi32>
    %ge3A_4184 = arith.cmpi sge, %sub3A_4181, %ge3A_4183 : vector<16xi32>
    %select_n3A_4185 = arith.select %ge3A_4184, %gather3A, %gather3A_83 : vector<16xi1>, vector<16xf32>
    %swap3A_4186 = arith.constant 0 : i32
    %swap3A_4187 = arith.index_cast %swap3A_4186 : i32 to index
    %swap3A_4188 = arith.constant 2768 : index
    %swap3A_4189 = tpu.vector_load %arg5[%swap3A_4187, %swap3A_4188] {strides = array<i32>} : memref<1x3072xf32, #tpu.memory_space<vmem>>, vector<16xf32>,
    tpu.vector_store %arg5[%swap3A_4187, %swap3A_4188], %select_n3A_4185 {strides = array<i32>} : memref<1x3072xf32, #tpu.memory_space<vmem>>, vector<16xf32>,
    %sub3A_4190 = arith.constant 2047 : i32
    %sub3A_4191 = arith.subi %sub3A_4190, %mul3A_76 : i32
    %mul3A_4192 = arith.constant 3072 : i32
    %mul3A_4193 = arith.muli %select_n3A_72, %mul3A_4192 : i32
    %sub3A_4194 = arith.subi %sub3A_4191, %mul3A_4193 : i32
    %sub3A_4195 = arith.constant 2784 : i32
    %sub3A_4196 = arith.subi %sub3A_4194, %sub3A_4195 : i32
    %sub3A_4197 = vector.broadcast %sub3A_4196 : i32 to vector<16xi32>
    %sub3A_4198 = arith.subi %sub3A_4197, %iota3A : vector<16xi32>
    %ge3A_4199 = arith.constant 0 : i32
    %ge3A_4200 = vector.broadcast %ge3A_4199 : i32 to vector<16xi32>
    %ge3A_4201 = arith.cmpi sge, %sub3A_4198, %ge3A_4200 : vector<16xi32>
    %select_n3A_4202 = arith.select %ge3A_4201, %gather3A, %gather3A_83 : vector<16xi1>, vector<16xf32>
    %swap3A_4203 = arith.constant 0 : i32
    %swap3A_4204 = arith.index_cast %swap3A_4203 : i32 to index
    %swap3A_4205 = arith.constant 2784 : index
    %swap3A_4206 = tpu.vector_load %arg5[%swap3A_4204, %swap3A_4205] {strides = array<i32>} : memref<1x3072xf32, #tpu.memory_space<vmem>>, vector<16xf32>,
    tpu.vector_store %arg5[%swap3A_4204, %swap3A_4205], %select_n3A_4202 {strides = array<i32>} : memref<1x3072xf32, #tpu.memory_space<vmem>>, vector<16xf32>,
    %sub3A_4207 = arith.constant 2047 : i32
    %sub3A_4208 = arith.subi %sub3A_4207, %mul3A_76 : i32
    %mul3A_4209 = arith.constant 3072 : i32
    %mul3A_4210 = arith.muli %select_n3A_72, %mul3A_4209 : i32
    %sub3A_4211 = arith.subi %sub3A_4208, %mul3A_4210 : i32
    %sub3A_4212 = arith.constant 2800 : i32
    %sub3A_4213 = arith.subi %sub3A_4211, %sub3A_4212 : i32
    %sub3A_4214 = vector.broadcast %sub3A_4213 : i32 to vector<16xi32>
    %sub3A_4215 = arith.subi %sub3A_4214, %iota3A : vector<16xi32>
    %ge3A_4216 = arith.constant 0 : i32
    %ge3A_4217 = vector.broadcast %ge3A_4216 : i32 to vector<16xi32>
    %ge3A_4218 = arith.cmpi sge, %sub3A_4215, %ge3A_4217 : vector<16xi32>
    %select_n3A_4219 = arith.select %ge3A_4218, %gather3A, %gather3A_83 : vector<16xi1>, vector<16xf32>
    %swap3A_4220 = arith.constant 0 : i32
    %swap3A_4221 = arith.index_cast %swap3A_4220 : i32 to index
    %swap3A_4222 = arith.constant 2800 : index
    %swap3A_4223 = tpu.vector_load %arg5[%swap3A_4221, %swap3A_4222] {strides = array<i32>} : memref<1x3072xf32, #tpu.memory_space<vmem>>, vector<16xf32>,
    tpu.vector_store %arg5[%swap3A_4221, %swap3A_4222], %select_n3A_4219 {strides = array<i32>} : memref<1x3072xf32, #tpu.memory_space<vmem>>, vector<16xf32>,
    %sub3A_4224 = arith.constant 2047 : i32
    %sub3A_4225 = arith.subi %sub3A_4224, %mul3A_76 : i32
    %mul3A_4226 = arith.constant 3072 : i32
    %mul3A_4227 = arith.muli %select_n3A_72, %mul3A_4226 : i32
    %sub3A_4228 = arith.subi %sub3A_4225, %mul3A_4227 : i32
    %sub3A_4229 = arith.constant 2816 : i32
    %sub3A_4230 = arith.subi %sub3A_4228, %sub3A_4229 : i32
    %sub3A_4231 = vector.broadcast %sub3A_4230 : i32 to vector<16xi32>
    %sub3A_4232 = arith.subi %sub3A_4231, %iota3A : vector<16xi32>
    %ge3A_4233 = arith.constant 0 : i32
    %ge3A_4234 = vector.broadcast %ge3A_4233 : i32 to vector<16xi32>
    %ge3A_4235 = arith.cmpi sge, %sub3A_4232, %ge3A_4234 : vector<16xi32>
    %select_n3A_4236 = arith.select %ge3A_4235, %gather3A, %gather3A_83 : vector<16xi1>, vector<16xf32>
    %swap3A_4237 = arith.constant 0 : i32
    %swap3A_4238 = arith.index_cast %swap3A_4237 : i32 to index
    %swap3A_4239 = arith.constant 2816 : index
    %swap3A_4240 = tpu.vector_load %arg5[%swap3A_4238, %swap3A_4239] {strides = array<i32>} : memref<1x3072xf32, #tpu.memory_space<vmem>>, vector<16xf32>,
    tpu.vector_store %arg5[%swap3A_4238, %swap3A_4239], %select_n3A_4236 {strides = array<i32>} : memref<1x3072xf32, #tpu.memory_space<vmem>>, vector<16xf32>,
    %sub3A_4241 = arith.constant 2047 : i32
    %sub3A_4242 = arith.subi %sub3A_4241, %mul3A_76 : i32
    %mul3A_4243 = arith.constant 3072 : i32
    %mul3A_4244 = arith.muli %select_n3A_72, %mul3A_4243 : i32
    %sub3A_4245 = arith.subi %sub3A_4242, %mul3A_4244 : i32
    %sub3A_4246 = arith.constant 2832 : i32
    %sub3A_4247 = arith.subi %sub3A_4245, %sub3A_4246 : i32
    %sub3A_4248 = vector.broadcast %sub3A_4247 : i32 to vector<16xi32>
    %sub3A_4249 = arith.subi %sub3A_4248, %iota3A : vector<16xi32>
    %ge3A_4250 = arith.constant 0 : i32
    %ge3A_4251 = vector.broadcast %ge3A_4250 : i32 to vector<16xi32>
    %ge3A_4252 = arith.cmpi sge, %sub3A_4249, %ge3A_4251 : vector<16xi32>
    %select_n3A_4253 = arith.select %ge3A_4252, %gather3A, %gather3A_83 : vector<16xi1>, vector<16xf32>
    %swap3A_4254 = arith.constant 0 : i32
    %swap3A_4255 = arith.index_cast %swap3A_4254 : i32 to index
    %swap3A_4256 = arith.constant 2832 : index
    %swap3A_4257 = tpu.vector_load %arg5[%swap3A_4255, %swap3A_4256] {strides = array<i32>} : memref<1x3072xf32, #tpu.memory_space<vmem>>, vector<16xf32>,
    tpu.vector_store %arg5[%swap3A_4255, %swap3A_4256], %select_n3A_4253 {strides = array<i32>} : memref<1x3072xf32, #tpu.memory_space<vmem>>, vector<16xf32>,
    %sub3A_4258 = arith.constant 2047 : i32
    %sub3A_4259 = arith.subi %sub3A_4258, %mul3A_76 : i32
    %mul3A_4260 = arith.constant 3072 : i32
    %mul3A_4261 = arith.muli %select_n3A_72, %mul3A_4260 : i32
    %sub3A_4262 = arith.subi %sub3A_4259, %mul3A_4261 : i32
    %sub3A_4263 = arith.constant 2848 : i32
    %sub3A_4264 = arith.subi %sub3A_4262, %sub3A_4263 : i32
    %sub3A_4265 = vector.broadcast %sub3A_4264 : i32 to vector<16xi32>
    %sub3A_4266 = arith.subi %sub3A_4265, %iota3A : vector<16xi32>
    %ge3A_4267 = arith.constant 0 : i32
    %ge3A_4268 = vector.broadcast %ge3A_4267 : i32 to vector<16xi32>
    %ge3A_4269 = arith.cmpi sge, %sub3A_4266, %ge3A_4268 : vector<16xi32>
    %select_n3A_4270 = arith.select %ge3A_4269, %gather3A, %gather3A_83 : vector<16xi1>, vector<16xf32>
    %swap3A_4271 = arith.constant 0 : i32
    %swap3A_4272 = arith.index_cast %swap3A_4271 : i32 to index
    %swap3A_4273 = arith.constant 2848 : index
    %swap3A_4274 = tpu.vector_load %arg5[%swap3A_4272, %swap3A_4273] {strides = array<i32>} : memref<1x3072xf32, #tpu.memory_space<vmem>>, vector<16xf32>,
    tpu.vector_store %arg5[%swap3A_4272, %swap3A_4273], %select_n3A_4270 {strides = array<i32>} : memref<1x3072xf32, #tpu.memory_space<vmem>>, vector<16xf32>,
    %sub3A_4275 = arith.constant 2047 : i32
    %sub3A_4276 = arith.subi %sub3A_4275, %mul3A_76 : i32
    %mul3A_4277 = arith.constant 3072 : i32
    %mul3A_4278 = arith.muli %select_n3A_72, %mul3A_4277 : i32
    %sub3A_4279 = arith.subi %sub3A_4276, %mul3A_4278 : i32
    %sub3A_4280 = arith.constant 2864 : i32
    %sub3A_4281 = arith.subi %sub3A_4279, %sub3A_4280 : i32
    %sub3A_4282 = vector.broadcast %sub3A_4281 : i32 to vector<16xi32>
    %sub3A_4283 = arith.subi %sub3A_4282, %iota3A : vector<16xi32>
    %ge3A_4284 = arith.constant 0 : i32
    %ge3A_4285 = vector.broadcast %ge3A_4284 : i32 to vector<16xi32>
    %ge3A_4286 = arith.cmpi sge, %sub3A_4283, %ge3A_4285 : vector<16xi32>
    %select_n3A_4287 = arith.select %ge3A_4286, %gather3A, %gather3A_83 : vector<16xi1>, vector<16xf32>
    %swap3A_4288 = arith.constant 0 : i32
    %swap3A_4289 = arith.index_cast %swap3A_4288 : i32 to index
    %swap3A_4290 = arith.constant 2864 : index
    %swap3A_4291 = tpu.vector_load %arg5[%swap3A_4289, %swap3A_4290] {strides = array<i32>} : memref<1x3072xf32, #tpu.memory_space<vmem>>, vector<16xf32>,
    tpu.vector_store %arg5[%swap3A_4289, %swap3A_4290], %select_n3A_4287 {strides = array<i32>} : memref<1x3072xf32, #tpu.memory_space<vmem>>, vector<16xf32>,
    %sub3A_4292 = arith.constant 2047 : i32
    %sub3A_4293 = arith.subi %sub3A_4292, %mul3A_76 : i32
    %mul3A_4294 = arith.constant 3072 : i32
    %mul3A_4295 = arith.muli %select_n3A_72, %mul3A_4294 : i32
    %sub3A_4296 = arith.subi %sub3A_4293, %mul3A_4295 : i32
    %sub3A_4297 = arith.constant 2880 : i32
    %sub3A_4298 = arith.subi %sub3A_4296, %sub3A_4297 : i32
    %sub3A_4299 = vector.broadcast %sub3A_4298 : i32 to vector<16xi32>
    %sub3A_4300 = arith.subi %sub3A_4299, %iota3A : vector<16xi32>
    %ge3A_4301 = arith.constant 0 : i32
    %ge3A_4302 = vector.broadcast %ge3A_4301 : i32 to vector<16xi32>
    %ge3A_4303 = arith.cmpi sge, %sub3A_4300, %ge3A_4302 : vector<16xi32>
    %select_n3A_4304 = arith.select %ge3A_4303, %gather3A, %gather3A_83 : vector<16xi1>, vector<16xf32>
    %swap3A_4305 = arith.constant 0 : i32
    %swap3A_4306 = arith.index_cast %swap3A_4305 : i32 to index
    %swap3A_4307 = arith.constant 2880 : index
    %swap3A_4308 = tpu.vector_load %arg5[%swap3A_4306, %swap3A_4307] {strides = array<i32>} : memref<1x3072xf32, #tpu.memory_space<vmem>>, vector<16xf32>,
    tpu.vector_store %arg5[%swap3A_4306, %swap3A_4307], %select_n3A_4304 {strides = array<i32>} : memref<1x3072xf32, #tpu.memory_space<vmem>>, vector<16xf32>,
    %sub3A_4309 = arith.constant 2047 : i32
    %sub3A_4310 = arith.subi %sub3A_4309, %mul3A_76 : i32
    %mul3A_4311 = arith.constant 3072 : i32
    %mul3A_4312 = arith.muli %select_n3A_72, %mul3A_4311 : i32
    %sub3A_4313 = arith.subi %sub3A_4310, %mul3A_4312 : i32
    %sub3A_4314 = arith.constant 2896 : i32
    %sub3A_4315 = arith.subi %sub3A_4313, %sub3A_4314 : i32
    %sub3A_4316 = vector.broadcast %sub3A_4315 : i32 to vector<16xi32>
    %sub3A_4317 = arith.subi %sub3A_4316, %iota3A : vector<16xi32>
    %ge3A_4318 = arith.constant 0 : i32
    %ge3A_4319 = vector.broadcast %ge3A_4318 : i32 to vector<16xi32>
    %ge3A_4320 = arith.cmpi sge, %sub3A_4317, %ge3A_4319 : vector<16xi32>
    %select_n3A_4321 = arith.select %ge3A_4320, %gather3A, %gather3A_83 : vector<16xi1>, vector<16xf32>
    %swap3A_4322 = arith.constant 0 : i32
    %swap3A_4323 = arith.index_cast %swap3A_4322 : i32 to index
    %swap3A_4324 = arith.constant 2896 : index
    %swap3A_4325 = tpu.vector_load %arg5[%swap3A_4323, %swap3A_4324] {strides = array<i32>} : memref<1x3072xf32, #tpu.memory_space<vmem>>, vector<16xf32>,
    tpu.vector_store %arg5[%swap3A_4323, %swap3A_4324], %select_n3A_4321 {strides = array<i32>} : memref<1x3072xf32, #tpu.memory_space<vmem>>, vector<16xf32>,
    %sub3A_4326 = arith.constant 2047 : i32
    %sub3A_4327 = arith.subi %sub3A_4326, %mul3A_76 : i32
    %mul3A_4328 = arith.constant 3072 : i32
    %mul3A_4329 = arith.muli %select_n3A_72, %mul3A_4328 : i32
    %sub3A_4330 = arith.subi %sub3A_4327, %mul3A_4329 : i32
    %sub3A_4331 = arith.constant 2912 : i32
    %sub3A_4332 = arith.subi %sub3A_4330, %sub3A_4331 : i32
    %sub3A_4333 = vector.broadcast %sub3A_4332 : i32 to vector<16xi32>
    %sub3A_4334 = arith.subi %sub3A_4333, %iota3A : vector<16xi32>
    %ge3A_4335 = arith.constant 0 : i32
    %ge3A_4336 = vector.broadcast %ge3A_4335 : i32 to vector<16xi32>
    %ge3A_4337 = arith.cmpi sge, %sub3A_4334, %ge3A_4336 : vector<16xi32>
    %select_n3A_4338 = arith.select %ge3A_4337, %gather3A, %gather3A_83 : vector<16xi1>, vector<16xf32>
    %swap3A_4339 = arith.constant 0 : i32
    %swap3A_4340 = arith.index_cast %swap3A_4339 : i32 to index
    %swap3A_4341 = arith.constant 2912 : index
    %swap3A_4342 = tpu.vector_load %arg5[%swap3A_4340, %swap3A_4341] {strides = array<i32>} : memref<1x3072xf32, #tpu.memory_space<vmem>>, vector<16xf32>,
    tpu.vector_store %arg5[%swap3A_4340, %swap3A_4341], %select_n3A_4338 {strides = array<i32>} : memref<1x3072xf32, #tpu.memory_space<vmem>>, vector<16xf32>,
    %sub3A_4343 = arith.constant 2047 : i32
    %sub3A_4344 = arith.subi %sub3A_4343, %mul3A_76 : i32
    %mul3A_4345 = arith.constant 3072 : i32
    %mul3A_4346 = arith.muli %select_n3A_72, %mul3A_4345 : i32
    %sub3A_4347 = arith.subi %sub3A_4344, %mul3A_4346 : i32
    %sub3A_4348 = arith.constant 2928 : i32
    %sub3A_4349 = arith.subi %sub3A_4347, %sub3A_4348 : i32
    %sub3A_4350 = vector.broadcast %sub3A_4349 : i32 to vector<16xi32>
    %sub3A_4351 = arith.subi %sub3A_4350, %iota3A : vector<16xi32>
    %ge3A_4352 = arith.constant 0 : i32
    %ge3A_4353 = vector.broadcast %ge3A_4352 : i32 to vector<16xi32>
    %ge3A_4354 = arith.cmpi sge, %sub3A_4351, %ge3A_4353 : vector<16xi32>
    %select_n3A_4355 = arith.select %ge3A_4354, %gather3A, %gather3A_83 : vector<16xi1>, vector<16xf32>
    %swap3A_4356 = arith.constant 0 : i32
    %swap3A_4357 = arith.index_cast %swap3A_4356 : i32 to index
    %swap3A_4358 = arith.constant 2928 : index
    %swap3A_4359 = tpu.vector_load %arg5[%swap3A_4357, %swap3A_4358] {strides = array<i32>} : memref<1x3072xf32, #tpu.memory_space<vmem>>, vector<16xf32>,
    tpu.vector_store %arg5[%swap3A_4357, %swap3A_4358], %select_n3A_4355 {strides = array<i32>} : memref<1x3072xf32, #tpu.memory_space<vmem>>, vector<16xf32>,
    %sub3A_4360 = arith.constant 2047 : i32
    %sub3A_4361 = arith.subi %sub3A_4360, %mul3A_76 : i32
    %mul3A_4362 = arith.constant 3072 : i32
    %mul3A_4363 = arith.muli %select_n3A_72, %mul3A_4362 : i32
    %sub3A_4364 = arith.subi %sub3A_4361, %mul3A_4363 : i32
    %sub3A_4365 = arith.constant 2944 : i32
    %sub3A_4366 = arith.subi %sub3A_4364, %sub3A_4365 : i32
    %sub3A_4367 = vector.broadcast %sub3A_4366 : i32 to vector<16xi32>
    %sub3A_4368 = arith.subi %sub3A_4367, %iota3A : vector<16xi32>
    %ge3A_4369 = arith.constant 0 : i32
    %ge3A_4370 = vector.broadcast %ge3A_4369 : i32 to vector<16xi32>
    %ge3A_4371 = arith.cmpi sge, %sub3A_4368, %ge3A_4370 : vector<16xi32>
    %select_n3A_4372 = arith.select %ge3A_4371, %gather3A, %gather3A_83 : vector<16xi1>, vector<16xf32>
    %swap3A_4373 = arith.constant 0 : i32
    %swap3A_4374 = arith.index_cast %swap3A_4373 : i32 to index
    %swap3A_4375 = arith.constant 2944 : index
    %swap3A_4376 = tpu.vector_load %arg5[%swap3A_4374, %swap3A_4375] {strides = array<i32>} : memref<1x3072xf32, #tpu.memory_space<vmem>>, vector<16xf32>,
    tpu.vector_store %arg5[%swap3A_4374, %swap3A_4375], %select_n3A_4372 {strides = array<i32>} : memref<1x3072xf32, #tpu.memory_space<vmem>>, vector<16xf32>,
    %sub3A_4377 = arith.constant 2047 : i32
    %sub3A_4378 = arith.subi %sub3A_4377, %mul3A_76 : i32
    %mul3A_4379 = arith.constant 3072 : i32
    %mul3A_4380 = arith.muli %select_n3A_72, %mul3A_4379 : i32
    %sub3A_4381 = arith.subi %sub3A_4378, %mul3A_4380 : i32
    %sub3A_4382 = arith.constant 2960 : i32
    %sub3A_4383 = arith.subi %sub3A_4381, %sub3A_4382 : i32
    %sub3A_4384 = vector.broadcast %sub3A_4383 : i32 to vector<16xi32>
    %sub3A_4385 = arith.subi %sub3A_4384, %iota3A : vector<16xi32>
    %ge3A_4386 = arith.constant 0 : i32
    %ge3A_4387 = vector.broadcast %ge3A_4386 : i32 to vector<16xi32>
    %ge3A_4388 = arith.cmpi sge, %sub3A_4385, %ge3A_4387 : vector<16xi32>
    %select_n3A_4389 = arith.select %ge3A_4388, %gather3A, %gather3A_83 : vector<16xi1>, vector<16xf32>
    %swap3A_4390 = arith.constant 0 : i32
    %swap3A_4391 = arith.index_cast %swap3A_4390 : i32 to index
    %swap3A_4392 = arith.constant 2960 : index
    %swap3A_4393 = tpu.vector_load %arg5[%swap3A_4391, %swap3A_4392] {strides = array<i32>} : memref<1x3072xf32, #tpu.memory_space<vmem>>, vector<16xf32>,
    tpu.vector_store %arg5[%swap3A_4391, %swap3A_4392], %select_n3A_4389 {strides = array<i32>} : memref<1x3072xf32, #tpu.memory_space<vmem>>, vector<16xf32>,
    %sub3A_4394 = arith.constant 2047 : i32
    %sub3A_4395 = arith.subi %sub3A_4394, %mul3A_76 : i32
    %mul3A_4396 = arith.constant 3072 : i32
    %mul3A_4397 = arith.muli %select_n3A_72, %mul3A_4396 : i32
    %sub3A_4398 = arith.subi %sub3A_4395, %mul3A_4397 : i32
    %sub3A_4399 = arith.constant 2976 : i32
    %sub3A_4400 = arith.subi %sub3A_4398, %sub3A_4399 : i32
    %sub3A_4401 = vector.broadcast %sub3A_4400 : i32 to vector<16xi32>
    %sub3A_4402 = arith.subi %sub3A_4401, %iota3A : vector<16xi32>
    %ge3A_4403 = arith.constant 0 : i32
    %ge3A_4404 = vector.broadcast %ge3A_4403 : i32 to vector<16xi32>
    %ge3A_4405 = arith.cmpi sge, %sub3A_4402, %ge3A_4404 : vector<16xi32>
    %select_n3A_4406 = arith.select %ge3A_4405, %gather3A, %gather3A_83 : vector<16xi1>, vector<16xf32>
    %swap3A_4407 = arith.constant 0 : i32
    %swap3A_4408 = arith.index_cast %swap3A_4407 : i32 to index
    %swap3A_4409 = arith.constant 2976 : index
    %swap3A_4410 = tpu.vector_load %arg5[%swap3A_4408, %swap3A_4409] {strides = array<i32>} : memref<1x3072xf32, #tpu.memory_space<vmem>>, vector<16xf32>,
    tpu.vector_store %arg5[%swap3A_4408, %swap3A_4409], %select_n3A_4406 {strides = array<i32>} : memref<1x3072xf32, #tpu.memory_space<vmem>>, vector<16xf32>,
    %sub3A_4411 = arith.constant 2047 : i32
    %sub3A_4412 = arith.subi %sub3A_4411, %mul3A_76 : i32
    %mul3A_4413 = arith.constant 3072 : i32
    %mul3A_4414 = arith.muli %select_n3A_72, %mul3A_4413 : i32
    %sub3A_4415 = arith.subi %sub3A_4412, %mul3A_4414 : i32
    %sub3A_4416 = arith.constant 2992 : i32
    %sub3A_4417 = arith.subi %sub3A_4415, %sub3A_4416 : i32
    %sub3A_4418 = vector.broadcast %sub3A_4417 : i32 to vector<16xi32>
    %sub3A_4419 = arith.subi %sub3A_4418, %iota3A : vector<16xi32>
    %ge3A_4420 = arith.constant 0 : i32
    %ge3A_4421 = vector.broadcast %ge3A_4420 : i32 to vector<16xi32>
    %ge3A_4422 = arith.cmpi sge, %sub3A_4419, %ge3A_4421 : vector<16xi32>
    %select_n3A_4423 = arith.select %ge3A_4422, %gather3A, %gather3A_83 : vector<16xi1>, vector<16xf32>
    %swap3A_4424 = arith.constant 0 : i32
    %swap3A_4425 = arith.index_cast %swap3A_4424 : i32 to index
    %swap3A_4426 = arith.constant 2992 : index
    %swap3A_4427 = tpu.vector_load %arg5[%swap3A_4425, %swap3A_4426] {strides = array<i32>} : memref<1x3072xf32, #tpu.memory_space<vmem>>, vector<16xf32>,
    tpu.vector_store %arg5[%swap3A_4425, %swap3A_4426], %select_n3A_4423 {strides = array<i32>} : memref<1x3072xf32, #tpu.memory_space<vmem>>, vector<16xf32>,
    %sub3A_4428 = arith.constant 2047 : i32
    %sub3A_4429 = arith.subi %sub3A_4428, %mul3A_76 : i32
    %mul3A_4430 = arith.constant 3072 : i32
    %mul3A_4431 = arith.muli %select_n3A_72, %mul3A_4430 : i32
    %sub3A_4432 = arith.subi %sub3A_4429, %mul3A_4431 : i32
    %sub3A_4433 = arith.constant 3008 : i32
    %sub3A_4434 = arith.subi %sub3A_4432, %sub3A_4433 : i32
    %sub3A_4435 = vector.broadcast %sub3A_4434 : i32 to vector<16xi32>
    %sub3A_4436 = arith.subi %sub3A_4435, %iota3A : vector<16xi32>
    %ge3A_4437 = arith.constant 0 : i32
    %ge3A_4438 = vector.broadcast %ge3A_4437 : i32 to vector<16xi32>
    %ge3A_4439 = arith.cmpi sge, %sub3A_4436, %ge3A_4438 : vector<16xi32>
    %select_n3A_4440 = arith.select %ge3A_4439, %gather3A, %gather3A_83 : vector<16xi1>, vector<16xf32>
    %swap3A_4441 = arith.constant 0 : i32
    %swap3A_4442 = arith.index_cast %swap3A_4441 : i32 to index
    %swap3A_4443 = arith.constant 3008 : index
    %swap3A_4444 = tpu.vector_load %arg5[%swap3A_4442, %swap3A_4443] {strides = array<i32>} : memref<1x3072xf32, #tpu.memory_space<vmem>>, vector<16xf32>,
    tpu.vector_store %arg5[%swap3A_4442, %swap3A_4443], %select_n3A_4440 {strides = array<i32>} : memref<1x3072xf32, #tpu.memory_space<vmem>>, vector<16xf32>,
    %sub3A_4445 = arith.constant 2047 : i32
    %sub3A_4446 = arith.subi %sub3A_4445, %mul3A_76 : i32
    %mul3A_4447 = arith.constant 3072 : i32
    %mul3A_4448 = arith.muli %select_n3A_72, %mul3A_4447 : i32
    %sub3A_4449 = arith.subi %sub3A_4446, %mul3A_4448 : i32
    %sub3A_4450 = arith.constant 3024 : i32
    %sub3A_4451 = arith.subi %sub3A_4449, %sub3A_4450 : i32
    %sub3A_4452 = vector.broadcast %sub3A_4451 : i32 to vector<16xi32>
    %sub3A_4453 = arith.subi %sub3A_4452, %iota3A : vector<16xi32>
    %ge3A_4454 = arith.constant 0 : i32
    %ge3A_4455 = vector.broadcast %ge3A_4454 : i32 to vector<16xi32>
    %ge3A_4456 = arith.cmpi sge, %sub3A_4453, %ge3A_4455 : vector<16xi32>
    %select_n3A_4457 = arith.select %ge3A_4456, %gather3A, %gather3A_83 : vector<16xi1>, vector<16xf32>
    %swap3A_4458 = arith.constant 0 : i32
    %swap3A_4459 = arith.index_cast %swap3A_4458 : i32 to index
    %swap3A_4460 = arith.constant 3024 : index
    %swap3A_4461 = tpu.vector_load %arg5[%swap3A_4459, %swap3A_4460] {strides = array<i32>} : memref<1x3072xf32, #tpu.memory_space<vmem>>, vector<16xf32>,
    tpu.vector_store %arg5[%swap3A_4459, %swap3A_4460], %select_n3A_4457 {strides = array<i32>} : memref<1x3072xf32, #tpu.memory_space<vmem>>, vector<16xf32>,
    %sub3A_4462 = arith.constant 2047 : i32
    %sub3A_4463 = arith.subi %sub3A_4462, %mul3A_76 : i32
    %mul3A_4464 = arith.constant 3072 : i32
    %mul3A_4465 = arith.muli %select_n3A_72, %mul3A_4464 : i32
    %sub3A_4466 = arith.subi %sub3A_4463, %mul3A_4465 : i32
    %sub3A_4467 = arith.constant 3040 : i32
    %sub3A_4468 = arith.subi %sub3A_4466, %sub3A_4467 : i32
    %sub3A_4469 = vector.broadcast %sub3A_4468 : i32 to vector<16xi32>
    %sub3A_4470 = arith.subi %sub3A_4469, %iota3A : vector<16xi32>
    %ge3A_4471 = arith.constant 0 : i32
    %ge3A_4472 = vector.broadcast %ge3A_4471 : i32 to vector<16xi32>
    %ge3A_4473 = arith.cmpi sge, %sub3A_4470, %ge3A_4472 : vector<16xi32>
    %select_n3A_4474 = arith.select %ge3A_4473, %gather3A, %gather3A_83 : vector<16xi1>, vector<16xf32>
    %swap3A_4475 = arith.constant 0 : i32
    %swap3A_4476 = arith.index_cast %swap3A_4475 : i32 to index
    %swap3A_4477 = arith.constant 3040 : index
    %swap3A_4478 = tpu.vector_load %arg5[%swap3A_4476, %swap3A_4477] {strides = array<i32>} : memref<1x3072xf32, #tpu.memory_space<vmem>>, vector<16xf32>,
    tpu.vector_store %arg5[%swap3A_4476, %swap3A_4477], %select_n3A_4474 {strides = array<i32>} : memref<1x3072xf32, #tpu.memory_space<vmem>>, vector<16xf32>,
    %sub3A_4479 = arith.constant 2047 : i32
    %sub3A_4480 = arith.subi %sub3A_4479, %mul3A_76 : i32
    %mul3A_4481 = arith.constant 3072 : i32
    %mul3A_4482 = arith.muli %select_n3A_72, %mul3A_4481 : i32
    %sub3A_4483 = arith.subi %sub3A_4480, %mul3A_4482 : i32
    %sub3A_4484 = arith.constant 3056 : i32
    %sub3A_4485 = arith.subi %sub3A_4483, %sub3A_4484 : i32
    %sub3A_4486 = vector.broadcast %sub3A_4485 : i32 to vector<16xi32>
    %sub3A_4487 = arith.subi %sub3A_4486, %iota3A : vector<16xi32>
    %ge3A_4488 = arith.constant 0 : i32
    %ge3A_4489 = vector.broadcast %ge3A_4488 : i32 to vector<16xi32>
    %ge3A_4490 = arith.cmpi sge, %sub3A_4487, %ge3A_4489 : vector<16xi32>
    %select_n3A_4491 = arith.select %ge3A_4490, %gather3A, %gather3A_83 : vector<16xi1>, vector<16xf32>
    %swap3A_4492 = arith.constant 0 : i32
    %swap3A_4493 = arith.index_cast %swap3A_4492 : i32 to index
    %swap3A_4494 = arith.constant 3056 : index
    %swap3A_4495 = tpu.vector_load %arg5[%swap3A_4493, %swap3A_4494] {strides = array<i32>} : memref<1x3072xf32, #tpu.memory_space<vmem>>, vector<16xf32>,
    tpu.vector_store %arg5[%swap3A_4493, %swap3A_4494], %select_n3A_4491 {strides = array<i32>} : memref<1x3072xf32, #tpu.memory_space<vmem>>, vector<16xf32>,
    %add3A_4496 = arith.constant 0 : i32
    %add3A_4497 = arith.addi %mul3A_56, %add3A_4496 : i32
    %mul3A_4498 = arith.constant 3072 : i32
    %mul3A_4499 = arith.muli %select_n3A_72, %mul3A_4498 : i32
    %run_scoped3A = arith.constant 0 : i32
    %run_scoped3A_4500 = arith.constant 0 : i32
    "tpu.region"() ({
      %run_scoped3A_4501 = tpu.sem_alloc : memref<!tpu.dma_semaphore, #tpu.memory_space<semaphore_mem>>
      %dma_start3A = arith.constant 0 : i32
      %dma_start3A_4502 = tpu.memref_slice %arg5[%run_scoped3A, %dma_start3A] : memref<1x3072xf32, #tpu.memory_space<vmem>> -> memref<1x3072xf32, #tpu.memory_space<vmem>>
      %dma_start3A_4503 = tpu.memref_squeeze %dma_start3A_4502 : memref<1x3072xf32, #tpu.memory_space<vmem>> -> memref<3072xf32, #tpu.memory_space<vmem>>
      %dma_start3A_4504 = tpu.memref_slice %arg3[%select_n3A, %add3A_4497, %run_scoped3A_4500, %mul3A_4499] : memref<2x16x1x3072xf32, #tpu.memory_space<hbm>> -> memref<1x1x1x3072xf32, #tpu.memory_space<hbm>>
      %dma_start3A_4505 = tpu.memref_squeeze %dma_start3A_4504 : memref<1x1x1x3072xf32, #tpu.memory_space<hbm>> -> memref<3072xf32, #tpu.memory_space<hbm>>
      %dma_start3A_4506 = tpu.memref_slice %arg3[%select_n3A, %add3A_4497, %run_scoped3A_4500, %mul3A_4499] : memref<2x16x1x3072xf32, #tpu.memory_space<hbm>> -> memref<1x1x1x3072xf32, #tpu.memory_space<hbm>>
      %dma_start3A_4507 = tpu.memref_squeeze %dma_start3A_4506 : memref<1x1x1x3072xf32, #tpu.memory_space<hbm>> -> memref<3072xf32, #tpu.memory_space<hbm>>
      %dma_start3A_4508 = arith.constant 0 : i32
      %dma_start3A_4509 = tpu.memref_slice %arg5[%run_scoped3A, %dma_start3A_4508] : memref<1x3072xf32, #tpu.memory_space<vmem>> -> memref<1x3072xf32, #tpu.memory_space<vmem>>
      %dma_start3A_4510 = tpu.memref_squeeze %dma_start3A_4509 : memref<1x3072xf32, #tpu.memory_space<vmem>> -> memref<3072xf32, #tpu.memory_space<vmem>>
      tpu.enqueue_dma source(%dma_start3A_4510 : memref<3072xf32, #tpu.memory_space<vmem>>) target(%dma_start3A_4507 : memref<3072xf32, #tpu.memory_space<hbm>>) target_semaphore(%run_scoped3A_4501 : memref<!tpu.dma_semaphore, #tpu.memory_space<semaphore_mem>>)
      %dma_wait3A = arith.constant 0 : i32
      %dma_wait3A_4511 = tpu.memref_slice %arg5[%run_scoped3A, %dma_wait3A] : memref<1x3072xf32, #tpu.memory_space<vmem>> -> memref<1x3072xf32, #tpu.memory_space<vmem>>
      %dma_wait3A_4512 = tpu.memref_squeeze %dma_wait3A_4511 : memref<1x3072xf32, #tpu.memory_space<vmem>> -> memref<3072xf32, #tpu.memory_space<vmem>>
      %dma_wait3A_4513 = tpu.memref_slice %arg3[%select_n3A, %add3A_4497, %run_scoped3A_4500, %mul3A_4499] : memref<2x16x1x3072xf32, #tpu.memory_space<hbm>> -> memref<1x1x1x3072xf32, #tpu.memory_space<hbm>>
      %dma_wait3A_4514 = tpu.memref_squeeze %dma_wait3A_4513 : memref<1x1x1x3072xf32, #tpu.memory_space<hbm>> -> memref<3072xf32, #tpu.memory_space<hbm>>
      %dma_wait3A_4515 = tpu.memref_slice %arg3[%select_n3A, %add3A_4497, %run_scoped3A_4500, %mul3A_4499] : memref<2x16x1x3072xf32, #tpu.memory_space<hbm>> -> memref<1x1x1x3072xf32, #tpu.memory_space<hbm>>
      %dma_wait3A_4516 = tpu.memref_squeeze %dma_wait3A_4515 : memref<1x1x1x3072xf32, #tpu.memory_space<hbm>> -> memref<3072xf32, #tpu.memory_space<hbm>>
      %dma_wait3A_4517 = arith.constant 0 : i32
      %dma_wait3A_4518 = tpu.memref_slice %arg5[%run_scoped3A, %dma_wait3A_4517] : memref<1x3072xf32, #tpu.memory_space<vmem>> -> memref<1x3072xf32, #tpu.memory_space<vmem>>
      %dma_wait3A_4519 = tpu.memref_squeeze %dma_wait3A_4518 : memref<1x3072xf32, #tpu.memory_space<vmem>> -> memref<3072xf32, #tpu.memory_space<vmem>>
      tpu.wait_dma2 semaphore(%run_scoped3A_4501 : memref<!tpu.dma_semaphore, #tpu.memory_space<semaphore_mem>>) src(%dma_wait3A_4519 : memref<3072xf32, #tpu.memory_space<vmem>>) dst(%dma_wait3A_4516 : memref<3072xf32, #tpu.memory_space<hbm>>)
      tpu.yield
    }) : () -> ()
    return
  }
}

module attributes {stable_mosaic.version = 14 : i64} {
  func.func @expand_body(%arg0: i32, %arg1: i32, %arg2: memref<1x1x1x3072xf32, #tpu.memory_space<vmem>>, %arg3: memref<1x1x1024x2048xf32, #tpu.memory_space<vmem>>) attributes {dimension_semantics = [#tpu.dimension_semantics<arbitrary>, #tpu.dimension_semantics<arbitrary>], iteration_bounds = array<i64: 16, 2>, scalar_prefetch = 0 : i64, scratch_operands = 0 : i64, tpu.core_type = #tpu.core_type<tc>, window_params = [{transform_indices = @transform_0, window_bounds = array<i64: 1, 1, 1, 3072>}, {transform_indices = @transform_1, window_bounds = array<i64: 1, 1, 1024, 2048>}]} {
    %get3A = arith.constant 0 : index
    %get3A_0 = arith.constant 0 : index
    %get3A_1 = arith.constant 0 : index
    %get3A_2 = arith.constant 0 : index
    %get3A_3 = vector.load %arg2[%get3A, %get3A_0, %get3A_1, %get3A_2] : memref<1x1x1x3072xf32, #tpu.memory_space<vmem>>, vector<1x1x1x3072xf32>
    %get3A_4 = vector.shape_cast %get3A_3 : vector<1x1x1x3072xf32> to vector<1x3072xf32>
    %broadcast_in_dim3A = vector.shape_cast %get3A_4 : vector<1x3072xf32> to vector<1x3072xf32>
    %broadcast_in_dim3A_5 = vector.broadcast %broadcast_in_dim3A : vector<1x3072xf32> to vector<8x3072xf32>
    %iota3A = tpu.iota {dimensions = array<i32: 0>} : vector<8x3072xi32>
    %roll3A = arith.constant 3065 : i32
    %roll3A_6 = tpu.dynamic_rotate %broadcast_in_dim3A_5 by %roll3A dim 1 : vector<8x3072xf32>, i32 -> vector<8x3072xf32>
    %eq3A = arith.constant 0 : i32
    %eq3A_7 = vector.broadcast %eq3A : i32 to vector<8x3072xi32>
    %eq3A_8 = arith.cmpi eq, %iota3A, %eq3A_7 : vector<8x3072xi32>
    %select_n3A = arith.select %eq3A_8, %roll3A_6, %broadcast_in_dim3A_5 : vector<8x3072xi1>, vector<8x3072xf32>
    %roll3A_9 = arith.constant 3066 : i32
    %roll3A_10 = tpu.dynamic_rotate %broadcast_in_dim3A_5 by %roll3A_9 dim 1 : vector<8x3072xf32>, i32 -> vector<8x3072xf32>
    %eq3A_11 = arith.constant 1 : i32
    %eq3A_12 = vector.broadcast %eq3A_11 : i32 to vector<8x3072xi32>
    %eq3A_13 = arith.cmpi eq, %iota3A, %eq3A_12 : vector<8x3072xi32>
    %select_n3A_14 = arith.select %eq3A_13, %roll3A_10, %select_n3A : vector<8x3072xi1>, vector<8x3072xf32>
    %roll3A_15 = arith.constant 3067 : i32
    %roll3A_16 = tpu.dynamic_rotate %broadcast_in_dim3A_5 by %roll3A_15 dim 1 : vector<8x3072xf32>, i32 -> vector<8x3072xf32>
    %eq3A_17 = arith.constant 2 : i32
    %eq3A_18 = vector.broadcast %eq3A_17 : i32 to vector<8x3072xi32>
    %eq3A_19 = arith.cmpi eq, %iota3A, %eq3A_18 : vector<8x3072xi32>
    %select_n3A_20 = arith.select %eq3A_19, %roll3A_16, %select_n3A_14 : vector<8x3072xi1>, vector<8x3072xf32>
    %roll3A_21 = arith.constant 3068 : i32
    %roll3A_22 = tpu.dynamic_rotate %broadcast_in_dim3A_5 by %roll3A_21 dim 1 : vector<8x3072xf32>, i32 -> vector<8x3072xf32>
    %eq3A_23 = arith.constant 3 : i32
    %eq3A_24 = vector.broadcast %eq3A_23 : i32 to vector<8x3072xi32>
    %eq3A_25 = arith.cmpi eq, %iota3A, %eq3A_24 : vector<8x3072xi32>
    %select_n3A_26 = arith.select %eq3A_25, %roll3A_22, %select_n3A_20 : vector<8x3072xi1>, vector<8x3072xf32>
    %roll3A_27 = arith.constant 3069 : i32
    %roll3A_28 = tpu.dynamic_rotate %broadcast_in_dim3A_5 by %roll3A_27 dim 1 : vector<8x3072xf32>, i32 -> vector<8x3072xf32>
    %eq3A_29 = arith.constant 4 : i32
    %eq3A_30 = vector.broadcast %eq3A_29 : i32 to vector<8x3072xi32>
    %eq3A_31 = arith.cmpi eq, %iota3A, %eq3A_30 : vector<8x3072xi32>
    %select_n3A_32 = arith.select %eq3A_31, %roll3A_28, %select_n3A_26 : vector<8x3072xi1>, vector<8x3072xf32>
    %roll3A_33 = arith.constant 3070 : i32
    %roll3A_34 = tpu.dynamic_rotate %broadcast_in_dim3A_5 by %roll3A_33 dim 1 : vector<8x3072xf32>, i32 -> vector<8x3072xf32>
    %eq3A_35 = arith.constant 5 : i32
    %eq3A_36 = vector.broadcast %eq3A_35 : i32 to vector<8x3072xi32>
    %eq3A_37 = arith.cmpi eq, %iota3A, %eq3A_36 : vector<8x3072xi32>
    %select_n3A_38 = arith.select %eq3A_37, %roll3A_34, %select_n3A_32 : vector<8x3072xi1>, vector<8x3072xf32>
    %roll3A_39 = arith.constant 3071 : i32
    %roll3A_40 = tpu.dynamic_rotate %broadcast_in_dim3A_5 by %roll3A_39 dim 1 : vector<8x3072xf32>, i32 -> vector<8x3072xf32>
    %eq3A_41 = arith.constant 6 : i32
    %eq3A_42 = vector.broadcast %eq3A_41 : i32 to vector<8x3072xi32>
    %eq3A_43 = arith.cmpi eq, %iota3A, %eq3A_42 : vector<8x3072xi32>
    %select_n3A_44 = arith.select %eq3A_43, %roll3A_40, %select_n3A_38 : vector<8x3072xi1>, vector<8x3072xf32>
    %roll3A_45 = arith.constant 2952 : i32
    %roll3A_46 = tpu.dynamic_rotate %select_n3A_44 by %roll3A_45 dim 1 : vector<8x3072xf32>, i32 -> vector<8x3072xf32>
    %slice3A = vector.extract_strided_slice %roll3A_46 {offsets = [0, 896], sizes = [8, 2048], strides = [1, 1]} : vector<8x3072xf32> to vector<8x2048xf32>
    %swap3A = arith.constant 0 : index
    %swap3A_47 = arith.constant 0 : index
    %swap3A_48 = arith.constant 0 : index
    %swap3A_49 = arith.constant 0 : index
    %swap3A_50 = vector.load %arg3[%swap3A, %swap3A_47, %swap3A_48, %swap3A_49] : memref<1x1x1024x2048xf32, #tpu.memory_space<vmem>>, vector<1x1x8x2048xf32>
    %swap3A_51 = vector.shape_cast %swap3A_50 : vector<1x1x8x2048xf32> to vector<8x2048xf32>
    %swap3A_52 = vector.shape_cast %slice3A : vector<8x2048xf32> to vector<1x1x8x2048xf32>
    tpu.vector_store %arg3[%swap3A, %swap3A_47, %swap3A_48, %swap3A_49], %swap3A_52 {strides = array<i32>} : memref<1x1x1024x2048xf32, #tpu.memory_space<vmem>>, vector<1x1x8x2048xf32>,
    %slice3A_53 = vector.extract_strided_slice %roll3A_46 {offsets = [0, 768], sizes = [8, 2048], strides = [1, 1]} : vector<8x3072xf32> to vector<8x2048xf32>
    %swap3A_54 = arith.constant 0 : index
    %swap3A_55 = arith.constant 0 : index
    %swap3A_56 = arith.constant 128 : index
    %swap3A_57 = arith.constant 0 : index
    %swap3A_58 = vector.load %arg3[%swap3A_54, %swap3A_55, %swap3A_56, %swap3A_57] : memref<1x1x1024x2048xf32, #tpu.memory_space<vmem>>, vector<1x1x8x2048xf32>
    %swap3A_59 = vector.shape_cast %swap3A_58 : vector<1x1x8x2048xf32> to vector<8x2048xf32>
    %swap3A_60 = vector.shape_cast %slice3A_53 : vector<8x2048xf32> to vector<1x1x8x2048xf32>
    tpu.vector_store %arg3[%swap3A_54, %swap3A_55, %swap3A_56, %swap3A_57], %swap3A_60 {strides = array<i32>} : memref<1x1x1024x2048xf32, #tpu.memory_space<vmem>>, vector<1x1x8x2048xf32>,
    %slice3A_61 = vector.extract_strided_slice %roll3A_46 {offsets = [0, 640], sizes = [8, 2048], strides = [1, 1]} : vector<8x3072xf32> to vector<8x2048xf32>
    %swap3A_62 = arith.constant 0 : index
    %swap3A_63 = arith.constant 0 : index
    %swap3A_64 = arith.constant 256 : index
    %swap3A_65 = arith.constant 0 : index
    %swap3A_66 = vector.load %arg3[%swap3A_62, %swap3A_63, %swap3A_64, %swap3A_65] : memref<1x1x1024x2048xf32, #tpu.memory_space<vmem>>, vector<1x1x8x2048xf32>
    %swap3A_67 = vector.shape_cast %swap3A_66 : vector<1x1x8x2048xf32> to vector<8x2048xf32>
    %swap3A_68 = vector.shape_cast %slice3A_61 : vector<8x2048xf32> to vector<1x1x8x2048xf32>
    tpu.vector_store %arg3[%swap3A_62, %swap3A_63, %swap3A_64, %swap3A_65], %swap3A_68 {strides = array<i32>} : memref<1x1x1024x2048xf32, #tpu.memory_space<vmem>>, vector<1x1x8x2048xf32>,
    %slice3A_69 = vector.extract_strided_slice %roll3A_46 {offsets = [0, 512], sizes = [8, 2048], strides = [1, 1]} : vector<8x3072xf32> to vector<8x2048xf32>
    %swap3A_70 = arith.constant 0 : index
    %swap3A_71 = arith.constant 0 : index
    %swap3A_72 = arith.constant 384 : index
    %swap3A_73 = arith.constant 0 : index
    %swap3A_74 = vector.load %arg3[%swap3A_70, %swap3A_71, %swap3A_72, %swap3A_73] : memref<1x1x1024x2048xf32, #tpu.memory_space<vmem>>, vector<1x1x8x2048xf32>
    %swap3A_75 = vector.shape_cast %swap3A_74 : vector<1x1x8x2048xf32> to vector<8x2048xf32>
    %swap3A_76 = vector.shape_cast %slice3A_69 : vector<8x2048xf32> to vector<1x1x8x2048xf32>
    tpu.vector_store %arg3[%swap3A_70, %swap3A_71, %swap3A_72, %swap3A_73], %swap3A_76 {strides = array<i32>} : memref<1x1x1024x2048xf32, #tpu.memory_space<vmem>>, vector<1x1x8x2048xf32>,
    %slice3A_77 = vector.extract_strided_slice %roll3A_46 {offsets = [0, 384], sizes = [8, 2048], strides = [1, 1]} : vector<8x3072xf32> to vector<8x2048xf32>
    %swap3A_78 = arith.constant 0 : index
    %swap3A_79 = arith.constant 0 : index
    %swap3A_80 = arith.constant 512 : index
    %swap3A_81 = arith.constant 0 : index
    %swap3A_82 = vector.load %arg3[%swap3A_78, %swap3A_79, %swap3A_80, %swap3A_81] : memref<1x1x1024x2048xf32, #tpu.memory_space<vmem>>, vector<1x1x8x2048xf32>
    %swap3A_83 = vector.shape_cast %swap3A_82 : vector<1x1x8x2048xf32> to vector<8x2048xf32>
    %swap3A_84 = vector.shape_cast %slice3A_77 : vector<8x2048xf32> to vector<1x1x8x2048xf32>
    tpu.vector_store %arg3[%swap3A_78, %swap3A_79, %swap3A_80, %swap3A_81], %swap3A_84 {strides = array<i32>} : memref<1x1x1024x2048xf32, #tpu.memory_space<vmem>>, vector<1x1x8x2048xf32>,
    %slice3A_85 = vector.extract_strided_slice %roll3A_46 {offsets = [0, 256], sizes = [8, 2048], strides = [1, 1]} : vector<8x3072xf32> to vector<8x2048xf32>
    %swap3A_86 = arith.constant 0 : index
    %swap3A_87 = arith.constant 0 : index
    %swap3A_88 = arith.constant 640 : index
    %swap3A_89 = arith.constant 0 : index
    %swap3A_90 = vector.load %arg3[%swap3A_86, %swap3A_87, %swap3A_88, %swap3A_89] : memref<1x1x1024x2048xf32, #tpu.memory_space<vmem>>, vector<1x1x8x2048xf32>
    %swap3A_91 = vector.shape_cast %swap3A_90 : vector<1x1x8x2048xf32> to vector<8x2048xf32>
    %swap3A_92 = vector.shape_cast %slice3A_85 : vector<8x2048xf32> to vector<1x1x8x2048xf32>
    tpu.vector_store %arg3[%swap3A_86, %swap3A_87, %swap3A_88, %swap3A_89], %swap3A_92 {strides = array<i32>} : memref<1x1x1024x2048xf32, #tpu.memory_space<vmem>>, vector<1x1x8x2048xf32>,
    %slice3A_93 = vector.extract_strided_slice %roll3A_46 {offsets = [0, 128], sizes = [8, 2048], strides = [1, 1]} : vector<8x3072xf32> to vector<8x2048xf32>
    %swap3A_94 = arith.constant 0 : index
    %swap3A_95 = arith.constant 0 : index
    %swap3A_96 = arith.constant 768 : index
    %swap3A_97 = arith.constant 0 : index
    %swap3A_98 = vector.load %arg3[%swap3A_94, %swap3A_95, %swap3A_96, %swap3A_97] : memref<1x1x1024x2048xf32, #tpu.memory_space<vmem>>, vector<1x1x8x2048xf32>
    %swap3A_99 = vector.shape_cast %swap3A_98 : vector<1x1x8x2048xf32> to vector<8x2048xf32>
    %swap3A_100 = vector.shape_cast %slice3A_93 : vector<8x2048xf32> to vector<1x1x8x2048xf32>
    tpu.vector_store %arg3[%swap3A_94, %swap3A_95, %swap3A_96, %swap3A_97], %swap3A_100 {strides = array<i32>} : memref<1x1x1024x2048xf32, #tpu.memory_space<vmem>>, vector<1x1x8x2048xf32>,
    %slice3A_101 = vector.extract_strided_slice %roll3A_46 {offsets = [0, 0], sizes = [8, 2048], strides = [1, 1]} : vector<8x3072xf32> to vector<8x2048xf32>
    %swap3A_102 = arith.constant 0 : index
    %swap3A_103 = arith.constant 0 : index
    %swap3A_104 = arith.constant 896 : index
    %swap3A_105 = arith.constant 0 : index
    %swap3A_106 = vector.load %arg3[%swap3A_102, %swap3A_103, %swap3A_104, %swap3A_105] : memref<1x1x1024x2048xf32, #tpu.memory_space<vmem>>, vector<1x1x8x2048xf32>
    %swap3A_107 = vector.shape_cast %swap3A_106 : vector<1x1x8x2048xf32> to vector<8x2048xf32>
    %swap3A_108 = vector.shape_cast %slice3A_101 : vector<8x2048xf32> to vector<1x1x8x2048xf32>
    tpu.vector_store %arg3[%swap3A_102, %swap3A_103, %swap3A_104, %swap3A_105], %swap3A_108 {strides = array<i32>} : memref<1x1x1024x2048xf32, #tpu.memory_space<vmem>>, vector<1x1x8x2048xf32>,
    %roll3A_109 = arith.constant 2960 : i32
    %roll3A_110 = tpu.dynamic_rotate %select_n3A_44 by %roll3A_109 dim 1 : vector<8x3072xf32>, i32 -> vector<8x3072xf32>
    %slice3A_111 = vector.extract_strided_slice %roll3A_110 {offsets = [0, 896], sizes = [8, 2048], strides = [1, 1]} : vector<8x3072xf32> to vector<8x2048xf32>
    %swap3A_112 = arith.constant 0 : index
    %swap3A_113 = arith.constant 0 : index
    %swap3A_114 = arith.constant 8 : index
    %swap3A_115 = arith.constant 0 : index
    %swap3A_116 = vector.load %arg3[%swap3A_112, %swap3A_113, %swap3A_114, %swap3A_115] : memref<1x1x1024x2048xf32, #tpu.memory_space<vmem>>, vector<1x1x8x2048xf32>
    %swap3A_117 = vector.shape_cast %swap3A_116 : vector<1x1x8x2048xf32> to vector<8x2048xf32>
    %swap3A_118 = vector.shape_cast %slice3A_111 : vector<8x2048xf32> to vector<1x1x8x2048xf32>
    tpu.vector_store %arg3[%swap3A_112, %swap3A_113, %swap3A_114, %swap3A_115], %swap3A_118 {strides = array<i32>} : memref<1x1x1024x2048xf32, #tpu.memory_space<vmem>>, vector<1x1x8x2048xf32>,
    %slice3A_119 = vector.extract_strided_slice %roll3A_110 {offsets = [0, 768], sizes = [8, 2048], strides = [1, 1]} : vector<8x3072xf32> to vector<8x2048xf32>
    %swap3A_120 = arith.constant 0 : index
    %swap3A_121 = arith.constant 0 : index
    %swap3A_122 = arith.constant 136 : index
    %swap3A_123 = arith.constant 0 : index
    %swap3A_124 = vector.load %arg3[%swap3A_120, %swap3A_121, %swap3A_122, %swap3A_123] : memref<1x1x1024x2048xf32, #tpu.memory_space<vmem>>, vector<1x1x8x2048xf32>
    %swap3A_125 = vector.shape_cast %swap3A_124 : vector<1x1x8x2048xf32> to vector<8x2048xf32>
    %swap3A_126 = vector.shape_cast %slice3A_119 : vector<8x2048xf32> to vector<1x1x8x2048xf32>
    tpu.vector_store %arg3[%swap3A_120, %swap3A_121, %swap3A_122, %swap3A_123], %swap3A_126 {strides = array<i32>} : memref<1x1x1024x2048xf32, #tpu.memory_space<vmem>>, vector<1x1x8x2048xf32>,
    %slice3A_127 = vector.extract_strided_slice %roll3A_110 {offsets = [0, 640], sizes = [8, 2048], strides = [1, 1]} : vector<8x3072xf32> to vector<8x2048xf32>
    %swap3A_128 = arith.constant 0 : index
    %swap3A_129 = arith.constant 0 : index
    %swap3A_130 = arith.constant 264 : index
    %swap3A_131 = arith.constant 0 : index
    %swap3A_132 = vector.load %arg3[%swap3A_128, %swap3A_129, %swap3A_130, %swap3A_131] : memref<1x1x1024x2048xf32, #tpu.memory_space<vmem>>, vector<1x1x8x2048xf32>
    %swap3A_133 = vector.shape_cast %swap3A_132 : vector<1x1x8x2048xf32> to vector<8x2048xf32>
    %swap3A_134 = vector.shape_cast %slice3A_127 : vector<8x2048xf32> to vector<1x1x8x2048xf32>
    tpu.vector_store %arg3[%swap3A_128, %swap3A_129, %swap3A_130, %swap3A_131], %swap3A_134 {strides = array<i32>} : memref<1x1x1024x2048xf32, #tpu.memory_space<vmem>>, vector<1x1x8x2048xf32>,
    %slice3A_135 = vector.extract_strided_slice %roll3A_110 {offsets = [0, 512], sizes = [8, 2048], strides = [1, 1]} : vector<8x3072xf32> to vector<8x2048xf32>
    %swap3A_136 = arith.constant 0 : index
    %swap3A_137 = arith.constant 0 : index
    %swap3A_138 = arith.constant 392 : index
    %swap3A_139 = arith.constant 0 : index
    %swap3A_140 = vector.load %arg3[%swap3A_136, %swap3A_137, %swap3A_138, %swap3A_139] : memref<1x1x1024x2048xf32, #tpu.memory_space<vmem>>, vector<1x1x8x2048xf32>
    %swap3A_141 = vector.shape_cast %swap3A_140 : vector<1x1x8x2048xf32> to vector<8x2048xf32>
    %swap3A_142 = vector.shape_cast %slice3A_135 : vector<8x2048xf32> to vector<1x1x8x2048xf32>
    tpu.vector_store %arg3[%swap3A_136, %swap3A_137, %swap3A_138, %swap3A_139], %swap3A_142 {strides = array<i32>} : memref<1x1x1024x2048xf32, #tpu.memory_space<vmem>>, vector<1x1x8x2048xf32>,
    %slice3A_143 = vector.extract_strided_slice %roll3A_110 {offsets = [0, 384], sizes = [8, 2048], strides = [1, 1]} : vector<8x3072xf32> to vector<8x2048xf32>
    %swap3A_144 = arith.constant 0 : index
    %swap3A_145 = arith.constant 0 : index
    %swap3A_146 = arith.constant 520 : index
    %swap3A_147 = arith.constant 0 : index
    %swap3A_148 = vector.load %arg3[%swap3A_144, %swap3A_145, %swap3A_146, %swap3A_147] : memref<1x1x1024x2048xf32, #tpu.memory_space<vmem>>, vector<1x1x8x2048xf32>
    %swap3A_149 = vector.shape_cast %swap3A_148 : vector<1x1x8x2048xf32> to vector<8x2048xf32>
    %swap3A_150 = vector.shape_cast %slice3A_143 : vector<8x2048xf32> to vector<1x1x8x2048xf32>
    tpu.vector_store %arg3[%swap3A_144, %swap3A_145, %swap3A_146, %swap3A_147], %swap3A_150 {strides = array<i32>} : memref<1x1x1024x2048xf32, #tpu.memory_space<vmem>>, vector<1x1x8x2048xf32>,
    %slice3A_151 = vector.extract_strided_slice %roll3A_110 {offsets = [0, 256], sizes = [8, 2048], strides = [1, 1]} : vector<8x3072xf32> to vector<8x2048xf32>
    %swap3A_152 = arith.constant 0 : index
    %swap3A_153 = arith.constant 0 : index
    %swap3A_154 = arith.constant 648 : index
    %swap3A_155 = arith.constant 0 : index
    %swap3A_156 = vector.load %arg3[%swap3A_152, %swap3A_153, %swap3A_154, %swap3A_155] : memref<1x1x1024x2048xf32, #tpu.memory_space<vmem>>, vector<1x1x8x2048xf32>
    %swap3A_157 = vector.shape_cast %swap3A_156 : vector<1x1x8x2048xf32> to vector<8x2048xf32>
    %swap3A_158 = vector.shape_cast %slice3A_151 : vector<8x2048xf32> to vector<1x1x8x2048xf32>
    tpu.vector_store %arg3[%swap3A_152, %swap3A_153, %swap3A_154, %swap3A_155], %swap3A_158 {strides = array<i32>} : memref<1x1x1024x2048xf32, #tpu.memory_space<vmem>>, vector<1x1x8x2048xf32>,
    %slice3A_159 = vector.extract_strided_slice %roll3A_110 {offsets = [0, 128], sizes = [8, 2048], strides = [1, 1]} : vector<8x3072xf32> to vector<8x2048xf32>
    %swap3A_160 = arith.constant 0 : index
    %swap3A_161 = arith.constant 0 : index
    %swap3A_162 = arith.constant 776 : index
    %swap3A_163 = arith.constant 0 : index
    %swap3A_164 = vector.load %arg3[%swap3A_160, %swap3A_161, %swap3A_162, %swap3A_163] : memref<1x1x1024x2048xf32, #tpu.memory_space<vmem>>, vector<1x1x8x2048xf32>
    %swap3A_165 = vector.shape_cast %swap3A_164 : vector<1x1x8x2048xf32> to vector<8x2048xf32>
    %swap3A_166 = vector.shape_cast %slice3A_159 : vector<8x2048xf32> to vector<1x1x8x2048xf32>
    tpu.vector_store %arg3[%swap3A_160, %swap3A_161, %swap3A_162, %swap3A_163], %swap3A_166 {strides = array<i32>} : memref<1x1x1024x2048xf32, #tpu.memory_space<vmem>>, vector<1x1x8x2048xf32>,
    %slice3A_167 = vector.extract_strided_slice %roll3A_110 {offsets = [0, 0], sizes = [8, 2048], strides = [1, 1]} : vector<8x3072xf32> to vector<8x2048xf32>
    %swap3A_168 = arith.constant 0 : index
    %swap3A_169 = arith.constant 0 : index
    %swap3A_170 = arith.constant 904 : index
    %swap3A_171 = arith.constant 0 : index
    %swap3A_172 = vector.load %arg3[%swap3A_168, %swap3A_169, %swap3A_170, %swap3A_171] : memref<1x1x1024x2048xf32, #tpu.memory_space<vmem>>, vector<1x1x8x2048xf32>
    %swap3A_173 = vector.shape_cast %swap3A_172 : vector<1x1x8x2048xf32> to vector<8x2048xf32>
    %swap3A_174 = vector.shape_cast %slice3A_167 : vector<8x2048xf32> to vector<1x1x8x2048xf32>
    tpu.vector_store %arg3[%swap3A_168, %swap3A_169, %swap3A_170, %swap3A_171], %swap3A_174 {strides = array<i32>} : memref<1x1x1024x2048xf32, #tpu.memory_space<vmem>>, vector<1x1x8x2048xf32>,
    %roll3A_175 = arith.constant 2968 : i32
    %roll3A_176 = tpu.dynamic_rotate %select_n3A_44 by %roll3A_175 dim 1 : vector<8x3072xf32>, i32 -> vector<8x3072xf32>
    %slice3A_177 = vector.extract_strided_slice %roll3A_176 {offsets = [0, 896], sizes = [8, 2048], strides = [1, 1]} : vector<8x3072xf32> to vector<8x2048xf32>
    %swap3A_178 = arith.constant 0 : index
    %swap3A_179 = arith.constant 0 : index
    %swap3A_180 = arith.constant 16 : index
    %swap3A_181 = arith.constant 0 : index
    %swap3A_182 = vector.load %arg3[%swap3A_178, %swap3A_179, %swap3A_180, %swap3A_181] : memref<1x1x1024x2048xf32, #tpu.memory_space<vmem>>, vector<1x1x8x2048xf32>
    %swap3A_183 = vector.shape_cast %swap3A_182 : vector<1x1x8x2048xf32> to vector<8x2048xf32>
    %swap3A_184 = vector.shape_cast %slice3A_177 : vector<8x2048xf32> to vector<1x1x8x2048xf32>
    tpu.vector_store %arg3[%swap3A_178, %swap3A_179, %swap3A_180, %swap3A_181], %swap3A_184 {strides = array<i32>} : memref<1x1x1024x2048xf32, #tpu.memory_space<vmem>>, vector<1x1x8x2048xf32>,
    %slice3A_185 = vector.extract_strided_slice %roll3A_176 {offsets = [0, 768], sizes = [8, 2048], strides = [1, 1]} : vector<8x3072xf32> to vector<8x2048xf32>
    %swap3A_186 = arith.constant 0 : index
    %swap3A_187 = arith.constant 0 : index
    %swap3A_188 = arith.constant 144 : index
    %swap3A_189 = arith.constant 0 : index
    %swap3A_190 = vector.load %arg3[%swap3A_186, %swap3A_187, %swap3A_188, %swap3A_189] : memref<1x1x1024x2048xf32, #tpu.memory_space<vmem>>, vector<1x1x8x2048xf32>
    %swap3A_191 = vector.shape_cast %swap3A_190 : vector<1x1x8x2048xf32> to vector<8x2048xf32>
    %swap3A_192 = vector.shape_cast %slice3A_185 : vector<8x2048xf32> to vector<1x1x8x2048xf32>
    tpu.vector_store %arg3[%swap3A_186, %swap3A_187, %swap3A_188, %swap3A_189], %swap3A_192 {strides = array<i32>} : memref<1x1x1024x2048xf32, #tpu.memory_space<vmem>>, vector<1x1x8x2048xf32>,
    %slice3A_193 = vector.extract_strided_slice %roll3A_176 {offsets = [0, 640], sizes = [8, 2048], strides = [1, 1]} : vector<8x3072xf32> to vector<8x2048xf32>
    %swap3A_194 = arith.constant 0 : index
    %swap3A_195 = arith.constant 0 : index
    %swap3A_196 = arith.constant 272 : index
    %swap3A_197 = arith.constant 0 : index
    %swap3A_198 = vector.load %arg3[%swap3A_194, %swap3A_195, %swap3A_196, %swap3A_197] : memref<1x1x1024x2048xf32, #tpu.memory_space<vmem>>, vector<1x1x8x2048xf32>
    %swap3A_199 = vector.shape_cast %swap3A_198 : vector<1x1x8x2048xf32> to vector<8x2048xf32>
    %swap3A_200 = vector.shape_cast %slice3A_193 : vector<8x2048xf32> to vector<1x1x8x2048xf32>
    tpu.vector_store %arg3[%swap3A_194, %swap3A_195, %swap3A_196, %swap3A_197], %swap3A_200 {strides = array<i32>} : memref<1x1x1024x2048xf32, #tpu.memory_space<vmem>>, vector<1x1x8x2048xf32>,
    %slice3A_201 = vector.extract_strided_slice %roll3A_176 {offsets = [0, 512], sizes = [8, 2048], strides = [1, 1]} : vector<8x3072xf32> to vector<8x2048xf32>
    %swap3A_202 = arith.constant 0 : index
    %swap3A_203 = arith.constant 0 : index
    %swap3A_204 = arith.constant 400 : index
    %swap3A_205 = arith.constant 0 : index
    %swap3A_206 = vector.load %arg3[%swap3A_202, %swap3A_203, %swap3A_204, %swap3A_205] : memref<1x1x1024x2048xf32, #tpu.memory_space<vmem>>, vector<1x1x8x2048xf32>
    %swap3A_207 = vector.shape_cast %swap3A_206 : vector<1x1x8x2048xf32> to vector<8x2048xf32>
    %swap3A_208 = vector.shape_cast %slice3A_201 : vector<8x2048xf32> to vector<1x1x8x2048xf32>
    tpu.vector_store %arg3[%swap3A_202, %swap3A_203, %swap3A_204, %swap3A_205], %swap3A_208 {strides = array<i32>} : memref<1x1x1024x2048xf32, #tpu.memory_space<vmem>>, vector<1x1x8x2048xf32>,
    %slice3A_209 = vector.extract_strided_slice %roll3A_176 {offsets = [0, 384], sizes = [8, 2048], strides = [1, 1]} : vector<8x3072xf32> to vector<8x2048xf32>
    %swap3A_210 = arith.constant 0 : index
    %swap3A_211 = arith.constant 0 : index
    %swap3A_212 = arith.constant 528 : index
    %swap3A_213 = arith.constant 0 : index
    %swap3A_214 = vector.load %arg3[%swap3A_210, %swap3A_211, %swap3A_212, %swap3A_213] : memref<1x1x1024x2048xf32, #tpu.memory_space<vmem>>, vector<1x1x8x2048xf32>
    %swap3A_215 = vector.shape_cast %swap3A_214 : vector<1x1x8x2048xf32> to vector<8x2048xf32>
    %swap3A_216 = vector.shape_cast %slice3A_209 : vector<8x2048xf32> to vector<1x1x8x2048xf32>
    tpu.vector_store %arg3[%swap3A_210, %swap3A_211, %swap3A_212, %swap3A_213], %swap3A_216 {strides = array<i32>} : memref<1x1x1024x2048xf32, #tpu.memory_space<vmem>>, vector<1x1x8x2048xf32>,
    %slice3A_217 = vector.extract_strided_slice %roll3A_176 {offsets = [0, 256], sizes = [8, 2048], strides = [1, 1]} : vector<8x3072xf32> to vector<8x2048xf32>
    %swap3A_218 = arith.constant 0 : index
    %swap3A_219 = arith.constant 0 : index
    %swap3A_220 = arith.constant 656 : index
    %swap3A_221 = arith.constant 0 : index
    %swap3A_222 = vector.load %arg3[%swap3A_218, %swap3A_219, %swap3A_220, %swap3A_221] : memref<1x1x1024x2048xf32, #tpu.memory_space<vmem>>, vector<1x1x8x2048xf32>
    %swap3A_223 = vector.shape_cast %swap3A_222 : vector<1x1x8x2048xf32> to vector<8x2048xf32>
    %swap3A_224 = vector.shape_cast %slice3A_217 : vector<8x2048xf32> to vector<1x1x8x2048xf32>
    tpu.vector_store %arg3[%swap3A_218, %swap3A_219, %swap3A_220, %swap3A_221], %swap3A_224 {strides = array<i32>} : memref<1x1x1024x2048xf32, #tpu.memory_space<vmem>>, vector<1x1x8x2048xf32>,
    %slice3A_225 = vector.extract_strided_slice %roll3A_176 {offsets = [0, 128], sizes = [8, 2048], strides = [1, 1]} : vector<8x3072xf32> to vector<8x2048xf32>
    %swap3A_226 = arith.constant 0 : index
    %swap3A_227 = arith.constant 0 : index
    %swap3A_228 = arith.constant 784 : index
    %swap3A_229 = arith.constant 0 : index
    %swap3A_230 = vector.load %arg3[%swap3A_226, %swap3A_227, %swap3A_228, %swap3A_229] : memref<1x1x1024x2048xf32, #tpu.memory_space<vmem>>, vector<1x1x8x2048xf32>
    %swap3A_231 = vector.shape_cast %swap3A_230 : vector<1x1x8x2048xf32> to vector<8x2048xf32>
    %swap3A_232 = vector.shape_cast %slice3A_225 : vector<8x2048xf32> to vector<1x1x8x2048xf32>
    tpu.vector_store %arg3[%swap3A_226, %swap3A_227, %swap3A_228, %swap3A_229], %swap3A_232 {strides = array<i32>} : memref<1x1x1024x2048xf32, #tpu.memory_space<vmem>>, vector<1x1x8x2048xf32>,
    %slice3A_233 = vector.extract_strided_slice %roll3A_176 {offsets = [0, 0], sizes = [8, 2048], strides = [1, 1]} : vector<8x3072xf32> to vector<8x2048xf32>
    %swap3A_234 = arith.constant 0 : index
    %swap3A_235 = arith.constant 0 : index
    %swap3A_236 = arith.constant 912 : index
    %swap3A_237 = arith.constant 0 : index
    %swap3A_238 = vector.load %arg3[%swap3A_234, %swap3A_235, %swap3A_236, %swap3A_237] : memref<1x1x1024x2048xf32, #tpu.memory_space<vmem>>, vector<1x1x8x2048xf32>
    %swap3A_239 = vector.shape_cast %swap3A_238 : vector<1x1x8x2048xf32> to vector<8x2048xf32>
    %swap3A_240 = vector.shape_cast %slice3A_233 : vector<8x2048xf32> to vector<1x1x8x2048xf32>
    tpu.vector_store %arg3[%swap3A_234, %swap3A_235, %swap3A_236, %swap3A_237], %swap3A_240 {strides = array<i32>} : memref<1x1x1024x2048xf32, #tpu.memory_space<vmem>>, vector<1x1x8x2048xf32>,
    %roll3A_241 = arith.constant 2976 : i32
    %roll3A_242 = tpu.dynamic_rotate %select_n3A_44 by %roll3A_241 dim 1 : vector<8x3072xf32>, i32 -> vector<8x3072xf32>
    %slice3A_243 = vector.extract_strided_slice %roll3A_242 {offsets = [0, 896], sizes = [8, 2048], strides = [1, 1]} : vector<8x3072xf32> to vector<8x2048xf32>
    %swap3A_244 = arith.constant 0 : index
    %swap3A_245 = arith.constant 0 : index
    %swap3A_246 = arith.constant 24 : index
    %swap3A_247 = arith.constant 0 : index
    %swap3A_248 = vector.load %arg3[%swap3A_244, %swap3A_245, %swap3A_246, %swap3A_247] : memref<1x1x1024x2048xf32, #tpu.memory_space<vmem>>, vector<1x1x8x2048xf32>
    %swap3A_249 = vector.shape_cast %swap3A_248 : vector<1x1x8x2048xf32> to vector<8x2048xf32>
    %swap3A_250 = vector.shape_cast %slice3A_243 : vector<8x2048xf32> to vector<1x1x8x2048xf32>
    tpu.vector_store %arg3[%swap3A_244, %swap3A_245, %swap3A_246, %swap3A_247], %swap3A_250 {strides = array<i32>} : memref<1x1x1024x2048xf32, #tpu.memory_space<vmem>>, vector<1x1x8x2048xf32>,
    %slice3A_251 = vector.extract_strided_slice %roll3A_242 {offsets = [0, 768], sizes = [8, 2048], strides = [1, 1]} : vector<8x3072xf32> to vector<8x2048xf32>
    %swap3A_252 = arith.constant 0 : index
    %swap3A_253 = arith.constant 0 : index
    %swap3A_254 = arith.constant 152 : index
    %swap3A_255 = arith.constant 0 : index
    %swap3A_256 = vector.load %arg3[%swap3A_252, %swap3A_253, %swap3A_254, %swap3A_255] : memref<1x1x1024x2048xf32, #tpu.memory_space<vmem>>, vector<1x1x8x2048xf32>
    %swap3A_257 = vector.shape_cast %swap3A_256 : vector<1x1x8x2048xf32> to vector<8x2048xf32>
    %swap3A_258 = vector.shape_cast %slice3A_251 : vector<8x2048xf32> to vector<1x1x8x2048xf32>
    tpu.vector_store %arg3[%swap3A_252, %swap3A_253, %swap3A_254, %swap3A_255], %swap3A_258 {strides = array<i32>} : memref<1x1x1024x2048xf32, #tpu.memory_space<vmem>>, vector<1x1x8x2048xf32>,
    %slice3A_259 = vector.extract_strided_slice %roll3A_242 {offsets = [0, 640], sizes = [8, 2048], strides = [1, 1]} : vector<8x3072xf32> to vector<8x2048xf32>
    %swap3A_260 = arith.constant 0 : index
    %swap3A_261 = arith.constant 0 : index
    %swap3A_262 = arith.constant 280 : index
    %swap3A_263 = arith.constant 0 : index
    %swap3A_264 = vector.load %arg3[%swap3A_260, %swap3A_261, %swap3A_262, %swap3A_263] : memref<1x1x1024x2048xf32, #tpu.memory_space<vmem>>, vector<1x1x8x2048xf32>
    %swap3A_265 = vector.shape_cast %swap3A_264 : vector<1x1x8x2048xf32> to vector<8x2048xf32>
    %swap3A_266 = vector.shape_cast %slice3A_259 : vector<8x2048xf32> to vector<1x1x8x2048xf32>
    tpu.vector_store %arg3[%swap3A_260, %swap3A_261, %swap3A_262, %swap3A_263], %swap3A_266 {strides = array<i32>} : memref<1x1x1024x2048xf32, #tpu.memory_space<vmem>>, vector<1x1x8x2048xf32>,
    %slice3A_267 = vector.extract_strided_slice %roll3A_242 {offsets = [0, 512], sizes = [8, 2048], strides = [1, 1]} : vector<8x3072xf32> to vector<8x2048xf32>
    %swap3A_268 = arith.constant 0 : index
    %swap3A_269 = arith.constant 0 : index
    %swap3A_270 = arith.constant 408 : index
    %swap3A_271 = arith.constant 0 : index
    %swap3A_272 = vector.load %arg3[%swap3A_268, %swap3A_269, %swap3A_270, %swap3A_271] : memref<1x1x1024x2048xf32, #tpu.memory_space<vmem>>, vector<1x1x8x2048xf32>
    %swap3A_273 = vector.shape_cast %swap3A_272 : vector<1x1x8x2048xf32> to vector<8x2048xf32>
    %swap3A_274 = vector.shape_cast %slice3A_267 : vector<8x2048xf32> to vector<1x1x8x2048xf32>
    tpu.vector_store %arg3[%swap3A_268, %swap3A_269, %swap3A_270, %swap3A_271], %swap3A_274 {strides = array<i32>} : memref<1x1x1024x2048xf32, #tpu.memory_space<vmem>>, vector<1x1x8x2048xf32>,
    %slice3A_275 = vector.extract_strided_slice %roll3A_242 {offsets = [0, 384], sizes = [8, 2048], strides = [1, 1]} : vector<8x3072xf32> to vector<8x2048xf32>
    %swap3A_276 = arith.constant 0 : index
    %swap3A_277 = arith.constant 0 : index
    %swap3A_278 = arith.constant 536 : index
    %swap3A_279 = arith.constant 0 : index
    %swap3A_280 = vector.load %arg3[%swap3A_276, %swap3A_277, %swap3A_278, %swap3A_279] : memref<1x1x1024x2048xf32, #tpu.memory_space<vmem>>, vector<1x1x8x2048xf32>
    %swap3A_281 = vector.shape_cast %swap3A_280 : vector<1x1x8x2048xf32> to vector<8x2048xf32>
    %swap3A_282 = vector.shape_cast %slice3A_275 : vector<8x2048xf32> to vector<1x1x8x2048xf32>
    tpu.vector_store %arg3[%swap3A_276, %swap3A_277, %swap3A_278, %swap3A_279], %swap3A_282 {strides = array<i32>} : memref<1x1x1024x2048xf32, #tpu.memory_space<vmem>>, vector<1x1x8x2048xf32>,
    %slice3A_283 = vector.extract_strided_slice %roll3A_242 {offsets = [0, 256], sizes = [8, 2048], strides = [1, 1]} : vector<8x3072xf32> to vector<8x2048xf32>
    %swap3A_284 = arith.constant 0 : index
    %swap3A_285 = arith.constant 0 : index
    %swap3A_286 = arith.constant 664 : index
    %swap3A_287 = arith.constant 0 : index
    %swap3A_288 = vector.load %arg3[%swap3A_284, %swap3A_285, %swap3A_286, %swap3A_287] : memref<1x1x1024x2048xf32, #tpu.memory_space<vmem>>, vector<1x1x8x2048xf32>
    %swap3A_289 = vector.shape_cast %swap3A_288 : vector<1x1x8x2048xf32> to vector<8x2048xf32>
    %swap3A_290 = vector.shape_cast %slice3A_283 : vector<8x2048xf32> to vector<1x1x8x2048xf32>
    tpu.vector_store %arg3[%swap3A_284, %swap3A_285, %swap3A_286, %swap3A_287], %swap3A_290 {strides = array<i32>} : memref<1x1x1024x2048xf32, #tpu.memory_space<vmem>>, vector<1x1x8x2048xf32>,
    %slice3A_291 = vector.extract_strided_slice %roll3A_242 {offsets = [0, 128], sizes = [8, 2048], strides = [1, 1]} : vector<8x3072xf32> to vector<8x2048xf32>
    %swap3A_292 = arith.constant 0 : index
    %swap3A_293 = arith.constant 0 : index
    %swap3A_294 = arith.constant 792 : index
    %swap3A_295 = arith.constant 0 : index
    %swap3A_296 = vector.load %arg3[%swap3A_292, %swap3A_293, %swap3A_294, %swap3A_295] : memref<1x1x1024x2048xf32, #tpu.memory_space<vmem>>, vector<1x1x8x2048xf32>
    %swap3A_297 = vector.shape_cast %swap3A_296 : vector<1x1x8x2048xf32> to vector<8x2048xf32>
    %swap3A_298 = vector.shape_cast %slice3A_291 : vector<8x2048xf32> to vector<1x1x8x2048xf32>
    tpu.vector_store %arg3[%swap3A_292, %swap3A_293, %swap3A_294, %swap3A_295], %swap3A_298 {strides = array<i32>} : memref<1x1x1024x2048xf32, #tpu.memory_space<vmem>>, vector<1x1x8x2048xf32>,
    %slice3A_299 = vector.extract_strided_slice %roll3A_242 {offsets = [0, 0], sizes = [8, 2048], strides = [1, 1]} : vector<8x3072xf32> to vector<8x2048xf32>
    %swap3A_300 = arith.constant 0 : index
    %swap3A_301 = arith.constant 0 : index
    %swap3A_302 = arith.constant 920 : index
    %swap3A_303 = arith.constant 0 : index
    %swap3A_304 = vector.load %arg3[%swap3A_300, %swap3A_301, %swap3A_302, %swap3A_303] : memref<1x1x1024x2048xf32, #tpu.memory_space<vmem>>, vector<1x1x8x2048xf32>
    %swap3A_305 = vector.shape_cast %swap3A_304 : vector<1x1x8x2048xf32> to vector<8x2048xf32>
    %swap3A_306 = vector.shape_cast %slice3A_299 : vector<8x2048xf32> to vector<1x1x8x2048xf32>
    tpu.vector_store %arg3[%swap3A_300, %swap3A_301, %swap3A_302, %swap3A_303], %swap3A_306 {strides = array<i32>} : memref<1x1x1024x2048xf32, #tpu.memory_space<vmem>>, vector<1x1x8x2048xf32>,
    %roll3A_307 = arith.constant 2984 : i32
    %roll3A_308 = tpu.dynamic_rotate %select_n3A_44 by %roll3A_307 dim 1 : vector<8x3072xf32>, i32 -> vector<8x3072xf32>
    %slice3A_309 = vector.extract_strided_slice %roll3A_308 {offsets = [0, 896], sizes = [8, 2048], strides = [1, 1]} : vector<8x3072xf32> to vector<8x2048xf32>
    %swap3A_310 = arith.constant 0 : index
    %swap3A_311 = arith.constant 0 : index
    %swap3A_312 = arith.constant 32 : index
    %swap3A_313 = arith.constant 0 : index
    %swap3A_314 = vector.load %arg3[%swap3A_310, %swap3A_311, %swap3A_312, %swap3A_313] : memref<1x1x1024x2048xf32, #tpu.memory_space<vmem>>, vector<1x1x8x2048xf32>
    %swap3A_315 = vector.shape_cast %swap3A_314 : vector<1x1x8x2048xf32> to vector<8x2048xf32>
    %swap3A_316 = vector.shape_cast %slice3A_309 : vector<8x2048xf32> to vector<1x1x8x2048xf32>
    tpu.vector_store %arg3[%swap3A_310, %swap3A_311, %swap3A_312, %swap3A_313], %swap3A_316 {strides = array<i32>} : memref<1x1x1024x2048xf32, #tpu.memory_space<vmem>>, vector<1x1x8x2048xf32>,
    %slice3A_317 = vector.extract_strided_slice %roll3A_308 {offsets = [0, 768], sizes = [8, 2048], strides = [1, 1]} : vector<8x3072xf32> to vector<8x2048xf32>
    %swap3A_318 = arith.constant 0 : index
    %swap3A_319 = arith.constant 0 : index
    %swap3A_320 = arith.constant 160 : index
    %swap3A_321 = arith.constant 0 : index
    %swap3A_322 = vector.load %arg3[%swap3A_318, %swap3A_319, %swap3A_320, %swap3A_321] : memref<1x1x1024x2048xf32, #tpu.memory_space<vmem>>, vector<1x1x8x2048xf32>
    %swap3A_323 = vector.shape_cast %swap3A_322 : vector<1x1x8x2048xf32> to vector<8x2048xf32>
    %swap3A_324 = vector.shape_cast %slice3A_317 : vector<8x2048xf32> to vector<1x1x8x2048xf32>
    tpu.vector_store %arg3[%swap3A_318, %swap3A_319, %swap3A_320, %swap3A_321], %swap3A_324 {strides = array<i32>} : memref<1x1x1024x2048xf32, #tpu.memory_space<vmem>>, vector<1x1x8x2048xf32>,
    %slice3A_325 = vector.extract_strided_slice %roll3A_308 {offsets = [0, 640], sizes = [8, 2048], strides = [1, 1]} : vector<8x3072xf32> to vector<8x2048xf32>
    %swap3A_326 = arith.constant 0 : index
    %swap3A_327 = arith.constant 0 : index
    %swap3A_328 = arith.constant 288 : index
    %swap3A_329 = arith.constant 0 : index
    %swap3A_330 = vector.load %arg3[%swap3A_326, %swap3A_327, %swap3A_328, %swap3A_329] : memref<1x1x1024x2048xf32, #tpu.memory_space<vmem>>, vector<1x1x8x2048xf32>
    %swap3A_331 = vector.shape_cast %swap3A_330 : vector<1x1x8x2048xf32> to vector<8x2048xf32>
    %swap3A_332 = vector.shape_cast %slice3A_325 : vector<8x2048xf32> to vector<1x1x8x2048xf32>
    tpu.vector_store %arg3[%swap3A_326, %swap3A_327, %swap3A_328, %swap3A_329], %swap3A_332 {strides = array<i32>} : memref<1x1x1024x2048xf32, #tpu.memory_space<vmem>>, vector<1x1x8x2048xf32>,
    %slice3A_333 = vector.extract_strided_slice %roll3A_308 {offsets = [0, 512], sizes = [8, 2048], strides = [1, 1]} : vector<8x3072xf32> to vector<8x2048xf32>
    %swap3A_334 = arith.constant 0 : index
    %swap3A_335 = arith.constant 0 : index
    %swap3A_336 = arith.constant 416 : index
    %swap3A_337 = arith.constant 0 : index
    %swap3A_338 = vector.load %arg3[%swap3A_334, %swap3A_335, %swap3A_336, %swap3A_337] : memref<1x1x1024x2048xf32, #tpu.memory_space<vmem>>, vector<1x1x8x2048xf32>
    %swap3A_339 = vector.shape_cast %swap3A_338 : vector<1x1x8x2048xf32> to vector<8x2048xf32>
    %swap3A_340 = vector.shape_cast %slice3A_333 : vector<8x2048xf32> to vector<1x1x8x2048xf32>
    tpu.vector_store %arg3[%swap3A_334, %swap3A_335, %swap3A_336, %swap3A_337], %swap3A_340 {strides = array<i32>} : memref<1x1x1024x2048xf32, #tpu.memory_space<vmem>>, vector<1x1x8x2048xf32>,
    %slice3A_341 = vector.extract_strided_slice %roll3A_308 {offsets = [0, 384], sizes = [8, 2048], strides = [1, 1]} : vector<8x3072xf32> to vector<8x2048xf32>
    %swap3A_342 = arith.constant 0 : index
    %swap3A_343 = arith.constant 0 : index
    %swap3A_344 = arith.constant 544 : index
    %swap3A_345 = arith.constant 0 : index
    %swap3A_346 = vector.load %arg3[%swap3A_342, %swap3A_343, %swap3A_344, %swap3A_345] : memref<1x1x1024x2048xf32, #tpu.memory_space<vmem>>, vector<1x1x8x2048xf32>
    %swap3A_347 = vector.shape_cast %swap3A_346 : vector<1x1x8x2048xf32> to vector<8x2048xf32>
    %swap3A_348 = vector.shape_cast %slice3A_341 : vector<8x2048xf32> to vector<1x1x8x2048xf32>
    tpu.vector_store %arg3[%swap3A_342, %swap3A_343, %swap3A_344, %swap3A_345], %swap3A_348 {strides = array<i32>} : memref<1x1x1024x2048xf32, #tpu.memory_space<vmem>>, vector<1x1x8x2048xf32>,
    %slice3A_349 = vector.extract_strided_slice %roll3A_308 {offsets = [0, 256], sizes = [8, 2048], strides = [1, 1]} : vector<8x3072xf32> to vector<8x2048xf32>
    %swap3A_350 = arith.constant 0 : index
    %swap3A_351 = arith.constant 0 : index
    %swap3A_352 = arith.constant 672 : index
    %swap3A_353 = arith.constant 0 : index
    %swap3A_354 = vector.load %arg3[%swap3A_350, %swap3A_351, %swap3A_352, %swap3A_353] : memref<1x1x1024x2048xf32, #tpu.memory_space<vmem>>, vector<1x1x8x2048xf32>
    %swap3A_355 = vector.shape_cast %swap3A_354 : vector<1x1x8x2048xf32> to vector<8x2048xf32>
    %swap3A_356 = vector.shape_cast %slice3A_349 : vector<8x2048xf32> to vector<1x1x8x2048xf32>
    tpu.vector_store %arg3[%swap3A_350, %swap3A_351, %swap3A_352, %swap3A_353], %swap3A_356 {strides = array<i32>} : memref<1x1x1024x2048xf32, #tpu.memory_space<vmem>>, vector<1x1x8x2048xf32>,
    %slice3A_357 = vector.extract_strided_slice %roll3A_308 {offsets = [0, 128], sizes = [8, 2048], strides = [1, 1]} : vector<8x3072xf32> to vector<8x2048xf32>
    %swap3A_358 = arith.constant 0 : index
    %swap3A_359 = arith.constant 0 : index
    %swap3A_360 = arith.constant 800 : index
    %swap3A_361 = arith.constant 0 : index
    %swap3A_362 = vector.load %arg3[%swap3A_358, %swap3A_359, %swap3A_360, %swap3A_361] : memref<1x1x1024x2048xf32, #tpu.memory_space<vmem>>, vector<1x1x8x2048xf32>
    %swap3A_363 = vector.shape_cast %swap3A_362 : vector<1x1x8x2048xf32> to vector<8x2048xf32>
    %swap3A_364 = vector.shape_cast %slice3A_357 : vector<8x2048xf32> to vector<1x1x8x2048xf32>
    tpu.vector_store %arg3[%swap3A_358, %swap3A_359, %swap3A_360, %swap3A_361], %swap3A_364 {strides = array<i32>} : memref<1x1x1024x2048xf32, #tpu.memory_space<vmem>>, vector<1x1x8x2048xf32>,
    %slice3A_365 = vector.extract_strided_slice %roll3A_308 {offsets = [0, 0], sizes = [8, 2048], strides = [1, 1]} : vector<8x3072xf32> to vector<8x2048xf32>
    %swap3A_366 = arith.constant 0 : index
    %swap3A_367 = arith.constant 0 : index
    %swap3A_368 = arith.constant 928 : index
    %swap3A_369 = arith.constant 0 : index
    %swap3A_370 = vector.load %arg3[%swap3A_366, %swap3A_367, %swap3A_368, %swap3A_369] : memref<1x1x1024x2048xf32, #tpu.memory_space<vmem>>, vector<1x1x8x2048xf32>
    %swap3A_371 = vector.shape_cast %swap3A_370 : vector<1x1x8x2048xf32> to vector<8x2048xf32>
    %swap3A_372 = vector.shape_cast %slice3A_365 : vector<8x2048xf32> to vector<1x1x8x2048xf32>
    tpu.vector_store %arg3[%swap3A_366, %swap3A_367, %swap3A_368, %swap3A_369], %swap3A_372 {strides = array<i32>} : memref<1x1x1024x2048xf32, #tpu.memory_space<vmem>>, vector<1x1x8x2048xf32>,
    %roll3A_373 = arith.constant 2992 : i32
    %roll3A_374 = tpu.dynamic_rotate %select_n3A_44 by %roll3A_373 dim 1 : vector<8x3072xf32>, i32 -> vector<8x3072xf32>
    %slice3A_375 = vector.extract_strided_slice %roll3A_374 {offsets = [0, 896], sizes = [8, 2048], strides = [1, 1]} : vector<8x3072xf32> to vector<8x2048xf32>
    %swap3A_376 = arith.constant 0 : index
    %swap3A_377 = arith.constant 0 : index
    %swap3A_378 = arith.constant 40 : index
    %swap3A_379 = arith.constant 0 : index
    %swap3A_380 = vector.load %arg3[%swap3A_376, %swap3A_377, %swap3A_378, %swap3A_379] : memref<1x1x1024x2048xf32, #tpu.memory_space<vmem>>, vector<1x1x8x2048xf32>
    %swap3A_381 = vector.shape_cast %swap3A_380 : vector<1x1x8x2048xf32> to vector<8x2048xf32>
    %swap3A_382 = vector.shape_cast %slice3A_375 : vector<8x2048xf32> to vector<1x1x8x2048xf32>
    tpu.vector_store %arg3[%swap3A_376, %swap3A_377, %swap3A_378, %swap3A_379], %swap3A_382 {strides = array<i32>} : memref<1x1x1024x2048xf32, #tpu.memory_space<vmem>>, vector<1x1x8x2048xf32>,
    %slice3A_383 = vector.extract_strided_slice %roll3A_374 {offsets = [0, 768], sizes = [8, 2048], strides = [1, 1]} : vector<8x3072xf32> to vector<8x2048xf32>
    %swap3A_384 = arith.constant 0 : index
    %swap3A_385 = arith.constant 0 : index
    %swap3A_386 = arith.constant 168 : index
    %swap3A_387 = arith.constant 0 : index
    %swap3A_388 = vector.load %arg3[%swap3A_384, %swap3A_385, %swap3A_386, %swap3A_387] : memref<1x1x1024x2048xf32, #tpu.memory_space<vmem>>, vector<1x1x8x2048xf32>
    %swap3A_389 = vector.shape_cast %swap3A_388 : vector<1x1x8x2048xf32> to vector<8x2048xf32>
    %swap3A_390 = vector.shape_cast %slice3A_383 : vector<8x2048xf32> to vector<1x1x8x2048xf32>
    tpu.vector_store %arg3[%swap3A_384, %swap3A_385, %swap3A_386, %swap3A_387], %swap3A_390 {strides = array<i32>} : memref<1x1x1024x2048xf32, #tpu.memory_space<vmem>>, vector<1x1x8x2048xf32>,
    %slice3A_391 = vector.extract_strided_slice %roll3A_374 {offsets = [0, 640], sizes = [8, 2048], strides = [1, 1]} : vector<8x3072xf32> to vector<8x2048xf32>
    %swap3A_392 = arith.constant 0 : index
    %swap3A_393 = arith.constant 0 : index
    %swap3A_394 = arith.constant 296 : index
    %swap3A_395 = arith.constant 0 : index
    %swap3A_396 = vector.load %arg3[%swap3A_392, %swap3A_393, %swap3A_394, %swap3A_395] : memref<1x1x1024x2048xf32, #tpu.memory_space<vmem>>, vector<1x1x8x2048xf32>
    %swap3A_397 = vector.shape_cast %swap3A_396 : vector<1x1x8x2048xf32> to vector<8x2048xf32>
    %swap3A_398 = vector.shape_cast %slice3A_391 : vector<8x2048xf32> to vector<1x1x8x2048xf32>
    tpu.vector_store %arg3[%swap3A_392, %swap3A_393, %swap3A_394, %swap3A_395], %swap3A_398 {strides = array<i32>} : memref<1x1x1024x2048xf32, #tpu.memory_space<vmem>>, vector<1x1x8x2048xf32>,
    %slice3A_399 = vector.extract_strided_slice %roll3A_374 {offsets = [0, 512], sizes = [8, 2048], strides = [1, 1]} : vector<8x3072xf32> to vector<8x2048xf32>
    %swap3A_400 = arith.constant 0 : index
    %swap3A_401 = arith.constant 0 : index
    %swap3A_402 = arith.constant 424 : index
    %swap3A_403 = arith.constant 0 : index
    %swap3A_404 = vector.load %arg3[%swap3A_400, %swap3A_401, %swap3A_402, %swap3A_403] : memref<1x1x1024x2048xf32, #tpu.memory_space<vmem>>, vector<1x1x8x2048xf32>
    %swap3A_405 = vector.shape_cast %swap3A_404 : vector<1x1x8x2048xf32> to vector<8x2048xf32>
    %swap3A_406 = vector.shape_cast %slice3A_399 : vector<8x2048xf32> to vector<1x1x8x2048xf32>
    tpu.vector_store %arg3[%swap3A_400, %swap3A_401, %swap3A_402, %swap3A_403], %swap3A_406 {strides = array<i32>} : memref<1x1x1024x2048xf32, #tpu.memory_space<vmem>>, vector<1x1x8x2048xf32>,
    %slice3A_407 = vector.extract_strided_slice %roll3A_374 {offsets = [0, 384], sizes = [8, 2048], strides = [1, 1]} : vector<8x3072xf32> to vector<8x2048xf32>
    %swap3A_408 = arith.constant 0 : index
    %swap3A_409 = arith.constant 0 : index
    %swap3A_410 = arith.constant 552 : index
    %swap3A_411 = arith.constant 0 : index
    %swap3A_412 = vector.load %arg3[%swap3A_408, %swap3A_409, %swap3A_410, %swap3A_411] : memref<1x1x1024x2048xf32, #tpu.memory_space<vmem>>, vector<1x1x8x2048xf32>
    %swap3A_413 = vector.shape_cast %swap3A_412 : vector<1x1x8x2048xf32> to vector<8x2048xf32>
    %swap3A_414 = vector.shape_cast %slice3A_407 : vector<8x2048xf32> to vector<1x1x8x2048xf32>
    tpu.vector_store %arg3[%swap3A_408, %swap3A_409, %swap3A_410, %swap3A_411], %swap3A_414 {strides = array<i32>} : memref<1x1x1024x2048xf32, #tpu.memory_space<vmem>>, vector<1x1x8x2048xf32>,
    %slice3A_415 = vector.extract_strided_slice %roll3A_374 {offsets = [0, 256], sizes = [8, 2048], strides = [1, 1]} : vector<8x3072xf32> to vector<8x2048xf32>
    %swap3A_416 = arith.constant 0 : index
    %swap3A_417 = arith.constant 0 : index
    %swap3A_418 = arith.constant 680 : index
    %swap3A_419 = arith.constant 0 : index
    %swap3A_420 = vector.load %arg3[%swap3A_416, %swap3A_417, %swap3A_418, %swap3A_419] : memref<1x1x1024x2048xf32, #tpu.memory_space<vmem>>, vector<1x1x8x2048xf32>
    %swap3A_421 = vector.shape_cast %swap3A_420 : vector<1x1x8x2048xf32> to vector<8x2048xf32>
    %swap3A_422 = vector.shape_cast %slice3A_415 : vector<8x2048xf32> to vector<1x1x8x2048xf32>
    tpu.vector_store %arg3[%swap3A_416, %swap3A_417, %swap3A_418, %swap3A_419], %swap3A_422 {strides = array<i32>} : memref<1x1x1024x2048xf32, #tpu.memory_space<vmem>>, vector<1x1x8x2048xf32>,
    %slice3A_423 = vector.extract_strided_slice %roll3A_374 {offsets = [0, 128], sizes = [8, 2048], strides = [1, 1]} : vector<8x3072xf32> to vector<8x2048xf32>
    %swap3A_424 = arith.constant 0 : index
    %swap3A_425 = arith.constant 0 : index
    %swap3A_426 = arith.constant 808 : index
    %swap3A_427 = arith.constant 0 : index
    %swap3A_428 = vector.load %arg3[%swap3A_424, %swap3A_425, %swap3A_426, %swap3A_427] : memref<1x1x1024x2048xf32, #tpu.memory_space<vmem>>, vector<1x1x8x2048xf32>
    %swap3A_429 = vector.shape_cast %swap3A_428 : vector<1x1x8x2048xf32> to vector<8x2048xf32>
    %swap3A_430 = vector.shape_cast %slice3A_423 : vector<8x2048xf32> to vector<1x1x8x2048xf32>
    tpu.vector_store %arg3[%swap3A_424, %swap3A_425, %swap3A_426, %swap3A_427], %swap3A_430 {strides = array<i32>} : memref<1x1x1024x2048xf32, #tpu.memory_space<vmem>>, vector<1x1x8x2048xf32>,
    %slice3A_431 = vector.extract_strided_slice %roll3A_374 {offsets = [0, 0], sizes = [8, 2048], strides = [1, 1]} : vector<8x3072xf32> to vector<8x2048xf32>
    %swap3A_432 = arith.constant 0 : index
    %swap3A_433 = arith.constant 0 : index
    %swap3A_434 = arith.constant 936 : index
    %swap3A_435 = arith.constant 0 : index
    %swap3A_436 = vector.load %arg3[%swap3A_432, %swap3A_433, %swap3A_434, %swap3A_435] : memref<1x1x1024x2048xf32, #tpu.memory_space<vmem>>, vector<1x1x8x2048xf32>
    %swap3A_437 = vector.shape_cast %swap3A_436 : vector<1x1x8x2048xf32> to vector<8x2048xf32>
    %swap3A_438 = vector.shape_cast %slice3A_431 : vector<8x2048xf32> to vector<1x1x8x2048xf32>
    tpu.vector_store %arg3[%swap3A_432, %swap3A_433, %swap3A_434, %swap3A_435], %swap3A_438 {strides = array<i32>} : memref<1x1x1024x2048xf32, #tpu.memory_space<vmem>>, vector<1x1x8x2048xf32>,
    %roll3A_439 = arith.constant 3000 : i32
    %roll3A_440 = tpu.dynamic_rotate %select_n3A_44 by %roll3A_439 dim 1 : vector<8x3072xf32>, i32 -> vector<8x3072xf32>
    %slice3A_441 = vector.extract_strided_slice %roll3A_440 {offsets = [0, 896], sizes = [8, 2048], strides = [1, 1]} : vector<8x3072xf32> to vector<8x2048xf32>
    %swap3A_442 = arith.constant 0 : index
    %swap3A_443 = arith.constant 0 : index
    %swap3A_444 = arith.constant 48 : index
    %swap3A_445 = arith.constant 0 : index
    %swap3A_446 = vector.load %arg3[%swap3A_442, %swap3A_443, %swap3A_444, %swap3A_445] : memref<1x1x1024x2048xf32, #tpu.memory_space<vmem>>, vector<1x1x8x2048xf32>
    %swap3A_447 = vector.shape_cast %swap3A_446 : vector<1x1x8x2048xf32> to vector<8x2048xf32>
    %swap3A_448 = vector.shape_cast %slice3A_441 : vector<8x2048xf32> to vector<1x1x8x2048xf32>
    tpu.vector_store %arg3[%swap3A_442, %swap3A_443, %swap3A_444, %swap3A_445], %swap3A_448 {strides = array<i32>} : memref<1x1x1024x2048xf32, #tpu.memory_space<vmem>>, vector<1x1x8x2048xf32>,
    %slice3A_449 = vector.extract_strided_slice %roll3A_440 {offsets = [0, 768], sizes = [8, 2048], strides = [1, 1]} : vector<8x3072xf32> to vector<8x2048xf32>
    %swap3A_450 = arith.constant 0 : index
    %swap3A_451 = arith.constant 0 : index
    %swap3A_452 = arith.constant 176 : index
    %swap3A_453 = arith.constant 0 : index
    %swap3A_454 = vector.load %arg3[%swap3A_450, %swap3A_451, %swap3A_452, %swap3A_453] : memref<1x1x1024x2048xf32, #tpu.memory_space<vmem>>, vector<1x1x8x2048xf32>
    %swap3A_455 = vector.shape_cast %swap3A_454 : vector<1x1x8x2048xf32> to vector<8x2048xf32>
    %swap3A_456 = vector.shape_cast %slice3A_449 : vector<8x2048xf32> to vector<1x1x8x2048xf32>
    tpu.vector_store %arg3[%swap3A_450, %swap3A_451, %swap3A_452, %swap3A_453], %swap3A_456 {strides = array<i32>} : memref<1x1x1024x2048xf32, #tpu.memory_space<vmem>>, vector<1x1x8x2048xf32>,
    %slice3A_457 = vector.extract_strided_slice %roll3A_440 {offsets = [0, 640], sizes = [8, 2048], strides = [1, 1]} : vector<8x3072xf32> to vector<8x2048xf32>
    %swap3A_458 = arith.constant 0 : index
    %swap3A_459 = arith.constant 0 : index
    %swap3A_460 = arith.constant 304 : index
    %swap3A_461 = arith.constant 0 : index
    %swap3A_462 = vector.load %arg3[%swap3A_458, %swap3A_459, %swap3A_460, %swap3A_461] : memref<1x1x1024x2048xf32, #tpu.memory_space<vmem>>, vector<1x1x8x2048xf32>
    %swap3A_463 = vector.shape_cast %swap3A_462 : vector<1x1x8x2048xf32> to vector<8x2048xf32>
    %swap3A_464 = vector.shape_cast %slice3A_457 : vector<8x2048xf32> to vector<1x1x8x2048xf32>
    tpu.vector_store %arg3[%swap3A_458, %swap3A_459, %swap3A_460, %swap3A_461], %swap3A_464 {strides = array<i32>} : memref<1x1x1024x2048xf32, #tpu.memory_space<vmem>>, vector<1x1x8x2048xf32>,
    %slice3A_465 = vector.extract_strided_slice %roll3A_440 {offsets = [0, 512], sizes = [8, 2048], strides = [1, 1]} : vector<8x3072xf32> to vector<8x2048xf32>
    %swap3A_466 = arith.constant 0 : index
    %swap3A_467 = arith.constant 0 : index
    %swap3A_468 = arith.constant 432 : index
    %swap3A_469 = arith.constant 0 : index
    %swap3A_470 = vector.load %arg3[%swap3A_466, %swap3A_467, %swap3A_468, %swap3A_469] : memref<1x1x1024x2048xf32, #tpu.memory_space<vmem>>, vector<1x1x8x2048xf32>
    %swap3A_471 = vector.shape_cast %swap3A_470 : vector<1x1x8x2048xf32> to vector<8x2048xf32>
    %swap3A_472 = vector.shape_cast %slice3A_465 : vector<8x2048xf32> to vector<1x1x8x2048xf32>
    tpu.vector_store %arg3[%swap3A_466, %swap3A_467, %swap3A_468, %swap3A_469], %swap3A_472 {strides = array<i32>} : memref<1x1x1024x2048xf32, #tpu.memory_space<vmem>>, vector<1x1x8x2048xf32>,
    %slice3A_473 = vector.extract_strided_slice %roll3A_440 {offsets = [0, 384], sizes = [8, 2048], strides = [1, 1]} : vector<8x3072xf32> to vector<8x2048xf32>
    %swap3A_474 = arith.constant 0 : index
    %swap3A_475 = arith.constant 0 : index
    %swap3A_476 = arith.constant 560 : index
    %swap3A_477 = arith.constant 0 : index
    %swap3A_478 = vector.load %arg3[%swap3A_474, %swap3A_475, %swap3A_476, %swap3A_477] : memref<1x1x1024x2048xf32, #tpu.memory_space<vmem>>, vector<1x1x8x2048xf32>
    %swap3A_479 = vector.shape_cast %swap3A_478 : vector<1x1x8x2048xf32> to vector<8x2048xf32>
    %swap3A_480 = vector.shape_cast %slice3A_473 : vector<8x2048xf32> to vector<1x1x8x2048xf32>
    tpu.vector_store %arg3[%swap3A_474, %swap3A_475, %swap3A_476, %swap3A_477], %swap3A_480 {strides = array<i32>} : memref<1x1x1024x2048xf32, #tpu.memory_space<vmem>>, vector<1x1x8x2048xf32>,
    %slice3A_481 = vector.extract_strided_slice %roll3A_440 {offsets = [0, 256], sizes = [8, 2048], strides = [1, 1]} : vector<8x3072xf32> to vector<8x2048xf32>
    %swap3A_482 = arith.constant 0 : index
    %swap3A_483 = arith.constant 0 : index
    %swap3A_484 = arith.constant 688 : index
    %swap3A_485 = arith.constant 0 : index
    %swap3A_486 = vector.load %arg3[%swap3A_482, %swap3A_483, %swap3A_484, %swap3A_485] : memref<1x1x1024x2048xf32, #tpu.memory_space<vmem>>, vector<1x1x8x2048xf32>
    %swap3A_487 = vector.shape_cast %swap3A_486 : vector<1x1x8x2048xf32> to vector<8x2048xf32>
    %swap3A_488 = vector.shape_cast %slice3A_481 : vector<8x2048xf32> to vector<1x1x8x2048xf32>
    tpu.vector_store %arg3[%swap3A_482, %swap3A_483, %swap3A_484, %swap3A_485], %swap3A_488 {strides = array<i32>} : memref<1x1x1024x2048xf32, #tpu.memory_space<vmem>>, vector<1x1x8x2048xf32>,
    %slice3A_489 = vector.extract_strided_slice %roll3A_440 {offsets = [0, 128], sizes = [8, 2048], strides = [1, 1]} : vector<8x3072xf32> to vector<8x2048xf32>
    %swap3A_490 = arith.constant 0 : index
    %swap3A_491 = arith.constant 0 : index
    %swap3A_492 = arith.constant 816 : index
    %swap3A_493 = arith.constant 0 : index
    %swap3A_494 = vector.load %arg3[%swap3A_490, %swap3A_491, %swap3A_492, %swap3A_493] : memref<1x1x1024x2048xf32, #tpu.memory_space<vmem>>, vector<1x1x8x2048xf32>
    %swap3A_495 = vector.shape_cast %swap3A_494 : vector<1x1x8x2048xf32> to vector<8x2048xf32>
    %swap3A_496 = vector.shape_cast %slice3A_489 : vector<8x2048xf32> to vector<1x1x8x2048xf32>
    tpu.vector_store %arg3[%swap3A_490, %swap3A_491, %swap3A_492, %swap3A_493], %swap3A_496 {strides = array<i32>} : memref<1x1x1024x2048xf32, #tpu.memory_space<vmem>>, vector<1x1x8x2048xf32>,
    %slice3A_497 = vector.extract_strided_slice %roll3A_440 {offsets = [0, 0], sizes = [8, 2048], strides = [1, 1]} : vector<8x3072xf32> to vector<8x2048xf32>
    %swap3A_498 = arith.constant 0 : index
    %swap3A_499 = arith.constant 0 : index
    %swap3A_500 = arith.constant 944 : index
    %swap3A_501 = arith.constant 0 : index
    %swap3A_502 = vector.load %arg3[%swap3A_498, %swap3A_499, %swap3A_500, %swap3A_501] : memref<1x1x1024x2048xf32, #tpu.memory_space<vmem>>, vector<1x1x8x2048xf32>
    %swap3A_503 = vector.shape_cast %swap3A_502 : vector<1x1x8x2048xf32> to vector<8x2048xf32>
    %swap3A_504 = vector.shape_cast %slice3A_497 : vector<8x2048xf32> to vector<1x1x8x2048xf32>
    tpu.vector_store %arg3[%swap3A_498, %swap3A_499, %swap3A_500, %swap3A_501], %swap3A_504 {strides = array<i32>} : memref<1x1x1024x2048xf32, #tpu.memory_space<vmem>>, vector<1x1x8x2048xf32>,
    %roll3A_505 = arith.constant 3008 : i32
    %roll3A_506 = tpu.dynamic_rotate %select_n3A_44 by %roll3A_505 dim 1 : vector<8x3072xf32>, i32 -> vector<8x3072xf32>
    %slice3A_507 = vector.extract_strided_slice %roll3A_506 {offsets = [0, 896], sizes = [8, 2048], strides = [1, 1]} : vector<8x3072xf32> to vector<8x2048xf32>
    %swap3A_508 = arith.constant 0 : index
    %swap3A_509 = arith.constant 0 : index
    %swap3A_510 = arith.constant 56 : index
    %swap3A_511 = arith.constant 0 : index
    %swap3A_512 = vector.load %arg3[%swap3A_508, %swap3A_509, %swap3A_510, %swap3A_511] : memref<1x1x1024x2048xf32, #tpu.memory_space<vmem>>, vector<1x1x8x2048xf32>
    %swap3A_513 = vector.shape_cast %swap3A_512 : vector<1x1x8x2048xf32> to vector<8x2048xf32>
    %swap3A_514 = vector.shape_cast %slice3A_507 : vector<8x2048xf32> to vector<1x1x8x2048xf32>
    tpu.vector_store %arg3[%swap3A_508, %swap3A_509, %swap3A_510, %swap3A_511], %swap3A_514 {strides = array<i32>} : memref<1x1x1024x2048xf32, #tpu.memory_space<vmem>>, vector<1x1x8x2048xf32>,
    %slice3A_515 = vector.extract_strided_slice %roll3A_506 {offsets = [0, 768], sizes = [8, 2048], strides = [1, 1]} : vector<8x3072xf32> to vector<8x2048xf32>
    %swap3A_516 = arith.constant 0 : index
    %swap3A_517 = arith.constant 0 : index
    %swap3A_518 = arith.constant 184 : index
    %swap3A_519 = arith.constant 0 : index
    %swap3A_520 = vector.load %arg3[%swap3A_516, %swap3A_517, %swap3A_518, %swap3A_519] : memref<1x1x1024x2048xf32, #tpu.memory_space<vmem>>, vector<1x1x8x2048xf32>
    %swap3A_521 = vector.shape_cast %swap3A_520 : vector<1x1x8x2048xf32> to vector<8x2048xf32>
    %swap3A_522 = vector.shape_cast %slice3A_515 : vector<8x2048xf32> to vector<1x1x8x2048xf32>
    tpu.vector_store %arg3[%swap3A_516, %swap3A_517, %swap3A_518, %swap3A_519], %swap3A_522 {strides = array<i32>} : memref<1x1x1024x2048xf32, #tpu.memory_space<vmem>>, vector<1x1x8x2048xf32>,
    %slice3A_523 = vector.extract_strided_slice %roll3A_506 {offsets = [0, 640], sizes = [8, 2048], strides = [1, 1]} : vector<8x3072xf32> to vector<8x2048xf32>
    %swap3A_524 = arith.constant 0 : index
    %swap3A_525 = arith.constant 0 : index
    %swap3A_526 = arith.constant 312 : index
    %swap3A_527 = arith.constant 0 : index
    %swap3A_528 = vector.load %arg3[%swap3A_524, %swap3A_525, %swap3A_526, %swap3A_527] : memref<1x1x1024x2048xf32, #tpu.memory_space<vmem>>, vector<1x1x8x2048xf32>
    %swap3A_529 = vector.shape_cast %swap3A_528 : vector<1x1x8x2048xf32> to vector<8x2048xf32>
    %swap3A_530 = vector.shape_cast %slice3A_523 : vector<8x2048xf32> to vector<1x1x8x2048xf32>
    tpu.vector_store %arg3[%swap3A_524, %swap3A_525, %swap3A_526, %swap3A_527], %swap3A_530 {strides = array<i32>} : memref<1x1x1024x2048xf32, #tpu.memory_space<vmem>>, vector<1x1x8x2048xf32>,
    %slice3A_531 = vector.extract_strided_slice %roll3A_506 {offsets = [0, 512], sizes = [8, 2048], strides = [1, 1]} : vector<8x3072xf32> to vector<8x2048xf32>
    %swap3A_532 = arith.constant 0 : index
    %swap3A_533 = arith.constant 0 : index
    %swap3A_534 = arith.constant 440 : index
    %swap3A_535 = arith.constant 0 : index
    %swap3A_536 = vector.load %arg3[%swap3A_532, %swap3A_533, %swap3A_534, %swap3A_535] : memref<1x1x1024x2048xf32, #tpu.memory_space<vmem>>, vector<1x1x8x2048xf32>
    %swap3A_537 = vector.shape_cast %swap3A_536 : vector<1x1x8x2048xf32> to vector<8x2048xf32>
    %swap3A_538 = vector.shape_cast %slice3A_531 : vector<8x2048xf32> to vector<1x1x8x2048xf32>
    tpu.vector_store %arg3[%swap3A_532, %swap3A_533, %swap3A_534, %swap3A_535], %swap3A_538 {strides = array<i32>} : memref<1x1x1024x2048xf32, #tpu.memory_space<vmem>>, vector<1x1x8x2048xf32>,
    %slice3A_539 = vector.extract_strided_slice %roll3A_506 {offsets = [0, 384], sizes = [8, 2048], strides = [1, 1]} : vector<8x3072xf32> to vector<8x2048xf32>
    %swap3A_540 = arith.constant 0 : index
    %swap3A_541 = arith.constant 0 : index
    %swap3A_542 = arith.constant 568 : index
    %swap3A_543 = arith.constant 0 : index
    %swap3A_544 = vector.load %arg3[%swap3A_540, %swap3A_541, %swap3A_542, %swap3A_543] : memref<1x1x1024x2048xf32, #tpu.memory_space<vmem>>, vector<1x1x8x2048xf32>
    %swap3A_545 = vector.shape_cast %swap3A_544 : vector<1x1x8x2048xf32> to vector<8x2048xf32>
    %swap3A_546 = vector.shape_cast %slice3A_539 : vector<8x2048xf32> to vector<1x1x8x2048xf32>
    tpu.vector_store %arg3[%swap3A_540, %swap3A_541, %swap3A_542, %swap3A_543], %swap3A_546 {strides = array<i32>} : memref<1x1x1024x2048xf32, #tpu.memory_space<vmem>>, vector<1x1x8x2048xf32>,
    %slice3A_547 = vector.extract_strided_slice %roll3A_506 {offsets = [0, 256], sizes = [8, 2048], strides = [1, 1]} : vector<8x3072xf32> to vector<8x2048xf32>
    %swap3A_548 = arith.constant 0 : index
    %swap3A_549 = arith.constant 0 : index
    %swap3A_550 = arith.constant 696 : index
    %swap3A_551 = arith.constant 0 : index
    %swap3A_552 = vector.load %arg3[%swap3A_548, %swap3A_549, %swap3A_550, %swap3A_551] : memref<1x1x1024x2048xf32, #tpu.memory_space<vmem>>, vector<1x1x8x2048xf32>
    %swap3A_553 = vector.shape_cast %swap3A_552 : vector<1x1x8x2048xf32> to vector<8x2048xf32>
    %swap3A_554 = vector.shape_cast %slice3A_547 : vector<8x2048xf32> to vector<1x1x8x2048xf32>
    tpu.vector_store %arg3[%swap3A_548, %swap3A_549, %swap3A_550, %swap3A_551], %swap3A_554 {strides = array<i32>} : memref<1x1x1024x2048xf32, #tpu.memory_space<vmem>>, vector<1x1x8x2048xf32>,
    %slice3A_555 = vector.extract_strided_slice %roll3A_506 {offsets = [0, 128], sizes = [8, 2048], strides = [1, 1]} : vector<8x3072xf32> to vector<8x2048xf32>
    %swap3A_556 = arith.constant 0 : index
    %swap3A_557 = arith.constant 0 : index
    %swap3A_558 = arith.constant 824 : index
    %swap3A_559 = arith.constant 0 : index
    %swap3A_560 = vector.load %arg3[%swap3A_556, %swap3A_557, %swap3A_558, %swap3A_559] : memref<1x1x1024x2048xf32, #tpu.memory_space<vmem>>, vector<1x1x8x2048xf32>
    %swap3A_561 = vector.shape_cast %swap3A_560 : vector<1x1x8x2048xf32> to vector<8x2048xf32>
    %swap3A_562 = vector.shape_cast %slice3A_555 : vector<8x2048xf32> to vector<1x1x8x2048xf32>
    tpu.vector_store %arg3[%swap3A_556, %swap3A_557, %swap3A_558, %swap3A_559], %swap3A_562 {strides = array<i32>} : memref<1x1x1024x2048xf32, #tpu.memory_space<vmem>>, vector<1x1x8x2048xf32>,
    %slice3A_563 = vector.extract_strided_slice %roll3A_506 {offsets = [0, 0], sizes = [8, 2048], strides = [1, 1]} : vector<8x3072xf32> to vector<8x2048xf32>
    %swap3A_564 = arith.constant 0 : index
    %swap3A_565 = arith.constant 0 : index
    %swap3A_566 = arith.constant 952 : index
    %swap3A_567 = arith.constant 0 : index
    %swap3A_568 = vector.load %arg3[%swap3A_564, %swap3A_565, %swap3A_566, %swap3A_567] : memref<1x1x1024x2048xf32, #tpu.memory_space<vmem>>, vector<1x1x8x2048xf32>
    %swap3A_569 = vector.shape_cast %swap3A_568 : vector<1x1x8x2048xf32> to vector<8x2048xf32>
    %swap3A_570 = vector.shape_cast %slice3A_563 : vector<8x2048xf32> to vector<1x1x8x2048xf32>
    tpu.vector_store %arg3[%swap3A_564, %swap3A_565, %swap3A_566, %swap3A_567], %swap3A_570 {strides = array<i32>} : memref<1x1x1024x2048xf32, #tpu.memory_space<vmem>>, vector<1x1x8x2048xf32>,
    %roll3A_571 = arith.constant 3016 : i32
    %roll3A_572 = tpu.dynamic_rotate %select_n3A_44 by %roll3A_571 dim 1 : vector<8x3072xf32>, i32 -> vector<8x3072xf32>
    %slice3A_573 = vector.extract_strided_slice %roll3A_572 {offsets = [0, 896], sizes = [8, 2048], strides = [1, 1]} : vector<8x3072xf32> to vector<8x2048xf32>
    %swap3A_574 = arith.constant 0 : index
    %swap3A_575 = arith.constant 0 : index
    %swap3A_576 = arith.constant 64 : index
    %swap3A_577 = arith.constant 0 : index
    %swap3A_578 = vector.load %arg3[%swap3A_574, %swap3A_575, %swap3A_576, %swap3A_577] : memref<1x1x1024x2048xf32, #tpu.memory_space<vmem>>, vector<1x1x8x2048xf32>
    %swap3A_579 = vector.shape_cast %swap3A_578 : vector<1x1x8x2048xf32> to vector<8x2048xf32>
    %swap3A_580 = vector.shape_cast %slice3A_573 : vector<8x2048xf32> to vector<1x1x8x2048xf32>
    tpu.vector_store %arg3[%swap3A_574, %swap3A_575, %swap3A_576, %swap3A_577], %swap3A_580 {strides = array<i32>} : memref<1x1x1024x2048xf32, #tpu.memory_space<vmem>>, vector<1x1x8x2048xf32>,
    %slice3A_581 = vector.extract_strided_slice %roll3A_572 {offsets = [0, 768], sizes = [8, 2048], strides = [1, 1]} : vector<8x3072xf32> to vector<8x2048xf32>
    %swap3A_582 = arith.constant 0 : index
    %swap3A_583 = arith.constant 0 : index
    %swap3A_584 = arith.constant 192 : index
    %swap3A_585 = arith.constant 0 : index
    %swap3A_586 = vector.load %arg3[%swap3A_582, %swap3A_583, %swap3A_584, %swap3A_585] : memref<1x1x1024x2048xf32, #tpu.memory_space<vmem>>, vector<1x1x8x2048xf32>
    %swap3A_587 = vector.shape_cast %swap3A_586 : vector<1x1x8x2048xf32> to vector<8x2048xf32>
    %swap3A_588 = vector.shape_cast %slice3A_581 : vector<8x2048xf32> to vector<1x1x8x2048xf32>
    tpu.vector_store %arg3[%swap3A_582, %swap3A_583, %swap3A_584, %swap3A_585], %swap3A_588 {strides = array<i32>} : memref<1x1x1024x2048xf32, #tpu.memory_space<vmem>>, vector<1x1x8x2048xf32>,
    %slice3A_589 = vector.extract_strided_slice %roll3A_572 {offsets = [0, 640], sizes = [8, 2048], strides = [1, 1]} : vector<8x3072xf32> to vector<8x2048xf32>
    %swap3A_590 = arith.constant 0 : index
    %swap3A_591 = arith.constant 0 : index
    %swap3A_592 = arith.constant 320 : index
    %swap3A_593 = arith.constant 0 : index
    %swap3A_594 = vector.load %arg3[%swap3A_590, %swap3A_591, %swap3A_592, %swap3A_593] : memref<1x1x1024x2048xf32, #tpu.memory_space<vmem>>, vector<1x1x8x2048xf32>
    %swap3A_595 = vector.shape_cast %swap3A_594 : vector<1x1x8x2048xf32> to vector<8x2048xf32>
    %swap3A_596 = vector.shape_cast %slice3A_589 : vector<8x2048xf32> to vector<1x1x8x2048xf32>
    tpu.vector_store %arg3[%swap3A_590, %swap3A_591, %swap3A_592, %swap3A_593], %swap3A_596 {strides = array<i32>} : memref<1x1x1024x2048xf32, #tpu.memory_space<vmem>>, vector<1x1x8x2048xf32>,
    %slice3A_597 = vector.extract_strided_slice %roll3A_572 {offsets = [0, 512], sizes = [8, 2048], strides = [1, 1]} : vector<8x3072xf32> to vector<8x2048xf32>
    %swap3A_598 = arith.constant 0 : index
    %swap3A_599 = arith.constant 0 : index
    %swap3A_600 = arith.constant 448 : index
    %swap3A_601 = arith.constant 0 : index
    %swap3A_602 = vector.load %arg3[%swap3A_598, %swap3A_599, %swap3A_600, %swap3A_601] : memref<1x1x1024x2048xf32, #tpu.memory_space<vmem>>, vector<1x1x8x2048xf32>
    %swap3A_603 = vector.shape_cast %swap3A_602 : vector<1x1x8x2048xf32> to vector<8x2048xf32>
    %swap3A_604 = vector.shape_cast %slice3A_597 : vector<8x2048xf32> to vector<1x1x8x2048xf32>
    tpu.vector_store %arg3[%swap3A_598, %swap3A_599, %swap3A_600, %swap3A_601], %swap3A_604 {strides = array<i32>} : memref<1x1x1024x2048xf32, #tpu.memory_space<vmem>>, vector<1x1x8x2048xf32>,
    %slice3A_605 = vector.extract_strided_slice %roll3A_572 {offsets = [0, 384], sizes = [8, 2048], strides = [1, 1]} : vector<8x3072xf32> to vector<8x2048xf32>
    %swap3A_606 = arith.constant 0 : index
    %swap3A_607 = arith.constant 0 : index
    %swap3A_608 = arith.constant 576 : index
    %swap3A_609 = arith.constant 0 : index
    %swap3A_610 = vector.load %arg3[%swap3A_606, %swap3A_607, %swap3A_608, %swap3A_609] : memref<1x1x1024x2048xf32, #tpu.memory_space<vmem>>, vector<1x1x8x2048xf32>
    %swap3A_611 = vector.shape_cast %swap3A_610 : vector<1x1x8x2048xf32> to vector<8x2048xf32>
    %swap3A_612 = vector.shape_cast %slice3A_605 : vector<8x2048xf32> to vector<1x1x8x2048xf32>
    tpu.vector_store %arg3[%swap3A_606, %swap3A_607, %swap3A_608, %swap3A_609], %swap3A_612 {strides = array<i32>} : memref<1x1x1024x2048xf32, #tpu.memory_space<vmem>>, vector<1x1x8x2048xf32>,
    %slice3A_613 = vector.extract_strided_slice %roll3A_572 {offsets = [0, 256], sizes = [8, 2048], strides = [1, 1]} : vector<8x3072xf32> to vector<8x2048xf32>
    %swap3A_614 = arith.constant 0 : index
    %swap3A_615 = arith.constant 0 : index
    %swap3A_616 = arith.constant 704 : index
    %swap3A_617 = arith.constant 0 : index
    %swap3A_618 = vector.load %arg3[%swap3A_614, %swap3A_615, %swap3A_616, %swap3A_617] : memref<1x1x1024x2048xf32, #tpu.memory_space<vmem>>, vector<1x1x8x2048xf32>
    %swap3A_619 = vector.shape_cast %swap3A_618 : vector<1x1x8x2048xf32> to vector<8x2048xf32>
    %swap3A_620 = vector.shape_cast %slice3A_613 : vector<8x2048xf32> to vector<1x1x8x2048xf32>
    tpu.vector_store %arg3[%swap3A_614, %swap3A_615, %swap3A_616, %swap3A_617], %swap3A_620 {strides = array<i32>} : memref<1x1x1024x2048xf32, #tpu.memory_space<vmem>>, vector<1x1x8x2048xf32>,
    %slice3A_621 = vector.extract_strided_slice %roll3A_572 {offsets = [0, 128], sizes = [8, 2048], strides = [1, 1]} : vector<8x3072xf32> to vector<8x2048xf32>
    %swap3A_622 = arith.constant 0 : index
    %swap3A_623 = arith.constant 0 : index
    %swap3A_624 = arith.constant 832 : index
    %swap3A_625 = arith.constant 0 : index
    %swap3A_626 = vector.load %arg3[%swap3A_622, %swap3A_623, %swap3A_624, %swap3A_625] : memref<1x1x1024x2048xf32, #tpu.memory_space<vmem>>, vector<1x1x8x2048xf32>
    %swap3A_627 = vector.shape_cast %swap3A_626 : vector<1x1x8x2048xf32> to vector<8x2048xf32>
    %swap3A_628 = vector.shape_cast %slice3A_621 : vector<8x2048xf32> to vector<1x1x8x2048xf32>
    tpu.vector_store %arg3[%swap3A_622, %swap3A_623, %swap3A_624, %swap3A_625], %swap3A_628 {strides = array<i32>} : memref<1x1x1024x2048xf32, #tpu.memory_space<vmem>>, vector<1x1x8x2048xf32>,
    %slice3A_629 = vector.extract_strided_slice %roll3A_572 {offsets = [0, 0], sizes = [8, 2048], strides = [1, 1]} : vector<8x3072xf32> to vector<8x2048xf32>
    %swap3A_630 = arith.constant 0 : index
    %swap3A_631 = arith.constant 0 : index
    %swap3A_632 = arith.constant 960 : index
    %swap3A_633 = arith.constant 0 : index
    %swap3A_634 = vector.load %arg3[%swap3A_630, %swap3A_631, %swap3A_632, %swap3A_633] : memref<1x1x1024x2048xf32, #tpu.memory_space<vmem>>, vector<1x1x8x2048xf32>
    %swap3A_635 = vector.shape_cast %swap3A_634 : vector<1x1x8x2048xf32> to vector<8x2048xf32>
    %swap3A_636 = vector.shape_cast %slice3A_629 : vector<8x2048xf32> to vector<1x1x8x2048xf32>
    tpu.vector_store %arg3[%swap3A_630, %swap3A_631, %swap3A_632, %swap3A_633], %swap3A_636 {strides = array<i32>} : memref<1x1x1024x2048xf32, #tpu.memory_space<vmem>>, vector<1x1x8x2048xf32>,
    %roll3A_637 = arith.constant 3024 : i32
    %roll3A_638 = tpu.dynamic_rotate %select_n3A_44 by %roll3A_637 dim 1 : vector<8x3072xf32>, i32 -> vector<8x3072xf32>
    %slice3A_639 = vector.extract_strided_slice %roll3A_638 {offsets = [0, 896], sizes = [8, 2048], strides = [1, 1]} : vector<8x3072xf32> to vector<8x2048xf32>
    %swap3A_640 = arith.constant 0 : index
    %swap3A_641 = arith.constant 0 : index
    %swap3A_642 = arith.constant 72 : index
    %swap3A_643 = arith.constant 0 : index
    %swap3A_644 = vector.load %arg3[%swap3A_640, %swap3A_641, %swap3A_642, %swap3A_643] : memref<1x1x1024x2048xf32, #tpu.memory_space<vmem>>, vector<1x1x8x2048xf32>
    %swap3A_645 = vector.shape_cast %swap3A_644 : vector<1x1x8x2048xf32> to vector<8x2048xf32>
    %swap3A_646 = vector.shape_cast %slice3A_639 : vector<8x2048xf32> to vector<1x1x8x2048xf32>
    tpu.vector_store %arg3[%swap3A_640, %swap3A_641, %swap3A_642, %swap3A_643], %swap3A_646 {strides = array<i32>} : memref<1x1x1024x2048xf32, #tpu.memory_space<vmem>>, vector<1x1x8x2048xf32>,
    %slice3A_647 = vector.extract_strided_slice %roll3A_638 {offsets = [0, 768], sizes = [8, 2048], strides = [1, 1]} : vector<8x3072xf32> to vector<8x2048xf32>
    %swap3A_648 = arith.constant 0 : index
    %swap3A_649 = arith.constant 0 : index
    %swap3A_650 = arith.constant 200 : index
    %swap3A_651 = arith.constant 0 : index
    %swap3A_652 = vector.load %arg3[%swap3A_648, %swap3A_649, %swap3A_650, %swap3A_651] : memref<1x1x1024x2048xf32, #tpu.memory_space<vmem>>, vector<1x1x8x2048xf32>
    %swap3A_653 = vector.shape_cast %swap3A_652 : vector<1x1x8x2048xf32> to vector<8x2048xf32>
    %swap3A_654 = vector.shape_cast %slice3A_647 : vector<8x2048xf32> to vector<1x1x8x2048xf32>
    tpu.vector_store %arg3[%swap3A_648, %swap3A_649, %swap3A_650, %swap3A_651], %swap3A_654 {strides = array<i32>} : memref<1x1x1024x2048xf32, #tpu.memory_space<vmem>>, vector<1x1x8x2048xf32>,
    %slice3A_655 = vector.extract_strided_slice %roll3A_638 {offsets = [0, 640], sizes = [8, 2048], strides = [1, 1]} : vector<8x3072xf32> to vector<8x2048xf32>
    %swap3A_656 = arith.constant 0 : index
    %swap3A_657 = arith.constant 0 : index
    %swap3A_658 = arith.constant 328 : index
    %swap3A_659 = arith.constant 0 : index
    %swap3A_660 = vector.load %arg3[%swap3A_656, %swap3A_657, %swap3A_658, %swap3A_659] : memref<1x1x1024x2048xf32, #tpu.memory_space<vmem>>, vector<1x1x8x2048xf32>
    %swap3A_661 = vector.shape_cast %swap3A_660 : vector<1x1x8x2048xf32> to vector<8x2048xf32>
    %swap3A_662 = vector.shape_cast %slice3A_655 : vector<8x2048xf32> to vector<1x1x8x2048xf32>
    tpu.vector_store %arg3[%swap3A_656, %swap3A_657, %swap3A_658, %swap3A_659], %swap3A_662 {strides = array<i32>} : memref<1x1x1024x2048xf32, #tpu.memory_space<vmem>>, vector<1x1x8x2048xf32>,
    %slice3A_663 = vector.extract_strided_slice %roll3A_638 {offsets = [0, 512], sizes = [8, 2048], strides = [1, 1]} : vector<8x3072xf32> to vector<8x2048xf32>
    %swap3A_664 = arith.constant 0 : index
    %swap3A_665 = arith.constant 0 : index
    %swap3A_666 = arith.constant 456 : index
    %swap3A_667 = arith.constant 0 : index
    %swap3A_668 = vector.load %arg3[%swap3A_664, %swap3A_665, %swap3A_666, %swap3A_667] : memref<1x1x1024x2048xf32, #tpu.memory_space<vmem>>, vector<1x1x8x2048xf32>
    %swap3A_669 = vector.shape_cast %swap3A_668 : vector<1x1x8x2048xf32> to vector<8x2048xf32>
    %swap3A_670 = vector.shape_cast %slice3A_663 : vector<8x2048xf32> to vector<1x1x8x2048xf32>
    tpu.vector_store %arg3[%swap3A_664, %swap3A_665, %swap3A_666, %swap3A_667], %swap3A_670 {strides = array<i32>} : memref<1x1x1024x2048xf32, #tpu.memory_space<vmem>>, vector<1x1x8x2048xf32>,
    %slice3A_671 = vector.extract_strided_slice %roll3A_638 {offsets = [0, 384], sizes = [8, 2048], strides = [1, 1]} : vector<8x3072xf32> to vector<8x2048xf32>
    %swap3A_672 = arith.constant 0 : index
    %swap3A_673 = arith.constant 0 : index
    %swap3A_674 = arith.constant 584 : index
    %swap3A_675 = arith.constant 0 : index
    %swap3A_676 = vector.load %arg3[%swap3A_672, %swap3A_673, %swap3A_674, %swap3A_675] : memref<1x1x1024x2048xf32, #tpu.memory_space<vmem>>, vector<1x1x8x2048xf32>
    %swap3A_677 = vector.shape_cast %swap3A_676 : vector<1x1x8x2048xf32> to vector<8x2048xf32>
    %swap3A_678 = vector.shape_cast %slice3A_671 : vector<8x2048xf32> to vector<1x1x8x2048xf32>
    tpu.vector_store %arg3[%swap3A_672, %swap3A_673, %swap3A_674, %swap3A_675], %swap3A_678 {strides = array<i32>} : memref<1x1x1024x2048xf32, #tpu.memory_space<vmem>>, vector<1x1x8x2048xf32>,
    %slice3A_679 = vector.extract_strided_slice %roll3A_638 {offsets = [0, 256], sizes = [8, 2048], strides = [1, 1]} : vector<8x3072xf32> to vector<8x2048xf32>
    %swap3A_680 = arith.constant 0 : index
    %swap3A_681 = arith.constant 0 : index
    %swap3A_682 = arith.constant 712 : index
    %swap3A_683 = arith.constant 0 : index
    %swap3A_684 = vector.load %arg3[%swap3A_680, %swap3A_681, %swap3A_682, %swap3A_683] : memref<1x1x1024x2048xf32, #tpu.memory_space<vmem>>, vector<1x1x8x2048xf32>
    %swap3A_685 = vector.shape_cast %swap3A_684 : vector<1x1x8x2048xf32> to vector<8x2048xf32>
    %swap3A_686 = vector.shape_cast %slice3A_679 : vector<8x2048xf32> to vector<1x1x8x2048xf32>
    tpu.vector_store %arg3[%swap3A_680, %swap3A_681, %swap3A_682, %swap3A_683], %swap3A_686 {strides = array<i32>} : memref<1x1x1024x2048xf32, #tpu.memory_space<vmem>>, vector<1x1x8x2048xf32>,
    %slice3A_687 = vector.extract_strided_slice %roll3A_638 {offsets = [0, 128], sizes = [8, 2048], strides = [1, 1]} : vector<8x3072xf32> to vector<8x2048xf32>
    %swap3A_688 = arith.constant 0 : index
    %swap3A_689 = arith.constant 0 : index
    %swap3A_690 = arith.constant 840 : index
    %swap3A_691 = arith.constant 0 : index
    %swap3A_692 = vector.load %arg3[%swap3A_688, %swap3A_689, %swap3A_690, %swap3A_691] : memref<1x1x1024x2048xf32, #tpu.memory_space<vmem>>, vector<1x1x8x2048xf32>
    %swap3A_693 = vector.shape_cast %swap3A_692 : vector<1x1x8x2048xf32> to vector<8x2048xf32>
    %swap3A_694 = vector.shape_cast %slice3A_687 : vector<8x2048xf32> to vector<1x1x8x2048xf32>
    tpu.vector_store %arg3[%swap3A_688, %swap3A_689, %swap3A_690, %swap3A_691], %swap3A_694 {strides = array<i32>} : memref<1x1x1024x2048xf32, #tpu.memory_space<vmem>>, vector<1x1x8x2048xf32>,
    %slice3A_695 = vector.extract_strided_slice %roll3A_638 {offsets = [0, 0], sizes = [8, 2048], strides = [1, 1]} : vector<8x3072xf32> to vector<8x2048xf32>
    %swap3A_696 = arith.constant 0 : index
    %swap3A_697 = arith.constant 0 : index
    %swap3A_698 = arith.constant 968 : index
    %swap3A_699 = arith.constant 0 : index
    %swap3A_700 = vector.load %arg3[%swap3A_696, %swap3A_697, %swap3A_698, %swap3A_699] : memref<1x1x1024x2048xf32, #tpu.memory_space<vmem>>, vector<1x1x8x2048xf32>
    %swap3A_701 = vector.shape_cast %swap3A_700 : vector<1x1x8x2048xf32> to vector<8x2048xf32>
    %swap3A_702 = vector.shape_cast %slice3A_695 : vector<8x2048xf32> to vector<1x1x8x2048xf32>
    tpu.vector_store %arg3[%swap3A_696, %swap3A_697, %swap3A_698, %swap3A_699], %swap3A_702 {strides = array<i32>} : memref<1x1x1024x2048xf32, #tpu.memory_space<vmem>>, vector<1x1x8x2048xf32>,
    %roll3A_703 = arith.constant 3032 : i32
    %roll3A_704 = tpu.dynamic_rotate %select_n3A_44 by %roll3A_703 dim 1 : vector<8x3072xf32>, i32 -> vector<8x3072xf32>
    %slice3A_705 = vector.extract_strided_slice %roll3A_704 {offsets = [0, 896], sizes = [8, 2048], strides = [1, 1]} : vector<8x3072xf32> to vector<8x2048xf32>
    %swap3A_706 = arith.constant 0 : index
    %swap3A_707 = arith.constant 0 : index
    %swap3A_708 = arith.constant 80 : index
    %swap3A_709 = arith.constant 0 : index
    %swap3A_710 = vector.load %arg3[%swap3A_706, %swap3A_707, %swap3A_708, %swap3A_709] : memref<1x1x1024x2048xf32, #tpu.memory_space<vmem>>, vector<1x1x8x2048xf32>
    %swap3A_711 = vector.shape_cast %swap3A_710 : vector<1x1x8x2048xf32> to vector<8x2048xf32>
    %swap3A_712 = vector.shape_cast %slice3A_705 : vector<8x2048xf32> to vector<1x1x8x2048xf32>
    tpu.vector_store %arg3[%swap3A_706, %swap3A_707, %swap3A_708, %swap3A_709], %swap3A_712 {strides = array<i32>} : memref<1x1x1024x2048xf32, #tpu.memory_space<vmem>>, vector<1x1x8x2048xf32>,
    %slice3A_713 = vector.extract_strided_slice %roll3A_704 {offsets = [0, 768], sizes = [8, 2048], strides = [1, 1]} : vector<8x3072xf32> to vector<8x2048xf32>
    %swap3A_714 = arith.constant 0 : index
    %swap3A_715 = arith.constant 0 : index
    %swap3A_716 = arith.constant 208 : index
    %swap3A_717 = arith.constant 0 : index
    %swap3A_718 = vector.load %arg3[%swap3A_714, %swap3A_715, %swap3A_716, %swap3A_717] : memref<1x1x1024x2048xf32, #tpu.memory_space<vmem>>, vector<1x1x8x2048xf32>
    %swap3A_719 = vector.shape_cast %swap3A_718 : vector<1x1x8x2048xf32> to vector<8x2048xf32>
    %swap3A_720 = vector.shape_cast %slice3A_713 : vector<8x2048xf32> to vector<1x1x8x2048xf32>
    tpu.vector_store %arg3[%swap3A_714, %swap3A_715, %swap3A_716, %swap3A_717], %swap3A_720 {strides = array<i32>} : memref<1x1x1024x2048xf32, #tpu.memory_space<vmem>>, vector<1x1x8x2048xf32>,
    %slice3A_721 = vector.extract_strided_slice %roll3A_704 {offsets = [0, 640], sizes = [8, 2048], strides = [1, 1]} : vector<8x3072xf32> to vector<8x2048xf32>
    %swap3A_722 = arith.constant 0 : index
    %swap3A_723 = arith.constant 0 : index
    %swap3A_724 = arith.constant 336 : index
    %swap3A_725 = arith.constant 0 : index
    %swap3A_726 = vector.load %arg3[%swap3A_722, %swap3A_723, %swap3A_724, %swap3A_725] : memref<1x1x1024x2048xf32, #tpu.memory_space<vmem>>, vector<1x1x8x2048xf32>
    %swap3A_727 = vector.shape_cast %swap3A_726 : vector<1x1x8x2048xf32> to vector<8x2048xf32>
    %swap3A_728 = vector.shape_cast %slice3A_721 : vector<8x2048xf32> to vector<1x1x8x2048xf32>
    tpu.vector_store %arg3[%swap3A_722, %swap3A_723, %swap3A_724, %swap3A_725], %swap3A_728 {strides = array<i32>} : memref<1x1x1024x2048xf32, #tpu.memory_space<vmem>>, vector<1x1x8x2048xf32>,
    %slice3A_729 = vector.extract_strided_slice %roll3A_704 {offsets = [0, 512], sizes = [8, 2048], strides = [1, 1]} : vector<8x3072xf32> to vector<8x2048xf32>
    %swap3A_730 = arith.constant 0 : index
    %swap3A_731 = arith.constant 0 : index
    %swap3A_732 = arith.constant 464 : index
    %swap3A_733 = arith.constant 0 : index
    %swap3A_734 = vector.load %arg3[%swap3A_730, %swap3A_731, %swap3A_732, %swap3A_733] : memref<1x1x1024x2048xf32, #tpu.memory_space<vmem>>, vector<1x1x8x2048xf32>
    %swap3A_735 = vector.shape_cast %swap3A_734 : vector<1x1x8x2048xf32> to vector<8x2048xf32>
    %swap3A_736 = vector.shape_cast %slice3A_729 : vector<8x2048xf32> to vector<1x1x8x2048xf32>
    tpu.vector_store %arg3[%swap3A_730, %swap3A_731, %swap3A_732, %swap3A_733], %swap3A_736 {strides = array<i32>} : memref<1x1x1024x2048xf32, #tpu.memory_space<vmem>>, vector<1x1x8x2048xf32>,
    %slice3A_737 = vector.extract_strided_slice %roll3A_704 {offsets = [0, 384], sizes = [8, 2048], strides = [1, 1]} : vector<8x3072xf32> to vector<8x2048xf32>
    %swap3A_738 = arith.constant 0 : index
    %swap3A_739 = arith.constant 0 : index
    %swap3A_740 = arith.constant 592 : index
    %swap3A_741 = arith.constant 0 : index
    %swap3A_742 = vector.load %arg3[%swap3A_738, %swap3A_739, %swap3A_740, %swap3A_741] : memref<1x1x1024x2048xf32, #tpu.memory_space<vmem>>, vector<1x1x8x2048xf32>
    %swap3A_743 = vector.shape_cast %swap3A_742 : vector<1x1x8x2048xf32> to vector<8x2048xf32>
    %swap3A_744 = vector.shape_cast %slice3A_737 : vector<8x2048xf32> to vector<1x1x8x2048xf32>
    tpu.vector_store %arg3[%swap3A_738, %swap3A_739, %swap3A_740, %swap3A_741], %swap3A_744 {strides = array<i32>} : memref<1x1x1024x2048xf32, #tpu.memory_space<vmem>>, vector<1x1x8x2048xf32>,
    %slice3A_745 = vector.extract_strided_slice %roll3A_704 {offsets = [0, 256], sizes = [8, 2048], strides = [1, 1]} : vector<8x3072xf32> to vector<8x2048xf32>
    %swap3A_746 = arith.constant 0 : index
    %swap3A_747 = arith.constant 0 : index
    %swap3A_748 = arith.constant 720 : index
    %swap3A_749 = arith.constant 0 : index
    %swap3A_750 = vector.load %arg3[%swap3A_746, %swap3A_747, %swap3A_748, %swap3A_749] : memref<1x1x1024x2048xf32, #tpu.memory_space<vmem>>, vector<1x1x8x2048xf32>
    %swap3A_751 = vector.shape_cast %swap3A_750 : vector<1x1x8x2048xf32> to vector<8x2048xf32>
    %swap3A_752 = vector.shape_cast %slice3A_745 : vector<8x2048xf32> to vector<1x1x8x2048xf32>
    tpu.vector_store %arg3[%swap3A_746, %swap3A_747, %swap3A_748, %swap3A_749], %swap3A_752 {strides = array<i32>} : memref<1x1x1024x2048xf32, #tpu.memory_space<vmem>>, vector<1x1x8x2048xf32>,
    %slice3A_753 = vector.extract_strided_slice %roll3A_704 {offsets = [0, 128], sizes = [8, 2048], strides = [1, 1]} : vector<8x3072xf32> to vector<8x2048xf32>
    %swap3A_754 = arith.constant 0 : index
    %swap3A_755 = arith.constant 0 : index
    %swap3A_756 = arith.constant 848 : index
    %swap3A_757 = arith.constant 0 : index
    %swap3A_758 = vector.load %arg3[%swap3A_754, %swap3A_755, %swap3A_756, %swap3A_757] : memref<1x1x1024x2048xf32, #tpu.memory_space<vmem>>, vector<1x1x8x2048xf32>
    %swap3A_759 = vector.shape_cast %swap3A_758 : vector<1x1x8x2048xf32> to vector<8x2048xf32>
    %swap3A_760 = vector.shape_cast %slice3A_753 : vector<8x2048xf32> to vector<1x1x8x2048xf32>
    tpu.vector_store %arg3[%swap3A_754, %swap3A_755, %swap3A_756, %swap3A_757], %swap3A_760 {strides = array<i32>} : memref<1x1x1024x2048xf32, #tpu.memory_space<vmem>>, vector<1x1x8x2048xf32>,
    %slice3A_761 = vector.extract_strided_slice %roll3A_704 {offsets = [0, 0], sizes = [8, 2048], strides = [1, 1]} : vector<8x3072xf32> to vector<8x2048xf32>
    %swap3A_762 = arith.constant 0 : index
    %swap3A_763 = arith.constant 0 : index
    %swap3A_764 = arith.constant 976 : index
    %swap3A_765 = arith.constant 0 : index
    %swap3A_766 = vector.load %arg3[%swap3A_762, %swap3A_763, %swap3A_764, %swap3A_765] : memref<1x1x1024x2048xf32, #tpu.memory_space<vmem>>, vector<1x1x8x2048xf32>
    %swap3A_767 = vector.shape_cast %swap3A_766 : vector<1x1x8x2048xf32> to vector<8x2048xf32>
    %swap3A_768 = vector.shape_cast %slice3A_761 : vector<8x2048xf32> to vector<1x1x8x2048xf32>
    tpu.vector_store %arg3[%swap3A_762, %swap3A_763, %swap3A_764, %swap3A_765], %swap3A_768 {strides = array<i32>} : memref<1x1x1024x2048xf32, #tpu.memory_space<vmem>>, vector<1x1x8x2048xf32>,
    %roll3A_769 = arith.constant 3040 : i32
    %roll3A_770 = tpu.dynamic_rotate %select_n3A_44 by %roll3A_769 dim 1 : vector<8x3072xf32>, i32 -> vector<8x3072xf32>
    %slice3A_771 = vector.extract_strided_slice %roll3A_770 {offsets = [0, 896], sizes = [8, 2048], strides = [1, 1]} : vector<8x3072xf32> to vector<8x2048xf32>
    %swap3A_772 = arith.constant 0 : index
    %swap3A_773 = arith.constant 0 : index
    %swap3A_774 = arith.constant 88 : index
    %swap3A_775 = arith.constant 0 : index
    %swap3A_776 = vector.load %arg3[%swap3A_772, %swap3A_773, %swap3A_774, %swap3A_775] : memref<1x1x1024x2048xf32, #tpu.memory_space<vmem>>, vector<1x1x8x2048xf32>
    %swap3A_777 = vector.shape_cast %swap3A_776 : vector<1x1x8x2048xf32> to vector<8x2048xf32>
    %swap3A_778 = vector.shape_cast %slice3A_771 : vector<8x2048xf32> to vector<1x1x8x2048xf32>
    tpu.vector_store %arg3[%swap3A_772, %swap3A_773, %swap3A_774, %swap3A_775], %swap3A_778 {strides = array<i32>} : memref<1x1x1024x2048xf32, #tpu.memory_space<vmem>>, vector<1x1x8x2048xf32>,
    %slice3A_779 = vector.extract_strided_slice %roll3A_770 {offsets = [0, 768], sizes = [8, 2048], strides = [1, 1]} : vector<8x3072xf32> to vector<8x2048xf32>
    %swap3A_780 = arith.constant 0 : index
    %swap3A_781 = arith.constant 0 : index
    %swap3A_782 = arith.constant 216 : index
    %swap3A_783 = arith.constant 0 : index
    %swap3A_784 = vector.load %arg3[%swap3A_780, %swap3A_781, %swap3A_782, %swap3A_783] : memref<1x1x1024x2048xf32, #tpu.memory_space<vmem>>, vector<1x1x8x2048xf32>
    %swap3A_785 = vector.shape_cast %swap3A_784 : vector<1x1x8x2048xf32> to vector<8x2048xf32>
    %swap3A_786 = vector.shape_cast %slice3A_779 : vector<8x2048xf32> to vector<1x1x8x2048xf32>
    tpu.vector_store %arg3[%swap3A_780, %swap3A_781, %swap3A_782, %swap3A_783], %swap3A_786 {strides = array<i32>} : memref<1x1x1024x2048xf32, #tpu.memory_space<vmem>>, vector<1x1x8x2048xf32>,
    %slice3A_787 = vector.extract_strided_slice %roll3A_770 {offsets = [0, 640], sizes = [8, 2048], strides = [1, 1]} : vector<8x3072xf32> to vector<8x2048xf32>
    %swap3A_788 = arith.constant 0 : index
    %swap3A_789 = arith.constant 0 : index
    %swap3A_790 = arith.constant 344 : index
    %swap3A_791 = arith.constant 0 : index
    %swap3A_792 = vector.load %arg3[%swap3A_788, %swap3A_789, %swap3A_790, %swap3A_791] : memref<1x1x1024x2048xf32, #tpu.memory_space<vmem>>, vector<1x1x8x2048xf32>
    %swap3A_793 = vector.shape_cast %swap3A_792 : vector<1x1x8x2048xf32> to vector<8x2048xf32>
    %swap3A_794 = vector.shape_cast %slice3A_787 : vector<8x2048xf32> to vector<1x1x8x2048xf32>
    tpu.vector_store %arg3[%swap3A_788, %swap3A_789, %swap3A_790, %swap3A_791], %swap3A_794 {strides = array<i32>} : memref<1x1x1024x2048xf32, #tpu.memory_space<vmem>>, vector<1x1x8x2048xf32>,
    %slice3A_795 = vector.extract_strided_slice %roll3A_770 {offsets = [0, 512], sizes = [8, 2048], strides = [1, 1]} : vector<8x3072xf32> to vector<8x2048xf32>
    %swap3A_796 = arith.constant 0 : index
    %swap3A_797 = arith.constant 0 : index
    %swap3A_798 = arith.constant 472 : index
    %swap3A_799 = arith.constant 0 : index
    %swap3A_800 = vector.load %arg3[%swap3A_796, %swap3A_797, %swap3A_798, %swap3A_799] : memref<1x1x1024x2048xf32, #tpu.memory_space<vmem>>, vector<1x1x8x2048xf32>
    %swap3A_801 = vector.shape_cast %swap3A_800 : vector<1x1x8x2048xf32> to vector<8x2048xf32>
    %swap3A_802 = vector.shape_cast %slice3A_795 : vector<8x2048xf32> to vector<1x1x8x2048xf32>
    tpu.vector_store %arg3[%swap3A_796, %swap3A_797, %swap3A_798, %swap3A_799], %swap3A_802 {strides = array<i32>} : memref<1x1x1024x2048xf32, #tpu.memory_space<vmem>>, vector<1x1x8x2048xf32>,
    %slice3A_803 = vector.extract_strided_slice %roll3A_770 {offsets = [0, 384], sizes = [8, 2048], strides = [1, 1]} : vector<8x3072xf32> to vector<8x2048xf32>
    %swap3A_804 = arith.constant 0 : index
    %swap3A_805 = arith.constant 0 : index
    %swap3A_806 = arith.constant 600 : index
    %swap3A_807 = arith.constant 0 : index
    %swap3A_808 = vector.load %arg3[%swap3A_804, %swap3A_805, %swap3A_806, %swap3A_807] : memref<1x1x1024x2048xf32, #tpu.memory_space<vmem>>, vector<1x1x8x2048xf32>
    %swap3A_809 = vector.shape_cast %swap3A_808 : vector<1x1x8x2048xf32> to vector<8x2048xf32>
    %swap3A_810 = vector.shape_cast %slice3A_803 : vector<8x2048xf32> to vector<1x1x8x2048xf32>
    tpu.vector_store %arg3[%swap3A_804, %swap3A_805, %swap3A_806, %swap3A_807], %swap3A_810 {strides = array<i32>} : memref<1x1x1024x2048xf32, #tpu.memory_space<vmem>>, vector<1x1x8x2048xf32>,
    %slice3A_811 = vector.extract_strided_slice %roll3A_770 {offsets = [0, 256], sizes = [8, 2048], strides = [1, 1]} : vector<8x3072xf32> to vector<8x2048xf32>
    %swap3A_812 = arith.constant 0 : index
    %swap3A_813 = arith.constant 0 : index
    %swap3A_814 = arith.constant 728 : index
    %swap3A_815 = arith.constant 0 : index
    %swap3A_816 = vector.load %arg3[%swap3A_812, %swap3A_813, %swap3A_814, %swap3A_815] : memref<1x1x1024x2048xf32, #tpu.memory_space<vmem>>, vector<1x1x8x2048xf32>
    %swap3A_817 = vector.shape_cast %swap3A_816 : vector<1x1x8x2048xf32> to vector<8x2048xf32>
    %swap3A_818 = vector.shape_cast %slice3A_811 : vector<8x2048xf32> to vector<1x1x8x2048xf32>
    tpu.vector_store %arg3[%swap3A_812, %swap3A_813, %swap3A_814, %swap3A_815], %swap3A_818 {strides = array<i32>} : memref<1x1x1024x2048xf32, #tpu.memory_space<vmem>>, vector<1x1x8x2048xf32>,
    %slice3A_819 = vector.extract_strided_slice %roll3A_770 {offsets = [0, 128], sizes = [8, 2048], strides = [1, 1]} : vector<8x3072xf32> to vector<8x2048xf32>
    %swap3A_820 = arith.constant 0 : index
    %swap3A_821 = arith.constant 0 : index
    %swap3A_822 = arith.constant 856 : index
    %swap3A_823 = arith.constant 0 : index
    %swap3A_824 = vector.load %arg3[%swap3A_820, %swap3A_821, %swap3A_822, %swap3A_823] : memref<1x1x1024x2048xf32, #tpu.memory_space<vmem>>, vector<1x1x8x2048xf32>
    %swap3A_825 = vector.shape_cast %swap3A_824 : vector<1x1x8x2048xf32> to vector<8x2048xf32>
    %swap3A_826 = vector.shape_cast %slice3A_819 : vector<8x2048xf32> to vector<1x1x8x2048xf32>
    tpu.vector_store %arg3[%swap3A_820, %swap3A_821, %swap3A_822, %swap3A_823], %swap3A_826 {strides = array<i32>} : memref<1x1x1024x2048xf32, #tpu.memory_space<vmem>>, vector<1x1x8x2048xf32>,
    %slice3A_827 = vector.extract_strided_slice %roll3A_770 {offsets = [0, 0], sizes = [8, 2048], strides = [1, 1]} : vector<8x3072xf32> to vector<8x2048xf32>
    %swap3A_828 = arith.constant 0 : index
    %swap3A_829 = arith.constant 0 : index
    %swap3A_830 = arith.constant 984 : index
    %swap3A_831 = arith.constant 0 : index
    %swap3A_832 = vector.load %arg3[%swap3A_828, %swap3A_829, %swap3A_830, %swap3A_831] : memref<1x1x1024x2048xf32, #tpu.memory_space<vmem>>, vector<1x1x8x2048xf32>
    %swap3A_833 = vector.shape_cast %swap3A_832 : vector<1x1x8x2048xf32> to vector<8x2048xf32>
    %swap3A_834 = vector.shape_cast %slice3A_827 : vector<8x2048xf32> to vector<1x1x8x2048xf32>
    tpu.vector_store %arg3[%swap3A_828, %swap3A_829, %swap3A_830, %swap3A_831], %swap3A_834 {strides = array<i32>} : memref<1x1x1024x2048xf32, #tpu.memory_space<vmem>>, vector<1x1x8x2048xf32>,
    %roll3A_835 = arith.constant 3048 : i32
    %roll3A_836 = tpu.dynamic_rotate %select_n3A_44 by %roll3A_835 dim 1 : vector<8x3072xf32>, i32 -> vector<8x3072xf32>
    %slice3A_837 = vector.extract_strided_slice %roll3A_836 {offsets = [0, 896], sizes = [8, 2048], strides = [1, 1]} : vector<8x3072xf32> to vector<8x2048xf32>
    %swap3A_838 = arith.constant 0 : index
    %swap3A_839 = arith.constant 0 : index
    %swap3A_840 = arith.constant 96 : index
    %swap3A_841 = arith.constant 0 : index
    %swap3A_842 = vector.load %arg3[%swap3A_838, %swap3A_839, %swap3A_840, %swap3A_841] : memref<1x1x1024x2048xf32, #tpu.memory_space<vmem>>, vector<1x1x8x2048xf32>
    %swap3A_843 = vector.shape_cast %swap3A_842 : vector<1x1x8x2048xf32> to vector<8x2048xf32>
    %swap3A_844 = vector.shape_cast %slice3A_837 : vector<8x2048xf32> to vector<1x1x8x2048xf32>
    tpu.vector_store %arg3[%swap3A_838, %swap3A_839, %swap3A_840, %swap3A_841], %swap3A_844 {strides = array<i32>} : memref<1x1x1024x2048xf32, #tpu.memory_space<vmem>>, vector<1x1x8x2048xf32>,
    %slice3A_845 = vector.extract_strided_slice %roll3A_836 {offsets = [0, 768], sizes = [8, 2048], strides = [1, 1]} : vector<8x3072xf32> to vector<8x2048xf32>
    %swap3A_846 = arith.constant 0 : index
    %swap3A_847 = arith.constant 0 : index
    %swap3A_848 = arith.constant 224 : index
    %swap3A_849 = arith.constant 0 : index
    %swap3A_850 = vector.load %arg3[%swap3A_846, %swap3A_847, %swap3A_848, %swap3A_849] : memref<1x1x1024x2048xf32, #tpu.memory_space<vmem>>, vector<1x1x8x2048xf32>
    %swap3A_851 = vector.shape_cast %swap3A_850 : vector<1x1x8x2048xf32> to vector<8x2048xf32>
    %swap3A_852 = vector.shape_cast %slice3A_845 : vector<8x2048xf32> to vector<1x1x8x2048xf32>
    tpu.vector_store %arg3[%swap3A_846, %swap3A_847, %swap3A_848, %swap3A_849], %swap3A_852 {strides = array<i32>} : memref<1x1x1024x2048xf32, #tpu.memory_space<vmem>>, vector<1x1x8x2048xf32>,
    %slice3A_853 = vector.extract_strided_slice %roll3A_836 {offsets = [0, 640], sizes = [8, 2048], strides = [1, 1]} : vector<8x3072xf32> to vector<8x2048xf32>
    %swap3A_854 = arith.constant 0 : index
    %swap3A_855 = arith.constant 0 : index
    %swap3A_856 = arith.constant 352 : index
    %swap3A_857 = arith.constant 0 : index
    %swap3A_858 = vector.load %arg3[%swap3A_854, %swap3A_855, %swap3A_856, %swap3A_857] : memref<1x1x1024x2048xf32, #tpu.memory_space<vmem>>, vector<1x1x8x2048xf32>
    %swap3A_859 = vector.shape_cast %swap3A_858 : vector<1x1x8x2048xf32> to vector<8x2048xf32>
    %swap3A_860 = vector.shape_cast %slice3A_853 : vector<8x2048xf32> to vector<1x1x8x2048xf32>
    tpu.vector_store %arg3[%swap3A_854, %swap3A_855, %swap3A_856, %swap3A_857], %swap3A_860 {strides = array<i32>} : memref<1x1x1024x2048xf32, #tpu.memory_space<vmem>>, vector<1x1x8x2048xf32>,
    %slice3A_861 = vector.extract_strided_slice %roll3A_836 {offsets = [0, 512], sizes = [8, 2048], strides = [1, 1]} : vector<8x3072xf32> to vector<8x2048xf32>
    %swap3A_862 = arith.constant 0 : index
    %swap3A_863 = arith.constant 0 : index
    %swap3A_864 = arith.constant 480 : index
    %swap3A_865 = arith.constant 0 : index
    %swap3A_866 = vector.load %arg3[%swap3A_862, %swap3A_863, %swap3A_864, %swap3A_865] : memref<1x1x1024x2048xf32, #tpu.memory_space<vmem>>, vector<1x1x8x2048xf32>
    %swap3A_867 = vector.shape_cast %swap3A_866 : vector<1x1x8x2048xf32> to vector<8x2048xf32>
    %swap3A_868 = vector.shape_cast %slice3A_861 : vector<8x2048xf32> to vector<1x1x8x2048xf32>
    tpu.vector_store %arg3[%swap3A_862, %swap3A_863, %swap3A_864, %swap3A_865], %swap3A_868 {strides = array<i32>} : memref<1x1x1024x2048xf32, #tpu.memory_space<vmem>>, vector<1x1x8x2048xf32>,
    %slice3A_869 = vector.extract_strided_slice %roll3A_836 {offsets = [0, 384], sizes = [8, 2048], strides = [1, 1]} : vector<8x3072xf32> to vector<8x2048xf32>
    %swap3A_870 = arith.constant 0 : index
    %swap3A_871 = arith.constant 0 : index
    %swap3A_872 = arith.constant 608 : index
    %swap3A_873 = arith.constant 0 : index
    %swap3A_874 = vector.load %arg3[%swap3A_870, %swap3A_871, %swap3A_872, %swap3A_873] : memref<1x1x1024x2048xf32, #tpu.memory_space<vmem>>, vector<1x1x8x2048xf32>
    %swap3A_875 = vector.shape_cast %swap3A_874 : vector<1x1x8x2048xf32> to vector<8x2048xf32>
    %swap3A_876 = vector.shape_cast %slice3A_869 : vector<8x2048xf32> to vector<1x1x8x2048xf32>
    tpu.vector_store %arg3[%swap3A_870, %swap3A_871, %swap3A_872, %swap3A_873], %swap3A_876 {strides = array<i32>} : memref<1x1x1024x2048xf32, #tpu.memory_space<vmem>>, vector<1x1x8x2048xf32>,
    %slice3A_877 = vector.extract_strided_slice %roll3A_836 {offsets = [0, 256], sizes = [8, 2048], strides = [1, 1]} : vector<8x3072xf32> to vector<8x2048xf32>
    %swap3A_878 = arith.constant 0 : index
    %swap3A_879 = arith.constant 0 : index
    %swap3A_880 = arith.constant 736 : index
    %swap3A_881 = arith.constant 0 : index
    %swap3A_882 = vector.load %arg3[%swap3A_878, %swap3A_879, %swap3A_880, %swap3A_881] : memref<1x1x1024x2048xf32, #tpu.memory_space<vmem>>, vector<1x1x8x2048xf32>
    %swap3A_883 = vector.shape_cast %swap3A_882 : vector<1x1x8x2048xf32> to vector<8x2048xf32>
    %swap3A_884 = vector.shape_cast %slice3A_877 : vector<8x2048xf32> to vector<1x1x8x2048xf32>
    tpu.vector_store %arg3[%swap3A_878, %swap3A_879, %swap3A_880, %swap3A_881], %swap3A_884 {strides = array<i32>} : memref<1x1x1024x2048xf32, #tpu.memory_space<vmem>>, vector<1x1x8x2048xf32>,
    %slice3A_885 = vector.extract_strided_slice %roll3A_836 {offsets = [0, 128], sizes = [8, 2048], strides = [1, 1]} : vector<8x3072xf32> to vector<8x2048xf32>
    %swap3A_886 = arith.constant 0 : index
    %swap3A_887 = arith.constant 0 : index
    %swap3A_888 = arith.constant 864 : index
    %swap3A_889 = arith.constant 0 : index
    %swap3A_890 = vector.load %arg3[%swap3A_886, %swap3A_887, %swap3A_888, %swap3A_889] : memref<1x1x1024x2048xf32, #tpu.memory_space<vmem>>, vector<1x1x8x2048xf32>
    %swap3A_891 = vector.shape_cast %swap3A_890 : vector<1x1x8x2048xf32> to vector<8x2048xf32>
    %swap3A_892 = vector.shape_cast %slice3A_885 : vector<8x2048xf32> to vector<1x1x8x2048xf32>
    tpu.vector_store %arg3[%swap3A_886, %swap3A_887, %swap3A_888, %swap3A_889], %swap3A_892 {strides = array<i32>} : memref<1x1x1024x2048xf32, #tpu.memory_space<vmem>>, vector<1x1x8x2048xf32>,
    %slice3A_893 = vector.extract_strided_slice %roll3A_836 {offsets = [0, 0], sizes = [8, 2048], strides = [1, 1]} : vector<8x3072xf32> to vector<8x2048xf32>
    %swap3A_894 = arith.constant 0 : index
    %swap3A_895 = arith.constant 0 : index
    %swap3A_896 = arith.constant 992 : index
    %swap3A_897 = arith.constant 0 : index
    %swap3A_898 = vector.load %arg3[%swap3A_894, %swap3A_895, %swap3A_896, %swap3A_897] : memref<1x1x1024x2048xf32, #tpu.memory_space<vmem>>, vector<1x1x8x2048xf32>
    %swap3A_899 = vector.shape_cast %swap3A_898 : vector<1x1x8x2048xf32> to vector<8x2048xf32>
    %swap3A_900 = vector.shape_cast %slice3A_893 : vector<8x2048xf32> to vector<1x1x8x2048xf32>
    tpu.vector_store %arg3[%swap3A_894, %swap3A_895, %swap3A_896, %swap3A_897], %swap3A_900 {strides = array<i32>} : memref<1x1x1024x2048xf32, #tpu.memory_space<vmem>>, vector<1x1x8x2048xf32>,
    %roll3A_901 = arith.constant 3056 : i32
    %roll3A_902 = tpu.dynamic_rotate %select_n3A_44 by %roll3A_901 dim 1 : vector<8x3072xf32>, i32 -> vector<8x3072xf32>
    %slice3A_903 = vector.extract_strided_slice %roll3A_902 {offsets = [0, 896], sizes = [8, 2048], strides = [1, 1]} : vector<8x3072xf32> to vector<8x2048xf32>
    %swap3A_904 = arith.constant 0 : index
    %swap3A_905 = arith.constant 0 : index
    %swap3A_906 = arith.constant 104 : index
    %swap3A_907 = arith.constant 0 : index
    %swap3A_908 = vector.load %arg3[%swap3A_904, %swap3A_905, %swap3A_906, %swap3A_907] : memref<1x1x1024x2048xf32, #tpu.memory_space<vmem>>, vector<1x1x8x2048xf32>
    %swap3A_909 = vector.shape_cast %swap3A_908 : vector<1x1x8x2048xf32> to vector<8x2048xf32>
    %swap3A_910 = vector.shape_cast %slice3A_903 : vector<8x2048xf32> to vector<1x1x8x2048xf32>
    tpu.vector_store %arg3[%swap3A_904, %swap3A_905, %swap3A_906, %swap3A_907], %swap3A_910 {strides = array<i32>} : memref<1x1x1024x2048xf32, #tpu.memory_space<vmem>>, vector<1x1x8x2048xf32>,
    %slice3A_911 = vector.extract_strided_slice %roll3A_902 {offsets = [0, 768], sizes = [8, 2048], strides = [1, 1]} : vector<8x3072xf32> to vector<8x2048xf32>
    %swap3A_912 = arith.constant 0 : index
    %swap3A_913 = arith.constant 0 : index
    %swap3A_914 = arith.constant 232 : index
    %swap3A_915 = arith.constant 0 : index
    %swap3A_916 = vector.load %arg3[%swap3A_912, %swap3A_913, %swap3A_914, %swap3A_915] : memref<1x1x1024x2048xf32, #tpu.memory_space<vmem>>, vector<1x1x8x2048xf32>
    %swap3A_917 = vector.shape_cast %swap3A_916 : vector<1x1x8x2048xf32> to vector<8x2048xf32>
    %swap3A_918 = vector.shape_cast %slice3A_911 : vector<8x2048xf32> to vector<1x1x8x2048xf32>
    tpu.vector_store %arg3[%swap3A_912, %swap3A_913, %swap3A_914, %swap3A_915], %swap3A_918 {strides = array<i32>} : memref<1x1x1024x2048xf32, #tpu.memory_space<vmem>>, vector<1x1x8x2048xf32>,
    %slice3A_919 = vector.extract_strided_slice %roll3A_902 {offsets = [0, 640], sizes = [8, 2048], strides = [1, 1]} : vector<8x3072xf32> to vector<8x2048xf32>
    %swap3A_920 = arith.constant 0 : index
    %swap3A_921 = arith.constant 0 : index
    %swap3A_922 = arith.constant 360 : index
    %swap3A_923 = arith.constant 0 : index
    %swap3A_924 = vector.load %arg3[%swap3A_920, %swap3A_921, %swap3A_922, %swap3A_923] : memref<1x1x1024x2048xf32, #tpu.memory_space<vmem>>, vector<1x1x8x2048xf32>
    %swap3A_925 = vector.shape_cast %swap3A_924 : vector<1x1x8x2048xf32> to vector<8x2048xf32>
    %swap3A_926 = vector.shape_cast %slice3A_919 : vector<8x2048xf32> to vector<1x1x8x2048xf32>
    tpu.vector_store %arg3[%swap3A_920, %swap3A_921, %swap3A_922, %swap3A_923], %swap3A_926 {strides = array<i32>} : memref<1x1x1024x2048xf32, #tpu.memory_space<vmem>>, vector<1x1x8x2048xf32>,
    %slice3A_927 = vector.extract_strided_slice %roll3A_902 {offsets = [0, 512], sizes = [8, 2048], strides = [1, 1]} : vector<8x3072xf32> to vector<8x2048xf32>
    %swap3A_928 = arith.constant 0 : index
    %swap3A_929 = arith.constant 0 : index
    %swap3A_930 = arith.constant 488 : index
    %swap3A_931 = arith.constant 0 : index
    %swap3A_932 = vector.load %arg3[%swap3A_928, %swap3A_929, %swap3A_930, %swap3A_931] : memref<1x1x1024x2048xf32, #tpu.memory_space<vmem>>, vector<1x1x8x2048xf32>
    %swap3A_933 = vector.shape_cast %swap3A_932 : vector<1x1x8x2048xf32> to vector<8x2048xf32>
    %swap3A_934 = vector.shape_cast %slice3A_927 : vector<8x2048xf32> to vector<1x1x8x2048xf32>
    tpu.vector_store %arg3[%swap3A_928, %swap3A_929, %swap3A_930, %swap3A_931], %swap3A_934 {strides = array<i32>} : memref<1x1x1024x2048xf32, #tpu.memory_space<vmem>>, vector<1x1x8x2048xf32>,
    %slice3A_935 = vector.extract_strided_slice %roll3A_902 {offsets = [0, 384], sizes = [8, 2048], strides = [1, 1]} : vector<8x3072xf32> to vector<8x2048xf32>
    %swap3A_936 = arith.constant 0 : index
    %swap3A_937 = arith.constant 0 : index
    %swap3A_938 = arith.constant 616 : index
    %swap3A_939 = arith.constant 0 : index
    %swap3A_940 = vector.load %arg3[%swap3A_936, %swap3A_937, %swap3A_938, %swap3A_939] : memref<1x1x1024x2048xf32, #tpu.memory_space<vmem>>, vector<1x1x8x2048xf32>
    %swap3A_941 = vector.shape_cast %swap3A_940 : vector<1x1x8x2048xf32> to vector<8x2048xf32>
    %swap3A_942 = vector.shape_cast %slice3A_935 : vector<8x2048xf32> to vector<1x1x8x2048xf32>
    tpu.vector_store %arg3[%swap3A_936, %swap3A_937, %swap3A_938, %swap3A_939], %swap3A_942 {strides = array<i32>} : memref<1x1x1024x2048xf32, #tpu.memory_space<vmem>>, vector<1x1x8x2048xf32>,
    %slice3A_943 = vector.extract_strided_slice %roll3A_902 {offsets = [0, 256], sizes = [8, 2048], strides = [1, 1]} : vector<8x3072xf32> to vector<8x2048xf32>
    %swap3A_944 = arith.constant 0 : index
    %swap3A_945 = arith.constant 0 : index
    %swap3A_946 = arith.constant 744 : index
    %swap3A_947 = arith.constant 0 : index
    %swap3A_948 = vector.load %arg3[%swap3A_944, %swap3A_945, %swap3A_946, %swap3A_947] : memref<1x1x1024x2048xf32, #tpu.memory_space<vmem>>, vector<1x1x8x2048xf32>
    %swap3A_949 = vector.shape_cast %swap3A_948 : vector<1x1x8x2048xf32> to vector<8x2048xf32>
    %swap3A_950 = vector.shape_cast %slice3A_943 : vector<8x2048xf32> to vector<1x1x8x2048xf32>
    tpu.vector_store %arg3[%swap3A_944, %swap3A_945, %swap3A_946, %swap3A_947], %swap3A_950 {strides = array<i32>} : memref<1x1x1024x2048xf32, #tpu.memory_space<vmem>>, vector<1x1x8x2048xf32>,
    %slice3A_951 = vector.extract_strided_slice %roll3A_902 {offsets = [0, 128], sizes = [8, 2048], strides = [1, 1]} : vector<8x3072xf32> to vector<8x2048xf32>
    %swap3A_952 = arith.constant 0 : index
    %swap3A_953 = arith.constant 0 : index
    %swap3A_954 = arith.constant 872 : index
    %swap3A_955 = arith.constant 0 : index
    %swap3A_956 = vector.load %arg3[%swap3A_952, %swap3A_953, %swap3A_954, %swap3A_955] : memref<1x1x1024x2048xf32, #tpu.memory_space<vmem>>, vector<1x1x8x2048xf32>
    %swap3A_957 = vector.shape_cast %swap3A_956 : vector<1x1x8x2048xf32> to vector<8x2048xf32>
    %swap3A_958 = vector.shape_cast %slice3A_951 : vector<8x2048xf32> to vector<1x1x8x2048xf32>
    tpu.vector_store %arg3[%swap3A_952, %swap3A_953, %swap3A_954, %swap3A_955], %swap3A_958 {strides = array<i32>} : memref<1x1x1024x2048xf32, #tpu.memory_space<vmem>>, vector<1x1x8x2048xf32>,
    %slice3A_959 = vector.extract_strided_slice %roll3A_902 {offsets = [0, 0], sizes = [8, 2048], strides = [1, 1]} : vector<8x3072xf32> to vector<8x2048xf32>
    %swap3A_960 = arith.constant 0 : index
    %swap3A_961 = arith.constant 0 : index
    %swap3A_962 = arith.constant 1000 : index
    %swap3A_963 = arith.constant 0 : index
    %swap3A_964 = vector.load %arg3[%swap3A_960, %swap3A_961, %swap3A_962, %swap3A_963] : memref<1x1x1024x2048xf32, #tpu.memory_space<vmem>>, vector<1x1x8x2048xf32>
    %swap3A_965 = vector.shape_cast %swap3A_964 : vector<1x1x8x2048xf32> to vector<8x2048xf32>
    %swap3A_966 = vector.shape_cast %slice3A_959 : vector<8x2048xf32> to vector<1x1x8x2048xf32>
    tpu.vector_store %arg3[%swap3A_960, %swap3A_961, %swap3A_962, %swap3A_963], %swap3A_966 {strides = array<i32>} : memref<1x1x1024x2048xf32, #tpu.memory_space<vmem>>, vector<1x1x8x2048xf32>,
    %roll3A_967 = arith.constant 3064 : i32
    %roll3A_968 = tpu.dynamic_rotate %select_n3A_44 by %roll3A_967 dim 1 : vector<8x3072xf32>, i32 -> vector<8x3072xf32>
    %slice3A_969 = vector.extract_strided_slice %roll3A_968 {offsets = [0, 896], sizes = [8, 2048], strides = [1, 1]} : vector<8x3072xf32> to vector<8x2048xf32>
    %swap3A_970 = arith.constant 0 : index
    %swap3A_971 = arith.constant 0 : index
    %swap3A_972 = arith.constant 112 : index
    %swap3A_973 = arith.constant 0 : index
    %swap3A_974 = vector.load %arg3[%swap3A_970, %swap3A_971, %swap3A_972, %swap3A_973] : memref<1x1x1024x2048xf32, #tpu.memory_space<vmem>>, vector<1x1x8x2048xf32>
    %swap3A_975 = vector.shape_cast %swap3A_974 : vector<1x1x8x2048xf32> to vector<8x2048xf32>
    %swap3A_976 = vector.shape_cast %slice3A_969 : vector<8x2048xf32> to vector<1x1x8x2048xf32>
    tpu.vector_store %arg3[%swap3A_970, %swap3A_971, %swap3A_972, %swap3A_973], %swap3A_976 {strides = array<i32>} : memref<1x1x1024x2048xf32, #tpu.memory_space<vmem>>, vector<1x1x8x2048xf32>,
    %slice3A_977 = vector.extract_strided_slice %roll3A_968 {offsets = [0, 768], sizes = [8, 2048], strides = [1, 1]} : vector<8x3072xf32> to vector<8x2048xf32>
    %swap3A_978 = arith.constant 0 : index
    %swap3A_979 = arith.constant 0 : index
    %swap3A_980 = arith.constant 240 : index
    %swap3A_981 = arith.constant 0 : index
    %swap3A_982 = vector.load %arg3[%swap3A_978, %swap3A_979, %swap3A_980, %swap3A_981] : memref<1x1x1024x2048xf32, #tpu.memory_space<vmem>>, vector<1x1x8x2048xf32>
    %swap3A_983 = vector.shape_cast %swap3A_982 : vector<1x1x8x2048xf32> to vector<8x2048xf32>
    %swap3A_984 = vector.shape_cast %slice3A_977 : vector<8x2048xf32> to vector<1x1x8x2048xf32>
    tpu.vector_store %arg3[%swap3A_978, %swap3A_979, %swap3A_980, %swap3A_981], %swap3A_984 {strides = array<i32>} : memref<1x1x1024x2048xf32, #tpu.memory_space<vmem>>, vector<1x1x8x2048xf32>,
    %slice3A_985 = vector.extract_strided_slice %roll3A_968 {offsets = [0, 640], sizes = [8, 2048], strides = [1, 1]} : vector<8x3072xf32> to vector<8x2048xf32>
    %swap3A_986 = arith.constant 0 : index
    %swap3A_987 = arith.constant 0 : index
    %swap3A_988 = arith.constant 368 : index
    %swap3A_989 = arith.constant 0 : index
    %swap3A_990 = vector.load %arg3[%swap3A_986, %swap3A_987, %swap3A_988, %swap3A_989] : memref<1x1x1024x2048xf32, #tpu.memory_space<vmem>>, vector<1x1x8x2048xf32>
    %swap3A_991 = vector.shape_cast %swap3A_990 : vector<1x1x8x2048xf32> to vector<8x2048xf32>
    %swap3A_992 = vector.shape_cast %slice3A_985 : vector<8x2048xf32> to vector<1x1x8x2048xf32>
    tpu.vector_store %arg3[%swap3A_986, %swap3A_987, %swap3A_988, %swap3A_989], %swap3A_992 {strides = array<i32>} : memref<1x1x1024x2048xf32, #tpu.memory_space<vmem>>, vector<1x1x8x2048xf32>,
    %slice3A_993 = vector.extract_strided_slice %roll3A_968 {offsets = [0, 512], sizes = [8, 2048], strides = [1, 1]} : vector<8x3072xf32> to vector<8x2048xf32>
    %swap3A_994 = arith.constant 0 : index
    %swap3A_995 = arith.constant 0 : index
    %swap3A_996 = arith.constant 496 : index
    %swap3A_997 = arith.constant 0 : index
    %swap3A_998 = vector.load %arg3[%swap3A_994, %swap3A_995, %swap3A_996, %swap3A_997] : memref<1x1x1024x2048xf32, #tpu.memory_space<vmem>>, vector<1x1x8x2048xf32>
    %swap3A_999 = vector.shape_cast %swap3A_998 : vector<1x1x8x2048xf32> to vector<8x2048xf32>
    %swap3A_1000 = vector.shape_cast %slice3A_993 : vector<8x2048xf32> to vector<1x1x8x2048xf32>
    tpu.vector_store %arg3[%swap3A_994, %swap3A_995, %swap3A_996, %swap3A_997], %swap3A_1000 {strides = array<i32>} : memref<1x1x1024x2048xf32, #tpu.memory_space<vmem>>, vector<1x1x8x2048xf32>,
    %slice3A_1001 = vector.extract_strided_slice %roll3A_968 {offsets = [0, 384], sizes = [8, 2048], strides = [1, 1]} : vector<8x3072xf32> to vector<8x2048xf32>
    %swap3A_1002 = arith.constant 0 : index
    %swap3A_1003 = arith.constant 0 : index
    %swap3A_1004 = arith.constant 624 : index
    %swap3A_1005 = arith.constant 0 : index
    %swap3A_1006 = vector.load %arg3[%swap3A_1002, %swap3A_1003, %swap3A_1004, %swap3A_1005] : memref<1x1x1024x2048xf32, #tpu.memory_space<vmem>>, vector<1x1x8x2048xf32>
    %swap3A_1007 = vector.shape_cast %swap3A_1006 : vector<1x1x8x2048xf32> to vector<8x2048xf32>
    %swap3A_1008 = vector.shape_cast %slice3A_1001 : vector<8x2048xf32> to vector<1x1x8x2048xf32>
    tpu.vector_store %arg3[%swap3A_1002, %swap3A_1003, %swap3A_1004, %swap3A_1005], %swap3A_1008 {strides = array<i32>} : memref<1x1x1024x2048xf32, #tpu.memory_space<vmem>>, vector<1x1x8x2048xf32>,
    %slice3A_1009 = vector.extract_strided_slice %roll3A_968 {offsets = [0, 256], sizes = [8, 2048], strides = [1, 1]} : vector<8x3072xf32> to vector<8x2048xf32>
    %swap3A_1010 = arith.constant 0 : index
    %swap3A_1011 = arith.constant 0 : index
    %swap3A_1012 = arith.constant 752 : index
    %swap3A_1013 = arith.constant 0 : index
    %swap3A_1014 = vector.load %arg3[%swap3A_1010, %swap3A_1011, %swap3A_1012, %swap3A_1013] : memref<1x1x1024x2048xf32, #tpu.memory_space<vmem>>, vector<1x1x8x2048xf32>
    %swap3A_1015 = vector.shape_cast %swap3A_1014 : vector<1x1x8x2048xf32> to vector<8x2048xf32>
    %swap3A_1016 = vector.shape_cast %slice3A_1009 : vector<8x2048xf32> to vector<1x1x8x2048xf32>
    tpu.vector_store %arg3[%swap3A_1010, %swap3A_1011, %swap3A_1012, %swap3A_1013], %swap3A_1016 {strides = array<i32>} : memref<1x1x1024x2048xf32, #tpu.memory_space<vmem>>, vector<1x1x8x2048xf32>,
    %slice3A_1017 = vector.extract_strided_slice %roll3A_968 {offsets = [0, 128], sizes = [8, 2048], strides = [1, 1]} : vector<8x3072xf32> to vector<8x2048xf32>
    %swap3A_1018 = arith.constant 0 : index
    %swap3A_1019 = arith.constant 0 : index
    %swap3A_1020 = arith.constant 880 : index
    %swap3A_1021 = arith.constant 0 : index
    %swap3A_1022 = vector.load %arg3[%swap3A_1018, %swap3A_1019, %swap3A_1020, %swap3A_1021] : memref<1x1x1024x2048xf32, #tpu.memory_space<vmem>>, vector<1x1x8x2048xf32>
    %swap3A_1023 = vector.shape_cast %swap3A_1022 : vector<1x1x8x2048xf32> to vector<8x2048xf32>
    %swap3A_1024 = vector.shape_cast %slice3A_1017 : vector<8x2048xf32> to vector<1x1x8x2048xf32>
    tpu.vector_store %arg3[%swap3A_1018, %swap3A_1019, %swap3A_1020, %swap3A_1021], %swap3A_1024 {strides = array<i32>} : memref<1x1x1024x2048xf32, #tpu.memory_space<vmem>>, vector<1x1x8x2048xf32>,
    %slice3A_1025 = vector.extract_strided_slice %roll3A_968 {offsets = [0, 0], sizes = [8, 2048], strides = [1, 1]} : vector<8x3072xf32> to vector<8x2048xf32>
    %swap3A_1026 = arith.constant 0 : index
    %swap3A_1027 = arith.constant 0 : index
    %swap3A_1028 = arith.constant 1008 : index
    %swap3A_1029 = arith.constant 0 : index
    %swap3A_1030 = vector.load %arg3[%swap3A_1026, %swap3A_1027, %swap3A_1028, %swap3A_1029] : memref<1x1x1024x2048xf32, #tpu.memory_space<vmem>>, vector<1x1x8x2048xf32>
    %swap3A_1031 = vector.shape_cast %swap3A_1030 : vector<1x1x8x2048xf32> to vector<8x2048xf32>
    %swap3A_1032 = vector.shape_cast %slice3A_1025 : vector<8x2048xf32> to vector<1x1x8x2048xf32>
    tpu.vector_store %arg3[%swap3A_1026, %swap3A_1027, %swap3A_1028, %swap3A_1029], %swap3A_1032 {strides = array<i32>} : memref<1x1x1024x2048xf32, #tpu.memory_space<vmem>>, vector<1x1x8x2048xf32>,
    %slice3A_1033 = vector.extract_strided_slice %select_n3A_44 {offsets = [0, 896], sizes = [8, 2048], strides = [1, 1]} : vector<8x3072xf32> to vector<8x2048xf32>
    %swap3A_1034 = arith.constant 0 : index
    %swap3A_1035 = arith.constant 0 : index
    %swap3A_1036 = arith.constant 120 : index
    %swap3A_1037 = arith.constant 0 : index
    %swap3A_1038 = vector.load %arg3[%swap3A_1034, %swap3A_1035, %swap3A_1036, %swap3A_1037] : memref<1x1x1024x2048xf32, #tpu.memory_space<vmem>>, vector<1x1x8x2048xf32>
    %swap3A_1039 = vector.shape_cast %swap3A_1038 : vector<1x1x8x2048xf32> to vector<8x2048xf32>
    %swap3A_1040 = vector.shape_cast %slice3A_1033 : vector<8x2048xf32> to vector<1x1x8x2048xf32>
    tpu.vector_store %arg3[%swap3A_1034, %swap3A_1035, %swap3A_1036, %swap3A_1037], %swap3A_1040 {strides = array<i32>} : memref<1x1x1024x2048xf32, #tpu.memory_space<vmem>>, vector<1x1x8x2048xf32>,
    %slice3A_1041 = vector.extract_strided_slice %select_n3A_44 {offsets = [0, 768], sizes = [8, 2048], strides = [1, 1]} : vector<8x3072xf32> to vector<8x2048xf32>
    %swap3A_1042 = arith.constant 0 : index
    %swap3A_1043 = arith.constant 0 : index
    %swap3A_1044 = arith.constant 248 : index
    %swap3A_1045 = arith.constant 0 : index
    %swap3A_1046 = vector.load %arg3[%swap3A_1042, %swap3A_1043, %swap3A_1044, %swap3A_1045] : memref<1x1x1024x2048xf32, #tpu.memory_space<vmem>>, vector<1x1x8x2048xf32>
    %swap3A_1047 = vector.shape_cast %swap3A_1046 : vector<1x1x8x2048xf32> to vector<8x2048xf32>
    %swap3A_1048 = vector.shape_cast %slice3A_1041 : vector<8x2048xf32> to vector<1x1x8x2048xf32>
    tpu.vector_store %arg3[%swap3A_1042, %swap3A_1043, %swap3A_1044, %swap3A_1045], %swap3A_1048 {strides = array<i32>} : memref<1x1x1024x2048xf32, #tpu.memory_space<vmem>>, vector<1x1x8x2048xf32>,
    %slice3A_1049 = vector.extract_strided_slice %select_n3A_44 {offsets = [0, 640], sizes = [8, 2048], strides = [1, 1]} : vector<8x3072xf32> to vector<8x2048xf32>
    %swap3A_1050 = arith.constant 0 : index
    %swap3A_1051 = arith.constant 0 : index
    %swap3A_1052 = arith.constant 376 : index
    %swap3A_1053 = arith.constant 0 : index
    %swap3A_1054 = vector.load %arg3[%swap3A_1050, %swap3A_1051, %swap3A_1052, %swap3A_1053] : memref<1x1x1024x2048xf32, #tpu.memory_space<vmem>>, vector<1x1x8x2048xf32>
    %swap3A_1055 = vector.shape_cast %swap3A_1054 : vector<1x1x8x2048xf32> to vector<8x2048xf32>
    %swap3A_1056 = vector.shape_cast %slice3A_1049 : vector<8x2048xf32> to vector<1x1x8x2048xf32>
    tpu.vector_store %arg3[%swap3A_1050, %swap3A_1051, %swap3A_1052, %swap3A_1053], %swap3A_1056 {strides = array<i32>} : memref<1x1x1024x2048xf32, #tpu.memory_space<vmem>>, vector<1x1x8x2048xf32>,
    %slice3A_1057 = vector.extract_strided_slice %select_n3A_44 {offsets = [0, 512], sizes = [8, 2048], strides = [1, 1]} : vector<8x3072xf32> to vector<8x2048xf32>
    %swap3A_1058 = arith.constant 0 : index
    %swap3A_1059 = arith.constant 0 : index
    %swap3A_1060 = arith.constant 504 : index
    %swap3A_1061 = arith.constant 0 : index
    %swap3A_1062 = vector.load %arg3[%swap3A_1058, %swap3A_1059, %swap3A_1060, %swap3A_1061] : memref<1x1x1024x2048xf32, #tpu.memory_space<vmem>>, vector<1x1x8x2048xf32>
    %swap3A_1063 = vector.shape_cast %swap3A_1062 : vector<1x1x8x2048xf32> to vector<8x2048xf32>
    %swap3A_1064 = vector.shape_cast %slice3A_1057 : vector<8x2048xf32> to vector<1x1x8x2048xf32>
    tpu.vector_store %arg3[%swap3A_1058, %swap3A_1059, %swap3A_1060, %swap3A_1061], %swap3A_1064 {strides = array<i32>} : memref<1x1x1024x2048xf32, #tpu.memory_space<vmem>>, vector<1x1x8x2048xf32>,
    %slice3A_1065 = vector.extract_strided_slice %select_n3A_44 {offsets = [0, 384], sizes = [8, 2048], strides = [1, 1]} : vector<8x3072xf32> to vector<8x2048xf32>
    %swap3A_1066 = arith.constant 0 : index
    %swap3A_1067 = arith.constant 0 : index
    %swap3A_1068 = arith.constant 632 : index
    %swap3A_1069 = arith.constant 0 : index
    %swap3A_1070 = vector.load %arg3[%swap3A_1066, %swap3A_1067, %swap3A_1068, %swap3A_1069] : memref<1x1x1024x2048xf32, #tpu.memory_space<vmem>>, vector<1x1x8x2048xf32>
    %swap3A_1071 = vector.shape_cast %swap3A_1070 : vector<1x1x8x2048xf32> to vector<8x2048xf32>
    %swap3A_1072 = vector.shape_cast %slice3A_1065 : vector<8x2048xf32> to vector<1x1x8x2048xf32>
    tpu.vector_store %arg3[%swap3A_1066, %swap3A_1067, %swap3A_1068, %swap3A_1069], %swap3A_1072 {strides = array<i32>} : memref<1x1x1024x2048xf32, #tpu.memory_space<vmem>>, vector<1x1x8x2048xf32>,
    %slice3A_1073 = vector.extract_strided_slice %select_n3A_44 {offsets = [0, 256], sizes = [8, 2048], strides = [1, 1]} : vector<8x3072xf32> to vector<8x2048xf32>
    %swap3A_1074 = arith.constant 0 : index
    %swap3A_1075 = arith.constant 0 : index
    %swap3A_1076 = arith.constant 760 : index
    %swap3A_1077 = arith.constant 0 : index
    %swap3A_1078 = vector.load %arg3[%swap3A_1074, %swap3A_1075, %swap3A_1076, %swap3A_1077] : memref<1x1x1024x2048xf32, #tpu.memory_space<vmem>>, vector<1x1x8x2048xf32>
    %swap3A_1079 = vector.shape_cast %swap3A_1078 : vector<1x1x8x2048xf32> to vector<8x2048xf32>
    %swap3A_1080 = vector.shape_cast %slice3A_1073 : vector<8x2048xf32> to vector<1x1x8x2048xf32>
    tpu.vector_store %arg3[%swap3A_1074, %swap3A_1075, %swap3A_1076, %swap3A_1077], %swap3A_1080 {strides = array<i32>} : memref<1x1x1024x2048xf32, #tpu.memory_space<vmem>>, vector<1x1x8x2048xf32>,
    %slice3A_1081 = vector.extract_strided_slice %select_n3A_44 {offsets = [0, 128], sizes = [8, 2048], strides = [1, 1]} : vector<8x3072xf32> to vector<8x2048xf32>
    %swap3A_1082 = arith.constant 0 : index
    %swap3A_1083 = arith.constant 0 : index
    %swap3A_1084 = arith.constant 888 : index
    %swap3A_1085 = arith.constant 0 : index
    %swap3A_1086 = vector.load %arg3[%swap3A_1082, %swap3A_1083, %swap3A_1084, %swap3A_1085] : memref<1x1x1024x2048xf32, #tpu.memory_space<vmem>>, vector<1x1x8x2048xf32>
    %swap3A_1087 = vector.shape_cast %swap3A_1086 : vector<1x1x8x2048xf32> to vector<8x2048xf32>
    %swap3A_1088 = vector.shape_cast %slice3A_1081 : vector<8x2048xf32> to vector<1x1x8x2048xf32>
    tpu.vector_store %arg3[%swap3A_1082, %swap3A_1083, %swap3A_1084, %swap3A_1085], %swap3A_1088 {strides = array<i32>} : memref<1x1x1024x2048xf32, #tpu.memory_space<vmem>>, vector<1x1x8x2048xf32>,
    %slice3A_1089 = vector.extract_strided_slice %select_n3A_44 {offsets = [0, 0], sizes = [8, 2048], strides = [1, 1]} : vector<8x3072xf32> to vector<8x2048xf32>
    %swap3A_1090 = arith.constant 0 : index
    %swap3A_1091 = arith.constant 0 : index
    %swap3A_1092 = arith.constant 1016 : index
    %swap3A_1093 = arith.constant 0 : index
    %swap3A_1094 = vector.load %arg3[%swap3A_1090, %swap3A_1091, %swap3A_1092, %swap3A_1093] : memref<1x1x1024x2048xf32, #tpu.memory_space<vmem>>, vector<1x1x8x2048xf32>
    %swap3A_1095 = vector.shape_cast %swap3A_1094 : vector<1x1x8x2048xf32> to vector<8x2048xf32>
    %swap3A_1096 = vector.shape_cast %slice3A_1089 : vector<8x2048xf32> to vector<1x1x8x2048xf32>
    tpu.vector_store %arg3[%swap3A_1090, %swap3A_1091, %swap3A_1092, %swap3A_1093], %swap3A_1096 {strides = array<i32>} : memref<1x1x1024x2048xf32, #tpu.memory_space<vmem>>, vector<1x1x8x2048xf32>,
    return
  }
  func.func @transform_0(%arg0: i32, %arg1: i32) -> (i32, i32, i32, i32) {
    %c0_i32 = arith.constant 0 : i32
    %c0_i32_0 = arith.constant 0 : i32
    %c0_i32_1 = arith.constant 0 : i32
    return %arg1, %arg0, %c0_i32, %c0_i32_0 : i32, i32, i32, i32
  }
  func.func @transform_1(%arg0: i32, %arg1: i32) -> (i32, i32, i32, i32) {
    %c0_i32 = arith.constant 0 : i32
    %c0_i32_0 = arith.constant 0 : i32
    %c0_i32_1 = arith.constant 0 : i32
    return %c0_i32, %arg0, %arg1, %c0_i32_0 : i32, i32, i32, i32
  }
}

</mosaic_0001>

<sc_bundles>
// kernel: kernel.4.cloned.1.call-start
scs
__scs_entry_jumppad:
0x0: {  	(pc) =	sbr.rel $0x88, $3  }
0x1: {  	(tag) =	ssettag $0x0;
	lr =	simm.s32 $0x1  }
0x2: {  	[smem:$0x3FA0] =	sst lr;
	_ =	strace $0xD0000000  }
0x3: {  	_ = 	snop  }
0x4: {  	_ = 	snop  }
0x5: {  	_ = 	snop  }
0x6: {  	_ = 	snop  }
0x7: {  	_ = 	snop  }
__scs_overlays_trampoline_lowered:
0x8: {  	[smem:$0x3FAF] =	sst s0  }
0x9: {  	[smem:$0x3FB0] =	sst s1  }
0xa: {  	[smem:$0x3FB1] =	sst s2  }
0xb: {  	[smem:$0x3FB2] =	sst s3  }
0xc: {  	[smem:$0x3FB3] =	sst s4  }
0xd: {  	[smem:$0x3FB4] =	sst s5  }
0xe: {  	[smem:$0x3FB5] =	sst s6  }
0xf: {  	[smem:$0x3FB6] =	sst s7  }
0x10: {  	[smem:$0x3FB7] =	sst s8  }
0x11: {  	[smem:$0x3FB8] =	sst s9;
	s0 =	simm.s32 @!p0 $0x0  }
0x12: {  	s1 =	sld [smem:$0x3F9E];
	s0 =	simm.s32 @p0 $0x1  }
0x13: {  	[smem:$0x3FB9] =	sst s0;
	s0 =	simm.s32 @!p1 $0x0  }
0x14: {  	s2 =	sld [smem:$0x3F9D];
	s0 =	simm.s32 @p1 $0x1  }
0x15: {  	[smem:$0x3FBA] =	sst s0;
	s0 =	simm.s32 @!p2 $0x0  }
0x16: {  	s3 =	sld [smem:$0x3FDB];
	s0 =	simm.s32 @p2 $0x1  }
0x17: {  	s4 =	simm.s32 $0x1BF5;
	[smem:$0x3FBC] =	sst s0  }
0x18: {  	s0 =	sld [smem:$0x3F9F];
	_ =	swait.ge [sflag:s4], $0x0  }
0x19: {  	s7 =	sld [smem:$0x3FA0]  }
0x1a: {  	s8 =	sadd.s32 $0xFFFFE003, lr  }
0x1b: {  	s9 =	sadd.s32 $0xFFFFFEF7, lr;
	s5 =	simm.s32 $0xFFFFFFFF;
	p2 =	slt.u32 s8, $0xFFFFF086  }
0x1c: {  	p1 =	slt.u32 s9, $0xF7A;
	s5 =	simm.s32 @!p2 $0x0  }
0x1d: {  	s5 =	simm.s32 @p1 $0x1;
	p0 =	seq.s32 s7, s2  }
0x1e: {  	s7 =	smul.u32 @!p0 $0xF7A, s2;
	p2 =	seq.s32 @!p0 s5, $0x0  }
0x1f: {  	s9 =	smul.u32 $0xF7A, s1;
	s8 =	simm.s32 @!p0 $0x1BF5;
	p2 =	por !p2, p0  }
0x20: {  	[sflag:s8] =	ssyncset.s32 @!p0 $0xFFFFF086;
	s6 =	sadd.s32 @!p0 s3, s7;
	s7 =	simm.s32 @!p0 $0x108  }
0x21: {  	s3 =	sadd.s32 s3, s9;
	s6 =	sadd.s32 @!p0 $0x88, s6;
	s7 =	simm.s32 @p2 $0x1082  }
0x22: {  	[simem:s7], [sflag:s8] =	dma.local @!p0 [hbm:s6], $0xF7A  }
0x23: {  	s9 =	sor.u32 $0xD0000000, s2;
	s6 =	simm.s32 $0x108;
	_ =	swait.ge @!p0 [sflag:s8], $0x0  }
0x24: {  	s3 =	sadd.s32 $0x88, s3;
	s6 =	simm.s32 @!p1 $0x1082;
	[sflag:s4] =	ssyncset.s32 $0xFFFFF086  }
0x25: {  	[simem:s6], [sflag:s4] =	dma.local [hbm:s3], $0xF7A  }
0x26: {  	[smem:$0x3FA0] =	sst s1;
	(tag) =	ssettag s2;
	_ =	strace s9  }
0x27: {  	s1 =	sld [smem:$0x3FB0]  }
0x28: {  	s2 =	sld [smem:$0x3FB1]  }
0x29: {  	s4 =	sld [smem:$0x3FB3]  }
0x2a: {  	p0 =	seq.s32 s5, $0x0;
	s5 =	sld [smem:$0x3FB4]  }
0x2b: {  	s6 =	sld [smem:$0x3FB5]  }
0x2c: {  	s7 =	sld [smem:$0x3FB6]  }
0x2d: {  	s3 =	simm.s32 $0x108;
	s8 =	sld [smem:$0x3FB7]  }
0x2e: {  	s3 =	simm.s32 @!p0 $0x1082;
	s9 =	sld [smem:$0x3FB8]  }
0x2f: {  	lr =	sadd.s32 s0, s3;
	s0 =	sld [smem:$0x3FAF]  }
0x30: {  	s3 =	sld [smem:$0x3FB2]  }
0x31: {  	[smem:$0x3FBB] =	sst s10  }
0x32: {  	s10 =	sld [smem:$0x3FB9];
	_ =	sdelay $0x3  }
0x33: {  	p0 =	seq.s32 s10, $0x1;
	s10 =	sld [smem:$0x3FBB];
	_ =	sdelay $0x3  }
0x34: {  	[smem:$0x3FBB] =	sst s10  }
0x35: {  	s10 =	sld [smem:$0x3FBA];
	_ =	sdelay $0x3  }
0x36: {  	p1 =	seq.s32 s10, $0x1;
	s10 =	sld [smem:$0x3FBB];
	_ =	sdelay $0x3  }
0x37: {  	[smem:$0x3FBB] =	sst s10  }
0x38: {  	s10 =	sld [smem:$0x3FBC]  }
0x39: {  	_ = 	snop;
	(pc) =	sbr.ind lr, $3  }
0x3a: {  	_ = 	snop  }
0x3b: {  	_ = 	snop  }
0x3c: {  	p2 =	seq.s32 s10, $0x1;
	s10 =	sld [smem:$0x3FBB]  }
0x3d: {  	_ =	shalt  }
0x3e: {  	_ =	shalt  }
0x3f: {  	_ =	shalt  }
0x40: {  	_ =	shalt  }
0x41: {  	_ =	shalt  }
0x42: {  	_ =	shalt  }
0x43: {  	_ =	shalt  }
0x44: {  	_ =	shalt  }
0x45: {  	_ =	shalt  }
0x46: {  	_ =	shalt  }
0x47: {  	_ =	shalt  }
0x48: {  	_ =	shalt  }
0x49: {  	_ =	shalt  }
0x4a: {  	_ =	shalt  }
0x4b: {  	_ =	shalt  }
0x4c: {  	_ =	shalt  }
0x4d: {  	_ =	shalt  }
0x4e: {  	_ =	shalt  }
0x4f: {  	_ =	shalt  }
0x50: {  	_ =	shalt  }
0x51: {  	_ =	shalt  }
0x52: {  	_ =	shalt  }
0x53: {  	_ =	shalt  }
0x54: {  	_ =	shalt  }
0x55: {  	_ =	shalt  }
0x56: {  	_ =	shalt  }
0x57: {  	_ =	shalt  }
0x58: {  	_ =	shalt  }
0x59: {  	_ =	shalt  }
0x5a: {  	_ =	shalt  }
0x5b: {  	_ =	shalt  }
0x5c: {  	_ =	shalt  }
0x5d: {  	_ =	shalt  }
0x5e: {  	_ =	shalt  }
0x5f: {  	_ =	shalt  }
0x60: {  	_ =	shalt  }
0x61: {  	_ =	shalt  }
0x62: {  	_ =	shalt  }
0x63: {  	_ =	shalt  }
0x64: {  	_ =	shalt  }
0x65: {  	_ =	shalt  }
0x66: {  	_ =	shalt  }
0x67: {  	_ =	shalt  }
0x68: {  	_ =	shalt  }
0x69: {  	_ =	shalt  }
0x6a: {  	_ =	shalt  }
0x6b: {  	_ =	shalt  }
0x6c: {  	_ =	shalt  }
0x6d: {  	_ =	shalt  }
0x6e: {  	_ =	shalt  }
0x6f: {  	_ =	shalt  }
0x70: {  	_ =	shalt  }
0x71: {  	_ =	shalt  }
0x72: {  	_ =	shalt  }
0x73: {  	_ =	shalt  }
0x74: {  	_ =	shalt  }
0x75: {  	_ =	shalt  }
0x76: {  	_ =	shalt  }
0x77: {  	_ =	shalt  }
0x78: {  	_ =	shalt  }
0x79: {  	_ =	shalt  }
0x7a: {  	_ =	shalt  }
0x7b: {  	_ =	shalt  }
0x7c: {  	_ =	shalt  }
0x7d: {  	_ =	shalt  }
0x7e: {  	_ =	shalt  }
0x7f: {  	_ =	shalt  }
0x80: {  	_ =	shalt  }
0x81: {  	_ =	shalt  }
0x82: {  	_ =	shalt  }
0x83: {  	_ =	shalt  }
0x84: {  	_ =	shalt  }
0x85: {  	_ =	shalt  }
0x86: {  	_ =	shalt  }
0x87: {  	_ =	shalt  }
.Lfunc_end0:
.L_simem_size_0:
called_computation_lowered:
.L_overlay_start_0:
0x88: {  	s2 =	sld [smem:$0x3FD9]  }
0x89: {  	s3 =	sld [smem:$0x3FFE];
	_ =	sdelay $0x1  }
0x8a: {  	s1 =	srdreg.scid  }
0x8b: {  	s0 =	sand.u32 $0x1, s1  }
0x8c: {  	s17 =	sshll.u32 s0, $0xA;
	s2 =	sadd.s32 s3, s2  }
0x8d: {  	s2 =	sadd.s32 s2, s17  }
0x8e: {  	[smem:$0x3FC7] =	sst s2  }
0x8f: {  	_ = 	snop  }
0x90: {  	s2 =	sld [smem:$0x3FD0];
	(tm) =	ssettm $0x1  }
0x91: {  	s18 =	sld [smem:$0x3FFB];
	_ =	sdelay $0x3  }
0x92: {  	_ =	strace s18  }
0x93: {  	s3 =	sld [smem:$0x3FFC];
	_ =	sdelay $0x3  }
0x94: {  	_ =	strace s3  }
0x95: {  	s3 =	sld [smem:$0x3FFD];
	_ =	sdelay $0x3  }
0x96: {  	_ =	strace s3  }
0x97: {  	_ =	strace $0x8FFFFFFF  }
0x98: {  	s19 =	sld [smem:$0x3FDB];
	_ =	sdelay $0x1  }
0x99: {  	s4 =	simm.s32 $_scs_section_size  }
0x9a: {  	s5 =	simm.s32 $_size__tile_overlayer_lowered;
	s6 =	simm.s32 $_tile_overlayer_lowered  }
0x9b: {  	s22 =	simm.s32 $0x1BFF;
	s21 =	sshll.u32 s6, $0x1;
	s3 =	sadd.s32 s4, s19  }
0x9c: {  	s7 =	simm.s32 $0x0;
	s20 =	sshll.u32 s5, $0x1;
	s5 =	sadd.s32 s21, s3  }
0x9d: {  	[timem:s7], [sflag:s22] =	dma.local [hbm:s5], s20  }
0x9e: {  	_ =	swait.ge [sflag:s22], s20  }
0x9f: {  	s4 =	ssub.s32 $0x0, s20;
	[sflag:s22] =	ssyncset.done $0x0  }
0xa0: {  	[sflag:s22] =	ssyncadd.s32 s4;
	_ =	sdelay $0x1  }
0xa1: {  	s23 =	simm.s32 $0x1B8B  }
0xa2: {  	_ =	swait.ge [sflag:s23], $0x1  }
0xa3: {  	[sflag:s23] =	ssyncset.done $0x0  }
0xa4: {  	s25 =	simm.s32 $0x1B8E;
	s24 =	sld [smem:$0x3FFE];
	[sflag:s23] =	ssyncadd.s32 $0xFFFFFFFF  }
0xa5: {  	s26 =	simm.s32 $execute0_lowered;
	[smem:$0x3FD2] =	sst s25  }
0xa6: {  	s5 =	sshll.u32 s26, $0x1;
	_ =	strace $0x80000046;
	[dreg:$0x1] =	wrdreg $0xFFFFFFFF  }
0xa7: {  	s28 =	simm.s32 $_size_execute0_lowered;
	s3 =	sadd.s32 s3, s5;
	[dreg:$0x0] =	wrdreg $0x0  }
0xa8: {  	s5 =	sshll.u32 s28, $0x1;
	[dreg:$0x2] =	wrdreg s3  }
0xa9: {  	[dreg:$0x3] =	wrdreg s5  }
0xaa: {  	[dreg:$0x4] =	wrdreg $0xC0  }
0xab: {  	_ =	task [dreg:s7], $0x5FFFF  }
0xac: {  	[dreg:$0x1] =	wrdreg $0xFFFFFFFF  }
0xad: {  	[dreg:$0x0] =	wrdreg $0x60  }
0xae: {  	[dreg:$0x2] =	wrdreg s24  }
0xaf: {  	[dreg:$0x3] =	wrdreg s2  }
0xb0: {  	[dreg:$0x4] =	wrdreg $0x9  }
0xb1: {  	_ =	task.clear_ibuf [dreg:s7], $0x5FFFF;
	_ =	strace $0x90000046  }
0xb2: {  	s29 =	simm.s32 $0x9;
	_ =	strace $0x80000048  }
0xb3: {  	_ =	swait.ge [sflag:s29], $0x1  }
0xb4: {  	[sflag:s29] =	ssyncadd.s32 $0xFFFFFFFF  }
0xb5: {  	_ =	strace $0x90000048  }
0xb6: {  	_ =	sfence  }
0xb7: {  	s30 =	sld [smem:$0x0];
	_ =	sdelay $0x2  }
0xb8: {  	s31 =	sshll.u32 s1, $0xD;
	s1 =	sshrl.u32 s1, $0x2  }
0xb9: {  	s3 =	sand.u32 $0x4000, s31;
	s1 =	sadd.s32 s1, s30  }
0xba: {  	s0 =	sor.u32 s3, s0;
	s1 =	sshll.u32 s1, $0x11  }
0xbb: {  	s0 =	sor.u32 s1, s0  }
0xbc: {  	s0 =	sadd.s32 $0x8F2B, s0  }
0xbd: {  	[sflag:s0] =	ssyncadd.remote.s32 $0x1  }
0xbe: {  	_ =	sfence.sel $0xFFFF  }
0xbf: {  	[dreg:$0x0] =	wrdreg $0xFFFFFFFF;
	(pc) =	sbr.abs _section_cstart, $3  }
0xc0: {  	[dreg:$0x1] =	wrdreg $0xFFFFFFFF  }
0xc1: {  	_ =	task.clear_ibuf [dreg:s7], $0x2FFFF;
	_ =	strace $0x9FFFFFFF  }
0xc2: {  	(tm) =	ssettm $0x7FFFFFFF  }
0xc3: {  	_ =	shalt  }
tec
execute0_lowered:
.L_overlay_start_1:
0x0: {  	(tag) =	ssettag $0x1  }
0x1: {  	s0 =	stileid.u32  }
0x2: {  	v0 =	vlaneseq.u32;
	s1 =	sshrl.u32 s0, $0x3  }
0x3: {  	v37 =	vmul.u32 $0xFFFFFFFF, v0;
	s3 =	sshll.u32 s1, $0xA  }
0x4: {  	s2 =	sor.u32 $0x5F, s3  }
0x5: {  	v36 =	vimm.s32 $0x8;
	v35 =	vimm.s32 $0x0;
	s16 =	sadd.s32 $0xFFFFFF3F, s3;
	s17 =	sadd.s32 $0xFFFFFF2F, s3;
	s18 =	sadd.s32 $0xFFFFFF1F, s3;
	v1 =	vadd.s32 s2, v37  }
0x6: {  	s19 =	sadd.s32 $0xFFFFFF0F, s3;
	s20 =	sadd.s32 $0xFFFFFEFF, s3;
	s21 =	sadd.s32 $0xFFFFFEEF, s3;
	v21 =	vmov s16;
	v22 =	vmov s17;
	v23 =	vmov s18  }
0x7: {  	s22 =	sadd.s32 $0xFFFFFEDF, s3;
	s23 =	sadd.s32 $0xFFFFFECF, s3;
	v24 =	vmov s19;
	v25 =	vmov s20;
	v26 =	vmov s21  }
0x8: {  	s26 =	srdreg.scid;
	s24 =	sadd.s32 $0xFFFFFEBF, s3;
	s25 =	sadd.s32 $0xFFFFFEAF, s3;
	v27 =	vmov s22;
	v28 =	vmov s23;
	v2 =	vsub.s32 $0x0, v1  }
0x9: {  	s2 =	sand.u32 $0x1, s26;
	v29 =	vmov s24;
	s26 =	sadd.s32 $0xFFFFFE9F, s3;
	v30 =	vmov s25;
	v2 =	vmin.u32 v1, v2  }
0xa: {  	v31 =	vmov s26;
	vm0 =	vgt.s32 v2, $0xB;
	vm1 =	vgt.s32 v2, $0xF  }
0xb: {  	v3 =	vsel vm0, $0x9, v36;
	v4 =	vsel vm1, $0x1, v35;
	vm0 =	vgt.s32 v2, $0x16  }
0xc: {  	v3 =	vadd.s32 v4, v3;
	v4 =	vsel vm0, $0x1, v35;
	vm0 =	vgt.s32 v2, $0x1F  }
0xd: {  	v3 =	vadd.s32 v4, v3;
	v4 =	vsel vm0, $0x1, v35;
	vm0 =	vgt.s32 v2, $0x2D  }
0xe: {  	v3 =	vadd.s32 v4, v3;
	v4 =	vsel vm0, $0x1, v35;
	vm0 =	vgt.s32 v2, $0x3F  }
0xf: {  	s16 =	sadd.s32 $0xFFFFFDDF, s3;
	v3 =	vadd.s32 v4, v3;
	v4 =	vsel vm0, $0x1, v35;
	vm0 =	vgt.s32 v2, $0x5A  }
0x10: {  	s4 =	sshll.u32 s0, $0x1;
	v46 =	vmov s16;
	v3 =	vadd.s32 v4, v3;
	v4 =	vsel vm0, $0x1, v35  }
0x11: {  	s4 =	sand.u32 $0xE, s4;
	s17 =	sadd.s32 $0xFFFFFDCF, s3;
	v1 =	vshrl.u32 v1, $0x1B;
	vm0 =	vlt.s32 v2, $0x8;
	v3 =	vadd.s32 v4, v3  }
0x12: {  	s5 =	sor.u32 $0x4F, s3;
	s4 =	sor.u32 s2, s4;
	v47 =	vmov s17;
	v1 =	vand.u32 $0x10, v1;
	v2 =	vsel vm0, v2, v3  }
0x13: {  	v4 =	vadd.s32 s5, v37;
	v3 =	vmov s4;
	v2 =	vadd.s32 v1, v2  }
0x14: {  	v6 =	vsub.s32 $0x0, v4;
	v41 =	vor.u32 $0x780, v3;
	v5 =	vshll.u32 v2, $0x7  }
0x15: {  	v2 =	vor.u32 $0xF80, v3;
	v3 =	vor.u32 s4, v5;
	v5 =	vmin.u32 v4, v6  }
0x16: {  	v4 =	vshrl.u32 v4, $0x1B;
	vm0 =	vgt.s32 v5, $0xB;
	vm1 =	vgt.s32 v5, $0xF  }
0x17: {  	v6 =	vsel vm0, $0x9, v36;
	v7 =	vsel vm1, $0x1, v35;
	vm0 =	vgt.s32 v5, $0x16  }
0x18: {  	v6 =	vadd.s32 v7, v6;
	v7 =	vsel vm0, $0x1, v35;
	vm0 =	vgt.s32 v5, $0x1F  }
0x19: {  	v6 =	vadd.s32 v7, v6;
	v7 =	vsel vm0, $0x1, v35;
	vm0 =	vgt.s32 v5, $0x2D  }
0x1a: {  	s28 =	sor.u32 $0x3F, s3;
	v4 =	vand.u32 $0x10, v4;
	v6 =	vadd.s32 v7, v6;
	v7 =	vsel vm0, $0x1, v35  }
0x1b: {  	vm0 =	vgt.s32 v5, $0x3F;
	v6 =	vadd.s32 v7, v6;
	v7 =	vadd.s32 s28, v37  }
0x1c: {  	v8 =	vsel vm0, $0x1, v35;
	vm0 =	vgt.s32 v5, $0x5A;
	v9 =	vsub.s32 $0x0, v7  }
0x1d: {  	v6 =	vadd.s32 v8, v6;
	v8 =	vsel vm0, $0x1, v35;
	v9 =	vmin.u32 v7, v9  }
0x1e: {  	v6 =	vadd.s32 v8, v6;
	vm0 =	vgt.s32 v9, $0xB;
	vm1 =	vgt.s32 v9, $0xF  }
0x1f: {  	v8 =	vsel vm0, $0x9, v36;
	v10 =	vsel vm1, $0x1, v35;
	vm0 =	vgt.s32 v9, $0x16  }
0x20: {  	v8 =	vadd.s32 v10, v8;
	v10 =	vsel vm0, $0x1, v35;
	vm0 =	vgt.s32 v9, $0x1F  }
0x21: {  	v8 =	vadd.s32 v10, v8;
	v10 =	vsel vm0, $0x1, v35;
	vm0 =	vgt.s32 v9, $0x2D  }
0x22: {  	v8 =	vadd.s32 v10, v8;
	v10 =	vsel vm0, $0x1, v35;
	vm0 =	vgt.s32 v9, $0x3F  }
0x23: {  	v8 =	vadd.s32 v10, v8;
	v10 =	vsel vm0, $0x1, v35;
	vm0 =	vgt.s32 v9, $0x5A  }
0x24: {  	v7 =	vshrl.u32 v7, $0x1B;
	v8 =	vadd.s32 v10, v8;
	v10 =	vsel vm0, $0x1, v35  }
0x25: {  	vm1 =	vlt.s32 v5, $0x8;
	vm0 =	vlt.s32 v9, $0x8;
	v8 =	vadd.s32 v10, v8  }
0x26: {  	s29 =	sor.u32 $0x2F, s3;
	v5 =	vsel vm1, v5, v6;
	v6 =	vand.u32 $0x10, v7;
	v7 =	vsel vm0, v9, v8  }
0x27: {  	s18 =	sadd.s32 $0xFFFFFC4F, s3;
	s19 =	sadd.s32 $0xFFFFFC3F, s3;
	v4 =	vadd.s32 v4, v5;
	v5 =	vadd.s32 v6, v7;
	v6 =	vadd.s32 s29, v37  }
0x28: {  	v52 =	vadd.s32 s18, v37;
	v53 =	vadd.s32 s19, v37;
	v7 =	vsub.s32 $0x0, v6  }
0x29: {  	v63 =	vsub.s32 $0x0, v52;
	vm6 =	vlt.s32 v47, v0;
	v7 =	vmin.u32 v6, v7  }
0x2a: {  	v6 =	vshrl.u32 v6, $0x1B;
	vm0 =	vgt.s32 v7, $0xB;
	vm1 =	vgt.s32 v7, $0xF  }
0x2b: {  	v8 =	vsel vm0, $0x9, v36;
	v9 =	vsel vm1, $0x1, v35;
	vm0 =	vgt.s32 v7, $0x16  }
0x2c: {  	v8 =	vadd.s32 v9, v8;
	v9 =	vsel vm0, $0x1, v35;
	vm0 =	vgt.s32 v7, $0x1F  }
0x2d: {  	v8 =	vadd.s32 v9, v8;
	v9 =	vsel vm0, $0x1, v35;
	vm0 =	vgt.s32 v7, $0x2D  }
0x2e: {  	s30 =	sor.u32 $0x1F, s3;
	v6 =	vand.u32 $0x10, v6;
	v8 =	vadd.s32 v9, v8;
	v9 =	vsel vm0, $0x1, v35  }
0x2f: {  	vm0 =	vgt.s32 v7, $0x3F;
	v8 =	vadd.s32 v9, v8;
	v9 =	vadd.s32 s30, v37  }
0x30: {  	v10 =	vsel vm0, $0x1, v35;
	vm0 =	vgt.s32 v7, $0x5A;
	v11 =	vsub.s32 $0x0, v9  }
0x31: {  	v8 =	vadd.s32 v10, v8;
	v10 =	vsel vm0, $0x1, v35;
	v11 =	vmin.u32 v9, v11  }
0x32: {  	v8 =	vadd.s32 v10, v8;
	vm0 =	vgt.s32 v11, $0xB;
	vm1 =	vgt.s32 v11, $0xF  }
0x33: {  	v10 =	vsel vm0, $0x9, v36;
	v12 =	vsel vm1, $0x1, v35;
	vm0 =	vgt.s32 v11, $0x16  }
0x34: {  	v10 =	vadd.s32 v12, v10;
	v12 =	vsel vm0, $0x1, v35;
	vm0 =	vgt.s32 v11, $0x1F  }
0x35: {  	v10 =	vadd.s32 v12, v10;
	v12 =	vsel vm0, $0x1, v35;
	vm0 =	vgt.s32 v11, $0x2D  }
0x36: {  	v10 =	vadd.s32 v12, v10;
	v12 =	vsel vm0, $0x1, v35;
	vm0 =	vgt.s32 v11, $0x3F  }
0x37: {  	v10 =	vadd.s32 v12, v10;
	v12 =	vsel vm0, $0x1, v35;
	vm0 =	vgt.s32 v11, $0x5A  }
0x38: {  	v9 =	vshrl.u32 v9, $0x1B;
	v10 =	vadd.s32 v12, v10;
	v12 =	vsel vm0, $0x1, v35  }
0x39: {  	vm1 =	vlt.s32 v7, $0x8;
	vm0 =	vlt.s32 v11, $0x8;
	v10 =	vadd.s32 v12, v10  }
0x3a: {  	s31 =	sor.u32 $0xF, s3;
	v7 =	vsel vm1, v7, v8;
	v8 =	vand.u32 $0x10, v9;
	v9 =	vsel vm0, v11, v10  }
0x3b: {  	v6 =	vadd.s32 v6, v7;
	v7 =	vadd.s32 v8, v9;
	v8 =	vadd.s32 s31, v37  }
0x3c: {  	v40 =	vmin.u32 v52, v63;
	v52 =	vshrl.u32 v52, $0x1B;
	v9 =	vsub.s32 $0x0, v8  }
0x3d: {  	vm7 =	vlt.s32 v46, v0;
	v52 =	vand.u32 $0x10, v52;
	v9 =	vmin.u32 v8, v9  }
0x3e: {  	v8 =	vshrl.u32 v8, $0x1B;
	vm0 =	vgt.s32 v9, $0xB;
	vm1 =	vgt.s32 v9, $0xF  }
0x3f: {  	v10 =	vsel vm0, $0x9, v36;
	v11 =	vsel vm1, $0x1, v35;
	vm0 =	vgt.s32 v9, $0x16  }
0x40: {  	v10 =	vadd.s32 v11, v10;
	v11 =	vsel vm0, $0x1, v35;
	vm0 =	vgt.s32 v9, $0x1F  }
0x41: {  	v10 =	vadd.s32 v11, v10;
	v11 =	vsel vm0, $0x1, v35;
	vm0 =	vgt.s32 v9, $0x2D  }
0x42: {  	s6 =	sadd.s32 $0xFFFFFFFF, s3;
	v8 =	vand.u32 $0x10, v8;
	v10 =	vadd.s32 v11, v10;
	v11 =	vsel vm0, $0x1, v35  }
0x43: {  	vm0 =	vgt.s32 v9, $0x3F;
	v10 =	vadd.s32 v11, v10;
	v11 =	vadd.s32 s6, v37  }
0x44: {  	v12 =	vsel vm0, $0x1, v35;
	vm0 =	vgt.s32 v9, $0x5A;
	v13 =	vsub.s32 $0x0, v11  }
0x45: {  	v10 =	vadd.s32 v12, v10;
	v12 =	vsel vm0, $0x1, v35;
	v13 =	vmin.u32 v11, v13  }
0x46: {  	v10 =	vadd.s32 v12, v10;
	vm0 =	vgt.s32 v13, $0xB;
	vm1 =	vgt.s32 v13, $0xF  }
0x47: {  	v12 =	vsel vm0, $0x9, v36;
	v14 =	vsel vm1, $0x1, v35;
	vm0 =	vgt.s32 v13, $0x16  }
0x48: {  	v12 =	vadd.s32 v14, v12;
	v14 =	vsel vm0, $0x1, v35;
	vm0 =	vgt.s32 v13, $0x1F  }
0x49: {  	v12 =	vadd.s32 v14, v12;
	v14 =	vsel vm0, $0x1, v35;
	vm0 =	vgt.s32 v13, $0x2D  }
0x4a: {  	v12 =	vadd.s32 v14, v12;
	v14 =	vsel vm0, $0x1, v35;
	vm0 =	vgt.s32 v13, $0x3F  }
0x4b: {  	v12 =	vadd.s32 v14, v12;
	v14 =	vsel vm0, $0x1, v35;
	vm0 =	vgt.s32 v13, $0x5A  }
0x4c: {  	v11 =	vshrl.u32 v11, $0x1B;
	v12 =	vadd.s32 v14, v12;
	v14 =	vsel vm0, $0x1, v35  }
0x4d: {  	vm1 =	vlt.s32 v9, $0x8;
	vm0 =	vlt.s32 v13, $0x8;
	v12 =	vadd.s32 v14, v12  }
0x4e: {  	s7 =	sadd.s32 $0xFFFFFFEF, s3;
	v9 =	vsel vm1, v9, v10;
	v10 =	vand.u32 $0x10, v11;
	v11 =	vsel vm0, v13, v12  }
0x4f: {  	s28 =	sadd.s32 $0xFFFFFE8F, s3;
	v8 =	vadd.s32 v8, v9;
	v9 =	vadd.s32 v10, v11;
	v10 =	vadd.s32 s7, v37  }
0x50: {  	v32 =	vmov s28;
	v4 =	vshll.u32 v4, $0x7;
	v11 =	vsub.s32 $0x0, v10  }
0x51: {  	v4 =	vor.u32 s4, v4;
	v5 =	vshll.u32 v5, $0x7;
	v11 =	vmin.u32 v10, v11  }
0x52: {  	v10 =	vshrl.u32 v10, $0x1B;
	vm0 =	vgt.s32 v11, $0xB;
	vm1 =	vgt.s32 v11, $0xF  }
0x53: {  	v12 =	vsel vm0, $0x9, v36;
	v13 =	vsel vm1, $0x1, v35;
	vm0 =	vgt.s32 v11, $0x16  }
0x54: {  	v12 =	vadd.s32 v13, v12;
	v13 =	vsel vm0, $0x1, v35;
	vm0 =	vgt.s32 v11, $0x1F  }
0x55: {  	v12 =	vadd.s32 v13, v12;
	v13 =	vsel vm0, $0x1, v35;
	vm0 =	vgt.s32 v11, $0x2D  }
0x56: {  	s8 =	sadd.s32 $0xFFFFFFDF, s3;
	v10 =	vand.u32 $0x10, v10;
	v12 =	vadd.s32 v13, v12;
	v13 =	vsel vm0, $0x1, v35  }
0x57: {  	vm0 =	vgt.s32 v11, $0x3F;
	v12 =	vadd.s32 v13, v12;
	v13 =	vadd.s32 s8, v37  }
0x58: {  	v14 =	vsel vm0, $0x1, v35;
	vm0 =	vgt.s32 v11, $0x5A;
	v15 =	vsub.s32 $0x0, v13  }
0x59: {  	v12 =	vadd.s32 v14, v12;
	v14 =	vsel vm0, $0x1, v35;
	v15 =	vmin.u32 v13, v15  }
0x5a: {  	v12 =	vadd.s32 v14, v12;
	vm0 =	vgt.s32 v15, $0xB;
	vm1 =	vgt.s32 v15, $0xF  }
0x5b: {  	v14 =	vsel vm0, $0x9, v36;
	v16 =	vsel vm1, $0x1, v35;
	vm0 =	vgt.s32 v15, $0x16  }
0x5c: {  	v14 =	vadd.s32 v16, v14;
	v16 =	vsel vm0, $0x1, v35;
	vm0 =	vgt.s32 v15, $0x1F  }
0x5d: {  	v14 =	vadd.s32 v16, v14;
	v16 =	vsel vm0, $0x1, v35;
	vm0 =	vgt.s32 v15, $0x2D  }
0x5e: {  	v14 =	vadd.s32 v16, v14;
	v16 =	vsel vm0, $0x1, v35;
	vm0 =	vgt.s32 v15, $0x3F  }
0x5f: {  	v14 =	vadd.s32 v16, v14;
	v16 =	vsel vm0, $0x1, v35;
	vm0 =	vgt.s32 v15, $0x5A  }
0x60: {  	v13 =	vshrl.u32 v13, $0x1B;
	v14 =	vadd.s32 v16, v14;
	v16 =	vsel vm0, $0x1, v35  }
0x61: {  	vm1 =	vlt.s32 v11, $0x8;
	vm0 =	vlt.s32 v15, $0x8;
	v14 =	vadd.s32 v16, v14  }
0x62: {  	s9 =	sadd.s32 $0xFFFFFFCF, s3;
	v11 =	vsel vm1, v11, v12;
	v12 =	vand.u32 $0x10, v13;
	v13 =	vsel vm0, v15, v14  }
0x63: {  	s29 =	sadd.s32 $0xFFFFFE7F, s3;
	v10 =	vadd.s32 v10, v11;
	v11 =	vadd.s32 v12, v13;
	v12 =	vadd.s32 s9, v37  }
0x64: {  	v33 =	vmov s29;
	v5 =	vor.u32 s4, v5;
	s30 =	sadd.s32 $0xFFFFFE6F, s3;
	v13 =	vsub.s32 $0x0, v12  }
0x65: {  	v34 =	vmov s30;
	v6 =	vshll.u32 v6, $0x7;
	v13 =	vmin.u32 v12, v13  }
0x66: {  	v6 =	vor.u32 s4, v6;
	vm0 =	vgt.s32 v13, $0xB;
	vm1 =	vgt.s32 v13, $0xF  }
0x67: {  	v14 =	vsel vm0, $0x9, v36;
	v15 =	vsel vm1, $0x1, v35;
	vm0 =	vgt.s32 v13, $0x16  }
0x68: {  	v14 =	vadd.s32 v15, v14;
	v15 =	vsel vm0, $0x1, v35;
	vm0 =	vgt.s32 v13, $0x1F  }
0x69: {  	v14 =	vadd.s32 v15, v14;
	v15 =	vsel vm0, $0x1, v35;
	vm0 =	vgt.s32 v13, $0x2D  }
0x6a: {  	v14 =	vadd.s32 v15, v14;
	v15 =	vsel vm0, $0x1, v35;
	vm0 =	vgt.s32 v13, $0x3F  }
0x6b: {  	s10 =	sadd.s32 $0xFFFFFFBF, s3;
	v14 =	vadd.s32 v15, v14;
	v15 =	vsel vm0, $0x1, v35;
	vm0 =	vgt.s32 v13, $0x5A  }
0x6c: {  	v16 =	vadd.s32 s10, v37;
	v14 =	vadd.s32 v15, v14;
	v15 =	vsel vm0, $0x1, v35  }
0x6d: {  	vm0 =	vlt.s32 v13, $0x8;
	v14 =	vadd.s32 v15, v14;
	v15 =	vsub.s32 $0x0, v16  }
0x6e: {  	v7 =	vshll.u32 v7, $0x7;
	v13 =	vsel vm0, v13, v14;
	v14 =	vmin.u32 v16, v15  }
0x6f: {  	v15 =	vshrl.u32 v16, $0x1B;
	vm0 =	vgt.s32 v14, $0xB;
	vm1 =	vgt.s32 v14, $0xF  }
0x70: {  	v16 =	vsel vm0, $0x9, v36;
	v17 =	vsel vm1, $0x1, v35;
	vm0 =	vgt.s32 v14, $0x16  }
0x71: {  	v16 =	vadd.s32 v17, v16;
	v17 =	vsel vm0, $0x1, v35;
	vm0 =	vgt.s32 v14, $0x1F  }
0x72: {  	s31 =	sadd.s32 $0xFFFFFE5F, s3;
	v16 =	vadd.s32 v17, v16;
	v17 =	vsel vm0, $0x1, v35;
	vm0 =	vgt.s32 v14, $0x2D  }
0x73: {  	v1 =	vmov s31;
	v16 =	vadd.s32 v17, v16;
	v17 =	vsel vm0, $0x1, v35  }
0x74: {  	s11 =	sadd.s32 $0xFFFFFFAF, s3;
	v7 =	vor.u32 s4, v7;
	vm0 =	vgt.s32 v14, $0x3F;
	v16 =	vadd.s32 v17, v16  }
0x75: {  	v17 =	vadd.s32 s11, v37;
	v18 =	vsel vm0, $0x1, v35;
	vm0 =	vgt.s32 v14, $0x5A  }
0x76: {  	s8 =	sadd.s32 $0xFFFFFE4F, s3;
	v19 =	vsub.s32 $0x0, v17;
	v16 =	vadd.s32 v18, v16;
	v18 =	vsel vm0, $0x1, v35  }
0x77: {  	[tilespmem:$0x1FFF0] =	vst v1;
	v1 =	vmov s8;
	v19 =	vmin.u32 v17, v19;
	v16 =	vadd.s32 v18, v16  }
0x78: {  	v17 =	vshrl.u32 v17, $0x1B;
	vm0 =	vgt.s32 v19, $0xB;
	vm1 =	vgt.s32 v19, $0xF  }
0x79: {  	v18 =	vsel vm0, $0x9, v36;
	v20 =	vsel vm1, $0x1, v35;
	vm0 =	vgt.s32 v19, $0x16  }
0x7a: {  	v18 =	vadd.s32 v20, v18;
	v20 =	vsel vm0, $0x1, v35;
	vm0 =	vgt.s32 v19, $0x1F  }
0x7b: {  	v18 =	vadd.s32 v20, v18;
	v20 =	vsel vm0, $0x1, v35;
	vm0 =	vgt.s32 v19, $0x2D  }
0x7c: {  	v18 =	vadd.s32 v20, v18;
	v20 =	vsel vm0, $0x1, v35;
	vm0 =	vgt.s32 v19, $0x3F  }
0x7d: {  	v18 =	vadd.s32 v20, v18;
	v20 =	vsel vm0, $0x1, v35;
	vm0 =	vgt.s32 v19, $0x5A  }
0x7e: {  	vm1 =	vlt.s32 v14, $0x8;
	v18 =	vadd.s32 v20, v18;
	v20 =	vsel vm0, $0x1, v35  }
0x7f: {  	s13 =	sadd.s32 $0xFFFFFF6F, s3;
	v14 =	vsel vm1, v14, v16;
	vm0 =	vlt.s32 v19, $0x8;
	v18 =	vadd.s32 v20, v18  }
0x80: {  	v16 =	vand.u32 $0x10, v17;
	v17 =	vsel vm0, v19, v18;
	v18 =	vmov s13;
	s13 =	sadd.s32 $0xFFFFFC5F, s3  }
0x81: {  	v8 =	vshll.u32 v8, $0x7;
	[tilespmem:$0x1FFE0] =	vst v1;
	v1 =	vimm.s32 $0x0;
	s10 =	sadd.s32 $0xFFFFFE2F, s3;
	v48 =	vadd.s32 s13, v37  }
0x82: {  	v38 =	vmov s10;
	s9 =	sadd.s32 $0xFFFFFE3F, s3;
	v12 =	vshrl.u32 v12, $0x1B;
	v49 =	vsub.s32 $0x0, v48  }
0x83: {  	v39 =	vmov s9;
	v12 =	vand.u32 $0x10, v12;
	v49 =	vmin.u32 v48, v49  }
0x84: {  	v48 =	vshrl.u32 v48, $0x1B;
	vm0 =	vgt.s32 v49, $0xB;
	vm1 =	vgt.s32 v49, $0xF  }
0x85: {  	v50 =	vsel vm0, $0x9, v36;
	v51 =	vsel vm1, $0x1, v35;
	vm0 =	vgt.s32 v49, $0x16  }
0x86: {  	v50 =	vadd.s32 v51, v50;
	v58 =	vsel vm0, $0x1, v35;
	vm0 =	vgt.s32 v49, $0x1F  }
0x87: {  	v50 =	vadd.s32 v58, v50;
	v59 =	vsel vm0, $0x1, v35;
	vm0 =	vgt.s32 v49, $0x2D  }
0x88: {  	v50 =	vadd.s32 v59, v50;
	v60 =	vsel vm0, $0x1, v35;
	vm0 =	vgt.s32 v49, $0x3F  }
0x89: {  	v50 =	vadd.s32 v60, v50;
	v61 =	vsel vm0, $0x1, v35;
	vm0 =	vgt.s32 v49, $0x5A  }
0x8a: {  	v48 =	vand.u32 $0x10, v48;
	v50 =	vadd.s32 v61, v50;
	v62 =	vsel vm0, $0x1, v35  }
0x8b: {  	vm1 =	vgt.s32 v40, $0xF;
	vm0 =	vlt.s32 v49, $0x8;
	v50 =	vadd.s32 v62, v50  }
0x8c: {  	v55 =	vsel vm1, $0x1, v35;
	v49 =	vsel vm0, v49, v50;
	vm0 =	vgt.s32 v40, $0xB  }
0x8d: {  	v48 =	vadd.s32 v48, v49;
	v54 =	vsel vm0, $0x9, v36;
	vm0 =	vgt.s32 v40, $0x16  }
0x8e: {  	s21 =	sadd.s32 $0xFFFFFC1F, s3;
	v49 =	vadd.s32 v55, v54;
	v56 =	vsel vm0, $0x1, v35;
	vm0 =	vgt.s32 v40, $0x1F  }
0x8f: {  	v54 =	vsub.s32 $0x0, v53;
	v55 =	vadd.s32 s21, v37;
	v49 =	vadd.s32 v56, v49  }
0x90: {  	s22 =	sadd.s32 $0xFFFFFC0F, s3;
	v57 =	vsel vm0, $0x1, v35;
	vm0 =	vgt.s32 v40, $0x2D;
	v51 =	vmin.u32 v53, v54  }
0x91: {  	v53 =	vshrl.u32 v53, $0x1B;
	v56 =	vadd.s32 s22, v37;
	v49 =	vadd.s32 v57, v49  }
0x92: {  	v58 =	vsel vm0, $0x1, v35;
	vm0 =	vgt.s32 v40, $0x3F;
	vm1 =	vgt.s32 v51, $0xF  }
0x93: {  	v49 =	vadd.s32 v58, v49;
	v59 =	vsel vm0, $0x1, v35;
	vm0 =	vgt.s32 v40, $0x5A  }
0x94: {  	v53 =	vand.u32 $0x10, v53;
	v49 =	vadd.s32 v59, v49;
	v60 =	vsel vm0, $0x1, v35  }
0x95: {  	s20 =	sadd.s32 $0xFFFFFC2F, s3;
	v62 =	vsel vm1, $0x1, v35;
	vm0 =	vlt.s32 v40, $0x8;
	v49 =	vadd.s32 v60, v49  }
0x96: {  	v60 =	vadd.s32 s20, v37;
	v49 =	vsel vm0, v40, v49;
	vm0 =	vgt.s32 v51, $0xB  }
0x97: {  	v61 =	vsel vm0, $0x9, v36;
	vm0 =	vgt.s32 v51, $0x16;
	v49 =	vadd.s32 v52, v49  }
0x98: {  	v50 =	vadd.s32 v62, v61;
	v63 =	vsel vm0, $0x1, v35;
	vm0 =	vgt.s32 v51, $0x1F  }
0x99: {  	v50 =	vadd.s32 v63, v50;
	v40 =	vsel vm0, $0x1, v35;
	vm0 =	vgt.s32 v51, $0x2D  }
0x9a: {  	v50 =	vadd.s32 v40, v50;
	v57 =	vsel vm0, $0x1, v35;
	vm0 =	vgt.s32 v51, $0x3F  }
0x9b: {  	v50 =	vadd.s32 v57, v50;
	v58 =	vsel vm0, $0x1, v35;
	vm0 =	vgt.s32 v51, $0x5A  }
0x9c: {  	v52 =	vshrl.u32 v60, $0x1B;
	v50 =	vadd.s32 v58, v50;
	v59 =	vsel vm0, $0x1, v35  }
0x9d: {  	v61 =	vsub.s32 $0x0, v60;
	vm0 =	vlt.s32 v51, $0x8;
	v50 =	vadd.s32 v59, v50  }
0x9e: {  	v52 =	vand.u32 $0x10, v52;
	v50 =	vsel vm0, v51, v50;
	v51 =	vmin.u32 v60, v61  }
0x9f: {  	v61 =	vsub.s32 $0x0, v55;
	vm0 =	vgt.s32 v51, $0xB;
	vm1 =	vgt.s32 v51, $0xF  }
0xa0: {  	v62 =	vsel vm0, $0x9, v36;
	v63 =	vsel vm1, $0x1, v35;
	vm0 =	vgt.s32 v51, $0x16  }
0xa1: {  	v50 =	vadd.s32 v53, v50;
	v53 =	vadd.s32 v63, v62;
	v40 =	vsel vm0, $0x1, v35  }
0xa2: {  	vm0 =	vgt.s32 v51, $0x1F;
	v62 =	vmin.u32 v55, v61;
	v55 =	vshrl.u32 v55, $0x1B  }
0xa3: {  	v53 =	vadd.s32 v40, v53;
	v57 =	vsel vm0, $0x1, v35;
	vm0 =	vgt.s32 v51, $0x2D  }
0xa4: {  	v53 =	vadd.s32 v57, v53;
	v58 =	vsel vm0, $0x1, v35;
	vm0 =	vgt.s32 v51, $0x3F  }
0xa5: {  	v53 =	vadd.s32 v58, v53;
	v59 =	vsel vm0, $0x1, v35;
	vm0 =	vgt.s32 v51, $0x5A  }
0xa6: {  	vm1 =	vgt.s32 v62, $0xF;
	v53 =	vadd.s32 v59, v53;
	v60 =	vsel vm0, $0x1, v35  }
0xa7: {  	v55 =	vand.u32 $0x10, v55;
	vm0 =	vlt.s32 v51, $0x8;
	v53 =	vadd.s32 v60, v53  }
0xa8: {  	v40 =	vsel vm1, $0x1, v35;
	v51 =	vsel vm0, v51, v53;
	vm0 =	vgt.s32 v62, $0xB  }
0xa9: {  	v51 =	vadd.s32 v52, v51;
	v63 =	vsel vm0, $0x9, v36;
	vm0 =	vgt.s32 v62, $0x16  }
0xaa: {  	v52 =	vadd.s32 v40, v63;
	v57 =	vsel vm0, $0x1, v35;
	vm0 =	vgt.s32 v62, $0x1F  }
0xab: {  	v52 =	vadd.s32 v57, v52;
	v58 =	vsel vm0, $0x1, v35;
	vm0 =	vgt.s32 v62, $0x2D  }
0xac: {  	v57 =	vsub.s32 $0x0, v56;
	v52 =	vadd.s32 v58, v52;
	v59 =	vsel vm0, $0x1, v35  }
0xad: {  	vm0 =	vgt.s32 v62, $0x3F;
	v54 =	vmin.u32 v56, v57;
	v56 =	vshrl.u32 v56, $0x1B  }
0xae: {  	v52 =	vadd.s32 v59, v52;
	v60 =	vsel vm0, $0x1, v35;
	vm0 =	vgt.s32 v62, $0x5A  }
0xaf: {  	vm1 =	vgt.s32 v54, $0xF;
	v52 =	vadd.s32 v60, v52;
	v61 =	vsel vm0, $0x1, v35  }
0xb0: {  	v56 =	vand.u32 $0x10, v56;
	vm0 =	vlt.s32 v62, $0x8;
	v52 =	vadd.s32 v61, v52  }
0xb1: {  	v63 =	vsel vm1, $0x1, v35;
	v52 =	vsel vm0, v62, v52;
	vm0 =	vgt.s32 v54, $0xB  }
0xb2: {  	v62 =	vsel vm0, $0x9, v36;
	vm0 =	vgt.s32 v54, $0x16;
	v52 =	vadd.s32 v55, v52  }
0xb3: {  	v53 =	vadd.s32 v63, v62;
	v40 =	vsel vm0, $0x1, v35;
	vm0 =	vgt.s32 v54, $0x1F  }
0xb4: {  	v53 =	vadd.s32 v40, v53;
	v60 =	vsel vm0, $0x1, v35;
	vm0 =	vgt.s32 v54, $0x2D  }
0xb5: {  	v53 =	vadd.s32 v60, v53;
	v61 =	vsel vm0, $0x1, v35;
	vm0 =	vgt.s32 v54, $0x3F  }
0xb6: {  	s23 =	sor.u32 $0xFFFFFBFF, s3;
	v53 =	vadd.s32 v61, v53;
	v62 =	vsel vm0, $0x1, v35;
	vm0 =	vgt.s32 v54, $0x5A  }
0xb7: {  	v40 =	vadd.s32 s23, v37;
	v53 =	vadd.s32 v62, v53;
	v63 =	vsel vm0, $0x1, v35  }
0xb8: {  	v59 =	vsub.s32 $0x0, v40;
	vm0 =	vlt.s32 v54, $0x8;
	v53 =	vadd.s32 v63, v53  }
0xb9: {  	v55 =	vshrl.u32 v40, $0x1B;
	v53 =	vsel vm0, v54, v53;
	v54 =	vmin.u32 v40, v59  }
0xba: {  	v53 =	vadd.s32 v56, v53;
	vm0 =	vgt.s32 v54, $0xB;
	vm1 =	vgt.s32 v54, $0xF  }
0xbb: {  	v60 =	vsel vm0, $0x9, v36;
	v61 =	vsel vm1, $0x1, v35;
	vm0 =	vgt.s32 v54, $0x16  }
0xbc: {  	v56 =	vadd.s32 v61, v60;
	v62 =	vsel vm0, $0x1, v35;
	vm0 =	vgt.s32 v54, $0x1F  }
0xbd: {  	v56 =	vadd.s32 v62, v56;
	v63 =	vsel vm0, $0x1, v35;
	vm0 =	vgt.s32 v54, $0x2D  }
0xbe: {  	v56 =	vadd.s32 v63, v56;
	v40 =	vsel vm0, $0x1, v35;
	vm0 =	vgt.s32 v54, $0x3F  }
0xbf: {  	s24 =	sor.u32 $0xFFFFFBEF, s3;
	v56 =	vadd.s32 v40, v56;
	v60 =	vsel vm0, $0x1, v35;
	vm0 =	vgt.s32 v54, $0x5A  }
0xc0: {  	v58 =	vadd.s32 s24, v37;
	v56 =	vadd.s32 v60, v56;
	v61 =	vsel vm0, $0x1, v35  }
0xc1: {  	s25 =	sor.u32 $0xFFFFFBDF, s3;
	v55 =	vand.u32 $0x10, v55;
	vm0 =	vlt.s32 v54, $0x8;
	v56 =	vadd.s32 v61, v56  }
0xc2: {  	v59 =	vadd.s32 s25, v37;
	v62 =	vsub.s32 $0x0, v58;
	v54 =	vsel vm0, v54, v56  }
0xc3: {  	v56 =	vmin.u32 v58, v62;
	v58 =	vshrl.u32 v58, $0x1B;
	v54 =	vadd.s32 v55, v54  }
0xc4: {  	vm0 =	vgt.s32 v56, $0xB;
	vm1 =	vgt.s32 v56, $0xF;
	v58 =	vand.u32 $0x10, v58  }
0xc5: {  	v63 =	vsel vm0, $0x9, v36;
	v40 =	vsel vm1, $0x1, v35;
	vm0 =	vgt.s32 v56, $0x16  }
0xc6: {  	v55 =	vadd.s32 v40, v63;
	v60 =	vsel vm0, $0x1, v35;
	vm0 =	vgt.s32 v56, $0x1F  }
0xc7: {  	v55 =	vadd.s32 v60, v55;
	v61 =	vsel vm0, $0x1, v35;
	vm0 =	vgt.s32 v56, $0x2D  }
0xc8: {  	v55 =	vadd.s32 v61, v55;
	v62 =	vsel vm0, $0x1, v35;
	vm0 =	vgt.s32 v56, $0x3F  }
0xc9: {  	v55 =	vadd.s32 v62, v55;
	v63 =	vsel vm0, $0x1, v35;
	vm0 =	vgt.s32 v56, $0x5A  }
0xca: {  	v60 =	vsub.s32 $0x0, v59;
	v55 =	vadd.s32 v63, v55;
	v40 =	vsel vm0, $0x1, v35  }
0xcb: {  	v57 =	vmin.u32 v59, v60;
	vm0 =	vlt.s32 v56, $0x8;
	v55 =	vadd.s32 v40, v55  }
0xcc: {  	vm1 =	vgt.s32 v57, $0xF;
	v55 =	vsel vm0, v56, v55;
	vm0 =	vgt.s32 v57, $0xB  }
0xcd: {  	v40 =	vsel vm1, $0x1, v35;
	v56 =	vsel vm0, $0x9, v36;
	vm0 =	vgt.s32 v57, $0x16  }
0xce: {  	v56 =	vadd.s32 v40, v56;
	v40 =	vsel vm0, $0x1, v35;
	vm0 =	vgt.s32 v57, $0x1F  }
0xcf: {  	v56 =	vadd.s32 v40, v56;
	v40 =	vsel vm0, $0x1, v35;
	vm0 =	vgt.s32 v57, $0x2D  }
0xd0: {  	v56 =	vadd.s32 v40, v56;
	v40 =	vsel vm0, $0x1, v35;
	vm0 =	vgt.s32 v57, $0x3F  }
0xd1: {  	v56 =	vadd.s32 v40, v56;
	v40 =	vsel vm0, $0x1, v35;
	vm0 =	vgt.s32 v57, $0x5A  }
0xd2: {  	s26 =	sor.u32 $0xFFFFFBCF, s3;
	v59 =	vshrl.u32 v59, $0x1B;
	v56 =	vadd.s32 v40, v56;
	v40 =	vsel vm0, $0x1, v35  }
0xd3: {  	v59 =	vand.u32 $0x10, v59;
	v56 =	vadd.s32 v40, v56;
	v40 =	vadd.s32 s26, v37  }
0xd4: {  	v55 =	vadd.s32 v58, v55;
	vm0 =	vlt.s32 v57, $0x8;
	v63 =	vsub.s32 $0x0, v40  }
0xd5: {  	v56 =	vsel vm0, v57, v56;
	v58 =	vshrl.u32 v40, $0x1B;
	v57 =	vmin.u32 v40, v63  }
0xd6: {  	v56 =	vadd.s32 v59, v56;
	vm0 =	vgt.s32 v57, $0xB;
	vm1 =	vgt.s32 v57, $0xF  }
0xd7: {  	v59 =	vsel vm0, $0x9, v36;
	v40 =	vsel vm1, $0x1, v35;
	vm0 =	vgt.s32 v57, $0x16  }
0xd8: {  	v59 =	vadd.s32 v40, v59;
	v40 =	vsel vm0, $0x1, v35;
	vm0 =	vgt.s32 v57, $0x1F  }
0xd9: {  	v59 =	vadd.s32 v40, v59;
	v40 =	vsel vm0, $0x1, v35;
	vm0 =	vgt.s32 v57, $0x2D  }
0xda: {  	v59 =	vadd.s32 v40, v59;
	v40 =	vsel vm0, $0x1, v35;
	vm0 =	vgt.s32 v57, $0x3F  }
0xdb: {  	s28 =	sor.u32 $0xFFFFFBBF, s3;
	v59 =	vadd.s32 v40, v59;
	v40 =	vsel vm0, $0x1, v35;
	vm0 =	vgt.s32 v57, $0x5A  }
0xdc: {  	v61 =	vadd.s32 s28, v37;
	v59 =	vadd.s32 v40, v59;
	v40 =	vsel vm0, $0x1, v35  }
0xdd: {  	vm0 =	vlt.s32 v57, $0x8;
	v59 =	vadd.s32 v40, v59;
	v40 =	vsub.s32 $0x0, v61  }
0xde: {  	v58 =	vand.u32 $0x10, v58;
	v57 =	vsel vm0, v57, v59;
	v59 =	vmin.u32 v61, v40  }
0xdf: {  	v58 =	vadd.s32 v58, v57;
	vm0 =	vgt.s32 v59, $0xB;
	vm1 =	vgt.s32 v59, $0xF  }
0xe0: {  	v57 =	vsel vm0, $0x9, v36;
	v40 =	vsel vm1, $0x1, v35;
	vm0 =	vgt.s32 v59, $0x16  }
0xe1: {  	v57 =	vadd.s32 v40, v57;
	v40 =	vsel vm0, $0x1, v35;
	vm0 =	vgt.s32 v59, $0x1F  }
0xe2: {  	v57 =	vadd.s32 v40, v57;
	v40 =	vsel vm0, $0x1, v35;
	vm0 =	vgt.s32 v59, $0x2D  }
0xe3: {  	v57 =	vadd.s32 v40, v57;
	v40 =	vsel vm0, $0x1, v35;
	vm0 =	vgt.s32 v59, $0x3F  }
0xe4: {  	s30 =	sor.u32 $0xFFFFFBAF, s3;
	v60 =	vadd.s32 v40, v57;
	v62 =	vsel vm0, $0x1, v35;
	vm0 =	vgt.s32 v59, $0x5A  }
0xe5: {  	v37 =	vadd.s32 s30, v37;
	v60 =	vadd.s32 v62, v60;
	v40 =	vsel vm0, $0x1, v35  }
0xe6: {  	vm0 =	vlt.s32 v59, $0x8;
	v60 =	vadd.s32 v40, v60;
	v40 =	vsub.s32 $0x0, v37  }
0xe7: {  	v15 =	vand.u32 $0x10, v15;
	v59 =	vsel vm0, v59, v60;
	v60 =	vmin.u32 v37, v40  }
0xe8: {  	v12 =	vadd.s32 v12, v13;
	vm0 =	vgt.s32 v60, $0xB;
	vm1 =	vgt.s32 v60, $0xF  }
0xe9: {  	v36 =	vsel vm0, $0x9, v36;
	v40 =	vsel vm1, $0x1, v35;
	vm0 =	vgt.s32 v60, $0x16  }
0xea: {  	v36 =	vadd.s32 v40, v36;
	v40 =	vsel vm0, $0x1, v35;
	vm0 =	vgt.s32 v60, $0x1F  }
0xeb: {  	v36 =	vadd.s32 v40, v36;
	v40 =	vsel vm0, $0x1, v35;
	vm0 =	vgt.s32 v60, $0x2D  }
0xec: {  	v36 =	vadd.s32 v40, v36;
	v40 =	vsel vm0, $0x1, v35;
	vm0 =	vgt.s32 v60, $0x3F  }
0xed: {  	v36 =	vadd.s32 v40, v36;
	v40 =	vsel vm0, $0x1, v35;
	vm0 =	vgt.s32 v60, $0x5A  }
0xee: {  	s9 =	sadd.s32 $0xFFFFFC6F, s3;
	v13 =	vadd.s32 v15, v14;
	v36 =	vadd.s32 v40, v36;
	v35 =	vsel vm0, $0x1, v35  }
0xef: {  	vm0 =	vlt.s32 v60, $0x8;
	v35 =	vadd.s32 v35, v36;
	v36 =	vmov s9  }
0xf0: {  	s8 =	sadd.s32 $0xFFFFFC7F, s3;
	v37 =	vshrl.u32 v37, $0x1B;
	v35 =	vsel vm0, v60, v35;
	vm0 =	vlt.s32 v36, v0  }
0xf1: {  	s12 =	sadd.s32 $0xFFFFFF9F, s3;
	v40 =	vand.u32 $0x10, v37;
	v37 =	vmov s8;
	v1 =	vsel vm0, $0xFFFFFFFF, v1  }
0xf2: {  	s10 =	sadd.s32 $0xFFFFFC8F, s3;
	v15 =	vmov s12;
	vm0 =	vlt.s32 v37, v0;
	[tilespmem:$0x1FED0] =	vst v1;
	v1 =	vimm.s32 $0x0  }
0xf3: {  	s12 =	sadd.s32 $0xFFFFFE0F, s3;
	v60 =	vadd.s32 v40, v35;
	v40 =	vmov s10;
	v1 =	vsel vm0, $0xFFFFFFFF, v1  }
0xf4: {  	v43 =	vmov s12;
	s12 =	sadd.s32 $0xFFFFFC9F, s3;
	vm0 =	vlt.s32 v40, v0;
	[tilespmem:$0x1FEE0] =	vst v1;
	v1 =	vimm.s32 $0x0  }
0xf5: {  	v8 =	vor.u32 s4, v8;
	s11 =	sadd.s32 $0xFFFFFE1F, s3;
	v37 =	vmov s12;
	v1 =	vsel vm0, $0xFFFFFFFF, v1  }
0xf6: {  	v42 =	vmov s11;
	s11 =	sadd.s32 $0xFFFFFCAF, s3;
	vm0 =	vlt.s32 v37, v0;
	[tilespmem:$0x1FEF0] =	vst v1;
	v1 =	vimm.s32 $0x0  }
0xf7: {  	v9 =	vshll.u32 v9, $0x7;
	v36 =	vmov s11;
	v1 =	vsel vm0, $0xFFFFFFFF, v1  }
0xf8: {  	s15 =	sadd.s32 $0xFFFFFF4F, s3;
	v9 =	vor.u32 s4, v9;
	s13 =	sadd.s32 $0xFFFFFCBF, s3;
	vm0 =	vlt.s32 v36, v0;
	[tilespmem:$0x1FF00] =	vst v1;
	v1 =	vimm.s32 $0x0  }
0xf9: {  	v20 =	vmov s15;
	s15 =	sadd.s32 $0xFFFFFDEF, s3;
	v40 =	vmov s13;
	v1 =	vsel vm0, $0xFFFFFFFF, v1  }
0xfa: {  	s14 =	sadd.s32 $0xFFFFFF5F, s3;
	v45 =	vmov s15;
	s15 =	sadd.s32 $0xFFFFFCCF, s3;
	vm0 =	vlt.s32 v40, v0;
	[tilespmem:$0x1FF10] =	vst v1;
	v1 =	vimm.s32 $0x0  }
0xfb: {  	v19 =	vmov s14;
	s14 =	sadd.s32 $0xFFFFFDFF, s3;
	v37 =	vmov s15;
	v1 =	vsel vm0, $0xFFFFFFFF, v1  }
0xfc: {  	v44 =	vmov s14;
	s14 =	sadd.s32 $0xFFFFFCDF, s3;
	vm0 =	vlt.s32 v37, v0;
	[tilespmem:$0x1FF20] =	vst v1;
	v1 =	vimm.s32 $0x0  }
0xfd: {  	v10 =	vshll.u32 v10, $0x7;
	v36 =	vmov s14;
	v1 =	vsel vm0, $0xFFFFFFFF, v1  }
0xfe: {  	s16 =	sadd.s32 $0xFFFFFCEF, s3;
	v10 =	vor.u32 s4, v10;
	vm0 =	vlt.s32 v36, v0;
	[tilespmem:$0x1FF30] =	vst v1;
	v1 =	vimm.s32 $0x0  }
0xff: {  	vm12 =	vlt.s32 v38, v0;
	v40 =	vmov s16;
	v1 =	vsel vm0, $0xFFFFFFFF, v1  }
0x100: {  	s18 =	sadd.s32 $0xFFFFFCFF, s3;
	v11 =	vshll.u32 v11, $0x7;
	vm0 =	vlt.s32 v40, v0;
	[tilespmem:$0x1FF40] =	vst v1;
	v1 =	vimm.s32 $0x0  }
0x101: {  	v11 =	vor.u32 s4, v11;
	v37 =	vmov s18;
	v1 =	vsel vm0, $0xFFFFFFFF, v1  }
0x102: {  	s17 =	sadd.s32 $0xFFFFFD0F, s3;
	v12 =	vshll.u32 v12, $0x7;
	vm0 =	vlt.s32 v37, v0;
	[tilespmem:$0x1FF50] =	vst v1;
	v1 =	vimm.s32 $0x0  }
0x103: {  	s6 =	sadd.s32 $0xFFFFFF8F, s3;
	v14 =	vadd.s32 v16, v17;
	v36 =	vmov s17;
	v1 =	vsel vm0, $0xFFFFFFFF, v1  }
0x104: {  	s19 =	sadd.s32 $0xFFFFFD1F, s3;
	s7 =	sadd.s32 $0xFFFFFF7F, s3;
	v16 =	vmov s6;
	vm0 =	vlt.s32 v36, v0;
	[tilespmem:$0x1FF60] =	vst v1;
	v1 =	vimm.s32 $0x0  }
0x105: {  	v17 =	vmov s7;
	v40 =	vmov s19;
	v1 =	vsel vm0, $0xFFFFFFFF, v1  }
0x106: {  	s21 =	sadd.s32 $0xFFFFFD2F, s3;
	v50 =	vshll.u32 v50, $0x7;
	vm0 =	vlt.s32 v40, v0;
	[tilespmem:$0x1FF70] =	vst v1;
	v1 =	vimm.s32 $0x0  }
0x107: {  	v53 =	vshll.u32 v53, $0x7;
	v37 =	vmov s21;
	v1 =	vsel vm0, $0xFFFFFFFF, v1  }
0x108: {  	s20 =	sadd.s32 $0xFFFFFD3F, s3;
	v56 =	vshll.u32 v56, $0x7;
	vm0 =	vlt.s32 v37, v0;
	[tilespmem:$0x1FF80] =	vst v1;
	v1 =	vimm.s32 $0x0  }
0x109: {  	s22 =	sadd.s32 $0xFFFFFD4F, s3;
	v60 =	vshll.u32 v60, $0x7;
	v36 =	vmov s20;
	v1 =	vsel vm0, $0xFFFFFFFF, v1  }
0x10a: {  	v40 =	vmov s22;
	vm0 =	vlt.s32 v36, v0;
	[tilespmem:$0x1FF90] =	vst v1;
	v1 =	vimm.s32 $0x0  }
0x10b: {  	s24 =	sadd.s32 $0xFFFFFD5F, s3;
	v36 =	vimm.s32 $0x0;
	v1 =	vsel vm0, $0xFFFFFFFF, v1;
	vm0 =	vlt.s32 v40, v0  }
0x10c: {  	s29 =	sadd.s32 $0xFFFFFDBF, s3;
	s31 =	sadd.s32 $0xFFFFFDAF, s3;
	s6 =	sadd.s32 $0xFFFFFD9F, s3;
	v37 =	vmov s24;
	v40 =	vimm.s32 $0x0;
	v35 =	vsel vm0, $0xFFFFFFFF, v36  }
0x10d: {  	s7 =	sadd.s32 $0xFFFFFD8F, s3;
	s23 =	sadd.s32 $0xFFFFFD7F, s3;
	s3 =	sadd.s32 $0xFFFFFD6F, s3;
	vm0 =	vlt.s32 v37, v0;
	v37 =	vor.u32 s4, v50;
	v50 =	vor.u32 s4, v53  }
0x10e: {  	v53 =	vor.u32 s4, v56;
	[tilespmem:$0x1FFB0] =	vst v35;
	v35 =	vsel vm0, $0xFFFFFFFF, v40;
	v40 =	vmov s3  }
0x10f: {  	s25 =	rddreg [dreg:$0x0];
	[tilespmem:$0x1FFA0] =	vst v1;
	v56 =	vor.u32 s4, v60;
	v60 =	vimm.s32 $0x0;
	vm0 =	vlt.s32 v40, v0  }
0x110: {  	vm13 =	vlt.s32 v39, v0;
	v12 =	vor.u32 s4, v12;
	s28 =	rddreg [dreg:$0x1];
	s3 =	simm.s32 $0x0;
	[tilespmem:$0x1FFC0] =	vst v35;
	v40 =	vsel vm0, $0xFFFFFFFF, v60  }
0x111: {  	vm11 =	vlt.s32 v42, v0;
	v13 =	vshll.u32 v13, $0x7;
	v14 =	vshll.u32 v14, $0x7;
	[smem:$0x7FF] =	sst s3;
	[tilespmem:$0x1FFD0] =	vst v40  }
0x112: {  	v13 =	vor.u32 s4, v13;
	v14 =	vor.u32 s4, v14;
	s26 =	smul.u32 $0xC000, s1;
	s1 =	rddreg [dreg:$0x2];
	v1 =	vmov s23;
	_ =	strace $0x80000047  }
0x113: {  	v48 =	vshll.u32 v48, $0x7;
	v61 =	vshrl.u32 v61, $0x1B;
	vm1 =	vlt.s32 v1, v0;
	v1 =	vld [tilespmem:$0x1FFE0]  }
0x114: {  	v49 =	vshll.u32 v49, $0x7;
	v52 =	vshll.u32 v52, $0x7;
	v61 =	vand.u32 $0x10, v61  }
0x115: {  	v54 =	vshll.u32 v54, $0x7;
	v59 =	vadd.s32 v61, v59;
	v36 =	vor.u32 s4, v49  }
0x116: {  	v49 =	vor.u32 s4, v52;
	v52 =	vshll.u32 v55, $0x7;
	v55 =	vshll.u32 v59, $0x7  }
0x117: {  	v58 =	vshll.u32 v58, $0x7;
	v52 =	vor.u32 s4, v52;
	v55 =	vor.u32 s4, v55  }
0x118: {  	v35 =	vor.u32 s4, v48;
	v48 =	vshll.u32 v51, $0x7;
	vm14 =	vlt.s32 v1, v0;
	v1 =	vld [tilespmem:$0x1FFF0]  }
0x119: {  	v51 =	vor.u32 s4, v54;
	v54 =	vor.u32 s4, v58;
	v48 =	vor.u32 s4, v48;
	s4 =	smul.u32 $0xC00, s4  }
0x11a: {  	vm10 =	vlt.s32 v43, v0;
	vm8 =	vlt.s32 v45, v0;
	v63 =	vmov s7;
	s8 =	ssub.s32 $0x2, s2  }
0x11b: {  	vm9 =	vlt.s32 v44, v0;
	s7 =	simm.s32 $0x1000;
	vm2 =	vlt.s32 v63, v0;
	v57 =	vmov s29;
	s30 =	sshrl.u32 s8, $0x1;
	s29 =	sadd.s32 s26, s4  }
0x11c: {  	v62 =	vmov s31;
	vm5 =	vlt.s32 v57, v0;
	v61 =	vmov s6;
	s2 =	sadd.s32 $0x600, s25;
	s31 =	ssub.s32 s8, s30;
	s6 =	sshrl.u32 s29, $0x3  }
0x11d: {  	vm4 =	vlt.s32 v62, v0;
	vm3 =	vlt.s32 v61, v0;
	s5 =	smax.u32 s31, $0x1;
	s4 =	sadd.s32 s28, s6;
	s6 =	simm.s32 $0x1;
	vm15 =	vlt.s32 v1, v0  }
.LBB2_1:
0x11e: {  	[tilespmem:s3], [sflag:$0x1] =	stream.linear.gather [hbm4b:s2+s3], $0x1000, $0x38;
	[tilespmem:$0x1C00] =	vst v63  }
0x11f: {  	_ =	swait.ge [sflag:s6], $0x1000  }
0x120: {  	[sflag:s6] =	ssyncset.done $0x0  }
0x121: {  	[sflag:s6] =	ssyncadd.s32 $0xFFFFF000  }
0x122: {  	v39 =	vld.idx.msk [tilespmem:v41+s3+$0x0], $0xffff;
	_ =	sdelay $0x4  }
0x123: {  	v38 =	vld.idx.msk [tilespmem:v2+s3+$0x0], $0xffff;
	[tilespmem:$0x1000] =	vst v39  }
0x124: {  	[tilespmem:$0x1010] =	vst v39  }
0x125: {  	[tilespmem:$0x1020] =	vst v39  }
0x126: {  	[tilespmem:$0x1030] =	vst v39  }
0x127: {  	[tilespmem:$0x1040] =	vst v39  }
0x128: {  	[tilespmem:$0x1050] =	vst v39  }
0x129: {  	[tilespmem:$0x1060] =	vst v39  }
0x12a: {  	[tilespmem:$0x1070] =	vst v39  }
0x12b: {  	[tilespmem:$0x1080] =	vst v39  }
0x12c: {  	[tilespmem:$0x1090] =	vst v39  }
0x12d: {  	[tilespmem:$0x10A0] =	vst v39  }
0x12e: {  	[tilespmem:$0x10B0] =	vst v39  }
0x12f: {  	[tilespmem:$0x10C0] =	vst v39  }
0x130: {  	[tilespmem:$0x10D0] =	vst v39  }
0x131: {  	[tilespmem:$0x10E0] =	vst v39  }
0x132: {  	[tilespmem:$0x10F0] =	vst v39  }
0x133: {  	[tilespmem:$0x1100] =	vst v39  }
0x134: {  	[tilespmem:$0x1110] =	vst v39  }
0x135: {  	[tilespmem:$0x1120] =	vst v39  }
0x136: {  	[tilespmem:$0x1130] =	vst v39  }
0x137: {  	[tilespmem:$0x1140] =	vst v39  }
0x138: {  	[tilespmem:$0x1150] =	vst v39  }
0x139: {  	[tilespmem:$0x1160] =	vst v39  }
0x13a: {  	[tilespmem:$0x1170] =	vst v39  }
0x13b: {  	[tilespmem:$0x1180] =	vst v39  }
0x13c: {  	[tilespmem:$0x1190] =	vst v39  }
0x13d: {  	[tilespmem:$0x11A0] =	vst v39  }
0x13e: {  	[tilespmem:$0x11B0] =	vst v39  }
0x13f: {  	[tilespmem:$0x11C0] =	vst v39  }
0x140: {  	[tilespmem:$0x11D0] =	vst v39  }
0x141: {  	[tilespmem:$0x11E0] =	vst v39  }
0x142: {  	[tilespmem:$0x11F0] =	vst v39  }
0x143: {  	[tilespmem:$0x1200] =	vst v39  }
0x144: {  	[tilespmem:$0x1210] =	vst v39  }
0x145: {  	[tilespmem:$0x1220] =	vst v39  }
0x146: {  	[tilespmem:$0x1230] =	vst v39  }
0x147: {  	[tilespmem:$0x1240] =	vst v39  }
0x148: {  	[tilespmem:$0x1250] =	vst v39  }
0x149: {  	[tilespmem:$0x1260] =	vst v39  }
0x14a: {  	[tilespmem:$0x1270] =	vst v39  }
0x14b: {  	[tilespmem:$0x1280] =	vst v39  }
0x14c: {  	[tilespmem:$0x1290] =	vst v39  }
0x14d: {  	[tilespmem:$0x12A0] =	vst v39  }
0x14e: {  	[tilespmem:$0x12B0] =	vst v39  }
0x14f: {  	[tilespmem:$0x12C0] =	vst v39  }
0x150: {  	[tilespmem:$0x12D0] =	vst v39  }
0x151: {  	[tilespmem:$0x12E0] =	vst v39  }
0x152: {  	[tilespmem:$0x12F0] =	vst v39  }
0x153: {  	[tilespmem:$0x1300] =	vst v39  }
0x154: {  	[tilespmem:$0x1310] =	vst v39  }
0x155: {  	[tilespmem:$0x1320] =	vst v39  }
0x156: {  	[tilespmem:$0x1330] =	vst v39  }
0x157: {  	[tilespmem:$0x1340] =	vst v39  }
0x158: {  	[tilespmem:$0x1350] =	vst v39  }
0x159: {  	[tilespmem:$0x1360] =	vst v39  }
0x15a: {  	[tilespmem:$0x1370] =	vst v39  }
0x15b: {  	[tilespmem:$0x1380] =	vst v39  }
0x15c: {  	[tilespmem:$0x1390] =	vst v39  }
0x15d: {  	v1 =	vld.idx.msk [tilespmem:v3+s3+$0x0], $0xffff;
	_ =	sdelay $0x4  }
0x15e: {  	[tilespmem:$0x13A0] =	vst v1  }
0x15f: {  	v1 =	vld.idx.msk [tilespmem:v4+s3+$0x0], $0xffff;
	_ =	sdelay $0x4  }
0x160: {  	[tilespmem:$0x13B0] =	vst v1  }
0x161: {  	v1 =	vld.idx.msk [tilespmem:v5+s3+$0x0], $0xffff;
	_ =	sdelay $0x4  }
0x162: {  	[tilespmem:$0x13C0] =	vst v1  }
0x163: {  	v1 =	vld.idx.msk [tilespmem:v6+s3+$0x0], $0xffff;
	_ =	sdelay $0x4  }
0x164: {  	[tilespmem:$0x13D0] =	vst v1  }
0x165: {  	v1 =	vld.idx.msk [tilespmem:v7+s3+$0x0], $0xffff;
	_ =	sdelay $0x4  }
0x166: {  	[tilespmem:$0x13E0] =	vst v1  }
0x167: {  	v1 =	vld.idx.msk [tilespmem:v8+s3+$0x0], $0xffff;
	_ =	sdelay $0x4  }
0x168: {  	[tilespmem:$0x13F0] =	vst v1  }
0x169: {  	v1 =	vld.idx.msk [tilespmem:v9+s3+$0x0], $0xffff;
	_ =	sdelay $0x4  }
0x16a: {  	[tilespmem:$0x1400] =	vst v1  }
0x16b: {  	v1 =	vld.idx.msk [tilespmem:v10+s3+$0x0], $0xffff;
	_ =	sdelay $0x4  }
0x16c: {  	[tilespmem:$0x1410] =	vst v1  }
0x16d: {  	v1 =	vld.idx.msk [tilespmem:v11+s3+$0x0], $0xffff;
	_ =	sdelay $0x4  }
0x16e: {  	[tilespmem:$0x1420] =	vst v1  }
0x16f: {  	v1 =	vld.idx.msk [tilespmem:v12+s3+$0x0], $0xffff;
	_ =	sdelay $0x4  }
0x170: {  	[tilespmem:$0x1430] =	vst v1  }
0x171: {  	v1 =	vld.idx.msk [tilespmem:v13+s3+$0x0], $0xffff;
	_ =	sdelay $0x4  }
0x172: {  	[tilespmem:$0x1440] =	vst v1  }
0x173: {  	v1 =	vld.idx.msk [tilespmem:v14+s3+$0x0], $0xffff;
	_ =	sdelay $0x3  }
0x174: {  	vm0 =	vlt.s32 v15, v0  }
0x175: {  	[tilespmem:$0x1450] =	vst v1;
	v1 =	vsel vm0, v38, v39;
	vm0 =	vlt.s32 v16, v0  }
0x176: {  	[tilespmem:$0x1460] =	vst v1;
	v1 =	vsel vm0, v38, v39;
	vm0 =	vlt.s32 v17, v0  }
0x177: {  	[tilespmem:$0x1470] =	vst v1;
	v1 =	vsel vm0, v38, v39;
	vm0 =	vlt.s32 v18, v0  }
0x178: {  	[tilespmem:$0x1480] =	vst v1;
	v1 =	vsel vm0, v38, v39;
	vm0 =	vlt.s32 v19, v0  }
0x179: {  	[tilespmem:$0x1490] =	vst v1;
	v1 =	vsel vm0, v38, v39;
	vm0 =	vlt.s32 v20, v0  }
0x17a: {  	[tilespmem:$0x14A0] =	vst v1;
	v1 =	vsel vm0, v38, v39;
	vm0 =	vlt.s32 v21, v0  }
0x17b: {  	[tilespmem:$0x14B0] =	vst v1;
	v1 =	vsel vm0, v38, v39;
	vm0 =	vlt.s32 v22, v0  }
0x17c: {  	[tilespmem:$0x14C0] =	vst v1;
	v1 =	vsel vm0, v38, v39;
	vm0 =	vlt.s32 v23, v0  }
0x17d: {  	[tilespmem:$0x14D0] =	vst v1;
	v1 =	vsel vm0, v38, v39;
	vm0 =	vlt.s32 v24, v0  }
0x17e: {  	[tilespmem:$0x14E0] =	vst v1;
	v1 =	vsel vm0, v38, v39;
	vm0 =	vlt.s32 v25, v0  }
0x17f: {  	[tilespmem:$0x14F0] =	vst v1;
	v1 =	vsel vm0, v38, v39;
	vm0 =	vlt.s32 v26, v0  }
0x180: {  	[tilespmem:$0x1500] =	vst v1;
	v1 =	vsel vm0, v38, v39;
	vm0 =	vlt.s32 v27, v0  }
0x181: {  	[tilespmem:$0x1510] =	vst v1;
	v1 =	vsel vm0, v38, v39;
	vm0 =	vlt.s32 v28, v0  }
0x182: {  	[tilespmem:$0x1520] =	vst v1;
	v1 =	vsel vm0, v38, v39;
	vm0 =	vlt.s32 v29, v0  }
0x183: {  	[tilespmem:$0x1530] =	vst v1;
	v1 =	vsel vm0, v38, v39;
	vm0 =	vlt.s32 v30, v0  }
0x184: {  	[tilespmem:$0x1540] =	vst v1;
	v1 =	vsel vm0, v38, v39;
	vm0 =	vlt.s32 v31, v0  }
0x185: {  	[tilespmem:$0x1550] =	vst v1;
	v1 =	vsel vm0, v38, v39;
	vm0 =	vlt.s32 v32, v0  }
0x186: {  	[tilespmem:$0x1560] =	vst v1;
	v1 =	vsel vm0, v38, v39;
	vm0 =	vlt.s32 v33, v0  }
0x187: {  	[tilespmem:$0x1570] =	vst v1;
	v1 =	vsel vm0, v38, v39  }
0x188: {  	[tilespmem:$0x1580] =	vst v1;
	v1 =	vsel vm15, v38, v39  }
0x189: {  	[tilespmem:$0x15A0] =	vst v1;
	v1 =	vsel vm14, v38, v39  }
0x18a: {  	[tilespmem:$0x15B0] =	vst v1;
	v1 =	vsel vm13, v38, v39  }
0x18b: {  	[tilespmem:$0x15C0] =	vst v1;
	v1 =	vsel vm12, v38, v39  }
0x18c: {  	[tilespmem:$0x15D0] =	vst v1;
	v1 =	vsel vm11, v38, v39  }
0x18d: {  	[tilespmem:$0x15E0] =	vst v1;
	v1 =	vsel vm10, v38, v39  }
0x18e: {  	[tilespmem:$0x15F0] =	vst v1;
	v1 =	vsel vm9, v38, v39  }
0x18f: {  	[tilespmem:$0x1600] =	vst v1;
	v1 =	vsel vm8, v38, v39  }
0x190: {  	[tilespmem:$0x1610] =	vst v1;
	v1 =	vsel vm7, v38, v39  }
0x191: {  	[tilespmem:$0x1620] =	vst v1;
	v1 =	vsel vm6, v38, v39  }
0x192: {  	[tilespmem:$0x1630] =	vst v1;
	v1 =	vsel vm5, v38, v39  }
0x193: {  	[tilespmem:$0x1640] =	vst v1;
	v1 =	vsel vm4, v38, v39  }
0x194: {  	[tilespmem:$0x1650] =	vst v1;
	v1 =	vsel vm3, v38, v39  }
0x195: {  	[tilespmem:$0x1660] =	vst v1;
	v1 =	vsel vm2, v38, v39  }
0x196: {  	[tilespmem:$0x1670] =	vst v1;
	v1 =	vsel vm1, v38, v39  }
0x197: {  	[tilespmem:$0x1680] =	vst v1;
	v1 =	vld [tilespmem:$0x1FFD0];
	_ =	sdelay $0x3  }
0x198: {  	vm0 =	vlt.s32 v34, v0  }
0x199: {  	v40 =	vsel vm0, v38, v39;
	vm0 =	vnez.u8 v1  }
0x19a: {  	v1 =	vsel vm0, v38, v39  }
0x19b: {  	[tilespmem:$0x1690] =	vst v1;
	v1 =	vld [tilespmem:$0x1FFC0];
	_ =	sdelay $0x4  }
0x19c: {  	vm0 =	vnez.u8 v1  }
0x19d: {  	v1 =	vsel vm0, v38, v39  }
0x19e: {  	[tilespmem:$0x16A0] =	vst v1;
	v1 =	vld [tilespmem:$0x1FFB0];
	_ =	sdelay $0x4  }
0x19f: {  	vm0 =	vnez.u8 v1  }
0x1a0: {  	v1 =	vsel vm0, v38, v39  }
0x1a1: {  	[tilespmem:$0x16B0] =	vst v1;
	v1 =	vld [tilespmem:$0x1FFA0];
	_ =	sdelay $0x4  }
0x1a2: {  	vm0 =	vnez.u8 v1  }
0x1a3: {  	v1 =	vsel vm0, v38, v39  }
0x1a4: {  	[tilespmem:$0x16C0] =	vst v1;
	v1 =	vld [tilespmem:$0x1FF90];
	_ =	sdelay $0x4  }
0x1a5: {  	vm0 =	vnez.u8 v1  }
0x1a6: {  	v1 =	vsel vm0, v38, v39  }
0x1a7: {  	[tilespmem:$0x16D0] =	vst v1;
	v1 =	vld [tilespmem:$0x1FF80];
	_ =	sdelay $0x4  }
0x1a8: {  	vm0 =	vnez.u8 v1  }
0x1a9: {  	v1 =	vsel vm0, v38, v39  }
0x1aa: {  	[tilespmem:$0x16E0] =	vst v1;
	v1 =	vld [tilespmem:$0x1FF70];
	_ =	sdelay $0x4  }
0x1ab: {  	vm0 =	vnez.u8 v1  }
0x1ac: {  	v1 =	vsel vm0, v38, v39  }
0x1ad: {  	[tilespmem:$0x16F0] =	vst v1;
	v1 =	vld [tilespmem:$0x1FF60];
	_ =	sdelay $0x4  }
0x1ae: {  	vm0 =	vnez.u8 v1  }
0x1af: {  	v1 =	vsel vm0, v38, v39  }
0x1b0: {  	[tilespmem:$0x1700] =	vst v1;
	v1 =	vld [tilespmem:$0x1FF50];
	_ =	sdelay $0x4  }
0x1b1: {  	vm0 =	vnez.u8 v1  }
0x1b2: {  	v1 =	vsel vm0, v38, v39  }
0x1b3: {  	[tilespmem:$0x1710] =	vst v1;
	v1 =	vld [tilespmem:$0x1FF40];
	_ =	sdelay $0x4  }
0x1b4: {  	vm0 =	vnez.u8 v1  }
0x1b5: {  	v1 =	vsel vm0, v38, v39  }
0x1b6: {  	[tilespmem:$0x1720] =	vst v1;
	v1 =	vld [tilespmem:$0x1FF30];
	_ =	sdelay $0x4  }
0x1b7: {  	vm0 =	vnez.u8 v1  }
0x1b8: {  	v1 =	vsel vm0, v38, v39  }
0x1b9: {  	[tilespmem:$0x1730] =	vst v1;
	v1 =	vld [tilespmem:$0x1FF20];
	_ =	sdelay $0x4  }
0x1ba: {  	vm0 =	vnez.u8 v1  }
0x1bb: {  	v1 =	vsel vm0, v38, v39  }
0x1bc: {  	[tilespmem:$0x1740] =	vst v1;
	v1 =	vld [tilespmem:$0x1FF10];
	_ =	sdelay $0x4  }
0x1bd: {  	vm0 =	vnez.u8 v1  }
0x1be: {  	v1 =	vsel vm0, v38, v39  }
0x1bf: {  	[tilespmem:$0x1750] =	vst v1;
	v1 =	vld [tilespmem:$0x1FF00];
	_ =	sdelay $0x4  }
0x1c0: {  	vm0 =	vnez.u8 v1  }
0x1c1: {  	v1 =	vsel vm0, v38, v39  }
0x1c2: {  	[tilespmem:$0x1760] =	vst v1;
	v1 =	vld [tilespmem:$0x1FEF0];
	_ =	sdelay $0x4  }
0x1c3: {  	vm0 =	vnez.u8 v1  }
0x1c4: {  	v1 =	vsel vm0, v38, v39  }
0x1c5: {  	[tilespmem:$0x1770] =	vst v1;
	v1 =	vld [tilespmem:$0x1FEE0];
	_ =	sdelay $0x4  }
0x1c6: {  	vm0 =	vnez.u8 v1  }
0x1c7: {  	v1 =	vsel vm0, v38, v39  }
0x1c8: {  	[tilespmem:$0x1780] =	vst v1;
	v1 =	vld [tilespmem:$0x1FED0];
	_ =	sdelay $0x4  }
0x1c9: {  	vm0 =	vnez.u8 v1  }
0x1ca: {  	[tilespmem:$0x1590] =	vst v40;
	v1 =	vsel vm0, v38, v39  }
0x1cb: {  	[tilespmem:$0x1790] =	vst v1  }
0x1cc: {  	v1 =	vld.idx.msk [tilespmem:v35+s3+$0x0], $0xffff;
	_ =	sdelay $0x4  }
0x1cd: {  	[tilespmem:$0x17A0] =	vst v1  }
0x1ce: {  	v1 =	vld.idx.msk [tilespmem:v36+s3+$0x0], $0xffff;
	_ =	sdelay $0x4  }
0x1cf: {  	[tilespmem:$0x17B0] =	vst v1  }
0x1d0: {  	v1 =	vld.idx.msk [tilespmem:v37+s3+$0x0], $0xffff;
	_ =	sdelay $0x4  }
0x1d1: {  	[tilespmem:$0x17C0] =	vst v1  }
0x1d2: {  	v1 =	vld.idx.msk [tilespmem:v48+s3+$0x0], $0xffff;
	_ =	sdelay $0x4  }
0x1d3: {  	[tilespmem:$0x17D0] =	vst v1  }
0x1d4: {  	v1 =	vld.idx.msk [tilespmem:v49+s3+$0x0], $0xffff;
	_ =	sdelay $0x4  }
0x1d5: {  	[tilespmem:$0x17E0] =	vst v1  }
0x1d6: {  	v1 =	vld.idx.msk [tilespmem:v50+s3+$0x0], $0xffff;
	_ =	sdelay $0x4  }
0x1d7: {  	[tilespmem:$0x17F0] =	vst v1  }
0x1d8: {  	v1 =	vld.idx.msk [tilespmem:v51+s3+$0x0], $0xffff;
	_ =	sdelay $0x4  }
0x1d9: {  	[tilespmem:$0x1800] =	vst v1  }
0x1da: {  	v1 =	vld.idx.msk [tilespmem:v52+s3+$0x0], $0xffff;
	_ =	sdelay $0x4  }
0x1db: {  	[tilespmem:$0x1810] =	vst v1  }
0x1dc: {  	v1 =	vld.idx.msk [tilespmem:v53+s3+$0x0], $0xffff;
	_ =	sdelay $0x4  }
0x1dd: {  	[tilespmem:$0x1820] =	vst v1  }
0x1de: {  	v1 =	vld.idx.msk [tilespmem:v54+s3+$0x0], $0xffff;
	_ =	sdelay $0x4  }
0x1df: {  	[tilespmem:$0x1830] =	vst v1  }
0x1e0: {  	v1 =	vld.idx.msk [tilespmem:v55+s3+$0x0], $0xffff;
	_ =	sdelay $0x4  }
0x1e1: {  	[tilespmem:$0x1840] =	vst v1  }
0x1e2: {  	v1 =	vld.idx.msk [tilespmem:v56+s3+$0x0], $0xffff;
	[tilespmem:$0x1860] =	vst v38  }
0x1e3: {  	[tilespmem:$0x1870] =	vst v38  }
0x1e4: {  	[tilespmem:$0x1880] =	vst v38  }
0x1e5: {  	[tilespmem:$0x1890] =	vst v38  }
0x1e6: {  	[tilespmem:$0x18A0] =	vst v38  }
0x1e7: {  	[tilespmem:$0x18B0] =	vst v38  }
0x1e8: {  	[tilespmem:$0x18C0] =	vst v38  }
0x1e9: {  	[tilespmem:$0x18D0] =	vst v38  }
0x1ea: {  	[tilespmem:$0x18E0] =	vst v38  }
0x1eb: {  	[tilespmem:$0x18F0] =	vst v38  }
0x1ec: {  	[tilespmem:$0x1900] =	vst v38  }
0x1ed: {  	[tilespmem:$0x1910] =	vst v38  }
0x1ee: {  	[tilespmem:$0x1920] =	vst v38  }
0x1ef: {  	[tilespmem:$0x1930] =	vst v38  }
0x1f0: {  	[tilespmem:$0x1940] =	vst v38  }
0x1f1: {  	[tilespmem:$0x1950] =	vst v38  }
0x1f2: {  	[tilespmem:$0x1960] =	vst v38  }
0x1f3: {  	[tilespmem:$0x1970] =	vst v38  }
0x1f4: {  	[tilespmem:$0x1980] =	vst v38  }
0x1f5: {  	[tilespmem:$0x1990] =	vst v38  }
0x1f6: {  	[tilespmem:$0x19A0] =	vst v38  }
0x1f7: {  	[tilespmem:$0x19B0] =	vst v38  }
0x1f8: {  	[tilespmem:$0x19C0] =	vst v38  }
0x1f9: {  	[tilespmem:$0x19D0] =	vst v38  }
0x1fa: {  	[tilespmem:$0x19E0] =	vst v38  }
0x1fb: {  	[tilespmem:$0x19F0] =	vst v38  }
0x1fc: {  	[tilespmem:$0x1A00] =	vst v38  }
0x1fd: {  	[tilespmem:$0x1A10] =	vst v38  }
0x1fe: {  	[tilespmem:$0x1A20] =	vst v38  }
0x1ff: {  	[tilespmem:$0x1A30] =	vst v38  }
0x200: {  	[tilespmem:$0x1A40] =	vst v38  }
0x201: {  	[tilespmem:$0x1A50] =	vst v38  }
0x202: {  	[tilespmem:$0x1A60] =	vst v38  }
0x203: {  	[tilespmem:$0x1A70] =	vst v38  }
0x204: {  	[tilespmem:$0x1A80] =	vst v38  }
0x205: {  	[tilespmem:$0x1A90] =	vst v38  }
0x206: {  	[tilespmem:$0x1AA0] =	vst v38  }
0x207: {  	[tilespmem:$0x1AB0] =	vst v38  }
0x208: {  	[tilespmem:$0x1AC0] =	vst v38  }
0x209: {  	[tilespmem:$0x1AD0] =	vst v38  }
0x20a: {  	[tilespmem:$0x1AE0] =	vst v38  }
0x20b: {  	[tilespmem:$0x1AF0] =	vst v38  }
0x20c: {  	[tilespmem:$0x1B00] =	vst v38  }
0x20d: {  	[tilespmem:$0x1B10] =	vst v38  }
0x20e: {  	[tilespmem:$0x1B20] =	vst v38  }
0x20f: {  	[tilespmem:$0x1B30] =	vst v38  }
0x210: {  	[tilespmem:$0x1B40] =	vst v38  }
0x211: {  	[tilespmem:$0x1B50] =	vst v38  }
0x212: {  	[tilespmem:$0x1B60] =	vst v38  }
0x213: {  	[tilespmem:$0x1B70] =	vst v38  }
0x214: {  	[tilespmem:$0x1B80] =	vst v38  }
0x215: {  	[tilespmem:$0x1B90] =	vst v38  }
0x216: {  	[tilespmem:$0x1BA0] =	vst v38  }
0x217: {  	[tilespmem:$0x1BB0] =	vst v38  }
0x218: {  	[tilespmem:$0x1BC0] =	vst v38  }
0x219: {  	[tilespmem:$0x1BD0] =	vst v38  }
0x21a: {  	[tilespmem:$0x1BE0] =	vst v38  }
0x21b: {  	p0 =	sne.s32 s5, $0x1;
	[tilespmem:$0x1BF0] =	vst v38  }
.Ltmp0:
0x21c: {  	[tilespmem:$0x1850] =	vst v1;
	(pc) =	sbr.rel @p0 .LBB2_1-.Ltmp0, $4  }
0x21d: {  	[hbm4b:s4+s3] =	stream.linear.scatter [tilespmem:s7], [sflag:$0x1], $0xC00, $0x38;
	[tilespmem:$0x1C00] =	vst v63  }
0x21e: {  	_ =	swait.ge [sflag:s6], $0xC00  }
0x21f: {  	[sflag:s6] =	ssyncset.done $0x0  }
0x220: {  	s5 =	sadd.s32 $0xFFFFFFFF, s5;
	[sflag:s6] =	ssyncadd.s32 $0xFFFFF400  }
0x221: {  	_ =	sfence.sel $0x180000  }
0x222: {  	[bflag:$0x0] =	sbarrier.arrive $0xFFFF  }
0x223: {  	p0 =	sne.s32 s0, $0x0;
	_ =	strace $0x90000047  }
0x224: {  	s0 =	sadd.s32 @!p0 $0x100000, s1;
	[bflag:$0x2] =	sbarrier.arrive $0xFFFF  }
0x225: {  	[sflag:s0] =	ssyncadd.tile.s32 @!p0 $0x1;
	_ =	shalt  }
.Lfunc_end2:
_tile_overlayer_lowered:
.L_overlay_start_2:
0x226: {  	(tag) =	ssettag $0x2  }
0x227: {  	s0 =	rddreg [dreg:$0x0];
	s2 =	stileid.u32  }
0x228: {  	s1 =	rddreg [dreg:$0x1];
	p0 =	sne.s32 s2, $0x0  }
0x229: {  	s3 =	rddreg [dreg:$0x2];
	[bflag:$0x3] =	sbarrier.arrive $0xFFFF;
	s2 =	simm.s32 @!p0 $0x1C01  }
0x22a: {  	[timem:s3], [sflag:s2] =	dma.local @!p0 [hbm:s0], s1  }
0x22b: {  	s0 =	simm.s32 @!p0 $0x1  }
0x22c: {  	_ =	swait.ge @!p0 [sflag:s0], s1  }
0x22d: {  	s1 =	ssub.s32 @!p0 $0x0, s1;
	[sflag:s0] =	ssyncset.done @!p0 $0x0  }
0x22e: {  	[sflag:s0] =	ssyncadd.s32 @!p0 s1  }
0x22f: {  	[bflag:$0x3] =	sbarrier.arrive $0xFFFF  }
0x230: {  	_ =	shalt  }

</sc_bundles>
